<compile_context>
chip_gen: v7x
topology: tpu7x:2x2x1
jax: 0.10.2.dev20260603
libtpu: 0.0.44.dev20260713+nightly
codegen_flags: <defaults>
</compile_context>

<pallas_src>
import functools
import math

import jax
import jax.numpy as jnp
import numpy as np
from jax import lax
from jax.experimental import pallas as pl
from jax.experimental.pallas import tpu as pltpu
from jax.experimental.pallas import tpu_sc as plsc

AVG_NUM_NEIGHBORS = 32.0

NC = 2
NS = 16
NW = NC * NS
CH = 128


def _tc_node_prep(node_attrs, node_feats, W_up, Wsk_t, R10):
    N, D = node_feats.shape
    A = node_attrs.shape[1]
    L = R10.shape[1]
    BLK = 2000 if N % 2000 == 0 else N

    def body(na_ref, nf_ref, wup_ref, wsk_ref, r_ref, q_ref, sc_ref):
        nf = nf_ref[...]
        h = jnp.dot(nf, wup_ref[...], preferred_element_type=jnp.float32)
        aR = jnp.dot(na_ref[...], r_ref[...], preferred_element_type=jnp.float32)
        hu = lax.bitcast_convert_type(h.astype(jnp.bfloat16), jnp.uint16).astype(jnp.uint32)
        au = lax.bitcast_convert_type(aR.astype(jnp.bfloat16), jnp.uint16).astype(jnp.uint32)
        q_ref[...] = lax.bitcast_convert_type((hu << 16) | au, jnp.int32)
        acc = jnp.zeros((BLK, D), jnp.float32)
        for a in range(A):
            na_a = na_ref[:, a : a + 1]
            acc = acc + jnp.dot(nf * na_a, wsk_ref[a], preferred_element_type=jnp.float32)
        sc_ref[...] = acc

    return pl.pallas_call(
        body,
        grid=(N // BLK,),
        in_specs=[
            pl.BlockSpec((BLK, A), lambda i: (i, 0)),
            pl.BlockSpec((BLK, D), lambda i: (i, 0)),
            pl.BlockSpec((D, D), lambda i: (0, 0)),
            pl.BlockSpec((A, D, D), lambda i: (0, 0, 0)),
            pl.BlockSpec((A, L), lambda i: (0, 0)),
        ],
        out_specs=[
            pl.BlockSpec((BLK, D), lambda i: (i, 0)),
            pl.BlockSpec((BLK, D), lambda i: (i, 0)),
        ],
        out_shape=[
            jax.ShapeDtypeStruct((N, D), jnp.int32),
            jax.ShapeDtypeStruct((N, D), jnp.float32),
        ],
    )(node_attrs, node_feats, W_up, Wsk_t, R10)


NBUF = 6


def _worker_span(wid, nchunks):
    cw = nchunks // NW
    rem = nchunks % NW
    n = cw + jnp.where(wid < rem, 1, 0)
    base_chunk = wid * cw + jnp.minimum(wid, rem)
    return base_chunk * CH, n


def _sc_gather(edge_index, Q, Eg, base_e):
    W = Q.shape[1]
    nchunks = Eg // CH
    mesh = plsc.VectorSubcoreMesh(core_axis_name="c", subcore_axis_name="s")

    @functools.partial(
        pl.kernel,
        out_type=jax.ShapeDtypeStruct((Eg, W), jnp.int32),
        mesh=mesh,
        scratch_types=[
            pltpu.VMEM((NBUF, CH), jnp.int32),
            pltpu.VMEM((NBUF, CH, W), jnp.int32),
            pltpu.SemaphoreType.DMA((NBUF,)),
            pltpu.SemaphoreType.DMA((NBUF,)),
            pltpu.SemaphoreType.DMA((NBUF,)),
        ],
    )
    def run(ei_hbm, q_hbm, qs_out, idx_v, qrow_v, isem, gsem, osem):
        wid = lax.axis_index("s") * NC + lax.axis_index("c")
        base, n = _worker_span(wid, nchunks)

        def idx_copy(j, s):
            return pltpu.make_async_copy(
                ei_hbm.at[0, pl.ds(base_e + base + j * CH, CH)], idx_v.at[s], isem.at[s]
            )

        def gather_copy(j, s):
            return pltpu.make_async_copy(q_hbm.at[idx_v.at[s]], qrow_v.at[s], gsem.at[s])

        def out_copy(j, s):
            return pltpu.make_async_copy(
                qrow_v.at[s], qs_out.at[pl.ds(base + j * CH, CH)], osem.at[s]
            )

        for k in range(NBUF - 1):
            idx_copy(k, k).start()
        for k in range(NBUF - 2):
            idx_copy(k, k).wait()
            gather_copy(k, k).start()

        def body(j, carry):
            s = j % NBUF
            gather_copy(j, s).wait()
            out_copy(j, s).start()

            @pl.when(j >= 2)
            def _():
                out_copy(j - 2, (j - 2) % NBUF).wait()

            @pl.when(j + NBUF - 1 < n)
            def _():
                idx_copy(j + NBUF - 1, (j - 1) % NBUF).start()

            @pl.when(j + NBUF - 2 < n)
            def _():
                idx_copy(j + NBUF - 2, (j - 2) % NBUF).wait()
                gather_copy(j + NBUF - 2, (j - 2) % NBUF).start()

            return carry

        lax.fori_loop(0, n, body, 0)
        out_copy(n - 2, (n - 2) % NBUF).wait()
        out_copy(n - 1, (n - 1) % NBUF).wait()

    return run(edge_index, Q)


EBLK = 2560


def _tc_edge_compute(qs, efs_T, T, W128, lo_blk):
    Ep, W = qs.shape
    F = efs_T.shape[0]
    L = W128.shape[0]
    D = W128.shape[1]
    assert Ep % EBLK == 0

    def body(qs_ref, efs_ref, t_ref, w_ref, out_ref):
        qu = lax.bitcast_convert_type(qs_ref[...], jnp.uint32)
        hs = lax.bitcast_convert_type((qu >> 16).astype(jnp.uint16), jnp.bfloat16)
        aR = lax.bitcast_convert_type(qu.astype(jnp.uint16), jnp.bfloat16)
        efT = lax.dot_general(
            efs_ref[...], t_ref[...], (((0,), (0,)), ((), ())),
            preferred_element_type=jnp.float32,
        )
        v = aR.astype(jnp.float32) * efT
        tp = jnp.dot(v, w_ref[...], preferred_element_type=jnp.float32)
        out_ref[...] = tp * hs.astype(jnp.float32)

    return pl.pallas_call(
        body,
        grid=(Ep // EBLK,),
        in_specs=[
            pl.BlockSpec((EBLK, W), lambda i: (i, 0)),
            pl.BlockSpec((F, EBLK), lambda i: (0, i + lo_blk)),
            pl.BlockSpec((F, L), lambda i: (0, 0)),
            pl.BlockSpec((L, D), lambda i: (0, 0)),
        ],
        out_specs=pl.BlockSpec((EBLK, D), lambda i: (i, 0)),
        out_shape=jax.ShapeDtypeStruct((Ep, D), jnp.float32),
    )(qs, efs_T, T, W128)


SBUF = 2


def _sc_scatter(edge_index, mji, zeros_init, N, D, NP, base_e):
    Eg = mji.shape[0]
    nchunks = Eg // CH
    mesh = plsc.VectorSubcoreMesh(core_axis_name="c", subcore_axis_name="s")

    @functools.partial(
        pl.kernel,
        out_type=jax.ShapeDtypeStruct((NC, NP, D), jnp.float32),
        mesh=mesh,
        scratch_types=[
            pltpu.VMEM((SBUF, CH), jnp.int32),
            pltpu.VMEM((SBUF, CH, D), jnp.float32),
            pltpu.VMEM_SHARED((NP, D), jnp.float32),
            pltpu.SemaphoreType.DMA((SBUF,)),
            pltpu.SemaphoreType.DMA((SBUF,)),
        ],
    )
    def run(ei_hbm, mji_hbm, zeros_hbm, out_hbm, idx_v, row_v, acc, isem, msem):
        cid = lax.axis_index("c")
        sid = lax.axis_index("s")
        wid = sid * NC + cid
        rpt = NP // NS
        base, n = _worker_span(wid, nchunks)

        def idx_copy(j, s):
            return pltpu.make_async_copy(
                ei_hbm.at[1, pl.ds(base_e + base + j * CH, CH)], idx_v.at[s], isem.at[s]
            )

        def mji_copy(j, s):
            return pltpu.make_async_copy(
                mji_hbm.at[pl.ds(base + j * CH, CH)], row_v.at[s], msem.at[s]
            )

        for k in range(SBUF):
            idx_copy(k, k).start()
            mji_copy(k, k).start()
        pltpu.sync_copy(zeros_hbm, acc.at[pl.ds(sid * rpt, rpt)])
        plsc.subcore_barrier()

        def body(j, carry):
            s = j % SBUF
            idx_copy(j, s).wait()
            mji_copy(j, s).wait()
            pltpu.sync_copy(row_v.at[s], acc.at[idx_v.at[s]], add=True)

            @pl.when(j + SBUF < n)
            def _():
                idx_copy(j + SBUF, s).start()
                mji_copy(j + SBUF, s).start()

            return carry

        lax.fori_loop(0, n, body, 0)
        plsc.subcore_barrier()
        pltpu.sync_copy(acc.at[pl.ds(sid * rpt, rpt)], out_hbm.at[cid, pl.ds(sid * rpt, rpt)])

    return run(edge_index, mji, zeros_init)


def _tc_final(partials_a, partials_b, sc, W_lin_scaled):
    N, D = sc.shape
    BLK = 2000 if N % 2000 == 0 else N

    def body(pa_ref, pb_ref, sc_ref, wl_ref, out_ref):
        m = pa_ref[0] + pa_ref[1] + pb_ref[0] + pb_ref[1]
        out_ref[...] = jnp.dot(m, wl_ref[...], preferred_element_type=jnp.float32) + sc_ref[...]

    pspec = pl.BlockSpec((NC, BLK, D), lambda i: (0, i, 0))
    return pl.pallas_call(
        body,
        grid=(N // BLK,),
        in_specs=[
            pspec,
            pspec,
            pl.BlockSpec((BLK, D), lambda i: (i, 0)),
            pl.BlockSpec((D, D), lambda i: (0, 0)),
        ],
        out_specs=pl.BlockSpec((BLK, D), lambda i: (i, 0)),
        out_shape=jax.ShapeDtypeStruct((N, D), jnp.float32),
    )(partials_a, partials_b, sc, W_lin_scaled)


def kernel(node_attrs, node_feats, edge_attrs, edge_feats, edge_index, W_up, W_tpw, W_lin, W_skip):
    N, A = node_attrs.shape
    D = node_feats.shape[1]
    E, F = edge_feats.shape
    AP = 16

    assert E % CH == 0 and E % EBLK == 0 and E // CH >= NW * (NBUF + 1)

    Wsk_t = W_skip.transpose(1, 0, 2) / np.sqrt(float(D * A))
    W_lin_scaled = W_lin / AVG_NUM_NEIGHBORS
    L = AP * F
    R_np = np.zeros((A, L), np.float32)
    T_np = np.zeros((F, L), np.float32)
    for e in range(F):
        for a in range(A):
            R_np[a, a * F + e] = 1.0
        for a in range(AP):
            T_np[e, a * F + e] = 1.0
    R10 = jnp.asarray(R_np)
    T = jnp.asarray(T_np)
    W128 = jnp.concatenate(
        [W_tpw.reshape(A * F, D), jnp.zeros(((AP - A) * F, D), jnp.float32)], axis=0
    )

    Q, sc = _tc_node_prep(node_attrs, node_feats, W_up, Wsk_t, R10)

    nblk = E // EBLK
    E1 = (nblk // 2) * EBLK
    NP = -(-N // 128) * 128
    zeros_init = jnp.zeros((NP // NS, D), jnp.float32)

    efs_T = (edge_feats * edge_attrs).T

    def run_group(lo, hi):
        qs = _sc_gather(edge_index, Q, hi - lo, lo)
        mji = _tc_edge_compute(qs, efs_T, T, W128, lo // EBLK)
        return _sc_scatter(edge_index, mji, zeros_init, N, D, NP, lo)

    partials_a = run_group(0, E1)
    partials_b = run_group(E1, E)
    return _tc_final(partials_a, partials_b, sc, W_lin_scaled)

# --- scband reference (transcript-rebuilt; emitter-appended) ---
"""Pipeline reference for scband-residual-element-dependent-interaction-block-343597384377 (READ-ONLY COPY).

The authoritative reference and input builder live on the scoring server;
editing this copy changes nothing except your own understanding.
"""

import jax, jax.numpy as jnp
import numpy as np

N = 10000
E = 320000
D = 128
A = 10
F = 8
AVG_NUM_NEIGHBORS = 32.0


def setup_inputs(seed: int = 0) -> dict:
    key = jax.random.key(seed)
    ks = jax.random.split(key, 9)
    node_attrs = jax.random.normal(ks[0], (N, A), dtype=jnp.float32)
    node_feats = jax.random.normal(ks[1], (N, D), dtype=jnp.float32)
    edge_attrs = jax.random.normal(ks[2], (E, 1), dtype=jnp.float32)
    edge_feats = jax.random.normal(ks[3], (E, F), dtype=jnp.float32)
    edge_index = jax.random.randint(ks[4], (2, E), 0, N, dtype=jnp.int32)
    # learned parameters
    # linear_up: o3.Linear(128x0e -> 128x0e), internal shared weights
    W_up = jax.random.normal(ks[5], (D, D), dtype=jnp.float32) * (1.0 / np.sqrt(D))
    # conv_tp_weights: TensorProductWeightsBlock(num_elements=A, num_edge_feats=F, num_feats_out=conv_tp.weight_numel=D)
    # xavier_uniform over (A, F, D)
    limit = np.sqrt(6.0 / (F + D))
    W_tpw = jax.random.uniform(ks[6], (A, F, D), dtype=jnp.float32, minval=-limit, maxval=limit)
    # final linear: o3.Linear(128x0e -> 128x0e)
    W_lin = jax.random.normal(ks[7], (D, D), dtype=jnp.float32) * (1.0 / np.sqrt(D))
    # skip_tp: FullyConnectedTensorProduct(128x0e, 10x0e -> 128x0e)
    W_skip = jax.random.normal(ks[8], (D, A, D), dtype=jnp.float32)
    return {
        "node_attrs": node_attrs,
        "node_feats": node_feats,
        "edge_attrs": edge_attrs,
        "edge_feats": edge_feats,
        "edge_index": edge_index,
        "W_up": W_up,
        "W_tpw": W_tpw,
        "W_lin": W_lin,
        "W_skip": W_skip,
    }


def reference(node_attrs, node_feats, edge_attrs, edge_feats, edge_index, W_up, W_tpw, W_lin, W_skip):
    sender = edge_index[0]
    receiver = edge_index[1]
    num_nodes = node_feats.shape[0]
    d = node_feats.shape[1]
    a = node_attrs.shape[1]
    # skip_tp: FullyConnectedTensorProduct(node_feats, node_attrs) with e3nn path normalization
    sc = jnp.einsum('bu,ba,uak->bk', node_feats, node_attrs, W_skip) / jnp.sqrt(float(d * a))
    # linear_up (o3.Linear on scalar irreps, fan-in normalization)
    h = node_feats @ W_up
    # conv_tp_weights: einsum('be, ba, aek -> bk', edge_feats, node_attrs[sender], weights)
    tp_weights = jnp.einsum('be,ba,aek->bk', edge_feats, jnp.take(node_attrs, sender, axis=0), W_tpw)
    # conv_tp on scalar irreps (128x0e x 1x0e -> 128x0e, 'uvu' connected): elementwise product with per-edge weights
    mji = jnp.take(h, sender, axis=0) * edge_attrs * tp_weights
    # scatter_sum over receiver -> SparseCore scatter-add
    message = jax.ops.segment_sum(mji, receiver, num_segments=num_nodes)
    # final linear + 1/avg_num_neighbors
    message = (message @ W_lin) / AVG_NUM_NEIGHBORS
    return message + sc

if __name__ == "__main__":
    import jax
    _d = setup_inputs()
    print(jax.jit(kernel)(*tuple(_d.values())))

</pallas_src>

<mosaic_0001>
#map = affine_map<(d0, d1) -> (0, 0)>
module attributes {stable_mosaic.version = 14 : i64} {
  func.func @run(%arg0: i32, %arg1: i32, %arg2: memref<2x320000xi32, #tpu.memory_space<hbm>>, %arg3: memref<10000x128xi32, #tpu.memory_space<hbm>>, %arg4: memref<158720x128xi32, #tpu.memory_space<hbm>>, %arg5: memref<6x128xi32, #tpu.memory_space<vmem>>, %arg6: memref<6x128x128xi32, #tpu.memory_space<vmem>>, %arg7: memref<6x!tpu.dma_semaphore, #tpu.memory_space<semaphore_mem>>, %arg8: memref<6x!tpu.dma_semaphore, #tpu.memory_space<semaphore_mem>>, %arg9: memref<6x!tpu.dma_semaphore, #tpu.memory_space<semaphore_mem>>) attributes {dimension_semantics = [#tpu.dimension_semantics<core_parallel>, #tpu.dimension_semantics<subcore_parallel>], iteration_bounds = array<i64: 2, 16>, scalar_prefetch = 0 : i64, scratch_operands = 5 : i64, tpu.core_type = #tpu.core_type<sc_vector_subcore>, window_params = [{transform_indices = #map}, {transform_indices = #map}, {transform_indices = #map}]} {
    %mul3A = arith.constant 2 : i32
    %mul3A_0 = arith.muli %arg1, %mul3A : i32
    %add3A = arith.addi %mul3A_0, %arg0 : i32
    %lt3A = arith.constant 24 : i32
    %lt3A_1 = arith.cmpi slt, %add3A, %lt3A : i32
    %jit3A = arith.constant 1 : i32
    %jit3A_2 = arith.constant 0 : i32
    %select_n3A = arith.select %lt3A_1, %jit3A, %jit3A_2 : i32
    %add3A_3 = arith.constant 38 : i32
    %add3A_4 = arith.addi %add3A_3, %select_n3A : i32
    %mul3A_5 = arith.constant 38 : i32
    %mul3A_6 = arith.muli %add3A, %mul3A_5 : i32
    %min3A = arith.constant 24 : i32
    %min3A_7 = arith.minsi %add3A, %min3A : i32
    %add3A_8 = arith.addi %mul3A_6, %min3A_7 : i32
    %mul3A_9 = arith.constant 128 : i32
    %mul3A_10 = arith.muli %add3A_8, %mul3A_9 : i32
    %add3A_11 = arith.constant 0 : i32
    %add3A_12 = arith.addi %add3A_11, %mul3A_10 : i32
    %add3A_13 = arith.constant 0 : i32
    %add3A_14 = arith.addi %add3A_12, %add3A_13 : i32
    %dma_start3A = arith.constant 0 : i32
    %dma_start3A_15 = arith.constant 0 : i32
    %dma_start3A_16 = arith.constant 0 : i32
    %dma_start3A_17 = arith.constant 0 : i32
    %dma_start3A_18 = tpu.memref_slice %arg5[%dma_start3A_15, %dma_start3A_17] : memref<6x128xi32, #tpu.memory_space<vmem>> -> memref<1x128xi32, #tpu.memory_space<vmem>>
    %dma_start3A_19 = tpu.memref_squeeze %dma_start3A_18 : memref<1x128xi32, #tpu.memory_space<vmem>> -> memref<128xi32, #tpu.memory_space<vmem>>
    %dma_start3A_20 = tpu.memref_slice %arg2[%dma_start3A, %add3A_14] : memref<2x320000xi32, #tpu.memory_space<hbm>> -> memref<1x128xi32, #tpu.memory_space<hbm>>
    %dma_start3A_21 = tpu.memref_squeeze %dma_start3A_20 : memref<1x128xi32, #tpu.memory_space<hbm>> -> memref<128xi32, #tpu.memory_space<hbm>>
    %dma_start3A_22 = tpu.memref_slice %arg7[%dma_start3A_16] : memref<6x!tpu.dma_semaphore, #tpu.memory_space<semaphore_mem>> -> memref<1x!tpu.dma_semaphore, #tpu.memory_space<semaphore_mem>>
    %dma_start3A_23 = tpu.memref_squeeze %dma_start3A_22 : memref<1x!tpu.dma_semaphore, #tpu.memory_space<semaphore_mem>> -> memref<!tpu.dma_semaphore, #tpu.memory_space<semaphore_mem>>
    %dma_start3A_24 = arith.constant 0 : i32
    %dma_start3A_25 = tpu.memref_slice %arg5[%dma_start3A_15, %dma_start3A_24] : memref<6x128xi32, #tpu.memory_space<vmem>> -> memref<1x128xi32, #tpu.memory_space<vmem>>
    %dma_start3A_26 = tpu.memref_squeeze %dma_start3A_25 : memref<1x128xi32, #tpu.memory_space<vmem>> -> memref<128xi32, #tpu.memory_space<vmem>>
    %dma_start3A_27 = tpu.memref_slice %arg2[%dma_start3A, %add3A_14] : memref<2x320000xi32, #tpu.memory_space<hbm>> -> memref<1x128xi32, #tpu.memory_space<hbm>>
    %dma_start3A_28 = tpu.memref_squeeze %dma_start3A_27 : memref<1x128xi32, #tpu.memory_space<hbm>> -> memref<128xi32, #tpu.memory_space<hbm>>
    tpu.enqueue_dma source(%dma_start3A_28 : memref<128xi32, #tpu.memory_space<hbm>>) target(%dma_start3A_26 : memref<128xi32, #tpu.memory_space<vmem>>) target_semaphore(%dma_start3A_23 : memref<!tpu.dma_semaphore, #tpu.memory_space<semaphore_mem>>)
    %add3A_29 = arith.constant 0 : i32
    %add3A_30 = arith.addi %add3A_29, %mul3A_10 : i32
    %add3A_31 = arith.constant 128 : i32
    %add3A_32 = arith.addi %add3A_30, %add3A_31 : i32
    %dma_start3A_33 = arith.constant 0 : i32
    %dma_start3A_34 = arith.constant 1 : i32
    %dma_start3A_35 = arith.constant 1 : i32
    %dma_start3A_36 = arith.constant 0 : i32
    %dma_start3A_37 = tpu.memref_slice %arg5[%dma_start3A_34, %dma_start3A_36] : memref<6x128xi32, #tpu.memory_space<vmem>> -> memref<1x128xi32, #tpu.memory_space<vmem>>
    %dma_start3A_38 = tpu.memref_squeeze %dma_start3A_37 : memref<1x128xi32, #tpu.memory_space<vmem>> -> memref<128xi32, #tpu.memory_space<vmem>>
    %dma_start3A_39 = tpu.memref_slice %arg2[%dma_start3A_33, %add3A_32] : memref<2x320000xi32, #tpu.memory_space<hbm>> -> memref<1x128xi32, #tpu.memory_space<hbm>>
    %dma_start3A_40 = tpu.memref_squeeze %dma_start3A_39 : memref<1x128xi32, #tpu.memory_space<hbm>> -> memref<128xi32, #tpu.memory_space<hbm>>
    %dma_start3A_41 = tpu.memref_slice %arg7[%dma_start3A_35] : memref<6x!tpu.dma_semaphore, #tpu.memory_space<semaphore_mem>> -> memref<1x!tpu.dma_semaphore, #tpu.memory_space<semaphore_mem>>
    %dma_start3A_42 = tpu.memref_squeeze %dma_start3A_41 : memref<1x!tpu.dma_semaphore, #tpu.memory_space<semaphore_mem>> -> memref<!tpu.dma_semaphore, #tpu.memory_space<semaphore_mem>>
    %dma_start3A_43 = arith.constant 0 : i32
    %dma_start3A_44 = tpu.memref_slice %arg5[%dma_start3A_34, %dma_start3A_43] : memref<6x128xi32, #tpu.memory_space<vmem>> -> memref<1x128xi32, #tpu.memory_space<vmem>>
    %dma_start3A_45 = tpu.memref_squeeze %dma_start3A_44 : memref<1x128xi32, #tpu.memory_space<vmem>> -> memref<128xi32, #tpu.memory_space<vmem>>
    %dma_start3A_46 = tpu.memref_slice %arg2[%dma_start3A_33, %add3A_32] : memref<2x320000xi32, #tpu.memory_space<hbm>> -> memref<1x128xi32, #tpu.memory_space<hbm>>
    %dma_start3A_47 = tpu.memref_squeeze %dma_start3A_46 : memref<1x128xi32, #tpu.memory_space<hbm>> -> memref<128xi32, #tpu.memory_space<hbm>>
    tpu.enqueue_dma source(%dma_start3A_47 : memref<128xi32, #tpu.memory_space<hbm>>) target(%dma_start3A_45 : memref<128xi32, #tpu.memory_space<vmem>>) target_semaphore(%dma_start3A_42 : memref<!tpu.dma_semaphore, #tpu.memory_space<semaphore_mem>>)
    %add3A_48 = arith.constant 0 : i32
    %add3A_49 = arith.addi %add3A_48, %mul3A_10 : i32
    %add3A_50 = arith.constant 256 : i32
    %add3A_51 = arith.addi %add3A_49, %add3A_50 : i32
    %dma_start3A_52 = arith.constant 0 : i32
    %dma_start3A_53 = arith.constant 2 : i32
    %dma_start3A_54 = arith.constant 2 : i32
    %dma_start3A_55 = arith.constant 0 : i32
    %dma_start3A_56 = tpu.memref_slice %arg5[%dma_start3A_53, %dma_start3A_55] : memref<6x128xi32, #tpu.memory_space<vmem>> -> memref<1x128xi32, #tpu.memory_space<vmem>>
    %dma_start3A_57 = tpu.memref_squeeze %dma_start3A_56 : memref<1x128xi32, #tpu.memory_space<vmem>> -> memref<128xi32, #tpu.memory_space<vmem>>
    %dma_start3A_58 = tpu.memref_slice %arg2[%dma_start3A_52, %add3A_51] : memref<2x320000xi32, #tpu.memory_space<hbm>> -> memref<1x128xi32, #tpu.memory_space<hbm>>
    %dma_start3A_59 = tpu.memref_squeeze %dma_start3A_58 : memref<1x128xi32, #tpu.memory_space<hbm>> -> memref<128xi32, #tpu.memory_space<hbm>>
    %dma_start3A_60 = tpu.memref_slice %arg7[%dma_start3A_54] : memref<6x!tpu.dma_semaphore, #tpu.memory_space<semaphore_mem>> -> memref<1x!tpu.dma_semaphore, #tpu.memory_space<semaphore_mem>>
    %dma_start3A_61 = tpu.memref_squeeze %dma_start3A_60 : memref<1x!tpu.dma_semaphore, #tpu.memory_space<semaphore_mem>> -> memref<!tpu.dma_semaphore, #tpu.memory_space<semaphore_mem>>
    %dma_start3A_62 = arith.constant 0 : i32
    %dma_start3A_63 = tpu.memref_slice %arg5[%dma_start3A_53, %dma_start3A_62] : memref<6x128xi32, #tpu.memory_space<vmem>> -> memref<1x128xi32, #tpu.memory_space<vmem>>
    %dma_start3A_64 = tpu.memref_squeeze %dma_start3A_63 : memref<1x128xi32, #tpu.memory_space<vmem>> -> memref<128xi32, #tpu.memory_space<vmem>>
    %dma_start3A_65 = tpu.memref_slice %arg2[%dma_start3A_52, %add3A_51] : memref<2x320000xi32, #tpu.memory_space<hbm>> -> memref<1x128xi32, #tpu.memory_space<hbm>>
    %dma_start3A_66 = tpu.memref_squeeze %dma_start3A_65 : memref<1x128xi32, #tpu.memory_space<hbm>> -> memref<128xi32, #tpu.memory_space<hbm>>
    tpu.enqueue_dma source(%dma_start3A_66 : memref<128xi32, #tpu.memory_space<hbm>>) target(%dma_start3A_64 : memref<128xi32, #tpu.memory_space<vmem>>) target_semaphore(%dma_start3A_61 : memref<!tpu.dma_semaphore, #tpu.memory_space<semaphore_mem>>)
    %add3A_67 = arith.constant 0 : i32
    %add3A_68 = arith.addi %add3A_67, %mul3A_10 : i32
    %add3A_69 = arith.constant 384 : i32
    %add3A_70 = arith.addi %add3A_68, %add3A_69 : i32
    %dma_start3A_71 = arith.constant 0 : i32
    %dma_start3A_72 = arith.constant 3 : i32
    %dma_start3A_73 = arith.constant 3 : i32
    %dma_start3A_74 = arith.constant 0 : i32
    %dma_start3A_75 = tpu.memref_slice %arg5[%dma_start3A_72, %dma_start3A_74] : memref<6x128xi32, #tpu.memory_space<vmem>> -> memref<1x128xi32, #tpu.memory_space<vmem>>
    %dma_start3A_76 = tpu.memref_squeeze %dma_start3A_75 : memref<1x128xi32, #tpu.memory_space<vmem>> -> memref<128xi32, #tpu.memory_space<vmem>>
    %dma_start3A_77 = tpu.memref_slice %arg2[%dma_start3A_71, %add3A_70] : memref<2x320000xi32, #tpu.memory_space<hbm>> -> memref<1x128xi32, #tpu.memory_space<hbm>>
    %dma_start3A_78 = tpu.memref_squeeze %dma_start3A_77 : memref<1x128xi32, #tpu.memory_space<hbm>> -> memref<128xi32, #tpu.memory_space<hbm>>
    %dma_start3A_79 = tpu.memref_slice %arg7[%dma_start3A_73] : memref<6x!tpu.dma_semaphore, #tpu.memory_space<semaphore_mem>> -> memref<1x!tpu.dma_semaphore, #tpu.memory_space<semaphore_mem>>
    %dma_start3A_80 = tpu.memref_squeeze %dma_start3A_79 : memref<1x!tpu.dma_semaphore, #tpu.memory_space<semaphore_mem>> -> memref<!tpu.dma_semaphore, #tpu.memory_space<semaphore_mem>>
    %dma_start3A_81 = arith.constant 0 : i32
    %dma_start3A_82 = tpu.memref_slice %arg5[%dma_start3A_72, %dma_start3A_81] : memref<6x128xi32, #tpu.memory_space<vmem>> -> memref<1x128xi32, #tpu.memory_space<vmem>>
    %dma_start3A_83 = tpu.memref_squeeze %dma_start3A_82 : memref<1x128xi32, #tpu.memory_space<vmem>> -> memref<128xi32, #tpu.memory_space<vmem>>
    %dma_start3A_84 = tpu.memref_slice %arg2[%dma_start3A_71, %add3A_70] : memref<2x320000xi32, #tpu.memory_space<hbm>> -> memref<1x128xi32, #tpu.memory_space<hbm>>
    %dma_start3A_85 = tpu.memref_squeeze %dma_start3A_84 : memref<1x128xi32, #tpu.memory_space<hbm>> -> memref<128xi32, #tpu.memory_space<hbm>>
    tpu.enqueue_dma source(%dma_start3A_85 : memref<128xi32, #tpu.memory_space<hbm>>) target(%dma_start3A_83 : memref<128xi32, #tpu.memory_space<vmem>>) target_semaphore(%dma_start3A_80 : memref<!tpu.dma_semaphore, #tpu.memory_space<semaphore_mem>>)
    %add3A_86 = arith.constant 0 : i32
    %add3A_87 = arith.addi %add3A_86, %mul3A_10 : i32
    %add3A_88 = arith.constant 512 : i32
    %add3A_89 = arith.addi %add3A_87, %add3A_88 : i32
    %dma_start3A_90 = arith.constant 0 : i32
    %dma_start3A_91 = arith.constant 4 : i32
    %dma_start3A_92 = arith.constant 4 : i32
    %dma_start3A_93 = arith.constant 0 : i32
    %dma_start3A_94 = tpu.memref_slice %arg5[%dma_start3A_91, %dma_start3A_93] : memref<6x128xi32, #tpu.memory_space<vmem>> -> memref<1x128xi32, #tpu.memory_space<vmem>>
    %dma_start3A_95 = tpu.memref_squeeze %dma_start3A_94 : memref<1x128xi32, #tpu.memory_space<vmem>> -> memref<128xi32, #tpu.memory_space<vmem>>
    %dma_start3A_96 = tpu.memref_slice %arg2[%dma_start3A_90, %add3A_89] : memref<2x320000xi32, #tpu.memory_space<hbm>> -> memref<1x128xi32, #tpu.memory_space<hbm>>
    %dma_start3A_97 = tpu.memref_squeeze %dma_start3A_96 : memref<1x128xi32, #tpu.memory_space<hbm>> -> memref<128xi32, #tpu.memory_space<hbm>>
    %dma_start3A_98 = tpu.memref_slice %arg7[%dma_start3A_92] : memref<6x!tpu.dma_semaphore, #tpu.memory_space<semaphore_mem>> -> memref<1x!tpu.dma_semaphore, #tpu.memory_space<semaphore_mem>>
    %dma_start3A_99 = tpu.memref_squeeze %dma_start3A_98 : memref<1x!tpu.dma_semaphore, #tpu.memory_space<semaphore_mem>> -> memref<!tpu.dma_semaphore, #tpu.memory_space<semaphore_mem>>
    %dma_start3A_100 = arith.constant 0 : i32
    %dma_start3A_101 = tpu.memref_slice %arg5[%dma_start3A_91, %dma_start3A_100] : memref<6x128xi32, #tpu.memory_space<vmem>> -> memref<1x128xi32, #tpu.memory_space<vmem>>
    %dma_start3A_102 = tpu.memref_squeeze %dma_start3A_101 : memref<1x128xi32, #tpu.memory_space<vmem>> -> memref<128xi32, #tpu.memory_space<vmem>>
    %dma_start3A_103 = tpu.memref_slice %arg2[%dma_start3A_90, %add3A_89] : memref<2x320000xi32, #tpu.memory_space<hbm>> -> memref<1x128xi32, #tpu.memory_space<hbm>>
    %dma_start3A_104 = tpu.memref_squeeze %dma_start3A_103 : memref<1x128xi32, #tpu.memory_space<hbm>> -> memref<128xi32, #tpu.memory_space<hbm>>
    tpu.enqueue_dma source(%dma_start3A_104 : memref<128xi32, #tpu.memory_space<hbm>>) target(%dma_start3A_102 : memref<128xi32, #tpu.memory_space<vmem>>) target_semaphore(%dma_start3A_99 : memref<!tpu.dma_semaphore, #tpu.memory_space<semaphore_mem>>)
    %add3A_105 = arith.constant 0 : i32
    %add3A_106 = arith.addi %add3A_105, %mul3A_10 : i32
    %add3A_107 = arith.constant 0 : i32
    %add3A_108 = arith.addi %add3A_106, %add3A_107 : i32
    %dma_wait3A = arith.constant 0 : i32
    %dma_wait3A_109 = arith.constant 0 : i32
    %dma_wait3A_110 = arith.constant 0 : i32
    %dma_wait3A_111 = arith.constant 0 : i32
    %dma_wait3A_112 = tpu.memref_slice %arg5[%dma_wait3A_109, %dma_wait3A_111] : memref<6x128xi32, #tpu.memory_space<vmem>> -> memref<1x128xi32, #tpu.memory_space<vmem>>
    %dma_wait3A_113 = tpu.memref_squeeze %dma_wait3A_112 : memref<1x128xi32, #tpu.memory_space<vmem>> -> memref<128xi32, #tpu.memory_space<vmem>>
    %dma_wait3A_114 = tpu.memref_slice %arg2[%dma_wait3A, %add3A_108] : memref<2x320000xi32, #tpu.memory_space<hbm>> -> memref<1x128xi32, #tpu.memory_space<hbm>>
    %dma_wait3A_115 = tpu.memref_squeeze %dma_wait3A_114 : memref<1x128xi32, #tpu.memory_space<hbm>> -> memref<128xi32, #tpu.memory_space<hbm>>
    %dma_wait3A_116 = tpu.memref_slice %arg7[%dma_wait3A_110] : memref<6x!tpu.dma_semaphore, #tpu.memory_space<semaphore_mem>> -> memref<1x!tpu.dma_semaphore, #tpu.memory_space<semaphore_mem>>
    %dma_wait3A_117 = tpu.memref_squeeze %dma_wait3A_116 : memref<1x!tpu.dma_semaphore, #tpu.memory_space<semaphore_mem>> -> memref<!tpu.dma_semaphore, #tpu.memory_space<semaphore_mem>>
    %dma_wait3A_118 = arith.constant 0 : i32
    %dma_wait3A_119 = tpu.memref_slice %arg5[%dma_wait3A_109, %dma_wait3A_118] : memref<6x128xi32, #tpu.memory_space<vmem>> -> memref<1x128xi32, #tpu.memory_space<vmem>>
    %dma_wait3A_120 = tpu.memref_squeeze %dma_wait3A_119 : memref<1x128xi32, #tpu.memory_space<vmem>> -> memref<128xi32, #tpu.memory_space<vmem>>
    %dma_wait3A_121 = tpu.memref_slice %arg2[%dma_wait3A, %add3A_108] : memref<2x320000xi32, #tpu.memory_space<hbm>> -> memref<1x128xi32, #tpu.memory_space<hbm>>
    %dma_wait3A_122 = tpu.memref_squeeze %dma_wait3A_121 : memref<1x128xi32, #tpu.memory_space<hbm>> -> memref<128xi32, #tpu.memory_space<hbm>>
    tpu.wait_dma2 semaphore(%dma_wait3A_117 : memref<!tpu.dma_semaphore, #tpu.memory_space<semaphore_mem>>) src(%dma_wait3A_122 : memref<128xi32, #tpu.memory_space<hbm>>) dst(%dma_wait3A_120 : memref<128xi32, #tpu.memory_space<vmem>>)
    %dma_start3A_123 = arith.constant 0 : i32
    %dma_start3A_124 = arith.constant 0 : i32
    %dma_start3A_125 = arith.constant 0 : i32
    %dma_start3A_126 = arith.constant 0 : i32
    %dma_start3A_127 = arith.constant 0 : i32
    %dma_start3A_128 = tpu.memref_slice %arg6[%dma_start3A_124, %dma_start3A_126, %dma_start3A_127] : memref<6x128x128xi32, #tpu.memory_space<vmem>> -> memref<1x128x128xi32, #tpu.memory_space<vmem>>
    %dma_start3A_129 = tpu.memref_squeeze %dma_start3A_128 : memref<1x128x128xi32, #tpu.memory_space<vmem>> -> memref<128x128xi32, #tpu.memory_space<vmem>>
    %dma_start3A_130 = arith.constant 0 : i32
    %dma_start3A_131 = tpu.memref_slice %arg5[%dma_start3A_123, %dma_start3A_130] : memref<6x128xi32, #tpu.memory_space<vmem>> -> memref<1x128xi32, #tpu.memory_space<vmem>>
    %dma_start3A_132 = tpu.memref_squeeze %dma_start3A_131 : memref<1x128xi32, #tpu.memory_space<vmem>> -> memref<128xi32, #tpu.memory_space<vmem>>
    %dma_start3A_133 = arith.constant 0 : i32
    %dma_start3A_134 = arith.constant 0 : i32
    %dma_start3A_135 = tpu.memref_slice %arg3[%dma_start3A_133, %dma_start3A_134] : memref<10000x128xi32, #tpu.memory_space<hbm>> -> memref<10000x128xi32, #tpu.memory_space<hbm>>
    %dma_start3A_136 = tpu.memref_slice %arg8[%dma_start3A_125] : memref<6x!tpu.dma_semaphore, #tpu.memory_space<semaphore_mem>> -> memref<1x!tpu.dma_semaphore, #tpu.memory_space<semaphore_mem>>
    %dma_start3A_137 = tpu.memref_squeeze %dma_start3A_136 : memref<1x!tpu.dma_semaphore, #tpu.memory_space<semaphore_mem>> -> memref<!tpu.dma_semaphore, #tpu.memory_space<semaphore_mem>>
    tpu.enqueue_indirect_dma source(%dma_start3A_135 : memref<10000x128xi32, #tpu.memory_space<hbm>>) target(%dma_start3A_129 : memref<128x128xi32, #tpu.memory_space<vmem>>) offsets(%dma_start3A_132 : memref<128xi32, #tpu.memory_space<vmem>>) semaphore(%dma_start3A_137 : memref<!tpu.dma_semaphore, #tpu.memory_space<semaphore_mem>>)
    %add3A_138 = arith.constant 0 : i32
    %add3A_139 = arith.addi %add3A_138, %mul3A_10 : i32
    %add3A_140 = arith.constant 128 : i32
    %add3A_141 = arith.addi %add3A_139, %add3A_140 : i32
    %dma_wait3A_142 = arith.constant 0 : i32
    %dma_wait3A_143 = arith.constant 1 : i32
    %dma_wait3A_144 = arith.constant 1 : i32
    %dma_wait3A_145 = arith.constant 0 : i32
    %dma_wait3A_146 = tpu.memref_slice %arg5[%dma_wait3A_143, %dma_wait3A_145] : memref<6x128xi32, #tpu.memory_space<vmem>> -> memref<1x128xi32, #tpu.memory_space<vmem>>
    %dma_wait3A_147 = tpu.memref_squeeze %dma_wait3A_146 : memref<1x128xi32, #tpu.memory_space<vmem>> -> memref<128xi32, #tpu.memory_space<vmem>>
    %dma_wait3A_148 = tpu.memref_slice %arg2[%dma_wait3A_142, %add3A_141] : memref<2x320000xi32, #tpu.memory_space<hbm>> -> memref<1x128xi32, #tpu.memory_space<hbm>>
    %dma_wait3A_149 = tpu.memref_squeeze %dma_wait3A_148 : memref<1x128xi32, #tpu.memory_space<hbm>> -> memref<128xi32, #tpu.memory_space<hbm>>
    %dma_wait3A_150 = tpu.memref_slice %arg7[%dma_wait3A_144] : memref<6x!tpu.dma_semaphore, #tpu.memory_space<semaphore_mem>> -> memref<1x!tpu.dma_semaphore, #tpu.memory_space<semaphore_mem>>
    %dma_wait3A_151 = tpu.memref_squeeze %dma_wait3A_150 : memref<1x!tpu.dma_semaphore, #tpu.memory_space<semaphore_mem>> -> memref<!tpu.dma_semaphore, #tpu.memory_space<semaphore_mem>>
    %dma_wait3A_152 = arith.constant 0 : i32
    %dma_wait3A_153 = tpu.memref_slice %arg5[%dma_wait3A_143, %dma_wait3A_152] : memref<6x128xi32, #tpu.memory_space<vmem>> -> memref<1x128xi32, #tpu.memory_space<vmem>>
    %dma_wait3A_154 = tpu.memref_squeeze %dma_wait3A_153 : memref<1x128xi32, #tpu.memory_space<vmem>> -> memref<128xi32, #tpu.memory_space<vmem>>
    %dma_wait3A_155 = tpu.memref_slice %arg2[%dma_wait3A_142, %add3A_141] : memref<2x320000xi32, #tpu.memory_space<hbm>> -> memref<1x128xi32, #tpu.memory_space<hbm>>
    %dma_wait3A_156 = tpu.memref_squeeze %dma_wait3A_155 : memref<1x128xi32, #tpu.memory_space<hbm>> -> memref<128xi32, #tpu.memory_space<hbm>>
    tpu.wait_dma2 semaphore(%dma_wait3A_151 : memref<!tpu.dma_semaphore, #tpu.memory_space<semaphore_mem>>) src(%dma_wait3A_156 : memref<128xi32, #tpu.memory_space<hbm>>) dst(%dma_wait3A_154 : memref<128xi32, #tpu.memory_space<vmem>>)
    %dma_start3A_157 = arith.constant 1 : i32
    %dma_start3A_158 = arith.constant 1 : i32
    %dma_start3A_159 = arith.constant 1 : i32
    %dma_start3A_160 = arith.constant 0 : i32
    %dma_start3A_161 = arith.constant 0 : i32
    %dma_start3A_162 = tpu.memref_slice %arg6[%dma_start3A_158, %dma_start3A_160, %dma_start3A_161] : memref<6x128x128xi32, #tpu.memory_space<vmem>> -> memref<1x128x128xi32, #tpu.memory_space<vmem>>
    %dma_start3A_163 = tpu.memref_squeeze %dma_start3A_162 : memref<1x128x128xi32, #tpu.memory_space<vmem>> -> memref<128x128xi32, #tpu.memory_space<vmem>>
    %dma_start3A_164 = arith.constant 0 : i32
    %dma_start3A_165 = tpu.memref_slice %arg5[%dma_start3A_157, %dma_start3A_164] : memref<6x128xi32, #tpu.memory_space<vmem>> -> memref<1x128xi32, #tpu.memory_space<vmem>>
    %dma_start3A_166 = tpu.memref_squeeze %dma_start3A_165 : memref<1x128xi32, #tpu.memory_space<vmem>> -> memref<128xi32, #tpu.memory_space<vmem>>
    %dma_start3A_167 = arith.constant 0 : i32
    %dma_start3A_168 = arith.constant 0 : i32
    %dma_start3A_169 = tpu.memref_slice %arg3[%dma_start3A_167, %dma_start3A_168] : memref<10000x128xi32, #tpu.memory_space<hbm>> -> memref<10000x128xi32, #tpu.memory_space<hbm>>
    %dma_start3A_170 = tpu.memref_slice %arg8[%dma_start3A_159] : memref<6x!tpu.dma_semaphore, #tpu.memory_space<semaphore_mem>> -> memref<1x!tpu.dma_semaphore, #tpu.memory_space<semaphore_mem>>
    %dma_start3A_171 = tpu.memref_squeeze %dma_start3A_170 : memref<1x!tpu.dma_semaphore, #tpu.memory_space<semaphore_mem>> -> memref<!tpu.dma_semaphore, #tpu.memory_space<semaphore_mem>>
    tpu.enqueue_indirect_dma source(%dma_start3A_169 : memref<10000x128xi32, #tpu.memory_space<hbm>>) target(%dma_start3A_163 : memref<128x128xi32, #tpu.memory_space<vmem>>) offsets(%dma_start3A_166 : memref<128xi32, #tpu.memory_space<vmem>>) semaphore(%dma_start3A_171 : memref<!tpu.dma_semaphore, #tpu.memory_space<semaphore_mem>>)
    %add3A_172 = arith.constant 0 : i32
    %add3A_173 = arith.addi %add3A_172, %mul3A_10 : i32
    %add3A_174 = arith.constant 256 : i32
    %add3A_175 = arith.addi %add3A_173, %add3A_174 : i32
    %dma_wait3A_176 = arith.constant 0 : i32
    %dma_wait3A_177 = arith.constant 2 : i32
    %dma_wait3A_178 = arith.constant 2 : i32
    %dma_wait3A_179 = arith.constant 0 : i32
    %dma_wait3A_180 = tpu.memref_slice %arg5[%dma_wait3A_177, %dma_wait3A_179] : memref<6x128xi32, #tpu.memory_space<vmem>> -> memref<1x128xi32, #tpu.memory_space<vmem>>
    %dma_wait3A_181 = tpu.memref_squeeze %dma_wait3A_180 : memref<1x128xi32, #tpu.memory_space<vmem>> -> memref<128xi32, #tpu.memory_space<vmem>>
    %dma_wait3A_182 = tpu.memref_slice %arg2[%dma_wait3A_176, %add3A_175] : memref<2x320000xi32, #tpu.memory_space<hbm>> -> memref<1x128xi32, #tpu.memory_space<hbm>>
    %dma_wait3A_183 = tpu.memref_squeeze %dma_wait3A_182 : memref<1x128xi32, #tpu.memory_space<hbm>> -> memref<128xi32, #tpu.memory_space<hbm>>
    %dma_wait3A_184 = tpu.memref_slice %arg7[%dma_wait3A_178] : memref<6x!tpu.dma_semaphore, #tpu.memory_space<semaphore_mem>> -> memref<1x!tpu.dma_semaphore, #tpu.memory_space<semaphore_mem>>
    %dma_wait3A_185 = tpu.memref_squeeze %dma_wait3A_184 : memref<1x!tpu.dma_semaphore, #tpu.memory_space<semaphore_mem>> -> memref<!tpu.dma_semaphore, #tpu.memory_space<semaphore_mem>>
    %dma_wait3A_186 = arith.constant 0 : i32
    %dma_wait3A_187 = tpu.memref_slice %arg5[%dma_wait3A_177, %dma_wait3A_186] : memref<6x128xi32, #tpu.memory_space<vmem>> -> memref<1x128xi32, #tpu.memory_space<vmem>>
    %dma_wait3A_188 = tpu.memref_squeeze %dma_wait3A_187 : memref<1x128xi32, #tpu.memory_space<vmem>> -> memref<128xi32, #tpu.memory_space<vmem>>
    %dma_wait3A_189 = tpu.memref_slice %arg2[%dma_wait3A_176, %add3A_175] : memref<2x320000xi32, #tpu.memory_space<hbm>> -> memref<1x128xi32, #tpu.memory_space<hbm>>
    %dma_wait3A_190 = tpu.memref_squeeze %dma_wait3A_189 : memref<1x128xi32, #tpu.memory_space<hbm>> -> memref<128xi32, #tpu.memory_space<hbm>>
    tpu.wait_dma2 semaphore(%dma_wait3A_185 : memref<!tpu.dma_semaphore, #tpu.memory_space<semaphore_mem>>) src(%dma_wait3A_190 : memref<128xi32, #tpu.memory_space<hbm>>) dst(%dma_wait3A_188 : memref<128xi32, #tpu.memory_space<vmem>>)
    %dma_start3A_191 = arith.constant 2 : i32
    %dma_start3A_192 = arith.constant 2 : i32
    %dma_start3A_193 = arith.constant 2 : i32
    %dma_start3A_194 = arith.constant 0 : i32
    %dma_start3A_195 = arith.constant 0 : i32
    %dma_start3A_196 = tpu.memref_slice %arg6[%dma_start3A_192, %dma_start3A_194, %dma_start3A_195] : memref<6x128x128xi32, #tpu.memory_space<vmem>> -> memref<1x128x128xi32, #tpu.memory_space<vmem>>
    %dma_start3A_197 = tpu.memref_squeeze %dma_start3A_196 : memref<1x128x128xi32, #tpu.memory_space<vmem>> -> memref<128x128xi32, #tpu.memory_space<vmem>>
    %dma_start3A_198 = arith.constant 0 : i32
    %dma_start3A_199 = tpu.memref_slice %arg5[%dma_start3A_191, %dma_start3A_198] : memref<6x128xi32, #tpu.memory_space<vmem>> -> memref<1x128xi32, #tpu.memory_space<vmem>>
    %dma_start3A_200 = tpu.memref_squeeze %dma_start3A_199 : memref<1x128xi32, #tpu.memory_space<vmem>> -> memref<128xi32, #tpu.memory_space<vmem>>
    %dma_start3A_201 = arith.constant 0 : i32
    %dma_start3A_202 = arith.constant 0 : i32
    %dma_start3A_203 = tpu.memref_slice %arg3[%dma_start3A_201, %dma_start3A_202] : memref<10000x128xi32, #tpu.memory_space<hbm>> -> memref<10000x128xi32, #tpu.memory_space<hbm>>
    %dma_start3A_204 = tpu.memref_slice %arg8[%dma_start3A_193] : memref<6x!tpu.dma_semaphore, #tpu.memory_space<semaphore_mem>> -> memref<1x!tpu.dma_semaphore, #tpu.memory_space<semaphore_mem>>
    %dma_start3A_205 = tpu.memref_squeeze %dma_start3A_204 : memref<1x!tpu.dma_semaphore, #tpu.memory_space<semaphore_mem>> -> memref<!tpu.dma_semaphore, #tpu.memory_space<semaphore_mem>>
    tpu.enqueue_indirect_dma source(%dma_start3A_203 : memref<10000x128xi32, #tpu.memory_space<hbm>>) target(%dma_start3A_197 : memref<128x128xi32, #tpu.memory_space<vmem>>) offsets(%dma_start3A_200 : memref<128xi32, #tpu.memory_space<vmem>>) semaphore(%dma_start3A_205 : memref<!tpu.dma_semaphore, #tpu.memory_space<semaphore_mem>>)
    %add3A_206 = arith.constant 0 : i32
    %add3A_207 = arith.addi %add3A_206, %mul3A_10 : i32
    %add3A_208 = arith.constant 384 : i32
    %add3A_209 = arith.addi %add3A_207, %add3A_208 : i32
    %dma_wait3A_210 = arith.constant 0 : i32
    %dma_wait3A_211 = arith.constant 3 : i32
    %dma_wait3A_212 = arith.constant 3 : i32
    %dma_wait3A_213 = arith.constant 0 : i32
    %dma_wait3A_214 = tpu.memref_slice %arg5[%dma_wait3A_211, %dma_wait3A_213] : memref<6x128xi32, #tpu.memory_space<vmem>> -> memref<1x128xi32, #tpu.memory_space<vmem>>
    %dma_wait3A_215 = tpu.memref_squeeze %dma_wait3A_214 : memref<1x128xi32, #tpu.memory_space<vmem>> -> memref<128xi32, #tpu.memory_space<vmem>>
    %dma_wait3A_216 = tpu.memref_slice %arg2[%dma_wait3A_210, %add3A_209] : memref<2x320000xi32, #tpu.memory_space<hbm>> -> memref<1x128xi32, #tpu.memory_space<hbm>>
    %dma_wait3A_217 = tpu.memref_squeeze %dma_wait3A_216 : memref<1x128xi32, #tpu.memory_space<hbm>> -> memref<128xi32, #tpu.memory_space<hbm>>
    %dma_wait3A_218 = tpu.memref_slice %arg7[%dma_wait3A_212] : memref<6x!tpu.dma_semaphore, #tpu.memory_space<semaphore_mem>> -> memref<1x!tpu.dma_semaphore, #tpu.memory_space<semaphore_mem>>
    %dma_wait3A_219 = tpu.memref_squeeze %dma_wait3A_218 : memref<1x!tpu.dma_semaphore, #tpu.memory_space<semaphore_mem>> -> memref<!tpu.dma_semaphore, #tpu.memory_space<semaphore_mem>>
    %dma_wait3A_220 = arith.constant 0 : i32
    %dma_wait3A_221 = tpu.memref_slice %arg5[%dma_wait3A_211, %dma_wait3A_220] : memref<6x128xi32, #tpu.memory_space<vmem>> -> memref<1x128xi32, #tpu.memory_space<vmem>>
    %dma_wait3A_222 = tpu.memref_squeeze %dma_wait3A_221 : memref<1x128xi32, #tpu.memory_space<vmem>> -> memref<128xi32, #tpu.memory_space<vmem>>
    %dma_wait3A_223 = tpu.memref_slice %arg2[%dma_wait3A_210, %add3A_209] : memref<2x320000xi32, #tpu.memory_space<hbm>> -> memref<1x128xi32, #tpu.memory_space<hbm>>
    %dma_wait3A_224 = tpu.memref_squeeze %dma_wait3A_223 : memref<1x128xi32, #tpu.memory_space<hbm>> -> memref<128xi32, #tpu.memory_space<hbm>>
    tpu.wait_dma2 semaphore(%dma_wait3A_219 : memref<!tpu.dma_semaphore, #tpu.memory_space<semaphore_mem>>) src(%dma_wait3A_224 : memref<128xi32, #tpu.memory_space<hbm>>) dst(%dma_wait3A_222 : memref<128xi32, #tpu.memory_space<vmem>>)
    %dma_start3A_225 = arith.constant 3 : i32
    %dma_start3A_226 = arith.constant 3 : i32
    %dma_start3A_227 = arith.constant 3 : i32
    %dma_start3A_228 = arith.constant 0 : i32
    %dma_start3A_229 = arith.constant 0 : i32
    %dma_start3A_230 = tpu.memref_slice %arg6[%dma_start3A_226, %dma_start3A_228, %dma_start3A_229] : memref<6x128x128xi32, #tpu.memory_space<vmem>> -> memref<1x128x128xi32, #tpu.memory_space<vmem>>
    %dma_start3A_231 = tpu.memref_squeeze %dma_start3A_230 : memref<1x128x128xi32, #tpu.memory_space<vmem>> -> memref<128x128xi32, #tpu.memory_space<vmem>>
    %dma_start3A_232 = arith.constant 0 : i32
    %dma_start3A_233 = tpu.memref_slice %arg5[%dma_start3A_225, %dma_start3A_232] : memref<6x128xi32, #tpu.memory_space<vmem>> -> memref<1x128xi32, #tpu.memory_space<vmem>>
    %dma_start3A_234 = tpu.memref_squeeze %dma_start3A_233 : memref<1x128xi32, #tpu.memory_space<vmem>> -> memref<128xi32, #tpu.memory_space<vmem>>
    %dma_start3A_235 = arith.constant 0 : i32
    %dma_start3A_236 = arith.constant 0 : i32
    %dma_start3A_237 = tpu.memref_slice %arg3[%dma_start3A_235, %dma_start3A_236] : memref<10000x128xi32, #tpu.memory_space<hbm>> -> memref<10000x128xi32, #tpu.memory_space<hbm>>
    %dma_start3A_238 = tpu.memref_slice %arg8[%dma_start3A_227] : memref<6x!tpu.dma_semaphore, #tpu.memory_space<semaphore_mem>> -> memref<1x!tpu.dma_semaphore, #tpu.memory_space<semaphore_mem>>
    %dma_start3A_239 = tpu.memref_squeeze %dma_start3A_238 : memref<1x!tpu.dma_semaphore, #tpu.memory_space<semaphore_mem>> -> memref<!tpu.dma_semaphore, #tpu.memory_space<semaphore_mem>>
    tpu.enqueue_indirect_dma source(%dma_start3A_237 : memref<10000x128xi32, #tpu.memory_space<hbm>>) target(%dma_start3A_231 : memref<128x128xi32, #tpu.memory_space<vmem>>) offsets(%dma_start3A_234 : memref<128xi32, #tpu.memory_space<vmem>>) semaphore(%dma_start3A_239 : memref<!tpu.dma_semaphore, #tpu.memory_space<semaphore_mem>>)
    %while3A = arith.constant 0 : i32
    %while3A_240 = arith.constant 0 : i32
    %while3A_241 = arith.subi %add3A_4, %while3A_240 : i32
    %while3A_242 = arith.addi %while3A_240, %while3A_241 : i32
    %while3A_243 = arith.constant 1 : i32
    %while3A_244 = arith.divsi %while3A_241, %while3A_243 : i32
    %while3A_245 = arith.muli %while3A_244, %while3A_243 : i32
    %while3A_246 = arith.addi %while3A_240, %while3A_245 : i32
    %while3A_247 = arith.constant 1 : i32
    scf.for %while3A_318 = %while3A_240 to %while3A_246 step %while3A_247  : i32 {
      %jit3A_319 = arith.constant 6 : i32
      %eq3A_320 = arith.constant 0 : i32
      %eq3A_321 = arith.cmpi eq, %jit3A_319, %eq3A_320 : i32
      %jit3A_322 = arith.constant 1 : i32
      %select_n3A_323 = arith.select %eq3A_321, %jit3A_322, %jit3A_319 : i32
      %rem3A_324 = arith.remsi %while3A_318, %select_n3A_323 : i32
      %ne3A_325 = arith.constant 0 : i32
      %ne3A_326 = arith.cmpi ne, %rem3A_324, %ne3A_325 : i32
      %lt3A_327 = arith.constant 0 : i32
      %lt3A_328 = arith.cmpi slt, %rem3A_324, %lt3A_327 : i32
      %lt3A_329 = arith.constant 0 : i32
      %lt3A_330 = arith.cmpi slt, %select_n3A_323, %lt3A_329 : i32
      %ne3A_331 = arith.xori %lt3A_328, %lt3A_330 : i1
      %and3A_332 = arith.andi %ne3A_331, %ne3A_326 : i1
      %add3A_333 = arith.addi %rem3A_324, %select_n3A_323 : i32
      %select_n3A_334 = arith.select %and3A_332, %add3A_333, %rem3A_324 : i32
      %dma_wait3A_335 = arith.constant 0 : i32
      %dma_wait3A_336 = arith.constant 0 : i32
      %dma_wait3A_337 = tpu.memref_slice %arg6[%select_n3A_334, %dma_wait3A_335, %dma_wait3A_336] : memref<6x128x128xi32, #tpu.memory_space<vmem>> -> memref<1x128x128xi32, #tpu.memory_space<vmem>>
      %dma_wait3A_338 = tpu.memref_squeeze %dma_wait3A_337 : memref<1x128x128xi32, #tpu.memory_space<vmem>> -> memref<128x128xi32, #tpu.memory_space<vmem>>
      %dma_wait3A_339 = arith.constant 0 : i32
      %dma_wait3A_340 = tpu.memref_slice %arg5[%select_n3A_334, %dma_wait3A_339] : memref<6x128xi32, #tpu.memory_space<vmem>> -> memref<1x128xi32, #tpu.memory_space<vmem>>
      %dma_wait3A_341 = tpu.memref_squeeze %dma_wait3A_340 : memref<1x128xi32, #tpu.memory_space<vmem>> -> memref<128xi32, #tpu.memory_space<vmem>>
      %dma_wait3A_342 = arith.constant 0 : i32
      %dma_wait3A_343 = arith.constant 0 : i32
      %dma_wait3A_344 = tpu.memref_slice %arg3[%dma_wait3A_342, %dma_wait3A_343] : memref<10000x128xi32, #tpu.memory_space<hbm>> -> memref<10000x128xi32, #tpu.memory_space<hbm>>
      %dma_wait3A_345 = tpu.memref_slice %arg8[%select_n3A_334] : memref<6x!tpu.dma_semaphore, #tpu.memory_space<semaphore_mem>> -> memref<1x!tpu.dma_semaphore, #tpu.memory_space<semaphore_mem>>
      %dma_wait3A_346 = tpu.memref_squeeze %dma_wait3A_345 : memref<1x!tpu.dma_semaphore, #tpu.memory_space<semaphore_mem>> -> memref<!tpu.dma_semaphore, #tpu.memory_space<semaphore_mem>>
      tpu.wait_indirect_dma semaphore(%dma_wait3A_346 : memref<!tpu.dma_semaphore, #tpu.memory_space<semaphore_mem>>) src(%dma_wait3A_344 : memref<10000x128xi32, #tpu.memory_space<hbm>>) dst(%dma_wait3A_338 : memref<128x128xi32, #tpu.memory_space<vmem>>)
      %mul3A_347 = arith.constant 128 : i32
      %mul3A_348 = arith.muli %while3A_318, %mul3A_347 : i32
      %add3A_349 = arith.addi %mul3A_10, %mul3A_348 : i32
      %dma_start3A_350 = arith.constant 0 : i32
      %dma_start3A_351 = arith.constant 0 : i32
      %dma_start3A_352 = tpu.memref_slice %arg6[%select_n3A_334, %dma_start3A_350, %dma_start3A_351] : memref<6x128x128xi32, #tpu.memory_space<vmem>> -> memref<1x128x128xi32, #tpu.memory_space<vmem>>
      %dma_start3A_353 = tpu.memref_squeeze %dma_start3A_352 : memref<1x128x128xi32, #tpu.memory_space<vmem>> -> memref<128x128xi32, #tpu.memory_space<vmem>>
      %dma_start3A_354 = arith.constant 0 : i32
      %dma_start3A_355 = tpu.memref_slice %arg4[%add3A_349, %dma_start3A_354] : memref<158720x128xi32, #tpu.memory_space<hbm>> -> memref<128x128xi32, #tpu.memory_space<hbm>>
      %dma_start3A_356 = tpu.memref_slice %arg9[%select_n3A_334] : memref<6x!tpu.dma_semaphore, #tpu.memory_space<semaphore_mem>> -> memref<1x!tpu.dma_semaphore, #tpu.memory_space<semaphore_mem>>
      %dma_start3A_357 = tpu.memref_squeeze %dma_start3A_356 : memref<1x!tpu.dma_semaphore, #tpu.memory_space<semaphore_mem>> -> memref<!tpu.dma_semaphore, #tpu.memory_space<semaphore_mem>>
      %dma_start3A_358 = arith.constant 0 : i32
      %dma_start3A_359 = tpu.memref_slice %arg4[%add3A_349, %dma_start3A_358] : memref<158720x128xi32, #tpu.memory_space<hbm>> -> memref<128x128xi32, #tpu.memory_space<hbm>>
      %dma_start3A_360 = arith.constant 0 : i32
      %dma_start3A_361 = arith.constant 0 : i32
      %dma_start3A_362 = tpu.memref_slice %arg6[%select_n3A_334, %dma_start3A_360, %dma_start3A_361] : memref<6x128x128xi32, #tpu.memory_space<vmem>> -> memref<1x128x128xi32, #tpu.memory_space<vmem>>
      %dma_start3A_363 = tpu.memref_squeeze %dma_start3A_362 : memref<1x128x128xi32, #tpu.memory_space<vmem>> -> memref<128x128xi32, #tpu.memory_space<vmem>>
      tpu.enqueue_dma source(%dma_start3A_363 : memref<128x128xi32, #tpu.memory_space<vmem>>) target(%dma_start3A_359 : memref<128x128xi32, #tpu.memory_space<hbm>>) target_semaphore(%dma_start3A_357 : memref<!tpu.dma_semaphore, #tpu.memory_space<semaphore_mem>>)
      %ge3A = arith.constant 2 : i32
      %ge3A_364 = arith.cmpi sge, %while3A_318, %ge3A : i32
      %convert_element_type3A = arith.extui %ge3A_364 : i1 to i32
      %cond3A = arith.constant 0 : i32
      %cond3A_365 = arith.cmpi ne, %convert_element_type3A, %cond3A : i32
      scf.if %cond3A_365 {
        %sub3A_382 = arith.constant 2 : i32
        %sub3A_383 = arith.subi %while3A_318, %sub3A_382 : i32
        %sub3A_384 = arith.constant 2 : i32
        %sub3A_385 = arith.subi %while3A_318, %sub3A_384 : i32
        %jit3A_386 = arith.constant 6 : i32
        %eq3A_387 = arith.constant 0 : i32
        %eq3A_388 = arith.cmpi eq, %jit3A_386, %eq3A_387 : i32
        %jit3A_389 = arith.constant 1 : i32
        %select_n3A_390 = arith.select %eq3A_388, %jit3A_389, %jit3A_386 : i32
        %rem3A_391 = arith.remsi %sub3A_385, %select_n3A_390 : i32
        %ne3A_392 = arith.constant 0 : i32
        %ne3A_393 = arith.cmpi ne, %rem3A_391, %ne3A_392 : i32
        %lt3A_394 = arith.constant 0 : i32
        %lt3A_395 = arith.cmpi slt, %rem3A_391, %lt3A_394 : i32
        %lt3A_396 = arith.constant 0 : i32
        %lt3A_397 = arith.cmpi slt, %select_n3A_390, %lt3A_396 : i32
        %ne3A_398 = arith.xori %lt3A_395, %lt3A_397 : i1
        %and3A_399 = arith.andi %ne3A_398, %ne3A_393 : i1
        %add3A_400 = arith.addi %rem3A_391, %select_n3A_390 : i32
        %select_n3A_401 = arith.select %and3A_399, %add3A_400, %rem3A_391 : i32
        %mul3A_402 = arith.constant 128 : i32
        %mul3A_403 = arith.muli %sub3A_383, %mul3A_402 : i32
        %add3A_404 = arith.addi %mul3A_10, %mul3A_403 : i32
        %dma_wait3A_405 = arith.constant 0 : i32
        %dma_wait3A_406 = arith.constant 0 : i32
        %dma_wait3A_407 = tpu.memref_slice %arg6[%select_n3A_401, %dma_wait3A_405, %dma_wait3A_406] : memref<6x128x128xi32, #tpu.memory_space<vmem>> -> memref<1x128x128xi32, #tpu.memory_space<vmem>>
        %dma_wait3A_408 = tpu.memref_squeeze %dma_wait3A_407 : memref<1x128x128xi32, #tpu.memory_space<vmem>> -> memref<128x128xi32, #tpu.memory_space<vmem>>
        %dma_wait3A_409 = arith.constant 0 : i32
        %dma_wait3A_410 = tpu.memref_slice %arg4[%add3A_404, %dma_wait3A_409] : memref<158720x128xi32, #tpu.memory_space<hbm>> -> memref<128x128xi32, #tpu.memory_space<hbm>>
        %dma_wait3A_411 = tpu.memref_slice %arg9[%select_n3A_401] : memref<6x!tpu.dma_semaphore, #tpu.memory_space<semaphore_mem>> -> memref<1x!tpu.dma_semaphore, #tpu.memory_space<semaphore_mem>>
        %dma_wait3A_412 = tpu.memref_squeeze %dma_wait3A_411 : memref<1x!tpu.dma_semaphore, #tpu.memory_space<semaphore_mem>> -> memref<!tpu.dma_semaphore, #tpu.memory_space<semaphore_mem>>
        %dma_wait3A_413 = arith.constant 0 : i32
        %dma_wait3A_414 = tpu.memref_slice %arg4[%add3A_404, %dma_wait3A_413] : memref<158720x128xi32, #tpu.memory_space<hbm>> -> memref<128x128xi32, #tpu.memory_space<hbm>>
        %dma_wait3A_415 = arith.constant 0 : i32
        %dma_wait3A_416 = arith.constant 0 : i32
        %dma_wait3A_417 = tpu.memref_slice %arg6[%select_n3A_401, %dma_wait3A_415, %dma_wait3A_416] : memref<6x128x128xi32, #tpu.memory_space<vmem>> -> memref<1x128x128xi32, #tpu.memory_space<vmem>>
        %dma_wait3A_418 = tpu.memref_squeeze %dma_wait3A_417 : memref<1x128x128xi32, #tpu.memory_space<vmem>> -> memref<128x128xi32, #tpu.memory_space<vmem>>
        tpu.wait_dma2 semaphore(%dma_wait3A_412 : memref<!tpu.dma_semaphore, #tpu.memory_space<semaphore_mem>>) src(%dma_wait3A_418 : memref<128x128xi32, #tpu.memory_space<vmem>>) dst(%dma_wait3A_414 : memref<128x128xi32, #tpu.memory_space<hbm>>)
      } else {
      }
      %add3A_366 = arith.constant 6 : i32
      %add3A_367 = arith.addi %while3A_318, %add3A_366 : i32
      %sub3A_368 = arith.constant 1 : i32
      %sub3A_369 = arith.subi %add3A_367, %sub3A_368 : i32
      %lt3A_370 = arith.cmpi slt, %sub3A_369, %add3A_4 : i32
      %convert_element_type3A_371 = arith.extui %lt3A_370 : i1 to i32
      %cond3A_372 = arith.constant 0 : i32
      %cond3A_373 = arith.cmpi ne, %convert_element_type3A_371, %cond3A_372 : i32
      scf.if %cond3A_373 {
        %add3A_382 = arith.constant 6 : i32
        %add3A_383 = arith.addi %while3A_318, %add3A_382 : i32
        %sub3A_384 = arith.constant 1 : i32
        %sub3A_385 = arith.subi %add3A_383, %sub3A_384 : i32
        %sub3A_386 = arith.constant 1 : i32
        %sub3A_387 = arith.subi %while3A_318, %sub3A_386 : i32
        %jit3A_388 = arith.constant 6 : i32
        %eq3A_389 = arith.constant 0 : i32
        %eq3A_390 = arith.cmpi eq, %jit3A_388, %eq3A_389 : i32
        %jit3A_391 = arith.constant 1 : i32
        %select_n3A_392 = arith.select %eq3A_390, %jit3A_391, %jit3A_388 : i32
        %rem3A_393 = arith.remsi %sub3A_387, %select_n3A_392 : i32
        %ne3A_394 = arith.constant 0 : i32
        %ne3A_395 = arith.cmpi ne, %rem3A_393, %ne3A_394 : i32
        %lt3A_396 = arith.constant 0 : i32
        %lt3A_397 = arith.cmpi slt, %rem3A_393, %lt3A_396 : i32
        %lt3A_398 = arith.constant 0 : i32
        %lt3A_399 = arith.cmpi slt, %select_n3A_392, %lt3A_398 : i32
        %ne3A_400 = arith.xori %lt3A_397, %lt3A_399 : i1
        %and3A_401 = arith.andi %ne3A_400, %ne3A_395 : i1
        %add3A_402 = arith.addi %rem3A_393, %select_n3A_392 : i32
        %select_n3A_403 = arith.select %and3A_401, %add3A_402, %rem3A_393 : i32
        %add3A_404 = arith.constant 0 : i32
        %add3A_405 = arith.addi %add3A_404, %mul3A_10 : i32
        %mul3A_406 = arith.constant 128 : i32
        %mul3A_407 = arith.muli %sub3A_385, %mul3A_406 : i32
        %add3A_408 = arith.addi %add3A_405, %mul3A_407 : i32
        %dma_start3A_409 = arith.constant 0 : i32
        %dma_start3A_410 = arith.constant 0 : i32
        %dma_start3A_411 = tpu.memref_slice %arg5[%select_n3A_403, %dma_start3A_410] : memref<6x128xi32, #tpu.memory_space<vmem>> -> memref<1x128xi32, #tpu.memory_space<vmem>>
        %dma_start3A_412 = tpu.memref_squeeze %dma_start3A_411 : memref<1x128xi32, #tpu.memory_space<vmem>> -> memref<128xi32, #tpu.memory_space<vmem>>
        %dma_start3A_413 = tpu.memref_slice %arg2[%dma_start3A_409, %add3A_408] : memref<2x320000xi32, #tpu.memory_space<hbm>> -> memref<1x128xi32, #tpu.memory_space<hbm>>
        %dma_start3A_414 = tpu.memref_squeeze %dma_start3A_413 : memref<1x128xi32, #tpu.memory_space<hbm>> -> memref<128xi32, #tpu.memory_space<hbm>>
        %dma_start3A_415 = tpu.memref_slice %arg7[%select_n3A_403] : memref<6x!tpu.dma_semaphore, #tpu.memory_space<semaphore_mem>> -> memref<1x!tpu.dma_semaphore, #tpu.memory_space<semaphore_mem>>
        %dma_start3A_416 = tpu.memref_squeeze %dma_start3A_415 : memref<1x!tpu.dma_semaphore, #tpu.memory_space<semaphore_mem>> -> memref<!tpu.dma_semaphore, #tpu.memory_space<semaphore_mem>>
        %dma_start3A_417 = arith.constant 0 : i32
        %dma_start3A_418 = tpu.memref_slice %arg5[%select_n3A_403, %dma_start3A_417] : memref<6x128xi32, #tpu.memory_space<vmem>> -> memref<1x128xi32, #tpu.memory_space<vmem>>
        %dma_start3A_419 = tpu.memref_squeeze %dma_start3A_418 : memref<1x128xi32, #tpu.memory_space<vmem>> -> memref<128xi32, #tpu.memory_space<vmem>>
        %dma_start3A_420 = tpu.memref_slice %arg2[%dma_start3A_409, %add3A_408] : memref<2x320000xi32, #tpu.memory_space<hbm>> -> memref<1x128xi32, #tpu.memory_space<hbm>>
        %dma_start3A_421 = tpu.memref_squeeze %dma_start3A_420 : memref<1x128xi32, #tpu.memory_space<hbm>> -> memref<128xi32, #tpu.memory_space<hbm>>
        tpu.enqueue_dma source(%dma_start3A_421 : memref<128xi32, #tpu.memory_space<hbm>>) target(%dma_start3A_419 : memref<128xi32, #tpu.memory_space<vmem>>) target_semaphore(%dma_start3A_416 : memref<!tpu.dma_semaphore, #tpu.memory_space<semaphore_mem>>)
      } else {
      }
      %add3A_374 = arith.constant 6 : i32
      %add3A_375 = arith.addi %while3A_318, %add3A_374 : i32
      %sub3A_376 = arith.constant 2 : i32
      %sub3A_377 = arith.subi %add3A_375, %sub3A_376 : i32
      %lt3A_378 = arith.cmpi slt, %sub3A_377, %add3A_4 : i32
      %convert_element_type3A_379 = arith.extui %lt3A_378 : i1 to i32
      %cond3A_380 = arith.constant 0 : i32
      %cond3A_381 = arith.cmpi ne, %convert_element_type3A_379, %cond3A_380 : i32
      scf.if %cond3A_381 {
        %add3A_382 = arith.constant 6 : i32
        %add3A_383 = arith.addi %while3A_318, %add3A_382 : i32
        %sub3A_384 = arith.constant 2 : i32
        %sub3A_385 = arith.subi %add3A_383, %sub3A_384 : i32
        %sub3A_386 = arith.constant 2 : i32
        %sub3A_387 = arith.subi %while3A_318, %sub3A_386 : i32
        %jit3A_388 = arith.constant 6 : i32
        %eq3A_389 = arith.constant 0 : i32
        %eq3A_390 = arith.cmpi eq, %jit3A_388, %eq3A_389 : i32
        %jit3A_391 = arith.constant 1 : i32
        %select_n3A_392 = arith.select %eq3A_390, %jit3A_391, %jit3A_388 : i32
        %rem3A_393 = arith.remsi %sub3A_387, %select_n3A_392 : i32
        %ne3A_394 = arith.constant 0 : i32
        %ne3A_395 = arith.cmpi ne, %rem3A_393, %ne3A_394 : i32
        %lt3A_396 = arith.constant 0 : i32
        %lt3A_397 = arith.cmpi slt, %rem3A_393, %lt3A_396 : i32
        %lt3A_398 = arith.constant 0 : i32
        %lt3A_399 = arith.cmpi slt, %select_n3A_392, %lt3A_398 : i32
        %ne3A_400 = arith.xori %lt3A_397, %lt3A_399 : i1
        %and3A_401 = arith.andi %ne3A_400, %ne3A_395 : i1
        %add3A_402 = arith.addi %rem3A_393, %select_n3A_392 : i32
        %select_n3A_403 = arith.select %and3A_401, %add3A_402, %rem3A_393 : i32
        %add3A_404 = arith.constant 0 : i32
        %add3A_405 = arith.addi %add3A_404, %mul3A_10 : i32
        %mul3A_406 = arith.constant 128 : i32
        %mul3A_407 = arith.muli %sub3A_385, %mul3A_406 : i32
        %add3A_408 = arith.addi %add3A_405, %mul3A_407 : i32
        %dma_wait3A_409 = arith.constant 0 : i32
        %dma_wait3A_410 = arith.constant 0 : i32
        %dma_wait3A_411 = tpu.memref_slice %arg5[%select_n3A_403, %dma_wait3A_410] : memref<6x128xi32, #tpu.memory_space<vmem>> -> memref<1x128xi32, #tpu.memory_space<vmem>>
        %dma_wait3A_412 = tpu.memref_squeeze %dma_wait3A_411 : memref<1x128xi32, #tpu.memory_space<vmem>> -> memref<128xi32, #tpu.memory_space<vmem>>
        %dma_wait3A_413 = tpu.memref_slice %arg2[%dma_wait3A_409, %add3A_408] : memref<2x320000xi32, #tpu.memory_space<hbm>> -> memref<1x128xi32, #tpu.memory_space<hbm>>
        %dma_wait3A_414 = tpu.memref_squeeze %dma_wait3A_413 : memref<1x128xi32, #tpu.memory_space<hbm>> -> memref<128xi32, #tpu.memory_space<hbm>>
        %dma_wait3A_415 = tpu.memref_slice %arg7[%select_n3A_403] : memref<6x!tpu.dma_semaphore, #tpu.memory_space<semaphore_mem>> -> memref<1x!tpu.dma_semaphore, #tpu.memory_space<semaphore_mem>>
        %dma_wait3A_416 = tpu.memref_squeeze %dma_wait3A_415 : memref<1x!tpu.dma_semaphore, #tpu.memory_space<semaphore_mem>> -> memref<!tpu.dma_semaphore, #tpu.memory_space<semaphore_mem>>
        %dma_wait3A_417 = arith.constant 0 : i32
        %dma_wait3A_418 = tpu.memref_slice %arg5[%select_n3A_403, %dma_wait3A_417] : memref<6x128xi32, #tpu.memory_space<vmem>> -> memref<1x128xi32, #tpu.memory_space<vmem>>
        %dma_wait3A_419 = tpu.memref_squeeze %dma_wait3A_418 : memref<1x128xi32, #tpu.memory_space<vmem>> -> memref<128xi32, #tpu.memory_space<vmem>>
        %dma_wait3A_420 = tpu.memref_slice %arg2[%dma_wait3A_409, %add3A_408] : memref<2x320000xi32, #tpu.memory_space<hbm>> -> memref<1x128xi32, #tpu.memory_space<hbm>>
        %dma_wait3A_421 = tpu.memref_squeeze %dma_wait3A_420 : memref<1x128xi32, #tpu.memory_space<hbm>> -> memref<128xi32, #tpu.memory_space<hbm>>
        tpu.wait_dma2 semaphore(%dma_wait3A_416 : memref<!tpu.dma_semaphore, #tpu.memory_space<semaphore_mem>>) src(%dma_wait3A_421 : memref<128xi32, #tpu.memory_space<hbm>>) dst(%dma_wait3A_419 : memref<128xi32, #tpu.memory_space<vmem>>)
        %add3A_422 = arith.constant 6 : i32
        %add3A_423 = arith.addi %while3A_318, %add3A_422 : i32
        %sub3A_424 = arith.constant 2 : i32
        %sub3A_425 = arith.subi %add3A_423, %sub3A_424 : i32
        %sub3A_426 = arith.constant 2 : i32
        %sub3A_427 = arith.subi %while3A_318, %sub3A_426 : i32
        %jit3A_428 = arith.constant 6 : i32
        %eq3A_429 = arith.constant 0 : i32
        %eq3A_430 = arith.cmpi eq, %jit3A_428, %eq3A_429 : i32
        %jit3A_431 = arith.constant 1 : i32
        %select_n3A_432 = arith.select %eq3A_430, %jit3A_431, %jit3A_428 : i32
        %rem3A_433 = arith.remsi %sub3A_427, %select_n3A_432 : i32
        %ne3A_434 = arith.constant 0 : i32
        %ne3A_435 = arith.cmpi ne, %rem3A_433, %ne3A_434 : i32
        %lt3A_436 = arith.constant 0 : i32
        %lt3A_437 = arith.cmpi slt, %rem3A_433, %lt3A_436 : i32
        %lt3A_438 = arith.constant 0 : i32
        %lt3A_439 = arith.cmpi slt, %select_n3A_432, %lt3A_438 : i32
        %ne3A_440 = arith.xori %lt3A_437, %lt3A_439 : i1
        %and3A_441 = arith.andi %ne3A_440, %ne3A_435 : i1
        %add3A_442 = arith.addi %rem3A_433, %select_n3A_432 : i32
        %select_n3A_443 = arith.select %and3A_441, %add3A_442, %rem3A_433 : i32
        %dma_start3A_444 = arith.constant 0 : i32
        %dma_start3A_445 = arith.constant 0 : i32
        %dma_start3A_446 = tpu.memref_slice %arg6[%select_n3A_443, %dma_start3A_444, %dma_start3A_445] : memref<6x128x128xi32, #tpu.memory_space<vmem>> -> memref<1x128x128xi32, #tpu.memory_space<vmem>>
        %dma_start3A_447 = tpu.memref_squeeze %dma_start3A_446 : memref<1x128x128xi32, #tpu.memory_space<vmem>> -> memref<128x128xi32, #tpu.memory_space<vmem>>
        %dma_start3A_448 = arith.constant 0 : i32
        %dma_start3A_449 = tpu.memref_slice %arg5[%select_n3A_443, %dma_start3A_448] : memref<6x128xi32, #tpu.memory_space<vmem>> -> memref<1x128xi32, #tpu.memory_space<vmem>>
        %dma_start3A_450 = tpu.memref_squeeze %dma_start3A_449 : memref<1x128xi32, #tpu.memory_space<vmem>> -> memref<128xi32, #tpu.memory_space<vmem>>
        %dma_start3A_451 = arith.constant 0 : i32
        %dma_start3A_452 = arith.constant 0 : i32
        %dma_start3A_453 = tpu.memref_slice %arg3[%dma_start3A_451, %dma_start3A_452] : memref<10000x128xi32, #tpu.memory_space<hbm>> -> memref<10000x128xi32, #tpu.memory_space<hbm>>
        %dma_start3A_454 = tpu.memref_slice %arg8[%select_n3A_443] : memref<6x!tpu.dma_semaphore, #tpu.memory_space<semaphore_mem>> -> memref<1x!tpu.dma_semaphore, #tpu.memory_space<semaphore_mem>>
        %dma_start3A_455 = tpu.memref_squeeze %dma_start3A_454 : memref<1x!tpu.dma_semaphore, #tpu.memory_space<semaphore_mem>> -> memref<!tpu.dma_semaphore, #tpu.memory_space<semaphore_mem>>
        tpu.enqueue_indirect_dma source(%dma_start3A_453 : memref<10000x128xi32, #tpu.memory_space<hbm>>) target(%dma_start3A_447 : memref<128x128xi32, #tpu.memory_space<vmem>>) offsets(%dma_start3A_450 : memref<128xi32, #tpu.memory_space<vmem>>) semaphore(%dma_start3A_455 : memref<!tpu.dma_semaphore, #tpu.memory_space<semaphore_mem>>)
      } else {
      }
    }
    %while3A_248 = arith.constant 1 : i32
    scf.for %while3A_318 = %while3A_246 to %while3A_242 step %while3A_248  : i32 {
      %jit3A_319 = arith.constant 6 : i32
      %eq3A_320 = arith.constant 0 : i32
      %eq3A_321 = arith.cmpi eq, %jit3A_319, %eq3A_320 : i32
      %jit3A_322 = arith.constant 1 : i32
      %select_n3A_323 = arith.select %eq3A_321, %jit3A_322, %jit3A_319 : i32
      %rem3A_324 = arith.remsi %while3A_318, %select_n3A_323 : i32
      %ne3A_325 = arith.constant 0 : i32
      %ne3A_326 = arith.cmpi ne, %rem3A_324, %ne3A_325 : i32
      %lt3A_327 = arith.constant 0 : i32
      %lt3A_328 = arith.cmpi slt, %rem3A_324, %lt3A_327 : i32
      %lt3A_329 = arith.constant 0 : i32
      %lt3A_330 = arith.cmpi slt, %select_n3A_323, %lt3A_329 : i32
      %ne3A_331 = arith.xori %lt3A_328, %lt3A_330 : i1
      %and3A_332 = arith.andi %ne3A_331, %ne3A_326 : i1
      %add3A_333 = arith.addi %rem3A_324, %select_n3A_323 : i32
      %select_n3A_334 = arith.select %and3A_332, %add3A_333, %rem3A_324 : i32
      %dma_wait3A_335 = arith.constant 0 : i32
      %dma_wait3A_336 = arith.constant 0 : i32
      %dma_wait3A_337 = tpu.memref_slice %arg6[%select_n3A_334, %dma_wait3A_335, %dma_wait3A_336] : memref<6x128x128xi32, #tpu.memory_space<vmem>> -> memref<1x128x128xi32, #tpu.memory_space<vmem>>
      %dma_wait3A_338 = tpu.memref_squeeze %dma_wait3A_337 : memref<1x128x128xi32, #tpu.memory_space<vmem>> -> memref<128x128xi32, #tpu.memory_space<vmem>>
      %dma_wait3A_339 = arith.constant 0 : i32
      %dma_wait3A_340 = tpu.memref_slice %arg5[%select_n3A_334, %dma_wait3A_339] : memref<6x128xi32, #tpu.memory_space<vmem>> -> memref<1x128xi32, #tpu.memory_space<vmem>>
      %dma_wait3A_341 = tpu.memref_squeeze %dma_wait3A_340 : memref<1x128xi32, #tpu.memory_space<vmem>> -> memref<128xi32, #tpu.memory_space<vmem>>
      %dma_wait3A_342 = arith.constant 0 : i32
      %dma_wait3A_343 = arith.constant 0 : i32
      %dma_wait3A_344 = tpu.memref_slice %arg3[%dma_wait3A_342, %dma_wait3A_343] : memref<10000x128xi32, #tpu.memory_space<hbm>> -> memref<10000x128xi32, #tpu.memory_space<hbm>>
      %dma_wait3A_345 = tpu.memref_slice %arg8[%select_n3A_334] : memref<6x!tpu.dma_semaphore, #tpu.memory_space<semaphore_mem>> -> memref<1x!tpu.dma_semaphore, #tpu.memory_space<semaphore_mem>>
      %dma_wait3A_346 = tpu.memref_squeeze %dma_wait3A_345 : memref<1x!tpu.dma_semaphore, #tpu.memory_space<semaphore_mem>> -> memref<!tpu.dma_semaphore, #tpu.memory_space<semaphore_mem>>
      tpu.wait_indirect_dma semaphore(%dma_wait3A_346 : memref<!tpu.dma_semaphore, #tpu.memory_space<semaphore_mem>>) src(%dma_wait3A_344 : memref<10000x128xi32, #tpu.memory_space<hbm>>) dst(%dma_wait3A_338 : memref<128x128xi32, #tpu.memory_space<vmem>>)
      %mul3A_347 = arith.constant 128 : i32
      %mul3A_348 = arith.muli %while3A_318, %mul3A_347 : i32
      %add3A_349 = arith.addi %mul3A_10, %mul3A_348 : i32
      %dma_start3A_350 = arith.constant 0 : i32
      %dma_start3A_351 = arith.constant 0 : i32
      %dma_start3A_352 = tpu.memref_slice %arg6[%select_n3A_334, %dma_start3A_350, %dma_start3A_351] : memref<6x128x128xi32, #tpu.memory_space<vmem>> -> memref<1x128x128xi32, #tpu.memory_space<vmem>>
      %dma_start3A_353 = tpu.memref_squeeze %dma_start3A_352 : memref<1x128x128xi32, #tpu.memory_space<vmem>> -> memref<128x128xi32, #tpu.memory_space<vmem>>
      %dma_start3A_354 = arith.constant 0 : i32
      %dma_start3A_355 = tpu.memref_slice %arg4[%add3A_349, %dma_start3A_354] : memref<158720x128xi32, #tpu.memory_space<hbm>> -> memref<128x128xi32, #tpu.memory_space<hbm>>
      %dma_start3A_356 = tpu.memref_slice %arg9[%select_n3A_334] : memref<6x!tpu.dma_semaphore, #tpu.memory_space<semaphore_mem>> -> memref<1x!tpu.dma_semaphore, #tpu.memory_space<semaphore_mem>>
      %dma_start3A_357 = tpu.memref_squeeze %dma_start3A_356 : memref<1x!tpu.dma_semaphore, #tpu.memory_space<semaphore_mem>> -> memref<!tpu.dma_semaphore, #tpu.memory_space<semaphore_mem>>
      %dma_start3A_358 = arith.constant 0 : i32
      %dma_start3A_359 = tpu.memref_slice %arg4[%add3A_349, %dma_start3A_358] : memref<158720x128xi32, #tpu.memory_space<hbm>> -> memref<128x128xi32, #tpu.memory_space<hbm>>
      %dma_start3A_360 = arith.constant 0 : i32
      %dma_start3A_361 = arith.constant 0 : i32
      %dma_start3A_362 = tpu.memref_slice %arg6[%select_n3A_334, %dma_start3A_360, %dma_start3A_361] : memref<6x128x128xi32, #tpu.memory_space<vmem>> -> memref<1x128x128xi32, #tpu.memory_space<vmem>>
      %dma_start3A_363 = tpu.memref_squeeze %dma_start3A_362 : memref<1x128x128xi32, #tpu.memory_space<vmem>> -> memref<128x128xi32, #tpu.memory_space<vmem>>
      tpu.enqueue_dma source(%dma_start3A_363 : memref<128x128xi32, #tpu.memory_space<vmem>>) target(%dma_start3A_359 : memref<128x128xi32, #tpu.memory_space<hbm>>) target_semaphore(%dma_start3A_357 : memref<!tpu.dma_semaphore, #tpu.memory_space<semaphore_mem>>)
      %ge3A = arith.constant 2 : i32
      %ge3A_364 = arith.cmpi sge, %while3A_318, %ge3A : i32
      %convert_element_type3A = arith.extui %ge3A_364 : i1 to i32
      %cond3A = arith.constant 0 : i32
      %cond3A_365 = arith.cmpi ne, %convert_element_type3A, %cond3A : i32
      scf.if %cond3A_365 {
        %sub3A_382 = arith.constant 2 : i32
        %sub3A_383 = arith.subi %while3A_318, %sub3A_382 : i32
        %sub3A_384 = arith.constant 2 : i32
        %sub3A_385 = arith.subi %while3A_318, %sub3A_384 : i32
        %jit3A_386 = arith.constant 6 : i32
        %eq3A_387 = arith.constant 0 : i32
        %eq3A_388 = arith.cmpi eq, %jit3A_386, %eq3A_387 : i32
        %jit3A_389 = arith.constant 1 : i32
        %select_n3A_390 = arith.select %eq3A_388, %jit3A_389, %jit3A_386 : i32
        %rem3A_391 = arith.remsi %sub3A_385, %select_n3A_390 : i32
        %ne3A_392 = arith.constant 0 : i32
        %ne3A_393 = arith.cmpi ne, %rem3A_391, %ne3A_392 : i32
        %lt3A_394 = arith.constant 0 : i32
        %lt3A_395 = arith.cmpi slt, %rem3A_391, %lt3A_394 : i32
        %lt3A_396 = arith.constant 0 : i32
        %lt3A_397 = arith.cmpi slt, %select_n3A_390, %lt3A_396 : i32
        %ne3A_398 = arith.xori %lt3A_395, %lt3A_397 : i1
        %and3A_399 = arith.andi %ne3A_398, %ne3A_393 : i1
        %add3A_400 = arith.addi %rem3A_391, %select_n3A_390 : i32
        %select_n3A_401 = arith.select %and3A_399, %add3A_400, %rem3A_391 : i32
        %mul3A_402 = arith.constant 128 : i32
        %mul3A_403 = arith.muli %sub3A_383, %mul3A_402 : i32
        %add3A_404 = arith.addi %mul3A_10, %mul3A_403 : i32
        %dma_wait3A_405 = arith.constant 0 : i32
        %dma_wait3A_406 = arith.constant 0 : i32
        %dma_wait3A_407 = tpu.memref_slice %arg6[%select_n3A_401, %dma_wait3A_405, %dma_wait3A_406] : memref<6x128x128xi32, #tpu.memory_space<vmem>> -> memref<1x128x128xi32, #tpu.memory_space<vmem>>
        %dma_wait3A_408 = tpu.memref_squeeze %dma_wait3A_407 : memref<1x128x128xi32, #tpu.memory_space<vmem>> -> memref<128x128xi32, #tpu.memory_space<vmem>>
        %dma_wait3A_409 = arith.constant 0 : i32
        %dma_wait3A_410 = tpu.memref_slice %arg4[%add3A_404, %dma_wait3A_409] : memref<158720x128xi32, #tpu.memory_space<hbm>> -> memref<128x128xi32, #tpu.memory_space<hbm>>
        %dma_wait3A_411 = tpu.memref_slice %arg9[%select_n3A_401] : memref<6x!tpu.dma_semaphore, #tpu.memory_space<semaphore_mem>> -> memref<1x!tpu.dma_semaphore, #tpu.memory_space<semaphore_mem>>
        %dma_wait3A_412 = tpu.memref_squeeze %dma_wait3A_411 : memref<1x!tpu.dma_semaphore, #tpu.memory_space<semaphore_mem>> -> memref<!tpu.dma_semaphore, #tpu.memory_space<semaphore_mem>>
        %dma_wait3A_413 = arith.constant 0 : i32
        %dma_wait3A_414 = tpu.memref_slice %arg4[%add3A_404, %dma_wait3A_413] : memref<158720x128xi32, #tpu.memory_space<hbm>> -> memref<128x128xi32, #tpu.memory_space<hbm>>
        %dma_wait3A_415 = arith.constant 0 : i32
        %dma_wait3A_416 = arith.constant 0 : i32
        %dma_wait3A_417 = tpu.memref_slice %arg6[%select_n3A_401, %dma_wait3A_415, %dma_wait3A_416] : memref<6x128x128xi32, #tpu.memory_space<vmem>> -> memref<1x128x128xi32, #tpu.memory_space<vmem>>
        %dma_wait3A_418 = tpu.memref_squeeze %dma_wait3A_417 : memref<1x128x128xi32, #tpu.memory_space<vmem>> -> memref<128x128xi32, #tpu.memory_space<vmem>>
        tpu.wait_dma2 semaphore(%dma_wait3A_412 : memref<!tpu.dma_semaphore, #tpu.memory_space<semaphore_mem>>) src(%dma_wait3A_418 : memref<128x128xi32, #tpu.memory_space<vmem>>) dst(%dma_wait3A_414 : memref<128x128xi32, #tpu.memory_space<hbm>>)
      } else {
      }
      %add3A_366 = arith.constant 6 : i32
      %add3A_367 = arith.addi %while3A_318, %add3A_366 : i32
      %sub3A_368 = arith.constant 1 : i32
      %sub3A_369 = arith.subi %add3A_367, %sub3A_368 : i32
      %lt3A_370 = arith.cmpi slt, %sub3A_369, %add3A_4 : i32
      %convert_element_type3A_371 = arith.extui %lt3A_370 : i1 to i32
      %cond3A_372 = arith.constant 0 : i32
      %cond3A_373 = arith.cmpi ne, %convert_element_type3A_371, %cond3A_372 : i32
      scf.if %cond3A_373 {
        %add3A_382 = arith.constant 6 : i32
        %add3A_383 = arith.addi %while3A_318, %add3A_382 : i32
        %sub3A_384 = arith.constant 1 : i32
        %sub3A_385 = arith.subi %add3A_383, %sub3A_384 : i32
        %sub3A_386 = arith.constant 1 : i32
        %sub3A_387 = arith.subi %while3A_318, %sub3A_386 : i32
        %jit3A_388 = arith.constant 6 : i32
        %eq3A_389 = arith.constant 0 : i32
        %eq3A_390 = arith.cmpi eq, %jit3A_388, %eq3A_389 : i32
        %jit3A_391 = arith.constant 1 : i32
        %select_n3A_392 = arith.select %eq3A_390, %jit3A_391, %jit3A_388 : i32
        %rem3A_393 = arith.remsi %sub3A_387, %select_n3A_392 : i32
        %ne3A_394 = arith.constant 0 : i32
        %ne3A_395 = arith.cmpi ne, %rem3A_393, %ne3A_394 : i32
        %lt3A_396 = arith.constant 0 : i32
        %lt3A_397 = arith.cmpi slt, %rem3A_393, %lt3A_396 : i32
        %lt3A_398 = arith.constant 0 : i32
        %lt3A_399 = arith.cmpi slt, %select_n3A_392, %lt3A_398 : i32
        %ne3A_400 = arith.xori %lt3A_397, %lt3A_399 : i1
        %and3A_401 = arith.andi %ne3A_400, %ne3A_395 : i1
        %add3A_402 = arith.addi %rem3A_393, %select_n3A_392 : i32
        %select_n3A_403 = arith.select %and3A_401, %add3A_402, %rem3A_393 : i32
        %add3A_404 = arith.constant 0 : i32
        %add3A_405 = arith.addi %add3A_404, %mul3A_10 : i32
        %mul3A_406 = arith.constant 128 : i32
        %mul3A_407 = arith.muli %sub3A_385, %mul3A_406 : i32
        %add3A_408 = arith.addi %add3A_405, %mul3A_407 : i32
        %dma_start3A_409 = arith.constant 0 : i32
        %dma_start3A_410 = arith.constant 0 : i32
        %dma_start3A_411 = tpu.memref_slice %arg5[%select_n3A_403, %dma_start3A_410] : memref<6x128xi32, #tpu.memory_space<vmem>> -> memref<1x128xi32, #tpu.memory_space<vmem>>
        %dma_start3A_412 = tpu.memref_squeeze %dma_start3A_411 : memref<1x128xi32, #tpu.memory_space<vmem>> -> memref<128xi32, #tpu.memory_space<vmem>>
        %dma_start3A_413 = tpu.memref_slice %arg2[%dma_start3A_409, %add3A_408] : memref<2x320000xi32, #tpu.memory_space<hbm>> -> memref<1x128xi32, #tpu.memory_space<hbm>>
        %dma_start3A_414 = tpu.memref_squeeze %dma_start3A_413 : memref<1x128xi32, #tpu.memory_space<hbm>> -> memref<128xi32, #tpu.memory_space<hbm>>
        %dma_start3A_415 = tpu.memref_slice %arg7[%select_n3A_403] : memref<6x!tpu.dma_semaphore, #tpu.memory_space<semaphore_mem>> -> memref<1x!tpu.dma_semaphore, #tpu.memory_space<semaphore_mem>>
        %dma_start3A_416 = tpu.memref_squeeze %dma_start3A_415 : memref<1x!tpu.dma_semaphore, #tpu.memory_space<semaphore_mem>> -> memref<!tpu.dma_semaphore, #tpu.memory_space<semaphore_mem>>
        %dma_start3A_417 = arith.constant 0 : i32
        %dma_start3A_418 = tpu.memref_slice %arg5[%select_n3A_403, %dma_start3A_417] : memref<6x128xi32, #tpu.memory_space<vmem>> -> memref<1x128xi32, #tpu.memory_space<vmem>>
        %dma_start3A_419 = tpu.memref_squeeze %dma_start3A_418 : memref<1x128xi32, #tpu.memory_space<vmem>> -> memref<128xi32, #tpu.memory_space<vmem>>
        %dma_start3A_420 = tpu.memref_slice %arg2[%dma_start3A_409, %add3A_408] : memref<2x320000xi32, #tpu.memory_space<hbm>> -> memref<1x128xi32, #tpu.memory_space<hbm>>
        %dma_start3A_421 = tpu.memref_squeeze %dma_start3A_420 : memref<1x128xi32, #tpu.memory_space<hbm>> -> memref<128xi32, #tpu.memory_space<hbm>>
        tpu.enqueue_dma source(%dma_start3A_421 : memref<128xi32, #tpu.memory_space<hbm>>) target(%dma_start3A_419 : memref<128xi32, #tpu.memory_space<vmem>>) target_semaphore(%dma_start3A_416 : memref<!tpu.dma_semaphore, #tpu.memory_space<semaphore_mem>>)
      } else {
      }
      %add3A_374 = arith.constant 6 : i32
      %add3A_375 = arith.addi %while3A_318, %add3A_374 : i32
      %sub3A_376 = arith.constant 2 : i32
      %sub3A_377 = arith.subi %add3A_375, %sub3A_376 : i32
      %lt3A_378 = arith.cmpi slt, %sub3A_377, %add3A_4 : i32
      %convert_element_type3A_379 = arith.extui %lt3A_378 : i1 to i32
      %cond3A_380 = arith.constant 0 : i32
      %cond3A_381 = arith.cmpi ne, %convert_element_type3A_379, %cond3A_380 : i32
      scf.if %cond3A_381 {
        %add3A_382 = arith.constant 6 : i32
        %add3A_383 = arith.addi %while3A_318, %add3A_382 : i32
        %sub3A_384 = arith.constant 2 : i32
        %sub3A_385 = arith.subi %add3A_383, %sub3A_384 : i32
        %sub3A_386 = arith.constant 2 : i32
        %sub3A_387 = arith.subi %while3A_318, %sub3A_386 : i32
        %jit3A_388 = arith.constant 6 : i32
        %eq3A_389 = arith.constant 0 : i32
        %eq3A_390 = arith.cmpi eq, %jit3A_388, %eq3A_389 : i32
        %jit3A_391 = arith.constant 1 : i32
        %select_n3A_392 = arith.select %eq3A_390, %jit3A_391, %jit3A_388 : i32
        %rem3A_393 = arith.remsi %sub3A_387, %select_n3A_392 : i32
        %ne3A_394 = arith.constant 0 : i32
        %ne3A_395 = arith.cmpi ne, %rem3A_393, %ne3A_394 : i32
        %lt3A_396 = arith.constant 0 : i32
        %lt3A_397 = arith.cmpi slt, %rem3A_393, %lt3A_396 : i32
        %lt3A_398 = arith.constant 0 : i32
        %lt3A_399 = arith.cmpi slt, %select_n3A_392, %lt3A_398 : i32
        %ne3A_400 = arith.xori %lt3A_397, %lt3A_399 : i1
        %and3A_401 = arith.andi %ne3A_400, %ne3A_395 : i1
        %add3A_402 = arith.addi %rem3A_393, %select_n3A_392 : i32
        %select_n3A_403 = arith.select %and3A_401, %add3A_402, %rem3A_393 : i32
        %add3A_404 = arith.constant 0 : i32
        %add3A_405 = arith.addi %add3A_404, %mul3A_10 : i32
        %mul3A_406 = arith.constant 128 : i32
        %mul3A_407 = arith.muli %sub3A_385, %mul3A_406 : i32
        %add3A_408 = arith.addi %add3A_405, %mul3A_407 : i32
        %dma_wait3A_409 = arith.constant 0 : i32
        %dma_wait3A_410 = arith.constant 0 : i32
        %dma_wait3A_411 = tpu.memref_slice %arg5[%select_n3A_403, %dma_wait3A_410] : memref<6x128xi32, #tpu.memory_space<vmem>> -> memref<1x128xi32, #tpu.memory_space<vmem>>
        %dma_wait3A_412 = tpu.memref_squeeze %dma_wait3A_411 : memref<1x128xi32, #tpu.memory_space<vmem>> -> memref<128xi32, #tpu.memory_space<vmem>>
        %dma_wait3A_413 = tpu.memref_slice %arg2[%dma_wait3A_409, %add3A_408] : memref<2x320000xi32, #tpu.memory_space<hbm>> -> memref<1x128xi32, #tpu.memory_space<hbm>>
        %dma_wait3A_414 = tpu.memref_squeeze %dma_wait3A_413 : memref<1x128xi32, #tpu.memory_space<hbm>> -> memref<128xi32, #tpu.memory_space<hbm>>
        %dma_wait3A_415 = tpu.memref_slice %arg7[%select_n3A_403] : memref<6x!tpu.dma_semaphore, #tpu.memory_space<semaphore_mem>> -> memref<1x!tpu.dma_semaphore, #tpu.memory_space<semaphore_mem>>
        %dma_wait3A_416 = tpu.memref_squeeze %dma_wait3A_415 : memref<1x!tpu.dma_semaphore, #tpu.memory_space<semaphore_mem>> -> memref<!tpu.dma_semaphore, #tpu.memory_space<semaphore_mem>>
        %dma_wait3A_417 = arith.constant 0 : i32
        %dma_wait3A_418 = tpu.memref_slice %arg5[%select_n3A_403, %dma_wait3A_417] : memref<6x128xi32, #tpu.memory_space<vmem>> -> memref<1x128xi32, #tpu.memory_space<vmem>>
        %dma_wait3A_419 = tpu.memref_squeeze %dma_wait3A_418 : memref<1x128xi32, #tpu.memory_space<vmem>> -> memref<128xi32, #tpu.memory_space<vmem>>
        %dma_wait3A_420 = tpu.memref_slice %arg2[%dma_wait3A_409, %add3A_408] : memref<2x320000xi32, #tpu.memory_space<hbm>> -> memref<1x128xi32, #tpu.memory_space<hbm>>
        %dma_wait3A_421 = tpu.memref_squeeze %dma_wait3A_420 : memref<1x128xi32, #tpu.memory_space<hbm>> -> memref<128xi32, #tpu.memory_space<hbm>>
        tpu.wait_dma2 semaphore(%dma_wait3A_416 : memref<!tpu.dma_semaphore, #tpu.memory_space<semaphore_mem>>) src(%dma_wait3A_421 : memref<128xi32, #tpu.memory_space<hbm>>) dst(%dma_wait3A_419 : memref<128xi32, #tpu.memory_space<vmem>>)
        %add3A_422 = arith.constant 6 : i32
        %add3A_423 = arith.addi %while3A_318, %add3A_422 : i32
        %sub3A_424 = arith.constant 2 : i32
        %sub3A_425 = arith.subi %add3A_423, %sub3A_424 : i32
        %sub3A_426 = arith.constant 2 : i32
        %sub3A_427 = arith.subi %while3A_318, %sub3A_426 : i32
        %jit3A_428 = arith.constant 6 : i32
        %eq3A_429 = arith.constant 0 : i32
        %eq3A_430 = arith.cmpi eq, %jit3A_428, %eq3A_429 : i32
        %jit3A_431 = arith.constant 1 : i32
        %select_n3A_432 = arith.select %eq3A_430, %jit3A_431, %jit3A_428 : i32
        %rem3A_433 = arith.remsi %sub3A_427, %select_n3A_432 : i32
        %ne3A_434 = arith.constant 0 : i32
        %ne3A_435 = arith.cmpi ne, %rem3A_433, %ne3A_434 : i32
        %lt3A_436 = arith.constant 0 : i32
        %lt3A_437 = arith.cmpi slt, %rem3A_433, %lt3A_436 : i32
        %lt3A_438 = arith.constant 0 : i32
        %lt3A_439 = arith.cmpi slt, %select_n3A_432, %lt3A_438 : i32
        %ne3A_440 = arith.xori %lt3A_437, %lt3A_439 : i1
        %and3A_441 = arith.andi %ne3A_440, %ne3A_435 : i1
        %add3A_442 = arith.addi %rem3A_433, %select_n3A_432 : i32
        %select_n3A_443 = arith.select %and3A_441, %add3A_442, %rem3A_433 : i32
        %dma_start3A_444 = arith.constant 0 : i32
        %dma_start3A_445 = arith.constant 0 : i32
        %dma_start3A_446 = tpu.memref_slice %arg6[%select_n3A_443, %dma_start3A_444, %dma_start3A_445] : memref<6x128x128xi32, #tpu.memory_space<vmem>> -> memref<1x128x128xi32, #tpu.memory_space<vmem>>
        %dma_start3A_447 = tpu.memref_squeeze %dma_start3A_446 : memref<1x128x128xi32, #tpu.memory_space<vmem>> -> memref<128x128xi32, #tpu.memory_space<vmem>>
        %dma_start3A_448 = arith.constant 0 : i32
        %dma_start3A_449 = tpu.memref_slice %arg5[%select_n3A_443, %dma_start3A_448] : memref<6x128xi32, #tpu.memory_space<vmem>> -> memref<1x128xi32, #tpu.memory_space<vmem>>
        %dma_start3A_450 = tpu.memref_squeeze %dma_start3A_449 : memref<1x128xi32, #tpu.memory_space<vmem>> -> memref<128xi32, #tpu.memory_space<vmem>>
        %dma_start3A_451 = arith.constant 0 : i32
        %dma_start3A_452 = arith.constant 0 : i32
        %dma_start3A_453 = tpu.memref_slice %arg3[%dma_start3A_451, %dma_start3A_452] : memref<10000x128xi32, #tpu.memory_space<hbm>> -> memref<10000x128xi32, #tpu.memory_space<hbm>>
        %dma_start3A_454 = tpu.memref_slice %arg8[%select_n3A_443] : memref<6x!tpu.dma_semaphore, #tpu.memory_space<semaphore_mem>> -> memref<1x!tpu.dma_semaphore, #tpu.memory_space<semaphore_mem>>
        %dma_start3A_455 = tpu.memref_squeeze %dma_start3A_454 : memref<1x!tpu.dma_semaphore, #tpu.memory_space<semaphore_mem>> -> memref<!tpu.dma_semaphore, #tpu.memory_space<semaphore_mem>>
        tpu.enqueue_indirect_dma source(%dma_start3A_453 : memref<10000x128xi32, #tpu.memory_space<hbm>>) target(%dma_start3A_447 : memref<128x128xi32, #tpu.memory_space<vmem>>) offsets(%dma_start3A_450 : memref<128xi32, #tpu.memory_space<vmem>>) semaphore(%dma_start3A_455 : memref<!tpu.dma_semaphore, #tpu.memory_space<semaphore_mem>>)
      } else {
      }
    }
    %sub3A = arith.constant 2 : i32
    %sub3A_249 = arith.subi %add3A_4, %sub3A : i32
    %sub3A_250 = arith.constant 2 : i32
    %sub3A_251 = arith.subi %add3A_4, %sub3A_250 : i32
    %jit3A_252 = arith.constant 6 : i32
    %eq3A = arith.constant 0 : i32
    %eq3A_253 = arith.cmpi eq, %jit3A_252, %eq3A : i32
    %jit3A_254 = arith.constant 1 : i32
    %select_n3A_255 = arith.select %eq3A_253, %jit3A_254, %jit3A_252 : i32
    %rem3A = arith.remsi %sub3A_251, %select_n3A_255 : i32
    %ne3A = arith.constant 0 : i32
    %ne3A_256 = arith.cmpi ne, %rem3A, %ne3A : i32
    %lt3A_257 = arith.constant 0 : i32
    %lt3A_258 = arith.cmpi slt, %rem3A, %lt3A_257 : i32
    %lt3A_259 = arith.constant 0 : i32
    %lt3A_260 = arith.cmpi slt, %select_n3A_255, %lt3A_259 : i32
    %ne3A_261 = arith.xori %lt3A_258, %lt3A_260 : i1
    %and3A = arith.andi %ne3A_261, %ne3A_256 : i1
    %add3A_262 = arith.addi %rem3A, %select_n3A_255 : i32
    %select_n3A_263 = arith.select %and3A, %add3A_262, %rem3A : i32
    %mul3A_264 = arith.constant 128 : i32
    %mul3A_265 = arith.muli %sub3A_249, %mul3A_264 : i32
    %add3A_266 = arith.addi %mul3A_10, %mul3A_265 : i32
    %dma_wait3A_267 = arith.constant 0 : i32
    %dma_wait3A_268 = arith.constant 0 : i32
    %dma_wait3A_269 = tpu.memref_slice %arg6[%select_n3A_263, %dma_wait3A_267, %dma_wait3A_268] : memref<6x128x128xi32, #tpu.memory_space<vmem>> -> memref<1x128x128xi32, #tpu.memory_space<vmem>>
    %dma_wait3A_270 = tpu.memref_squeeze %dma_wait3A_269 : memref<1x128x128xi32, #tpu.memory_space<vmem>> -> memref<128x128xi32, #tpu.memory_space<vmem>>
    %dma_wait3A_271 = arith.constant 0 : i32
    %dma_wait3A_272 = tpu.memref_slice %arg4[%add3A_266, %dma_wait3A_271] : memref<158720x128xi32, #tpu.memory_space<hbm>> -> memref<128x128xi32, #tpu.memory_space<hbm>>
    %dma_wait3A_273 = tpu.memref_slice %arg9[%select_n3A_263] : memref<6x!tpu.dma_semaphore, #tpu.memory_space<semaphore_mem>> -> memref<1x!tpu.dma_semaphore, #tpu.memory_space<semaphore_mem>>
    %dma_wait3A_274 = tpu.memref_squeeze %dma_wait3A_273 : memref<1x!tpu.dma_semaphore, #tpu.memory_space<semaphore_mem>> -> memref<!tpu.dma_semaphore, #tpu.memory_space<semaphore_mem>>
    %dma_wait3A_275 = arith.constant 0 : i32
    %dma_wait3A_276 = tpu.memref_slice %arg4[%add3A_266, %dma_wait3A_275] : memref<158720x128xi32, #tpu.memory_space<hbm>> -> memref<128x128xi32, #tpu.memory_space<hbm>>
    %dma_wait3A_277 = arith.constant 0 : i32
    %dma_wait3A_278 = arith.constant 0 : i32
    %dma_wait3A_279 = tpu.memref_slice %arg6[%select_n3A_263, %dma_wait3A_277, %dma_wait3A_278] : memref<6x128x128xi32, #tpu.memory_space<vmem>> -> memref<1x128x128xi32, #tpu.memory_space<vmem>>
    %dma_wait3A_280 = tpu.memref_squeeze %dma_wait3A_279 : memref<1x128x128xi32, #tpu.memory_space<vmem>> -> memref<128x128xi32, #tpu.memory_space<vmem>>
    tpu.wait_dma2 semaphore(%dma_wait3A_274 : memref<!tpu.dma_semaphore, #tpu.memory_space<semaphore_mem>>) src(%dma_wait3A_280 : memref<128x128xi32, #tpu.memory_space<vmem>>) dst(%dma_wait3A_276 : memref<128x128xi32, #tpu.memory_space<hbm>>)
    %sub3A_281 = arith.constant 1 : i32
    %sub3A_282 = arith.subi %add3A_4, %sub3A_281 : i32
    %sub3A_283 = arith.constant 1 : i32
    %sub3A_284 = arith.subi %add3A_4, %sub3A_283 : i32
    %jit3A_285 = arith.constant 6 : i32
    %eq3A_286 = arith.constant 0 : i32
    %eq3A_287 = arith.cmpi eq, %jit3A_285, %eq3A_286 : i32
    %jit3A_288 = arith.constant 1 : i32
    %select_n3A_289 = arith.select %eq3A_287, %jit3A_288, %jit3A_285 : i32
    %rem3A_290 = arith.remsi %sub3A_284, %select_n3A_289 : i32
    %ne3A_291 = arith.constant 0 : i32
    %ne3A_292 = arith.cmpi ne, %rem3A_290, %ne3A_291 : i32
    %lt3A_293 = arith.constant 0 : i32
    %lt3A_294 = arith.cmpi slt, %rem3A_290, %lt3A_293 : i32
    %lt3A_295 = arith.constant 0 : i32
    %lt3A_296 = arith.cmpi slt, %select_n3A_289, %lt3A_295 : i32
    %ne3A_297 = arith.xori %lt3A_294, %lt3A_296 : i1
    %and3A_298 = arith.andi %ne3A_297, %ne3A_292 : i1
    %add3A_299 = arith.addi %rem3A_290, %select_n3A_289 : i32
    %select_n3A_300 = arith.select %and3A_298, %add3A_299, %rem3A_290 : i32
    %mul3A_301 = arith.constant 128 : i32
    %mul3A_302 = arith.muli %sub3A_282, %mul3A_301 : i32
    %add3A_303 = arith.addi %mul3A_10, %mul3A_302 : i32
    %dma_wait3A_304 = arith.constant 0 : i32
    %dma_wait3A_305 = arith.constant 0 : i32
    %dma_wait3A_306 = tpu.memref_slice %arg6[%select_n3A_300, %dma_wait3A_304, %dma_wait3A_305] : memref<6x128x128xi32, #tpu.memory_space<vmem>> -> memref<1x128x128xi32, #tpu.memory_space<vmem>>
    %dma_wait3A_307 = tpu.memref_squeeze %dma_wait3A_306 : memref<1x128x128xi32, #tpu.memory_space<vmem>> -> memref<128x128xi32, #tpu.memory_space<vmem>>
    %dma_wait3A_308 = arith.constant 0 : i32
    %dma_wait3A_309 = tpu.memref_slice %arg4[%add3A_303, %dma_wait3A_308] : memref<158720x128xi32, #tpu.memory_space<hbm>> -> memref<128x128xi32, #tpu.memory_space<hbm>>
    %dma_wait3A_310 = tpu.memref_slice %arg9[%select_n3A_300] : memref<6x!tpu.dma_semaphore, #tpu.memory_space<semaphore_mem>> -> memref<1x!tpu.dma_semaphore, #tpu.memory_space<semaphore_mem>>
    %dma_wait3A_311 = tpu.memref_squeeze %dma_wait3A_310 : memref<1x!tpu.dma_semaphore, #tpu.memory_space<semaphore_mem>> -> memref<!tpu.dma_semaphore, #tpu.memory_space<semaphore_mem>>
    %dma_wait3A_312 = arith.constant 0 : i32
    %dma_wait3A_313 = tpu.memref_slice %arg4[%add3A_303, %dma_wait3A_312] : memref<158720x128xi32, #tpu.memory_space<hbm>> -> memref<128x128xi32, #tpu.memory_space<hbm>>
    %dma_wait3A_314 = arith.constant 0 : i32
    %dma_wait3A_315 = arith.constant 0 : i32
    %dma_wait3A_316 = tpu.memref_slice %arg6[%select_n3A_300, %dma_wait3A_314, %dma_wait3A_315] : memref<6x128x128xi32, #tpu.memory_space<vmem>> -> memref<1x128x128xi32, #tpu.memory_space<vmem>>
    %dma_wait3A_317 = tpu.memref_squeeze %dma_wait3A_316 : memref<1x128x128xi32, #tpu.memory_space<vmem>> -> memref<128x128xi32, #tpu.memory_space<vmem>>
    tpu.wait_dma2 semaphore(%dma_wait3A_311 : memref<!tpu.dma_semaphore, #tpu.memory_space<semaphore_mem>>) src(%dma_wait3A_317 : memref<128x128xi32, #tpu.memory_space<vmem>>) dst(%dma_wait3A_313 : memref<128x128xi32, #tpu.memory_space<hbm>>)
    return
  }
}

#map = affine_map<(d0, d1) -> (0, 0)>
module attributes {stable_mosaic.version = 14 : i64} {
  func.func @run(%arg0: i32, %arg1: i32, %arg2: memref<2x320000xi32, #tpu.memory_space<hbm>>, %arg3: memref<10000x128xi32, #tpu.memory_space<hbm>>, %arg4: memref<161280x128xi32, #tpu.memory_space<hbm>>, %arg5: memref<6x128xi32, #tpu.memory_space<vmem>>, %arg6: memref<6x128x128xi32, #tpu.memory_space<vmem>>, %arg7: memref<6x!tpu.dma_semaphore, #tpu.memory_space<semaphore_mem>>, %arg8: memref<6x!tpu.dma_semaphore, #tpu.memory_space<semaphore_mem>>, %arg9: memref<6x!tpu.dma_semaphore, #tpu.memory_space<semaphore_mem>>) attributes {dimension_semantics = [#tpu.dimension_semantics<core_parallel>, #tpu.dimension_semantics<subcore_parallel>], iteration_bounds = array<i64: 2, 16>, scalar_prefetch = 0 : i64, scratch_operands = 5 : i64, tpu.core_type = #tpu.core_type<sc_vector_subcore>, window_params = [{transform_indices = #map}, {transform_indices = #map}, {transform_indices = #map}]} {
    %mul3A = arith.constant 2 : i32
    %mul3A_0 = arith.muli %arg1, %mul3A : i32
    %add3A = arith.addi %mul3A_0, %arg0 : i32
    %lt3A = arith.constant 12 : i32
    %lt3A_1 = arith.cmpi slt, %add3A, %lt3A : i32
    %jit3A = arith.constant 1 : i32
    %jit3A_2 = arith.constant 0 : i32
    %select_n3A = arith.select %lt3A_1, %jit3A, %jit3A_2 : i32
    %add3A_3 = arith.constant 39 : i32
    %add3A_4 = arith.addi %add3A_3, %select_n3A : i32
    %mul3A_5 = arith.constant 39 : i32
    %mul3A_6 = arith.muli %add3A, %mul3A_5 : i32
    %min3A = arith.constant 12 : i32
    %min3A_7 = arith.minsi %add3A, %min3A : i32
    %add3A_8 = arith.addi %mul3A_6, %min3A_7 : i32
    %mul3A_9 = arith.constant 128 : i32
    %mul3A_10 = arith.muli %add3A_8, %mul3A_9 : i32
    %add3A_11 = arith.constant 158720 : i32
    %add3A_12 = arith.addi %add3A_11, %mul3A_10 : i32
    %add3A_13 = arith.constant 0 : i32
    %add3A_14 = arith.addi %add3A_12, %add3A_13 : i32
    %dma_start3A = arith.constant 0 : i32
    %dma_start3A_15 = arith.constant 0 : i32
    %dma_start3A_16 = arith.constant 0 : i32
    %dma_start3A_17 = arith.constant 0 : i32
    %dma_start3A_18 = tpu.memref_slice %arg5[%dma_start3A_15, %dma_start3A_17] : memref<6x128xi32, #tpu.memory_space<vmem>> -> memref<1x128xi32, #tpu.memory_space<vmem>>
    %dma_start3A_19 = tpu.memref_squeeze %dma_start3A_18 : memref<1x128xi32, #tpu.memory_space<vmem>> -> memref<128xi32, #tpu.memory_space<vmem>>
    %dma_start3A_20 = tpu.memref_slice %arg2[%dma_start3A, %add3A_14] : memref<2x320000xi32, #tpu.memory_space<hbm>> -> memref<1x128xi32, #tpu.memory_space<hbm>>
    %dma_start3A_21 = tpu.memref_squeeze %dma_start3A_20 : memref<1x128xi32, #tpu.memory_space<hbm>> -> memref<128xi32, #tpu.memory_space<hbm>>
    %dma_start3A_22 = tpu.memref_slice %arg7[%dma_start3A_16] : memref<6x!tpu.dma_semaphore, #tpu.memory_space<semaphore_mem>> -> memref<1x!tpu.dma_semaphore, #tpu.memory_space<semaphore_mem>>
    %dma_start3A_23 = tpu.memref_squeeze %dma_start3A_22 : memref<1x!tpu.dma_semaphore, #tpu.memory_space<semaphore_mem>> -> memref<!tpu.dma_semaphore, #tpu.memory_space<semaphore_mem>>
    %dma_start3A_24 = arith.constant 0 : i32
    %dma_start3A_25 = tpu.memref_slice %arg5[%dma_start3A_15, %dma_start3A_24] : memref<6x128xi32, #tpu.memory_space<vmem>> -> memref<1x128xi32, #tpu.memory_space<vmem>>
    %dma_start3A_26 = tpu.memref_squeeze %dma_start3A_25 : memref<1x128xi32, #tpu.memory_space<vmem>> -> memref<128xi32, #tpu.memory_space<vmem>>
    %dma_start3A_27 = tpu.memref_slice %arg2[%dma_start3A, %add3A_14] : memref<2x320000xi32, #tpu.memory_space<hbm>> -> memref<1x128xi32, #tpu.memory_space<hbm>>
    %dma_start3A_28 = tpu.memref_squeeze %dma_start3A_27 : memref<1x128xi32, #tpu.memory_space<hbm>> -> memref<128xi32, #tpu.memory_space<hbm>>
    tpu.enqueue_dma source(%dma_start3A_28 : memref<128xi32, #tpu.memory_space<hbm>>) target(%dma_start3A_26 : memref<128xi32, #tpu.memory_space<vmem>>) target_semaphore(%dma_start3A_23 : memref<!tpu.dma_semaphore, #tpu.memory_space<semaphore_mem>>)
    %add3A_29 = arith.constant 158720 : i32
    %add3A_30 = arith.addi %add3A_29, %mul3A_10 : i32
    %add3A_31 = arith.constant 128 : i32
    %add3A_32 = arith.addi %add3A_30, %add3A_31 : i32
    %dma_start3A_33 = arith.constant 0 : i32
    %dma_start3A_34 = arith.constant 1 : i32
    %dma_start3A_35 = arith.constant 1 : i32
    %dma_start3A_36 = arith.constant 0 : i32
    %dma_start3A_37 = tpu.memref_slice %arg5[%dma_start3A_34, %dma_start3A_36] : memref<6x128xi32, #tpu.memory_space<vmem>> -> memref<1x128xi32, #tpu.memory_space<vmem>>
    %dma_start3A_38 = tpu.memref_squeeze %dma_start3A_37 : memref<1x128xi32, #tpu.memory_space<vmem>> -> memref<128xi32, #tpu.memory_space<vmem>>
    %dma_start3A_39 = tpu.memref_slice %arg2[%dma_start3A_33, %add3A_32] : memref<2x320000xi32, #tpu.memory_space<hbm>> -> memref<1x128xi32, #tpu.memory_space<hbm>>
    %dma_start3A_40 = tpu.memref_squeeze %dma_start3A_39 : memref<1x128xi32, #tpu.memory_space<hbm>> -> memref<128xi32, #tpu.memory_space<hbm>>
    %dma_start3A_41 = tpu.memref_slice %arg7[%dma_start3A_35] : memref<6x!tpu.dma_semaphore, #tpu.memory_space<semaphore_mem>> -> memref<1x!tpu.dma_semaphore, #tpu.memory_space<semaphore_mem>>
    %dma_start3A_42 = tpu.memref_squeeze %dma_start3A_41 : memref<1x!tpu.dma_semaphore, #tpu.memory_space<semaphore_mem>> -> memref<!tpu.dma_semaphore, #tpu.memory_space<semaphore_mem>>
    %dma_start3A_43 = arith.constant 0 : i32
    %dma_start3A_44 = tpu.memref_slice %arg5[%dma_start3A_34, %dma_start3A_43] : memref<6x128xi32, #tpu.memory_space<vmem>> -> memref<1x128xi32, #tpu.memory_space<vmem>>
    %dma_start3A_45 = tpu.memref_squeeze %dma_start3A_44 : memref<1x128xi32, #tpu.memory_space<vmem>> -> memref<128xi32, #tpu.memory_space<vmem>>
    %dma_start3A_46 = tpu.memref_slice %arg2[%dma_start3A_33, %add3A_32] : memref<2x320000xi32, #tpu.memory_space<hbm>> -> memref<1x128xi32, #tpu.memory_space<hbm>>
    %dma_start3A_47 = tpu.memref_squeeze %dma_start3A_46 : memref<1x128xi32, #tpu.memory_space<hbm>> -> memref<128xi32, #tpu.memory_space<hbm>>
    tpu.enqueue_dma source(%dma_start3A_47 : memref<128xi32, #tpu.memory_space<hbm>>) target(%dma_start3A_45 : memref<128xi32, #tpu.memory_space<vmem>>) target_semaphore(%dma_start3A_42 : memref<!tpu.dma_semaphore, #tpu.memory_space<semaphore_mem>>)
    %add3A_48 = arith.constant 158720 : i32
    %add3A_49 = arith.addi %add3A_48, %mul3A_10 : i32
    %add3A_50 = arith.constant 256 : i32
    %add3A_51 = arith.addi %add3A_49, %add3A_50 : i32
    %dma_start3A_52 = arith.constant 0 : i32
    %dma_start3A_53 = arith.constant 2 : i32
    %dma_start3A_54 = arith.constant 2 : i32
    %dma_start3A_55 = arith.constant 0 : i32
    %dma_start3A_56 = tpu.memref_slice %arg5[%dma_start3A_53, %dma_start3A_55] : memref<6x128xi32, #tpu.memory_space<vmem>> -> memref<1x128xi32, #tpu.memory_space<vmem>>
    %dma_start3A_57 = tpu.memref_squeeze %dma_start3A_56 : memref<1x128xi32, #tpu.memory_space<vmem>> -> memref<128xi32, #tpu.memory_space<vmem>>
    %dma_start3A_58 = tpu.memref_slice %arg2[%dma_start3A_52, %add3A_51] : memref<2x320000xi32, #tpu.memory_space<hbm>> -> memref<1x128xi32, #tpu.memory_space<hbm>>
    %dma_start3A_59 = tpu.memref_squeeze %dma_start3A_58 : memref<1x128xi32, #tpu.memory_space<hbm>> -> memref<128xi32, #tpu.memory_space<hbm>>
    %dma_start3A_60 = tpu.memref_slice %arg7[%dma_start3A_54] : memref<6x!tpu.dma_semaphore, #tpu.memory_space<semaphore_mem>> -> memref<1x!tpu.dma_semaphore, #tpu.memory_space<semaphore_mem>>
    %dma_start3A_61 = tpu.memref_squeeze %dma_start3A_60 : memref<1x!tpu.dma_semaphore, #tpu.memory_space<semaphore_mem>> -> memref<!tpu.dma_semaphore, #tpu.memory_space<semaphore_mem>>
    %dma_start3A_62 = arith.constant 0 : i32
    %dma_start3A_63 = tpu.memref_slice %arg5[%dma_start3A_53, %dma_start3A_62] : memref<6x128xi32, #tpu.memory_space<vmem>> -> memref<1x128xi32, #tpu.memory_space<vmem>>
    %dma_start3A_64 = tpu.memref_squeeze %dma_start3A_63 : memref<1x128xi32, #tpu.memory_space<vmem>> -> memref<128xi32, #tpu.memory_space<vmem>>
    %dma_start3A_65 = tpu.memref_slice %arg2[%dma_start3A_52, %add3A_51] : memref<2x320000xi32, #tpu.memory_space<hbm>> -> memref<1x128xi32, #tpu.memory_space<hbm>>
    %dma_start3A_66 = tpu.memref_squeeze %dma_start3A_65 : memref<1x128xi32, #tpu.memory_space<hbm>> -> memref<128xi32, #tpu.memory_space<hbm>>
    tpu.enqueue_dma source(%dma_start3A_66 : memref<128xi32, #tpu.memory_space<hbm>>) target(%dma_start3A_64 : memref<128xi32, #tpu.memory_space<vmem>>) target_semaphore(%dma_start3A_61 : memref<!tpu.dma_semaphore, #tpu.memory_space<semaphore_mem>>)
    %add3A_67 = arith.constant 158720 : i32
    %add3A_68 = arith.addi %add3A_67, %mul3A_10 : i32
    %add3A_69 = arith.constant 384 : i32
    %add3A_70 = arith.addi %add3A_68, %add3A_69 : i32
    %dma_start3A_71 = arith.constant 0 : i32
    %dma_start3A_72 = arith.constant 3 : i32
    %dma_start3A_73 = arith.constant 3 : i32
    %dma_start3A_74 = arith.constant 0 : i32
    %dma_start3A_75 = tpu.memref_slice %arg5[%dma_start3A_72, %dma_start3A_74] : memref<6x128xi32, #tpu.memory_space<vmem>> -> memref<1x128xi32, #tpu.memory_space<vmem>>
    %dma_start3A_76 = tpu.memref_squeeze %dma_start3A_75 : memref<1x128xi32, #tpu.memory_space<vmem>> -> memref<128xi32, #tpu.memory_space<vmem>>
    %dma_start3A_77 = tpu.memref_slice %arg2[%dma_start3A_71, %add3A_70] : memref<2x320000xi32, #tpu.memory_space<hbm>> -> memref<1x128xi32, #tpu.memory_space<hbm>>
    %dma_start3A_78 = tpu.memref_squeeze %dma_start3A_77 : memref<1x128xi32, #tpu.memory_space<hbm>> -> memref<128xi32, #tpu.memory_space<hbm>>
    %dma_start3A_79 = tpu.memref_slice %arg7[%dma_start3A_73] : memref<6x!tpu.dma_semaphore, #tpu.memory_space<semaphore_mem>> -> memref<1x!tpu.dma_semaphore, #tpu.memory_space<semaphore_mem>>
    %dma_start3A_80 = tpu.memref_squeeze %dma_start3A_79 : memref<1x!tpu.dma_semaphore, #tpu.memory_space<semaphore_mem>> -> memref<!tpu.dma_semaphore, #tpu.memory_space<semaphore_mem>>
    %dma_start3A_81 = arith.constant 0 : i32
    %dma_start3A_82 = tpu.memref_slice %arg5[%dma_start3A_72, %dma_start3A_81] : memref<6x128xi32, #tpu.memory_space<vmem>> -> memref<1x128xi32, #tpu.memory_space<vmem>>
    %dma_start3A_83 = tpu.memref_squeeze %dma_start3A_82 : memref<1x128xi32, #tpu.memory_space<vmem>> -> memref<128xi32, #tpu.memory_space<vmem>>
    %dma_start3A_84 = tpu.memref_slice %arg2[%dma_start3A_71, %add3A_70] : memref<2x320000xi32, #tpu.memory_space<hbm>> -> memref<1x128xi32, #tpu.memory_space<hbm>>
    %dma_start3A_85 = tpu.memref_squeeze %dma_start3A_84 : memref<1x128xi32, #tpu.memory_space<hbm>> -> memref<128xi32, #tpu.memory_space<hbm>>
    tpu.enqueue_dma source(%dma_start3A_85 : memref<128xi32, #tpu.memory_space<hbm>>) target(%dma_start3A_83 : memref<128xi32, #tpu.memory_space<vmem>>) target_semaphore(%dma_start3A_80 : memref<!tpu.dma_semaphore, #tpu.memory_space<semaphore_mem>>)
    %add3A_86 = arith.constant 158720 : i32
    %add3A_87 = arith.addi %add3A_86, %mul3A_10 : i32
    %add3A_88 = arith.constant 512 : i32
    %add3A_89 = arith.addi %add3A_87, %add3A_88 : i32
    %dma_start3A_90 = arith.constant 0 : i32
    %dma_start3A_91 = arith.constant 4 : i32
    %dma_start3A_92 = arith.constant 4 : i32
    %dma_start3A_93 = arith.constant 0 : i32
    %dma_start3A_94 = tpu.memref_slice %arg5[%dma_start3A_91, %dma_start3A_93] : memref<6x128xi32, #tpu.memory_space<vmem>> -> memref<1x128xi32, #tpu.memory_space<vmem>>
    %dma_start3A_95 = tpu.memref_squeeze %dma_start3A_94 : memref<1x128xi32, #tpu.memory_space<vmem>> -> memref<128xi32, #tpu.memory_space<vmem>>
    %dma_start3A_96 = tpu.memref_slice %arg2[%dma_start3A_90, %add3A_89] : memref<2x320000xi32, #tpu.memory_space<hbm>> -> memref<1x128xi32, #tpu.memory_space<hbm>>
    %dma_start3A_97 = tpu.memref_squeeze %dma_start3A_96 : memref<1x128xi32, #tpu.memory_space<hbm>> -> memref<128xi32, #tpu.memory_space<hbm>>
    %dma_start3A_98 = tpu.memref_slice %arg7[%dma_start3A_92] : memref<6x!tpu.dma_semaphore, #tpu.memory_space<semaphore_mem>> -> memref<1x!tpu.dma_semaphore, #tpu.memory_space<semaphore_mem>>
    %dma_start3A_99 = tpu.memref_squeeze %dma_start3A_98 : memref<1x!tpu.dma_semaphore, #tpu.memory_space<semaphore_mem>> -> memref<!tpu.dma_semaphore, #tpu.memory_space<semaphore_mem>>
    %dma_start3A_100 = arith.constant 0 : i32
    %dma_start3A_101 = tpu.memref_slice %arg5[%dma_start3A_91, %dma_start3A_100] : memref<6x128xi32, #tpu.memory_space<vmem>> -> memref<1x128xi32, #tpu.memory_space<vmem>>
    %dma_start3A_102 = tpu.memref_squeeze %dma_start3A_101 : memref<1x128xi32, #tpu.memory_space<vmem>> -> memref<128xi32, #tpu.memory_space<vmem>>
    %dma_start3A_103 = tpu.memref_slice %arg2[%dma_start3A_90, %add3A_89] : memref<2x320000xi32, #tpu.memory_space<hbm>> -> memref<1x128xi32, #tpu.memory_space<hbm>>
    %dma_start3A_104 = tpu.memref_squeeze %dma_start3A_103 : memref<1x128xi32, #tpu.memory_space<hbm>> -> memref<128xi32, #tpu.memory_space<hbm>>
    tpu.enqueue_dma source(%dma_start3A_104 : memref<128xi32, #tpu.memory_space<hbm>>) target(%dma_start3A_102 : memref<128xi32, #tpu.memory_space<vmem>>) target_semaphore(%dma_start3A_99 : memref<!tpu.dma_semaphore, #tpu.memory_space<semaphore_mem>>)
    %add3A_105 = arith.constant 158720 : i32
    %add3A_106 = arith.addi %add3A_105, %mul3A_10 : i32
    %add3A_107 = arith.constant 0 : i32
    %add3A_108 = arith.addi %add3A_106, %add3A_107 : i32
    %dma_wait3A = arith.constant 0 : i32
    %dma_wait3A_109 = arith.constant 0 : i32
    %dma_wait3A_110 = arith.constant 0 : i32
    %dma_wait3A_111 = arith.constant 0 : i32
    %dma_wait3A_112 = tpu.memref_slice %arg5[%dma_wait3A_109, %dma_wait3A_111] : memref<6x128xi32, #tpu.memory_space<vmem>> -> memref<1x128xi32, #tpu.memory_space<vmem>>
    %dma_wait3A_113 = tpu.memref_squeeze %dma_wait3A_112 : memref<1x128xi32, #tpu.memory_space<vmem>> -> memref<128xi32, #tpu.memory_space<vmem>>
    %dma_wait3A_114 = tpu.memref_slice %arg2[%dma_wait3A, %add3A_108] : memref<2x320000xi32, #tpu.memory_space<hbm>> -> memref<1x128xi32, #tpu.memory_space<hbm>>
    %dma_wait3A_115 = tpu.memref_squeeze %dma_wait3A_114 : memref<1x128xi32, #tpu.memory_space<hbm>> -> memref<128xi32, #tpu.memory_space<hbm>>
    %dma_wait3A_116 = tpu.memref_slice %arg7[%dma_wait3A_110] : memref<6x!tpu.dma_semaphore, #tpu.memory_space<semaphore_mem>> -> memref<1x!tpu.dma_semaphore, #tpu.memory_space<semaphore_mem>>
    %dma_wait3A_117 = tpu.memref_squeeze %dma_wait3A_116 : memref<1x!tpu.dma_semaphore, #tpu.memory_space<semaphore_mem>> -> memref<!tpu.dma_semaphore, #tpu.memory_space<semaphore_mem>>
    %dma_wait3A_118 = arith.constant 0 : i32
    %dma_wait3A_119 = tpu.memref_slice %arg5[%dma_wait3A_109, %dma_wait3A_118] : memref<6x128xi32, #tpu.memory_space<vmem>> -> memref<1x128xi32, #tpu.memory_space<vmem>>
    %dma_wait3A_120 = tpu.memref_squeeze %dma_wait3A_119 : memref<1x128xi32, #tpu.memory_space<vmem>> -> memref<128xi32, #tpu.memory_space<vmem>>
    %dma_wait3A_121 = tpu.memref_slice %arg2[%dma_wait3A, %add3A_108] : memref<2x320000xi32, #tpu.memory_space<hbm>> -> memref<1x128xi32, #tpu.memory_space<hbm>>
    %dma_wait3A_122 = tpu.memref_squeeze %dma_wait3A_121 : memref<1x128xi32, #tpu.memory_space<hbm>> -> memref<128xi32, #tpu.memory_space<hbm>>
    tpu.wait_dma2 semaphore(%dma_wait3A_117 : memref<!tpu.dma_semaphore, #tpu.memory_space<semaphore_mem>>) src(%dma_wait3A_122 : memref<128xi32, #tpu.memory_space<hbm>>) dst(%dma_wait3A_120 : memref<128xi32, #tpu.memory_space<vmem>>)
    %dma_start3A_123 = arith.constant 0 : i32
    %dma_start3A_124 = arith.constant 0 : i32
    %dma_start3A_125 = arith.constant 0 : i32
    %dma_start3A_126 = arith.constant 0 : i32
    %dma_start3A_127 = arith.constant 0 : i32
    %dma_start3A_128 = tpu.memref_slice %arg6[%dma_start3A_124, %dma_start3A_126, %dma_start3A_127] : memref<6x128x128xi32, #tpu.memory_space<vmem>> -> memref<1x128x128xi32, #tpu.memory_space<vmem>>
    %dma_start3A_129 = tpu.memref_squeeze %dma_start3A_128 : memref<1x128x128xi32, #tpu.memory_space<vmem>> -> memref<128x128xi32, #tpu.memory_space<vmem>>
    %dma_start3A_130 = arith.constant 0 : i32
    %dma_start3A_131 = tpu.memref_slice %arg5[%dma_start3A_123, %dma_start3A_130] : memref<6x128xi32, #tpu.memory_space<vmem>> -> memref<1x128xi32, #tpu.memory_space<vmem>>
    %dma_start3A_132 = tpu.memref_squeeze %dma_start3A_131 : memref<1x128xi32, #tpu.memory_space<vmem>> -> memref<128xi32, #tpu.memory_space<vmem>>
    %dma_start3A_133 = arith.constant 0 : i32
    %dma_start3A_134 = arith.constant 0 : i32
    %dma_start3A_135 = tpu.memref_slice %arg3[%dma_start3A_133, %dma_start3A_134] : memref<10000x128xi32, #tpu.memory_space<hbm>> -> memref<10000x128xi32, #tpu.memory_space<hbm>>
    %dma_start3A_136 = tpu.memref_slice %arg8[%dma_start3A_125] : memref<6x!tpu.dma_semaphore, #tpu.memory_space<semaphore_mem>> -> memref<1x!tpu.dma_semaphore, #tpu.memory_space<semaphore_mem>>
    %dma_start3A_137 = tpu.memref_squeeze %dma_start3A_136 : memref<1x!tpu.dma_semaphore, #tpu.memory_space<semaphore_mem>> -> memref<!tpu.dma_semaphore, #tpu.memory_space<semaphore_mem>>
    tpu.enqueue_indirect_dma source(%dma_start3A_135 : memref<10000x128xi32, #tpu.memory_space<hbm>>) target(%dma_start3A_129 : memref<128x128xi32, #tpu.memory_space<vmem>>) offsets(%dma_start3A_132 : memref<128xi32, #tpu.memory_space<vmem>>) semaphore(%dma_start3A_137 : memref<!tpu.dma_semaphore, #tpu.memory_space<semaphore_mem>>)
    %add3A_138 = arith.constant 158720 : i32
    %add3A_139 = arith.addi %add3A_138, %mul3A_10 : i32
    %add3A_140 = arith.constant 128 : i32
    %add3A_141 = arith.addi %add3A_139, %add3A_140 : i32
    %dma_wait3A_142 = arith.constant 0 : i32
    %dma_wait3A_143 = arith.constant 1 : i32
    %dma_wait3A_144 = arith.constant 1 : i32
    %dma_wait3A_145 = arith.constant 0 : i32
    %dma_wait3A_146 = tpu.memref_slice %arg5[%dma_wait3A_143, %dma_wait3A_145] : memref<6x128xi32, #tpu.memory_space<vmem>> -> memref<1x128xi32, #tpu.memory_space<vmem>>
    %dma_wait3A_147 = tpu.memref_squeeze %dma_wait3A_146 : memref<1x128xi32, #tpu.memory_space<vmem>> -> memref<128xi32, #tpu.memory_space<vmem>>
    %dma_wait3A_148 = tpu.memref_slice %arg2[%dma_wait3A_142, %add3A_141] : memref<2x320000xi32, #tpu.memory_space<hbm>> -> memref<1x128xi32, #tpu.memory_space<hbm>>
    %dma_wait3A_149 = tpu.memref_squeeze %dma_wait3A_148 : memref<1x128xi32, #tpu.memory_space<hbm>> -> memref<128xi32, #tpu.memory_space<hbm>>
    %dma_wait3A_150 = tpu.memref_slice %arg7[%dma_wait3A_144] : memref<6x!tpu.dma_semaphore, #tpu.memory_space<semaphore_mem>> -> memref<1x!tpu.dma_semaphore, #tpu.memory_space<semaphore_mem>>
    %dma_wait3A_151 = tpu.memref_squeeze %dma_wait3A_150 : memref<1x!tpu.dma_semaphore, #tpu.memory_space<semaphore_mem>> -> memref<!tpu.dma_semaphore, #tpu.memory_space<semaphore_mem>>
    %dma_wait3A_152 = arith.constant 0 : i32
    %dma_wait3A_153 = tpu.memref_slice %arg5[%dma_wait3A_143, %dma_wait3A_152] : memref<6x128xi32, #tpu.memory_space<vmem>> -> memref<1x128xi32, #tpu.memory_space<vmem>>
    %dma_wait3A_154 = tpu.memref_squeeze %dma_wait3A_153 : memref<1x128xi32, #tpu.memory_space<vmem>> -> memref<128xi32, #tpu.memory_space<vmem>>
    %dma_wait3A_155 = tpu.memref_slice %arg2[%dma_wait3A_142, %add3A_141] : memref<2x320000xi32, #tpu.memory_space<hbm>> -> memref<1x128xi32, #tpu.memory_space<hbm>>
    %dma_wait3A_156 = tpu.memref_squeeze %dma_wait3A_155 : memref<1x128xi32, #tpu.memory_space<hbm>> -> memref<128xi32, #tpu.memory_space<hbm>>
    tpu.wait_dma2 semaphore(%dma_wait3A_151 : memref<!tpu.dma_semaphore, #tpu.memory_space<semaphore_mem>>) src(%dma_wait3A_156 : memref<128xi32, #tpu.memory_space<hbm>>) dst(%dma_wait3A_154 : memref<128xi32, #tpu.memory_space<vmem>>)
    %dma_start3A_157 = arith.constant 1 : i32
    %dma_start3A_158 = arith.constant 1 : i32
    %dma_start3A_159 = arith.constant 1 : i32
    %dma_start3A_160 = arith.constant 0 : i32
    %dma_start3A_161 = arith.constant 0 : i32
    %dma_start3A_162 = tpu.memref_slice %arg6[%dma_start3A_158, %dma_start3A_160, %dma_start3A_161] : memref<6x128x128xi32, #tpu.memory_space<vmem>> -> memref<1x128x128xi32, #tpu.memory_space<vmem>>
    %dma_start3A_163 = tpu.memref_squeeze %dma_start3A_162 : memref<1x128x128xi32, #tpu.memory_space<vmem>> -> memref<128x128xi32, #tpu.memory_space<vmem>>
    %dma_start3A_164 = arith.constant 0 : i32
    %dma_start3A_165 = tpu.memref_slice %arg5[%dma_start3A_157, %dma_start3A_164] : memref<6x128xi32, #tpu.memory_space<vmem>> -> memref<1x128xi32, #tpu.memory_space<vmem>>
    %dma_start3A_166 = tpu.memref_squeeze %dma_start3A_165 : memref<1x128xi32, #tpu.memory_space<vmem>> -> memref<128xi32, #tpu.memory_space<vmem>>
    %dma_start3A_167 = arith.constant 0 : i32
    %dma_start3A_168 = arith.constant 0 : i32
    %dma_start3A_169 = tpu.memref_slice %arg3[%dma_start3A_167, %dma_start3A_168] : memref<10000x128xi32, #tpu.memory_space<hbm>> -> memref<10000x128xi32, #tpu.memory_space<hbm>>
    %dma_start3A_170 = tpu.memref_slice %arg8[%dma_start3A_159] : memref<6x!tpu.dma_semaphore, #tpu.memory_space<semaphore_mem>> -> memref<1x!tpu.dma_semaphore, #tpu.memory_space<semaphore_mem>>
    %dma_start3A_171 = tpu.memref_squeeze %dma_start3A_170 : memref<1x!tpu.dma_semaphore, #tpu.memory_space<semaphore_mem>> -> memref<!tpu.dma_semaphore, #tpu.memory_space<semaphore_mem>>
    tpu.enqueue_indirect_dma source(%dma_start3A_169 : memref<10000x128xi32, #tpu.memory_space<hbm>>) target(%dma_start3A_163 : memref<128x128xi32, #tpu.memory_space<vmem>>) offsets(%dma_start3A_166 : memref<128xi32, #tpu.memory_space<vmem>>) semaphore(%dma_start3A_171 : memref<!tpu.dma_semaphore, #tpu.memory_space<semaphore_mem>>)
    %add3A_172 = arith.constant 158720 : i32
    %add3A_173 = arith.addi %add3A_172, %mul3A_10 : i32
    %add3A_174 = arith.constant 256 : i32
    %add3A_175 = arith.addi %add3A_173, %add3A_174 : i32
    %dma_wait3A_176 = arith.constant 0 : i32
    %dma_wait3A_177 = arith.constant 2 : i32
    %dma_wait3A_178 = arith.constant 2 : i32
    %dma_wait3A_179 = arith.constant 0 : i32
    %dma_wait3A_180 = tpu.memref_slice %arg5[%dma_wait3A_177, %dma_wait3A_179] : memref<6x128xi32, #tpu.memory_space<vmem>> -> memref<1x128xi32, #tpu.memory_space<vmem>>
    %dma_wait3A_181 = tpu.memref_squeeze %dma_wait3A_180 : memref<1x128xi32, #tpu.memory_space<vmem>> -> memref<128xi32, #tpu.memory_space<vmem>>
    %dma_wait3A_182 = tpu.memref_slice %arg2[%dma_wait3A_176, %add3A_175] : memref<2x320000xi32, #tpu.memory_space<hbm>> -> memref<1x128xi32, #tpu.memory_space<hbm>>
    %dma_wait3A_183 = tpu.memref_squeeze %dma_wait3A_182 : memref<1x128xi32, #tpu.memory_space<hbm>> -> memref<128xi32, #tpu.memory_space<hbm>>
    %dma_wait3A_184 = tpu.memref_slice %arg7[%dma_wait3A_178] : memref<6x!tpu.dma_semaphore, #tpu.memory_space<semaphore_mem>> -> memref<1x!tpu.dma_semaphore, #tpu.memory_space<semaphore_mem>>
    %dma_wait3A_185 = tpu.memref_squeeze %dma_wait3A_184 : memref<1x!tpu.dma_semaphore, #tpu.memory_space<semaphore_mem>> -> memref<!tpu.dma_semaphore, #tpu.memory_space<semaphore_mem>>
    %dma_wait3A_186 = arith.constant 0 : i32
    %dma_wait3A_187 = tpu.memref_slice %arg5[%dma_wait3A_177, %dma_wait3A_186] : memref<6x128xi32, #tpu.memory_space<vmem>> -> memref<1x128xi32, #tpu.memory_space<vmem>>
    %dma_wait3A_188 = tpu.memref_squeeze %dma_wait3A_187 : memref<1x128xi32, #tpu.memory_space<vmem>> -> memref<128xi32, #tpu.memory_space<vmem>>
    %dma_wait3A_189 = tpu.memref_slice %arg2[%dma_wait3A_176, %add3A_175] : memref<2x320000xi32, #tpu.memory_space<hbm>> -> memref<1x128xi32, #tpu.memory_space<hbm>>
    %dma_wait3A_190 = tpu.memref_squeeze %dma_wait3A_189 : memref<1x128xi32, #tpu.memory_space<hbm>> -> memref<128xi32, #tpu.memory_space<hbm>>
    tpu.wait_dma2 semaphore(%dma_wait3A_185 : memref<!tpu.dma_semaphore, #tpu.memory_space<semaphore_mem>>) src(%dma_wait3A_190 : memref<128xi32, #tpu.memory_space<hbm>>) dst(%dma_wait3A_188 : memref<128xi32, #tpu.memory_space<vmem>>)
    %dma_start3A_191 = arith.constant 2 : i32
    %dma_start3A_192 = arith.constant 2 : i32
    %dma_start3A_193 = arith.constant 2 : i32
    %dma_start3A_194 = arith.constant 0 : i32
    %dma_start3A_195 = arith.constant 0 : i32
    %dma_start3A_196 = tpu.memref_slice %arg6[%dma_start3A_192, %dma_start3A_194, %dma_start3A_195] : memref<6x128x128xi32, #tpu.memory_space<vmem>> -> memref<1x128x128xi32, #tpu.memory_space<vmem>>
    %dma_start3A_197 = tpu.memref_squeeze %dma_start3A_196 : memref<1x128x128xi32, #tpu.memory_space<vmem>> -> memref<128x128xi32, #tpu.memory_space<vmem>>
    %dma_start3A_198 = arith.constant 0 : i32
    %dma_start3A_199 = tpu.memref_slice %arg5[%dma_start3A_191, %dma_start3A_198] : memref<6x128xi32, #tpu.memory_space<vmem>> -> memref<1x128xi32, #tpu.memory_space<vmem>>
    %dma_start3A_200 = tpu.memref_squeeze %dma_start3A_199 : memref<1x128xi32, #tpu.memory_space<vmem>> -> memref<128xi32, #tpu.memory_space<vmem>>
    %dma_start3A_201 = arith.constant 0 : i32
    %dma_start3A_202 = arith.constant 0 : i32
    %dma_start3A_203 = tpu.memref_slice %arg3[%dma_start3A_201, %dma_start3A_202] : memref<10000x128xi32, #tpu.memory_space<hbm>> -> memref<10000x128xi32, #tpu.memory_space<hbm>>
    %dma_start3A_204 = tpu.memref_slice %arg8[%dma_start3A_193] : memref<6x!tpu.dma_semaphore, #tpu.memory_space<semaphore_mem>> -> memref<1x!tpu.dma_semaphore, #tpu.memory_space<semaphore_mem>>
    %dma_start3A_205 = tpu.memref_squeeze %dma_start3A_204 : memref<1x!tpu.dma_semaphore, #tpu.memory_space<semaphore_mem>> -> memref<!tpu.dma_semaphore, #tpu.memory_space<semaphore_mem>>
    tpu.enqueue_indirect_dma source(%dma_start3A_203 : memref<10000x128xi32, #tpu.memory_space<hbm>>) target(%dma_start3A_197 : memref<128x128xi32, #tpu.memory_space<vmem>>) offsets(%dma_start3A_200 : memref<128xi32, #tpu.memory_space<vmem>>) semaphore(%dma_start3A_205 : memref<!tpu.dma_semaphore, #tpu.memory_space<semaphore_mem>>)
    %add3A_206 = arith.constant 158720 : i32
    %add3A_207 = arith.addi %add3A_206, %mul3A_10 : i32
    %add3A_208 = arith.constant 384 : i32
    %add3A_209 = arith.addi %add3A_207, %add3A_208 : i32
    %dma_wait3A_210 = arith.constant 0 : i32
    %dma_wait3A_211 = arith.constant 3 : i32
    %dma_wait3A_212 = arith.constant 3 : i32
    %dma_wait3A_213 = arith.constant 0 : i32
    %dma_wait3A_214 = tpu.memref_slice %arg5[%dma_wait3A_211, %dma_wait3A_213] : memref<6x128xi32, #tpu.memory_space<vmem>> -> memref<1x128xi32, #tpu.memory_space<vmem>>
    %dma_wait3A_215 = tpu.memref_squeeze %dma_wait3A_214 : memref<1x128xi32, #tpu.memory_space<vmem>> -> memref<128xi32, #tpu.memory_space<vmem>>
    %dma_wait3A_216 = tpu.memref_slice %arg2[%dma_wait3A_210, %add3A_209] : memref<2x320000xi32, #tpu.memory_space<hbm>> -> memref<1x128xi32, #tpu.memory_space<hbm>>
    %dma_wait3A_217 = tpu.memref_squeeze %dma_wait3A_216 : memref<1x128xi32, #tpu.memory_space<hbm>> -> memref<128xi32, #tpu.memory_space<hbm>>
    %dma_wait3A_218 = tpu.memref_slice %arg7[%dma_wait3A_212] : memref<6x!tpu.dma_semaphore, #tpu.memory_space<semaphore_mem>> -> memref<1x!tpu.dma_semaphore, #tpu.memory_space<semaphore_mem>>
    %dma_wait3A_219 = tpu.memref_squeeze %dma_wait3A_218 : memref<1x!tpu.dma_semaphore, #tpu.memory_space<semaphore_mem>> -> memref<!tpu.dma_semaphore, #tpu.memory_space<semaphore_mem>>
    %dma_wait3A_220 = arith.constant 0 : i32
    %dma_wait3A_221 = tpu.memref_slice %arg5[%dma_wait3A_211, %dma_wait3A_220] : memref<6x128xi32, #tpu.memory_space<vmem>> -> memref<1x128xi32, #tpu.memory_space<vmem>>
    %dma_wait3A_222 = tpu.memref_squeeze %dma_wait3A_221 : memref<1x128xi32, #tpu.memory_space<vmem>> -> memref<128xi32, #tpu.memory_space<vmem>>
    %dma_wait3A_223 = tpu.memref_slice %arg2[%dma_wait3A_210, %add3A_209] : memref<2x320000xi32, #tpu.memory_space<hbm>> -> memref<1x128xi32, #tpu.memory_space<hbm>>
    %dma_wait3A_224 = tpu.memref_squeeze %dma_wait3A_223 : memref<1x128xi32, #tpu.memory_space<hbm>> -> memref<128xi32, #tpu.memory_space<hbm>>
    tpu.wait_dma2 semaphore(%dma_wait3A_219 : memref<!tpu.dma_semaphore, #tpu.memory_space<semaphore_mem>>) src(%dma_wait3A_224 : memref<128xi32, #tpu.memory_space<hbm>>) dst(%dma_wait3A_222 : memref<128xi32, #tpu.memory_space<vmem>>)
    %dma_start3A_225 = arith.constant 3 : i32
    %dma_start3A_226 = arith.constant 3 : i32
    %dma_start3A_227 = arith.constant 3 : i32
    %dma_start3A_228 = arith.constant 0 : i32
    %dma_start3A_229 = arith.constant 0 : i32
    %dma_start3A_230 = tpu.memref_slice %arg6[%dma_start3A_226, %dma_start3A_228, %dma_start3A_229] : memref<6x128x128xi32, #tpu.memory_space<vmem>> -> memref<1x128x128xi32, #tpu.memory_space<vmem>>
    %dma_start3A_231 = tpu.memref_squeeze %dma_start3A_230 : memref<1x128x128xi32, #tpu.memory_space<vmem>> -> memref<128x128xi32, #tpu.memory_space<vmem>>
    %dma_start3A_232 = arith.constant 0 : i32
    %dma_start3A_233 = tpu.memref_slice %arg5[%dma_start3A_225, %dma_start3A_232] : memref<6x128xi32, #tpu.memory_space<vmem>> -> memref<1x128xi32, #tpu.memory_space<vmem>>
    %dma_start3A_234 = tpu.memref_squeeze %dma_start3A_233 : memref<1x128xi32, #tpu.memory_space<vmem>> -> memref<128xi32, #tpu.memory_space<vmem>>
    %dma_start3A_235 = arith.constant 0 : i32
    %dma_start3A_236 = arith.constant 0 : i32
    %dma_start3A_237 = tpu.memref_slice %arg3[%dma_start3A_235, %dma_start3A_236] : memref<10000x128xi32, #tpu.memory_space<hbm>> -> memref<10000x128xi32, #tpu.memory_space<hbm>>
    %dma_start3A_238 = tpu.memref_slice %arg8[%dma_start3A_227] : memref<6x!tpu.dma_semaphore, #tpu.memory_space<semaphore_mem>> -> memref<1x!tpu.dma_semaphore, #tpu.memory_space<semaphore_mem>>
    %dma_start3A_239 = tpu.memref_squeeze %dma_start3A_238 : memref<1x!tpu.dma_semaphore, #tpu.memory_space<semaphore_mem>> -> memref<!tpu.dma_semaphore, #tpu.memory_space<semaphore_mem>>
    tpu.enqueue_indirect_dma source(%dma_start3A_237 : memref<10000x128xi32, #tpu.memory_space<hbm>>) target(%dma_start3A_231 : memref<128x128xi32, #tpu.memory_space<vmem>>) offsets(%dma_start3A_234 : memref<128xi32, #tpu.memory_space<vmem>>) semaphore(%dma_start3A_239 : memref<!tpu.dma_semaphore, #tpu.memory_space<semaphore_mem>>)
    %while3A = arith.constant 0 : i32
    %while3A_240 = arith.constant 0 : i32
    %while3A_241 = arith.subi %add3A_4, %while3A_240 : i32
    %while3A_242 = arith.addi %while3A_240, %while3A_241 : i32
    %while3A_243 = arith.constant 1 : i32
    %while3A_244 = arith.divsi %while3A_241, %while3A_243 : i32
    %while3A_245 = arith.muli %while3A_244, %while3A_243 : i32
    %while3A_246 = arith.addi %while3A_240, %while3A_245 : i32
    %while3A_247 = arith.constant 1 : i32
    scf.for %while3A_318 = %while3A_240 to %while3A_246 step %while3A_247  : i32 {
      %jit3A_319 = arith.constant 6 : i32
      %eq3A_320 = arith.constant 0 : i32
      %eq3A_321 = arith.cmpi eq, %jit3A_319, %eq3A_320 : i32
      %jit3A_322 = arith.constant 1 : i32
      %select_n3A_323 = arith.select %eq3A_321, %jit3A_322, %jit3A_319 : i32
      %rem3A_324 = arith.remsi %while3A_318, %select_n3A_323 : i32
      %ne3A_325 = arith.constant 0 : i32
      %ne3A_326 = arith.cmpi ne, %rem3A_324, %ne3A_325 : i32
      %lt3A_327 = arith.constant 0 : i32
      %lt3A_328 = arith.cmpi slt, %rem3A_324, %lt3A_327 : i32
      %lt3A_329 = arith.constant 0 : i32
      %lt3A_330 = arith.cmpi slt, %select_n3A_323, %lt3A_329 : i32
      %ne3A_331 = arith.xori %lt3A_328, %lt3A_330 : i1
      %and3A_332 = arith.andi %ne3A_331, %ne3A_326 : i1
      %add3A_333 = arith.addi %rem3A_324, %select_n3A_323 : i32
      %select_n3A_334 = arith.select %and3A_332, %add3A_333, %rem3A_324 : i32
      %dma_wait3A_335 = arith.constant 0 : i32
      %dma_wait3A_336 = arith.constant 0 : i32
      %dma_wait3A_337 = tpu.memref_slice %arg6[%select_n3A_334, %dma_wait3A_335, %dma_wait3A_336] : memref<6x128x128xi32, #tpu.memory_space<vmem>> -> memref<1x128x128xi32, #tpu.memory_space<vmem>>
      %dma_wait3A_338 = tpu.memref_squeeze %dma_wait3A_337 : memref<1x128x128xi32, #tpu.memory_space<vmem>> -> memref<128x128xi32, #tpu.memory_space<vmem>>
      %dma_wait3A_339 = arith.constant 0 : i32
      %dma_wait3A_340 = tpu.memref_slice %arg5[%select_n3A_334, %dma_wait3A_339] : memref<6x128xi32, #tpu.memory_space<vmem>> -> memref<1x128xi32, #tpu.memory_space<vmem>>
      %dma_wait3A_341 = tpu.memref_squeeze %dma_wait3A_340 : memref<1x128xi32, #tpu.memory_space<vmem>> -> memref<128xi32, #tpu.memory_space<vmem>>
      %dma_wait3A_342 = arith.constant 0 : i32
      %dma_wait3A_343 = arith.constant 0 : i32
      %dma_wait3A_344 = tpu.memref_slice %arg3[%dma_wait3A_342, %dma_wait3A_343] : memref<10000x128xi32, #tpu.memory_space<hbm>> -> memref<10000x128xi32, #tpu.memory_space<hbm>>
      %dma_wait3A_345 = tpu.memref_slice %arg8[%select_n3A_334] : memref<6x!tpu.dma_semaphore, #tpu.memory_space<semaphore_mem>> -> memref<1x!tpu.dma_semaphore, #tpu.memory_space<semaphore_mem>>
      %dma_wait3A_346 = tpu.memref_squeeze %dma_wait3A_345 : memref<1x!tpu.dma_semaphore, #tpu.memory_space<semaphore_mem>> -> memref<!tpu.dma_semaphore, #tpu.memory_space<semaphore_mem>>
      tpu.wait_indirect_dma semaphore(%dma_wait3A_346 : memref<!tpu.dma_semaphore, #tpu.memory_space<semaphore_mem>>) src(%dma_wait3A_344 : memref<10000x128xi32, #tpu.memory_space<hbm>>) dst(%dma_wait3A_338 : memref<128x128xi32, #tpu.memory_space<vmem>>)
      %mul3A_347 = arith.constant 128 : i32
      %mul3A_348 = arith.muli %while3A_318, %mul3A_347 : i32
      %add3A_349 = arith.addi %mul3A_10, %mul3A_348 : i32
      %dma_start3A_350 = arith.constant 0 : i32
      %dma_start3A_351 = arith.constant 0 : i32
      %dma_start3A_352 = tpu.memref_slice %arg6[%select_n3A_334, %dma_start3A_350, %dma_start3A_351] : memref<6x128x128xi32, #tpu.memory_space<vmem>> -> memref<1x128x128xi32, #tpu.memory_space<vmem>>
      %dma_start3A_353 = tpu.memref_squeeze %dma_start3A_352 : memref<1x128x128xi32, #tpu.memory_space<vmem>> -> memref<128x128xi32, #tpu.memory_space<vmem>>
      %dma_start3A_354 = arith.constant 0 : i32
      %dma_start3A_355 = tpu.memref_slice %arg4[%add3A_349, %dma_start3A_354] : memref<161280x128xi32, #tpu.memory_space<hbm>> -> memref<128x128xi32, #tpu.memory_space<hbm>>
      %dma_start3A_356 = tpu.memref_slice %arg9[%select_n3A_334] : memref<6x!tpu.dma_semaphore, #tpu.memory_space<semaphore_mem>> -> memref<1x!tpu.dma_semaphore, #tpu.memory_space<semaphore_mem>>
      %dma_start3A_357 = tpu.memref_squeeze %dma_start3A_356 : memref<1x!tpu.dma_semaphore, #tpu.memory_space<semaphore_mem>> -> memref<!tpu.dma_semaphore, #tpu.memory_space<semaphore_mem>>
      %dma_start3A_358 = arith.constant 0 : i32
      %dma_start3A_359 = tpu.memref_slice %arg4[%add3A_349, %dma_start3A_358] : memref<161280x128xi32, #tpu.memory_space<hbm>> -> memref<128x128xi32, #tpu.memory_space<hbm>>
      %dma_start3A_360 = arith.constant 0 : i32
      %dma_start3A_361 = arith.constant 0 : i32
      %dma_start3A_362 = tpu.memref_slice %arg6[%select_n3A_334, %dma_start3A_360, %dma_start3A_361] : memref<6x128x128xi32, #tpu.memory_space<vmem>> -> memref<1x128x128xi32, #tpu.memory_space<vmem>>
      %dma_start3A_363 = tpu.memref_squeeze %dma_start3A_362 : memref<1x128x128xi32, #tpu.memory_space<vmem>> -> memref<128x128xi32, #tpu.memory_space<vmem>>
      tpu.enqueue_dma source(%dma_start3A_363 : memref<128x128xi32, #tpu.memory_space<vmem>>) target(%dma_start3A_359 : memref<128x128xi32, #tpu.memory_space<hbm>>) target_semaphore(%dma_start3A_357 : memref<!tpu.dma_semaphore, #tpu.memory_space<semaphore_mem>>)
      %ge3A = arith.constant 2 : i32
      %ge3A_364 = arith.cmpi sge, %while3A_318, %ge3A : i32
      %convert_element_type3A = arith.extui %ge3A_364 : i1 to i32
      %cond3A = arith.constant 0 : i32
      %cond3A_365 = arith.cmpi ne, %convert_element_type3A, %cond3A : i32
      scf.if %cond3A_365 {
        %sub3A_382 = arith.constant 2 : i32
        %sub3A_383 = arith.subi %while3A_318, %sub3A_382 : i32
        %sub3A_384 = arith.constant 2 : i32
        %sub3A_385 = arith.subi %while3A_318, %sub3A_384 : i32
        %jit3A_386 = arith.constant 6 : i32
        %eq3A_387 = arith.constant 0 : i32
        %eq3A_388 = arith.cmpi eq, %jit3A_386, %eq3A_387 : i32
        %jit3A_389 = arith.constant 1 : i32
        %select_n3A_390 = arith.select %eq3A_388, %jit3A_389, %jit3A_386 : i32
        %rem3A_391 = arith.remsi %sub3A_385, %select_n3A_390 : i32
        %ne3A_392 = arith.constant 0 : i32
        %ne3A_393 = arith.cmpi ne, %rem3A_391, %ne3A_392 : i32
        %lt3A_394 = arith.constant 0 : i32
        %lt3A_395 = arith.cmpi slt, %rem3A_391, %lt3A_394 : i32
        %lt3A_396 = arith.constant 0 : i32
        %lt3A_397 = arith.cmpi slt, %select_n3A_390, %lt3A_396 : i32
        %ne3A_398 = arith.xori %lt3A_395, %lt3A_397 : i1
        %and3A_399 = arith.andi %ne3A_398, %ne3A_393 : i1
        %add3A_400 = arith.addi %rem3A_391, %select_n3A_390 : i32
        %select_n3A_401 = arith.select %and3A_399, %add3A_400, %rem3A_391 : i32
        %mul3A_402 = arith.constant 128 : i32
        %mul3A_403 = arith.muli %sub3A_383, %mul3A_402 : i32
        %add3A_404 = arith.addi %mul3A_10, %mul3A_403 : i32
        %dma_wait3A_405 = arith.constant 0 : i32
        %dma_wait3A_406 = arith.constant 0 : i32
        %dma_wait3A_407 = tpu.memref_slice %arg6[%select_n3A_401, %dma_wait3A_405, %dma_wait3A_406] : memref<6x128x128xi32, #tpu.memory_space<vmem>> -> memref<1x128x128xi32, #tpu.memory_space<vmem>>
        %dma_wait3A_408 = tpu.memref_squeeze %dma_wait3A_407 : memref<1x128x128xi32, #tpu.memory_space<vmem>> -> memref<128x128xi32, #tpu.memory_space<vmem>>
        %dma_wait3A_409 = arith.constant 0 : i32
        %dma_wait3A_410 = tpu.memref_slice %arg4[%add3A_404, %dma_wait3A_409] : memref<161280x128xi32, #tpu.memory_space<hbm>> -> memref<128x128xi32, #tpu.memory_space<hbm>>
        %dma_wait3A_411 = tpu.memref_slice %arg9[%select_n3A_401] : memref<6x!tpu.dma_semaphore, #tpu.memory_space<semaphore_mem>> -> memref<1x!tpu.dma_semaphore, #tpu.memory_space<semaphore_mem>>
        %dma_wait3A_412 = tpu.memref_squeeze %dma_wait3A_411 : memref<1x!tpu.dma_semaphore, #tpu.memory_space<semaphore_mem>> -> memref<!tpu.dma_semaphore, #tpu.memory_space<semaphore_mem>>
        %dma_wait3A_413 = arith.constant 0 : i32
        %dma_wait3A_414 = tpu.memref_slice %arg4[%add3A_404, %dma_wait3A_413] : memref<161280x128xi32, #tpu.memory_space<hbm>> -> memref<128x128xi32, #tpu.memory_space<hbm>>
        %dma_wait3A_415 = arith.constant 0 : i32
        %dma_wait3A_416 = arith.constant 0 : i32
        %dma_wait3A_417 = tpu.memref_slice %arg6[%select_n3A_401, %dma_wait3A_415, %dma_wait3A_416] : memref<6x128x128xi32, #tpu.memory_space<vmem>> -> memref<1x128x128xi32, #tpu.memory_space<vmem>>
        %dma_wait3A_418 = tpu.memref_squeeze %dma_wait3A_417 : memref<1x128x128xi32, #tpu.memory_space<vmem>> -> memref<128x128xi32, #tpu.memory_space<vmem>>
        tpu.wait_dma2 semaphore(%dma_wait3A_412 : memref<!tpu.dma_semaphore, #tpu.memory_space<semaphore_mem>>) src(%dma_wait3A_418 : memref<128x128xi32, #tpu.memory_space<vmem>>) dst(%dma_wait3A_414 : memref<128x128xi32, #tpu.memory_space<hbm>>)
      } else {
      }
      %add3A_366 = arith.constant 6 : i32
      %add3A_367 = arith.addi %while3A_318, %add3A_366 : i32
      %sub3A_368 = arith.constant 1 : i32
      %sub3A_369 = arith.subi %add3A_367, %sub3A_368 : i32
      %lt3A_370 = arith.cmpi slt, %sub3A_369, %add3A_4 : i32
      %convert_element_type3A_371 = arith.extui %lt3A_370 : i1 to i32
      %cond3A_372 = arith.constant 0 : i32
      %cond3A_373 = arith.cmpi ne, %convert_element_type3A_371, %cond3A_372 : i32
      scf.if %cond3A_373 {
        %add3A_382 = arith.constant 6 : i32
        %add3A_383 = arith.addi %while3A_318, %add3A_382 : i32
        %sub3A_384 = arith.constant 1 : i32
        %sub3A_385 = arith.subi %add3A_383, %sub3A_384 : i32
        %sub3A_386 = arith.constant 1 : i32
        %sub3A_387 = arith.subi %while3A_318, %sub3A_386 : i32
        %jit3A_388 = arith.constant 6 : i32
        %eq3A_389 = arith.constant 0 : i32
        %eq3A_390 = arith.cmpi eq, %jit3A_388, %eq3A_389 : i32
        %jit3A_391 = arith.constant 1 : i32
        %select_n3A_392 = arith.select %eq3A_390, %jit3A_391, %jit3A_388 : i32
        %rem3A_393 = arith.remsi %sub3A_387, %select_n3A_392 : i32
        %ne3A_394 = arith.constant 0 : i32
        %ne3A_395 = arith.cmpi ne, %rem3A_393, %ne3A_394 : i32
        %lt3A_396 = arith.constant 0 : i32
        %lt3A_397 = arith.cmpi slt, %rem3A_393, %lt3A_396 : i32
        %lt3A_398 = arith.constant 0 : i32
        %lt3A_399 = arith.cmpi slt, %select_n3A_392, %lt3A_398 : i32
        %ne3A_400 = arith.xori %lt3A_397, %lt3A_399 : i1
        %and3A_401 = arith.andi %ne3A_400, %ne3A_395 : i1
        %add3A_402 = arith.addi %rem3A_393, %select_n3A_392 : i32
        %select_n3A_403 = arith.select %and3A_401, %add3A_402, %rem3A_393 : i32
        %add3A_404 = arith.constant 158720 : i32
        %add3A_405 = arith.addi %add3A_404, %mul3A_10 : i32
        %mul3A_406 = arith.constant 128 : i32
        %mul3A_407 = arith.muli %sub3A_385, %mul3A_406 : i32
        %add3A_408 = arith.addi %add3A_405, %mul3A_407 : i32
        %dma_start3A_409 = arith.constant 0 : i32
        %dma_start3A_410 = arith.constant 0 : i32
        %dma_start3A_411 = tpu.memref_slice %arg5[%select_n3A_403, %dma_start3A_410] : memref<6x128xi32, #tpu.memory_space<vmem>> -> memref<1x128xi32, #tpu.memory_space<vmem>>
        %dma_start3A_412 = tpu.memref_squeeze %dma_start3A_411 : memref<1x128xi32, #tpu.memory_space<vmem>> -> memref<128xi32, #tpu.memory_space<vmem>>
        %dma_start3A_413 = tpu.memref_slice %arg2[%dma_start3A_409, %add3A_408] : memref<2x320000xi32, #tpu.memory_space<hbm>> -> memref<1x128xi32, #tpu.memory_space<hbm>>
        %dma_start3A_414 = tpu.memref_squeeze %dma_start3A_413 : memref<1x128xi32, #tpu.memory_space<hbm>> -> memref<128xi32, #tpu.memory_space<hbm>>
        %dma_start3A_415 = tpu.memref_slice %arg7[%select_n3A_403] : memref<6x!tpu.dma_semaphore, #tpu.memory_space<semaphore_mem>> -> memref<1x!tpu.dma_semaphore, #tpu.memory_space<semaphore_mem>>
        %dma_start3A_416 = tpu.memref_squeeze %dma_start3A_415 : memref<1x!tpu.dma_semaphore, #tpu.memory_space<semaphore_mem>> -> memref<!tpu.dma_semaphore, #tpu.memory_space<semaphore_mem>>
        %dma_start3A_417 = arith.constant 0 : i32
        %dma_start3A_418 = tpu.memref_slice %arg5[%select_n3A_403, %dma_start3A_417] : memref<6x128xi32, #tpu.memory_space<vmem>> -> memref<1x128xi32, #tpu.memory_space<vmem>>
        %dma_start3A_419 = tpu.memref_squeeze %dma_start3A_418 : memref<1x128xi32, #tpu.memory_space<vmem>> -> memref<128xi32, #tpu.memory_space<vmem>>
        %dma_start3A_420 = tpu.memref_slice %arg2[%dma_start3A_409, %add3A_408] : memref<2x320000xi32, #tpu.memory_space<hbm>> -> memref<1x128xi32, #tpu.memory_space<hbm>>
        %dma_start3A_421 = tpu.memref_squeeze %dma_start3A_420 : memref<1x128xi32, #tpu.memory_space<hbm>> -> memref<128xi32, #tpu.memory_space<hbm>>
        tpu.enqueue_dma source(%dma_start3A_421 : memref<128xi32, #tpu.memory_space<hbm>>) target(%dma_start3A_419 : memref<128xi32, #tpu.memory_space<vmem>>) target_semaphore(%dma_start3A_416 : memref<!tpu.dma_semaphore, #tpu.memory_space<semaphore_mem>>)
      } else {
      }
      %add3A_374 = arith.constant 6 : i32
      %add3A_375 = arith.addi %while3A_318, %add3A_374 : i32
      %sub3A_376 = arith.constant 2 : i32
      %sub3A_377 = arith.subi %add3A_375, %sub3A_376 : i32
      %lt3A_378 = arith.cmpi slt, %sub3A_377, %add3A_4 : i32
      %convert_element_type3A_379 = arith.extui %lt3A_378 : i1 to i32
      %cond3A_380 = arith.constant 0 : i32
      %cond3A_381 = arith.cmpi ne, %convert_element_type3A_379, %cond3A_380 : i32
      scf.if %cond3A_381 {
        %add3A_382 = arith.constant 6 : i32
        %add3A_383 = arith.addi %while3A_318, %add3A_382 : i32
        %sub3A_384 = arith.constant 2 : i32
        %sub3A_385 = arith.subi %add3A_383, %sub3A_384 : i32
        %sub3A_386 = arith.constant 2 : i32
        %sub3A_387 = arith.subi %while3A_318, %sub3A_386 : i32
        %jit3A_388 = arith.constant 6 : i32
        %eq3A_389 = arith.constant 0 : i32
        %eq3A_390 = arith.cmpi eq, %jit3A_388, %eq3A_389 : i32
        %jit3A_391 = arith.constant 1 : i32
        %select_n3A_392 = arith.select %eq3A_390, %jit3A_391, %jit3A_388 : i32
        %rem3A_393 = arith.remsi %sub3A_387, %select_n3A_392 : i32
        %ne3A_394 = arith.constant 0 : i32
        %ne3A_395 = arith.cmpi ne, %rem3A_393, %ne3A_394 : i32
        %lt3A_396 = arith.constant 0 : i32
        %lt3A_397 = arith.cmpi slt, %rem3A_393, %lt3A_396 : i32
        %lt3A_398 = arith.constant 0 : i32
        %lt3A_399 = arith.cmpi slt, %select_n3A_392, %lt3A_398 : i32
        %ne3A_400 = arith.xori %lt3A_397, %lt3A_399 : i1
        %and3A_401 = arith.andi %ne3A_400, %ne3A_395 : i1
        %add3A_402 = arith.addi %rem3A_393, %select_n3A_392 : i32
        %select_n3A_403 = arith.select %and3A_401, %add3A_402, %rem3A_393 : i32
        %add3A_404 = arith.constant 158720 : i32
        %add3A_405 = arith.addi %add3A_404, %mul3A_10 : i32
        %mul3A_406 = arith.constant 128 : i32
        %mul3A_407 = arith.muli %sub3A_385, %mul3A_406 : i32
        %add3A_408 = arith.addi %add3A_405, %mul3A_407 : i32
        %dma_wait3A_409 = arith.constant 0 : i32
        %dma_wait3A_410 = arith.constant 0 : i32
        %dma_wait3A_411 = tpu.memref_slice %arg5[%select_n3A_403, %dma_wait3A_410] : memref<6x128xi32, #tpu.memory_space<vmem>> -> memref<1x128xi32, #tpu.memory_space<vmem>>
        %dma_wait3A_412 = tpu.memref_squeeze %dma_wait3A_411 : memref<1x128xi32, #tpu.memory_space<vmem>> -> memref<128xi32, #tpu.memory_space<vmem>>
        %dma_wait3A_413 = tpu.memref_slice %arg2[%dma_wait3A_409, %add3A_408] : memref<2x320000xi32, #tpu.memory_space<hbm>> -> memref<1x128xi32, #tpu.memory_space<hbm>>
        %dma_wait3A_414 = tpu.memref_squeeze %dma_wait3A_413 : memref<1x128xi32, #tpu.memory_space<hbm>> -> memref<128xi32, #tpu.memory_space<hbm>>
        %dma_wait3A_415 = tpu.memref_slice %arg7[%select_n3A_403] : memref<6x!tpu.dma_semaphore, #tpu.memory_space<semaphore_mem>> -> memref<1x!tpu.dma_semaphore, #tpu.memory_space<semaphore_mem>>
        %dma_wait3A_416 = tpu.memref_squeeze %dma_wait3A_415 : memref<1x!tpu.dma_semaphore, #tpu.memory_space<semaphore_mem>> -> memref<!tpu.dma_semaphore, #tpu.memory_space<semaphore_mem>>
        %dma_wait3A_417 = arith.constant 0 : i32
        %dma_wait3A_418 = tpu.memref_slice %arg5[%select_n3A_403, %dma_wait3A_417] : memref<6x128xi32, #tpu.memory_space<vmem>> -> memref<1x128xi32, #tpu.memory_space<vmem>>
        %dma_wait3A_419 = tpu.memref_squeeze %dma_wait3A_418 : memref<1x128xi32, #tpu.memory_space<vmem>> -> memref<128xi32, #tpu.memory_space<vmem>>
        %dma_wait3A_420 = tpu.memref_slice %arg2[%dma_wait3A_409, %add3A_408] : memref<2x320000xi32, #tpu.memory_space<hbm>> -> memref<1x128xi32, #tpu.memory_space<hbm>>
        %dma_wait3A_421 = tpu.memref_squeeze %dma_wait3A_420 : memref<1x128xi32, #tpu.memory_space<hbm>> -> memref<128xi32, #tpu.memory_space<hbm>>
        tpu.wait_dma2 semaphore(%dma_wait3A_416 : memref<!tpu.dma_semaphore, #tpu.memory_space<semaphore_mem>>) src(%dma_wait3A_421 : memref<128xi32, #tpu.memory_space<hbm>>) dst(%dma_wait3A_419 : memref<128xi32, #tpu.memory_space<vmem>>)
        %add3A_422 = arith.constant 6 : i32
        %add3A_423 = arith.addi %while3A_318, %add3A_422 : i32
        %sub3A_424 = arith.constant 2 : i32
        %sub3A_425 = arith.subi %add3A_423, %sub3A_424 : i32
        %sub3A_426 = arith.constant 2 : i32
        %sub3A_427 = arith.subi %while3A_318, %sub3A_426 : i32
        %jit3A_428 = arith.constant 6 : i32
        %eq3A_429 = arith.constant 0 : i32
        %eq3A_430 = arith.cmpi eq, %jit3A_428, %eq3A_429 : i32
        %jit3A_431 = arith.constant 1 : i32
        %select_n3A_432 = arith.select %eq3A_430, %jit3A_431, %jit3A_428 : i32
        %rem3A_433 = arith.remsi %sub3A_427, %select_n3A_432 : i32
        %ne3A_434 = arith.constant 0 : i32
        %ne3A_435 = arith.cmpi ne, %rem3A_433, %ne3A_434 : i32
        %lt3A_436 = arith.constant 0 : i32
        %lt3A_437 = arith.cmpi slt, %rem3A_433, %lt3A_436 : i32
        %lt3A_438 = arith.constant 0 : i32
        %lt3A_439 = arith.cmpi slt, %select_n3A_432, %lt3A_438 : i32
        %ne3A_440 = arith.xori %lt3A_437, %lt3A_439 : i1
        %and3A_441 = arith.andi %ne3A_440, %ne3A_435 : i1
        %add3A_442 = arith.addi %rem3A_433, %select_n3A_432 : i32
        %select_n3A_443 = arith.select %and3A_441, %add3A_442, %rem3A_433 : i32
        %dma_start3A_444 = arith.constant 0 : i32
        %dma_start3A_445 = arith.constant 0 : i32
        %dma_start3A_446 = tpu.memref_slice %arg6[%select_n3A_443, %dma_start3A_444, %dma_start3A_445] : memref<6x128x128xi32, #tpu.memory_space<vmem>> -> memref<1x128x128xi32, #tpu.memory_space<vmem>>
        %dma_start3A_447 = tpu.memref_squeeze %dma_start3A_446 : memref<1x128x128xi32, #tpu.memory_space<vmem>> -> memref<128x128xi32, #tpu.memory_space<vmem>>
        %dma_start3A_448 = arith.constant 0 : i32
        %dma_start3A_449 = tpu.memref_slice %arg5[%select_n3A_443, %dma_start3A_448] : memref<6x128xi32, #tpu.memory_space<vmem>> -> memref<1x128xi32, #tpu.memory_space<vmem>>
        %dma_start3A_450 = tpu.memref_squeeze %dma_start3A_449 : memref<1x128xi32, #tpu.memory_space<vmem>> -> memref<128xi32, #tpu.memory_space<vmem>>
        %dma_start3A_451 = arith.constant 0 : i32
        %dma_start3A_452 = arith.constant 0 : i32
        %dma_start3A_453 = tpu.memref_slice %arg3[%dma_start3A_451, %dma_start3A_452] : memref<10000x128xi32, #tpu.memory_space<hbm>> -> memref<10000x128xi32, #tpu.memory_space<hbm>>
        %dma_start3A_454 = tpu.memref_slice %arg8[%select_n3A_443] : memref<6x!tpu.dma_semaphore, #tpu.memory_space<semaphore_mem>> -> memref<1x!tpu.dma_semaphore, #tpu.memory_space<semaphore_mem>>
        %dma_start3A_455 = tpu.memref_squeeze %dma_start3A_454 : memref<1x!tpu.dma_semaphore, #tpu.memory_space<semaphore_mem>> -> memref<!tpu.dma_semaphore, #tpu.memory_space<semaphore_mem>>
        tpu.enqueue_indirect_dma source(%dma_start3A_453 : memref<10000x128xi32, #tpu.memory_space<hbm>>) target(%dma_start3A_447 : memref<128x128xi32, #tpu.memory_space<vmem>>) offsets(%dma_start3A_450 : memref<128xi32, #tpu.memory_space<vmem>>) semaphore(%dma_start3A_455 : memref<!tpu.dma_semaphore, #tpu.memory_space<semaphore_mem>>)
      } else {
      }
    }
    %while3A_248 = arith.constant 1 : i32
    scf.for %while3A_318 = %while3A_246 to %while3A_242 step %while3A_248  : i32 {
      %jit3A_319 = arith.constant 6 : i32
      %eq3A_320 = arith.constant 0 : i32
      %eq3A_321 = arith.cmpi eq, %jit3A_319, %eq3A_320 : i32
      %jit3A_322 = arith.constant 1 : i32
      %select_n3A_323 = arith.select %eq3A_321, %jit3A_322, %jit3A_319 : i32
      %rem3A_324 = arith.remsi %while3A_318, %select_n3A_323 : i32
      %ne3A_325 = arith.constant 0 : i32
      %ne3A_326 = arith.cmpi ne, %rem3A_324, %ne3A_325 : i32
      %lt3A_327 = arith.constant 0 : i32
      %lt3A_328 = arith.cmpi slt, %rem3A_324, %lt3A_327 : i32
      %lt3A_329 = arith.constant 0 : i32
      %lt3A_330 = arith.cmpi slt, %select_n3A_323, %lt3A_329 : i32
      %ne3A_331 = arith.xori %lt3A_328, %lt3A_330 : i1
      %and3A_332 = arith.andi %ne3A_331, %ne3A_326 : i1
      %add3A_333 = arith.addi %rem3A_324, %select_n3A_323 : i32
      %select_n3A_334 = arith.select %and3A_332, %add3A_333, %rem3A_324 : i32
      %dma_wait3A_335 = arith.constant 0 : i32
      %dma_wait3A_336 = arith.constant 0 : i32
      %dma_wait3A_337 = tpu.memref_slice %arg6[%select_n3A_334, %dma_wait3A_335, %dma_wait3A_336] : memref<6x128x128xi32, #tpu.memory_space<vmem>> -> memref<1x128x128xi32, #tpu.memory_space<vmem>>
      %dma_wait3A_338 = tpu.memref_squeeze %dma_wait3A_337 : memref<1x128x128xi32, #tpu.memory_space<vmem>> -> memref<128x128xi32, #tpu.memory_space<vmem>>
      %dma_wait3A_339 = arith.constant 0 : i32
      %dma_wait3A_340 = tpu.memref_slice %arg5[%select_n3A_334, %dma_wait3A_339] : memref<6x128xi32, #tpu.memory_space<vmem>> -> memref<1x128xi32, #tpu.memory_space<vmem>>
      %dma_wait3A_341 = tpu.memref_squeeze %dma_wait3A_340 : memref<1x128xi32, #tpu.memory_space<vmem>> -> memref<128xi32, #tpu.memory_space<vmem>>
      %dma_wait3A_342 = arith.constant 0 : i32
      %dma_wait3A_343 = arith.constant 0 : i32
      %dma_wait3A_344 = tpu.memref_slice %arg3[%dma_wait3A_342, %dma_wait3A_343] : memref<10000x128xi32, #tpu.memory_space<hbm>> -> memref<10000x128xi32, #tpu.memory_space<hbm>>
      %dma_wait3A_345 = tpu.memref_slice %arg8[%select_n3A_334] : memref<6x!tpu.dma_semaphore, #tpu.memory_space<semaphore_mem>> -> memref<1x!tpu.dma_semaphore, #tpu.memory_space<semaphore_mem>>
      %dma_wait3A_346 = tpu.memref_squeeze %dma_wait3A_345 : memref<1x!tpu.dma_semaphore, #tpu.memory_space<semaphore_mem>> -> memref<!tpu.dma_semaphore, #tpu.memory_space<semaphore_mem>>
      tpu.wait_indirect_dma semaphore(%dma_wait3A_346 : memref<!tpu.dma_semaphore, #tpu.memory_space<semaphore_mem>>) src(%dma_wait3A_344 : memref<10000x128xi32, #tpu.memory_space<hbm>>) dst(%dma_wait3A_338 : memref<128x128xi32, #tpu.memory_space<vmem>>)
      %mul3A_347 = arith.constant 128 : i32
      %mul3A_348 = arith.muli %while3A_318, %mul3A_347 : i32
      %add3A_349 = arith.addi %mul3A_10, %mul3A_348 : i32
      %dma_start3A_350 = arith.constant 0 : i32
      %dma_start3A_351 = arith.constant 0 : i32
      %dma_start3A_352 = tpu.memref_slice %arg6[%select_n3A_334, %dma_start3A_350, %dma_start3A_351] : memref<6x128x128xi32, #tpu.memory_space<vmem>> -> memref<1x128x128xi32, #tpu.memory_space<vmem>>
      %dma_start3A_353 = tpu.memref_squeeze %dma_start3A_352 : memref<1x128x128xi32, #tpu.memory_space<vmem>> -> memref<128x128xi32, #tpu.memory_space<vmem>>
      %dma_start3A_354 = arith.constant 0 : i32
      %dma_start3A_355 = tpu.memref_slice %arg4[%add3A_349, %dma_start3A_354] : memref<161280x128xi32, #tpu.memory_space<hbm>> -> memref<128x128xi32, #tpu.memory_space<hbm>>
      %dma_start3A_356 = tpu.memref_slice %arg9[%select_n3A_334] : memref<6x!tpu.dma_semaphore, #tpu.memory_space<semaphore_mem>> -> memref<1x!tpu.dma_semaphore, #tpu.memory_space<semaphore_mem>>
      %dma_start3A_357 = tpu.memref_squeeze %dma_start3A_356 : memref<1x!tpu.dma_semaphore, #tpu.memory_space<semaphore_mem>> -> memref<!tpu.dma_semaphore, #tpu.memory_space<semaphore_mem>>
      %dma_start3A_358 = arith.constant 0 : i32
      %dma_start3A_359 = tpu.memref_slice %arg4[%add3A_349, %dma_start3A_358] : memref<161280x128xi32, #tpu.memory_space<hbm>> -> memref<128x128xi32, #tpu.memory_space<hbm>>
      %dma_start3A_360 = arith.constant 0 : i32
      %dma_start3A_361 = arith.constant 0 : i32
      %dma_start3A_362 = tpu.memref_slice %arg6[%select_n3A_334, %dma_start3A_360, %dma_start3A_361] : memref<6x128x128xi32, #tpu.memory_space<vmem>> -> memref<1x128x128xi32, #tpu.memory_space<vmem>>
      %dma_start3A_363 = tpu.memref_squeeze %dma_start3A_362 : memref<1x128x128xi32, #tpu.memory_space<vmem>> -> memref<128x128xi32, #tpu.memory_space<vmem>>
      tpu.enqueue_dma source(%dma_start3A_363 : memref<128x128xi32, #tpu.memory_space<vmem>>) target(%dma_start3A_359 : memref<128x128xi32, #tpu.memory_space<hbm>>) target_semaphore(%dma_start3A_357 : memref<!tpu.dma_semaphore, #tpu.memory_space<semaphore_mem>>)
      %ge3A = arith.constant 2 : i32
      %ge3A_364 = arith.cmpi sge, %while3A_318, %ge3A : i32
      %convert_element_type3A = arith.extui %ge3A_364 : i1 to i32
      %cond3A = arith.constant 0 : i32
      %cond3A_365 = arith.cmpi ne, %convert_element_type3A, %cond3A : i32
      scf.if %cond3A_365 {
        %sub3A_382 = arith.constant 2 : i32
        %sub3A_383 = arith.subi %while3A_318, %sub3A_382 : i32
        %sub3A_384 = arith.constant 2 : i32
        %sub3A_385 = arith.subi %while3A_318, %sub3A_384 : i32
        %jit3A_386 = arith.constant 6 : i32
        %eq3A_387 = arith.constant 0 : i32
        %eq3A_388 = arith.cmpi eq, %jit3A_386, %eq3A_387 : i32
        %jit3A_389 = arith.constant 1 : i32
        %select_n3A_390 = arith.select %eq3A_388, %jit3A_389, %jit3A_386 : i32
        %rem3A_391 = arith.remsi %sub3A_385, %select_n3A_390 : i32
        %ne3A_392 = arith.constant 0 : i32
        %ne3A_393 = arith.cmpi ne, %rem3A_391, %ne3A_392 : i32
        %lt3A_394 = arith.constant 0 : i32
        %lt3A_395 = arith.cmpi slt, %rem3A_391, %lt3A_394 : i32
        %lt3A_396 = arith.constant 0 : i32
        %lt3A_397 = arith.cmpi slt, %select_n3A_390, %lt3A_396 : i32
        %ne3A_398 = arith.xori %lt3A_395, %lt3A_397 : i1
        %and3A_399 = arith.andi %ne3A_398, %ne3A_393 : i1
        %add3A_400 = arith.addi %rem3A_391, %select_n3A_390 : i32
        %select_n3A_401 = arith.select %and3A_399, %add3A_400, %rem3A_391 : i32
        %mul3A_402 = arith.constant 128 : i32
        %mul3A_403 = arith.muli %sub3A_383, %mul3A_402 : i32
        %add3A_404 = arith.addi %mul3A_10, %mul3A_403 : i32
        %dma_wait3A_405 = arith.constant 0 : i32
        %dma_wait3A_406 = arith.constant 0 : i32
        %dma_wait3A_407 = tpu.memref_slice %arg6[%select_n3A_401, %dma_wait3A_405, %dma_wait3A_406] : memref<6x128x128xi32, #tpu.memory_space<vmem>> -> memref<1x128x128xi32, #tpu.memory_space<vmem>>
        %dma_wait3A_408 = tpu.memref_squeeze %dma_wait3A_407 : memref<1x128x128xi32, #tpu.memory_space<vmem>> -> memref<128x128xi32, #tpu.memory_space<vmem>>
        %dma_wait3A_409 = arith.constant 0 : i32
        %dma_wait3A_410 = tpu.memref_slice %arg4[%add3A_404, %dma_wait3A_409] : memref<161280x128xi32, #tpu.memory_space<hbm>> -> memref<128x128xi32, #tpu.memory_space<hbm>>
        %dma_wait3A_411 = tpu.memref_slice %arg9[%select_n3A_401] : memref<6x!tpu.dma_semaphore, #tpu.memory_space<semaphore_mem>> -> memref<1x!tpu.dma_semaphore, #tpu.memory_space<semaphore_mem>>
        %dma_wait3A_412 = tpu.memref_squeeze %dma_wait3A_411 : memref<1x!tpu.dma_semaphore, #tpu.memory_space<semaphore_mem>> -> memref<!tpu.dma_semaphore, #tpu.memory_space<semaphore_mem>>
        %dma_wait3A_413 = arith.constant 0 : i32
        %dma_wait3A_414 = tpu.memref_slice %arg4[%add3A_404, %dma_wait3A_413] : memref<161280x128xi32, #tpu.memory_space<hbm>> -> memref<128x128xi32, #tpu.memory_space<hbm>>
        %dma_wait3A_415 = arith.constant 0 : i32
        %dma_wait3A_416 = arith.constant 0 : i32
        %dma_wait3A_417 = tpu.memref_slice %arg6[%select_n3A_401, %dma_wait3A_415, %dma_wait3A_416] : memref<6x128x128xi32, #tpu.memory_space<vmem>> -> memref<1x128x128xi32, #tpu.memory_space<vmem>>
        %dma_wait3A_418 = tpu.memref_squeeze %dma_wait3A_417 : memref<1x128x128xi32, #tpu.memory_space<vmem>> -> memref<128x128xi32, #tpu.memory_space<vmem>>
        tpu.wait_dma2 semaphore(%dma_wait3A_412 : memref<!tpu.dma_semaphore, #tpu.memory_space<semaphore_mem>>) src(%dma_wait3A_418 : memref<128x128xi32, #tpu.memory_space<vmem>>) dst(%dma_wait3A_414 : memref<128x128xi32, #tpu.memory_space<hbm>>)
      } else {
      }
      %add3A_366 = arith.constant 6 : i32
      %add3A_367 = arith.addi %while3A_318, %add3A_366 : i32
      %sub3A_368 = arith.constant 1 : i32
      %sub3A_369 = arith.subi %add3A_367, %sub3A_368 : i32
      %lt3A_370 = arith.cmpi slt, %sub3A_369, %add3A_4 : i32
      %convert_element_type3A_371 = arith.extui %lt3A_370 : i1 to i32
      %cond3A_372 = arith.constant 0 : i32
      %cond3A_373 = arith.cmpi ne, %convert_element_type3A_371, %cond3A_372 : i32
      scf.if %cond3A_373 {
        %add3A_382 = arith.constant 6 : i32
        %add3A_383 = arith.addi %while3A_318, %add3A_382 : i32
        %sub3A_384 = arith.constant 1 : i32
        %sub3A_385 = arith.subi %add3A_383, %sub3A_384 : i32
        %sub3A_386 = arith.constant 1 : i32
        %sub3A_387 = arith.subi %while3A_318, %sub3A_386 : i32
        %jit3A_388 = arith.constant 6 : i32
        %eq3A_389 = arith.constant 0 : i32
        %eq3A_390 = arith.cmpi eq, %jit3A_388, %eq3A_389 : i32
        %jit3A_391 = arith.constant 1 : i32
        %select_n3A_392 = arith.select %eq3A_390, %jit3A_391, %jit3A_388 : i32
        %rem3A_393 = arith.remsi %sub3A_387, %select_n3A_392 : i32
        %ne3A_394 = arith.constant 0 : i32
        %ne3A_395 = arith.cmpi ne, %rem3A_393, %ne3A_394 : i32
        %lt3A_396 = arith.constant 0 : i32
        %lt3A_397 = arith.cmpi slt, %rem3A_393, %lt3A_396 : i32
        %lt3A_398 = arith.constant 0 : i32
        %lt3A_399 = arith.cmpi slt, %select_n3A_392, %lt3A_398 : i32
        %ne3A_400 = arith.xori %lt3A_397, %lt3A_399 : i1
        %and3A_401 = arith.andi %ne3A_400, %ne3A_395 : i1
        %add3A_402 = arith.addi %rem3A_393, %select_n3A_392 : i32
        %select_n3A_403 = arith.select %and3A_401, %add3A_402, %rem3A_393 : i32
        %add3A_404 = arith.constant 158720 : i32
        %add3A_405 = arith.addi %add3A_404, %mul3A_10 : i32
        %mul3A_406 = arith.constant 128 : i32
        %mul3A_407 = arith.muli %sub3A_385, %mul3A_406 : i32
        %add3A_408 = arith.addi %add3A_405, %mul3A_407 : i32
        %dma_start3A_409 = arith.constant 0 : i32
        %dma_start3A_410 = arith.constant 0 : i32
        %dma_start3A_411 = tpu.memref_slice %arg5[%select_n3A_403, %dma_start3A_410] : memref<6x128xi32, #tpu.memory_space<vmem>> -> memref<1x128xi32, #tpu.memory_space<vmem>>
        %dma_start3A_412 = tpu.memref_squeeze %dma_start3A_411 : memref<1x128xi32, #tpu.memory_space<vmem>> -> memref<128xi32, #tpu.memory_space<vmem>>
        %dma_start3A_413 = tpu.memref_slice %arg2[%dma_start3A_409, %add3A_408] : memref<2x320000xi32, #tpu.memory_space<hbm>> -> memref<1x128xi32, #tpu.memory_space<hbm>>
        %dma_start3A_414 = tpu.memref_squeeze %dma_start3A_413 : memref<1x128xi32, #tpu.memory_space<hbm>> -> memref<128xi32, #tpu.memory_space<hbm>>
        %dma_start3A_415 = tpu.memref_slice %arg7[%select_n3A_403] : memref<6x!tpu.dma_semaphore, #tpu.memory_space<semaphore_mem>> -> memref<1x!tpu.dma_semaphore, #tpu.memory_space<semaphore_mem>>
        %dma_start3A_416 = tpu.memref_squeeze %dma_start3A_415 : memref<1x!tpu.dma_semaphore, #tpu.memory_space<semaphore_mem>> -> memref<!tpu.dma_semaphore, #tpu.memory_space<semaphore_mem>>
        %dma_start3A_417 = arith.constant 0 : i32
        %dma_start3A_418 = tpu.memref_slice %arg5[%select_n3A_403, %dma_start3A_417] : memref<6x128xi32, #tpu.memory_space<vmem>> -> memref<1x128xi32, #tpu.memory_space<vmem>>
        %dma_start3A_419 = tpu.memref_squeeze %dma_start3A_418 : memref<1x128xi32, #tpu.memory_space<vmem>> -> memref<128xi32, #tpu.memory_space<vmem>>
        %dma_start3A_420 = tpu.memref_slice %arg2[%dma_start3A_409, %add3A_408] : memref<2x320000xi32, #tpu.memory_space<hbm>> -> memref<1x128xi32, #tpu.memory_space<hbm>>
        %dma_start3A_421 = tpu.memref_squeeze %dma_start3A_420 : memref<1x128xi32, #tpu.memory_space<hbm>> -> memref<128xi32, #tpu.memory_space<hbm>>
        tpu.enqueue_dma source(%dma_start3A_421 : memref<128xi32, #tpu.memory_space<hbm>>) target(%dma_start3A_419 : memref<128xi32, #tpu.memory_space<vmem>>) target_semaphore(%dma_start3A_416 : memref<!tpu.dma_semaphore, #tpu.memory_space<semaphore_mem>>)
      } else {
      }
      %add3A_374 = arith.constant 6 : i32
      %add3A_375 = arith.addi %while3A_318, %add3A_374 : i32
      %sub3A_376 = arith.constant 2 : i32
      %sub3A_377 = arith.subi %add3A_375, %sub3A_376 : i32
      %lt3A_378 = arith.cmpi slt, %sub3A_377, %add3A_4 : i32
      %convert_element_type3A_379 = arith.extui %lt3A_378 : i1 to i32
      %cond3A_380 = arith.constant 0 : i32
      %cond3A_381 = arith.cmpi ne, %convert_element_type3A_379, %cond3A_380 : i32
      scf.if %cond3A_381 {
        %add3A_382 = arith.constant 6 : i32
        %add3A_383 = arith.addi %while3A_318, %add3A_382 : i32
        %sub3A_384 = arith.constant 2 : i32
        %sub3A_385 = arith.subi %add3A_383, %sub3A_384 : i32
        %sub3A_386 = arith.constant 2 : i32
        %sub3A_387 = arith.subi %while3A_318, %sub3A_386 : i32
        %jit3A_388 = arith.constant 6 : i32
        %eq3A_389 = arith.constant 0 : i32
        %eq3A_390 = arith.cmpi eq, %jit3A_388, %eq3A_389 : i32
        %jit3A_391 = arith.constant 1 : i32
        %select_n3A_392 = arith.select %eq3A_390, %jit3A_391, %jit3A_388 : i32
        %rem3A_393 = arith.remsi %sub3A_387, %select_n3A_392 : i32
        %ne3A_394 = arith.constant 0 : i32
        %ne3A_395 = arith.cmpi ne, %rem3A_393, %ne3A_394 : i32
        %lt3A_396 = arith.constant 0 : i32
        %lt3A_397 = arith.cmpi slt, %rem3A_393, %lt3A_396 : i32
        %lt3A_398 = arith.constant 0 : i32
        %lt3A_399 = arith.cmpi slt, %select_n3A_392, %lt3A_398 : i32
        %ne3A_400 = arith.xori %lt3A_397, %lt3A_399 : i1
        %and3A_401 = arith.andi %ne3A_400, %ne3A_395 : i1
        %add3A_402 = arith.addi %rem3A_393, %select_n3A_392 : i32
        %select_n3A_403 = arith.select %and3A_401, %add3A_402, %rem3A_393 : i32
        %add3A_404 = arith.constant 158720 : i32
        %add3A_405 = arith.addi %add3A_404, %mul3A_10 : i32
        %mul3A_406 = arith.constant 128 : i32
        %mul3A_407 = arith.muli %sub3A_385, %mul3A_406 : i32
        %add3A_408 = arith.addi %add3A_405, %mul3A_407 : i32
        %dma_wait3A_409 = arith.constant 0 : i32
        %dma_wait3A_410 = arith.constant 0 : i32
        %dma_wait3A_411 = tpu.memref_slice %arg5[%select_n3A_403, %dma_wait3A_410] : memref<6x128xi32, #tpu.memory_space<vmem>> -> memref<1x128xi32, #tpu.memory_space<vmem>>
        %dma_wait3A_412 = tpu.memref_squeeze %dma_wait3A_411 : memref<1x128xi32, #tpu.memory_space<vmem>> -> memref<128xi32, #tpu.memory_space<vmem>>
        %dma_wait3A_413 = tpu.memref_slice %arg2[%dma_wait3A_409, %add3A_408] : memref<2x320000xi32, #tpu.memory_space<hbm>> -> memref<1x128xi32, #tpu.memory_space<hbm>>
        %dma_wait3A_414 = tpu.memref_squeeze %dma_wait3A_413 : memref<1x128xi32, #tpu.memory_space<hbm>> -> memref<128xi32, #tpu.memory_space<hbm>>
        %dma_wait3A_415 = tpu.memref_slice %arg7[%select_n3A_403] : memref<6x!tpu.dma_semaphore, #tpu.memory_space<semaphore_mem>> -> memref<1x!tpu.dma_semaphore, #tpu.memory_space<semaphore_mem>>
        %dma_wait3A_416 = tpu.memref_squeeze %dma_wait3A_415 : memref<1x!tpu.dma_semaphore, #tpu.memory_space<semaphore_mem>> -> memref<!tpu.dma_semaphore, #tpu.memory_space<semaphore_mem>>
        %dma_wait3A_417 = arith.constant 0 : i32
        %dma_wait3A_418 = tpu.memref_slice %arg5[%select_n3A_403, %dma_wait3A_417] : memref<6x128xi32, #tpu.memory_space<vmem>> -> memref<1x128xi32, #tpu.memory_space<vmem>>
        %dma_wait3A_419 = tpu.memref_squeeze %dma_wait3A_418 : memref<1x128xi32, #tpu.memory_space<vmem>> -> memref<128xi32, #tpu.memory_space<vmem>>
        %dma_wait3A_420 = tpu.memref_slice %arg2[%dma_wait3A_409, %add3A_408] : memref<2x320000xi32, #tpu.memory_space<hbm>> -> memref<1x128xi32, #tpu.memory_space<hbm>>
        %dma_wait3A_421 = tpu.memref_squeeze %dma_wait3A_420 : memref<1x128xi32, #tpu.memory_space<hbm>> -> memref<128xi32, #tpu.memory_space<hbm>>
        tpu.wait_dma2 semaphore(%dma_wait3A_416 : memref<!tpu.dma_semaphore, #tpu.memory_space<semaphore_mem>>) src(%dma_wait3A_421 : memref<128xi32, #tpu.memory_space<hbm>>) dst(%dma_wait3A_419 : memref<128xi32, #tpu.memory_space<vmem>>)
        %add3A_422 = arith.constant 6 : i32
        %add3A_423 = arith.addi %while3A_318, %add3A_422 : i32
        %sub3A_424 = arith.constant 2 : i32
        %sub3A_425 = arith.subi %add3A_423, %sub3A_424 : i32
        %sub3A_426 = arith.constant 2 : i32
        %sub3A_427 = arith.subi %while3A_318, %sub3A_426 : i32
        %jit3A_428 = arith.constant 6 : i32
        %eq3A_429 = arith.constant 0 : i32
        %eq3A_430 = arith.cmpi eq, %jit3A_428, %eq3A_429 : i32
        %jit3A_431 = arith.constant 1 : i32
        %select_n3A_432 = arith.select %eq3A_430, %jit3A_431, %jit3A_428 : i32
        %rem3A_433 = arith.remsi %sub3A_427, %select_n3A_432 : i32
        %ne3A_434 = arith.constant 0 : i32
        %ne3A_435 = arith.cmpi ne, %rem3A_433, %ne3A_434 : i32
        %lt3A_436 = arith.constant 0 : i32
        %lt3A_437 = arith.cmpi slt, %rem3A_433, %lt3A_436 : i32
        %lt3A_438 = arith.constant 0 : i32
        %lt3A_439 = arith.cmpi slt, %select_n3A_432, %lt3A_438 : i32
        %ne3A_440 = arith.xori %lt3A_437, %lt3A_439 : i1
        %and3A_441 = arith.andi %ne3A_440, %ne3A_435 : i1
        %add3A_442 = arith.addi %rem3A_433, %select_n3A_432 : i32
        %select_n3A_443 = arith.select %and3A_441, %add3A_442, %rem3A_433 : i32
        %dma_start3A_444 = arith.constant 0 : i32
        %dma_start3A_445 = arith.constant 0 : i32
        %dma_start3A_446 = tpu.memref_slice %arg6[%select_n3A_443, %dma_start3A_444, %dma_start3A_445] : memref<6x128x128xi32, #tpu.memory_space<vmem>> -> memref<1x128x128xi32, #tpu.memory_space<vmem>>
        %dma_start3A_447 = tpu.memref_squeeze %dma_start3A_446 : memref<1x128x128xi32, #tpu.memory_space<vmem>> -> memref<128x128xi32, #tpu.memory_space<vmem>>
        %dma_start3A_448 = arith.constant 0 : i32
        %dma_start3A_449 = tpu.memref_slice %arg5[%select_n3A_443, %dma_start3A_448] : memref<6x128xi32, #tpu.memory_space<vmem>> -> memref<1x128xi32, #tpu.memory_space<vmem>>
        %dma_start3A_450 = tpu.memref_squeeze %dma_start3A_449 : memref<1x128xi32, #tpu.memory_space<vmem>> -> memref<128xi32, #tpu.memory_space<vmem>>
        %dma_start3A_451 = arith.constant 0 : i32
        %dma_start3A_452 = arith.constant 0 : i32
        %dma_start3A_453 = tpu.memref_slice %arg3[%dma_start3A_451, %dma_start3A_452] : memref<10000x128xi32, #tpu.memory_space<hbm>> -> memref<10000x128xi32, #tpu.memory_space<hbm>>
        %dma_start3A_454 = tpu.memref_slice %arg8[%select_n3A_443] : memref<6x!tpu.dma_semaphore, #tpu.memory_space<semaphore_mem>> -> memref<1x!tpu.dma_semaphore, #tpu.memory_space<semaphore_mem>>
        %dma_start3A_455 = tpu.memref_squeeze %dma_start3A_454 : memref<1x!tpu.dma_semaphore, #tpu.memory_space<semaphore_mem>> -> memref<!tpu.dma_semaphore, #tpu.memory_space<semaphore_mem>>
        tpu.enqueue_indirect_dma source(%dma_start3A_453 : memref<10000x128xi32, #tpu.memory_space<hbm>>) target(%dma_start3A_447 : memref<128x128xi32, #tpu.memory_space<vmem>>) offsets(%dma_start3A_450 : memref<128xi32, #tpu.memory_space<vmem>>) semaphore(%dma_start3A_455 : memref<!tpu.dma_semaphore, #tpu.memory_space<semaphore_mem>>)
      } else {
      }
    }
    %sub3A = arith.constant 2 : i32
    %sub3A_249 = arith.subi %add3A_4, %sub3A : i32
    %sub3A_250 = arith.constant 2 : i32
    %sub3A_251 = arith.subi %add3A_4, %sub3A_250 : i32
    %jit3A_252 = arith.constant 6 : i32
    %eq3A = arith.constant 0 : i32
    %eq3A_253 = arith.cmpi eq, %jit3A_252, %eq3A : i32
    %jit3A_254 = arith.constant 1 : i32
    %select_n3A_255 = arith.select %eq3A_253, %jit3A_254, %jit3A_252 : i32
    %rem3A = arith.remsi %sub3A_251, %select_n3A_255 : i32
    %ne3A = arith.constant 0 : i32
    %ne3A_256 = arith.cmpi ne, %rem3A, %ne3A : i32
    %lt3A_257 = arith.constant 0 : i32
    %lt3A_258 = arith.cmpi slt, %rem3A, %lt3A_257 : i32
    %lt3A_259 = arith.constant 0 : i32
    %lt3A_260 = arith.cmpi slt, %select_n3A_255, %lt3A_259 : i32
    %ne3A_261 = arith.xori %lt3A_258, %lt3A_260 : i1
    %and3A = arith.andi %ne3A_261, %ne3A_256 : i1
    %add3A_262 = arith.addi %rem3A, %select_n3A_255 : i32
    %select_n3A_263 = arith.select %and3A, %add3A_262, %rem3A : i32
    %mul3A_264 = arith.constant 128 : i32
    %mul3A_265 = arith.muli %sub3A_249, %mul3A_264 : i32
    %add3A_266 = arith.addi %mul3A_10, %mul3A_265 : i32
    %dma_wait3A_267 = arith.constant 0 : i32
    %dma_wait3A_268 = arith.constant 0 : i32
    %dma_wait3A_269 = tpu.memref_slice %arg6[%select_n3A_263, %dma_wait3A_267, %dma_wait3A_268] : memref<6x128x128xi32, #tpu.memory_space<vmem>> -> memref<1x128x128xi32, #tpu.memory_space<vmem>>
    %dma_wait3A_270 = tpu.memref_squeeze %dma_wait3A_269 : memref<1x128x128xi32, #tpu.memory_space<vmem>> -> memref<128x128xi32, #tpu.memory_space<vmem>>
    %dma_wait3A_271 = arith.constant 0 : i32
    %dma_wait3A_272 = tpu.memref_slice %arg4[%add3A_266, %dma_wait3A_271] : memref<161280x128xi32, #tpu.memory_space<hbm>> -> memref<128x128xi32, #tpu.memory_space<hbm>>
    %dma_wait3A_273 = tpu.memref_slice %arg9[%select_n3A_263] : memref<6x!tpu.dma_semaphore, #tpu.memory_space<semaphore_mem>> -> memref<1x!tpu.dma_semaphore, #tpu.memory_space<semaphore_mem>>
    %dma_wait3A_274 = tpu.memref_squeeze %dma_wait3A_273 : memref<1x!tpu.dma_semaphore, #tpu.memory_space<semaphore_mem>> -> memref<!tpu.dma_semaphore, #tpu.memory_space<semaphore_mem>>
    %dma_wait3A_275 = arith.constant 0 : i32
    %dma_wait3A_276 = tpu.memref_slice %arg4[%add3A_266, %dma_wait3A_275] : memref<161280x128xi32, #tpu.memory_space<hbm>> -> memref<128x128xi32, #tpu.memory_space<hbm>>
    %dma_wait3A_277 = arith.constant 0 : i32
    %dma_wait3A_278 = arith.constant 0 : i32
    %dma_wait3A_279 = tpu.memref_slice %arg6[%select_n3A_263, %dma_wait3A_277, %dma_wait3A_278] : memref<6x128x128xi32, #tpu.memory_space<vmem>> -> memref<1x128x128xi32, #tpu.memory_space<vmem>>
    %dma_wait3A_280 = tpu.memref_squeeze %dma_wait3A_279 : memref<1x128x128xi32, #tpu.memory_space<vmem>> -> memref<128x128xi32, #tpu.memory_space<vmem>>
    tpu.wait_dma2 semaphore(%dma_wait3A_274 : memref<!tpu.dma_semaphore, #tpu.memory_space<semaphore_mem>>) src(%dma_wait3A_280 : memref<128x128xi32, #tpu.memory_space<vmem>>) dst(%dma_wait3A_276 : memref<128x128xi32, #tpu.memory_space<hbm>>)
    %sub3A_281 = arith.constant 1 : i32
    %sub3A_282 = arith.subi %add3A_4, %sub3A_281 : i32
    %sub3A_283 = arith.constant 1 : i32
    %sub3A_284 = arith.subi %add3A_4, %sub3A_283 : i32
    %jit3A_285 = arith.constant 6 : i32
    %eq3A_286 = arith.constant 0 : i32
    %eq3A_287 = arith.cmpi eq, %jit3A_285, %eq3A_286 : i32
    %jit3A_288 = arith.constant 1 : i32
    %select_n3A_289 = arith.select %eq3A_287, %jit3A_288, %jit3A_285 : i32
    %rem3A_290 = arith.remsi %sub3A_284, %select_n3A_289 : i32
    %ne3A_291 = arith.constant 0 : i32
    %ne3A_292 = arith.cmpi ne, %rem3A_290, %ne3A_291 : i32
    %lt3A_293 = arith.constant 0 : i32
    %lt3A_294 = arith.cmpi slt, %rem3A_290, %lt3A_293 : i32
    %lt3A_295 = arith.constant 0 : i32
    %lt3A_296 = arith.cmpi slt, %select_n3A_289, %lt3A_295 : i32
    %ne3A_297 = arith.xori %lt3A_294, %lt3A_296 : i1
    %and3A_298 = arith.andi %ne3A_297, %ne3A_292 : i1
    %add3A_299 = arith.addi %rem3A_290, %select_n3A_289 : i32
    %select_n3A_300 = arith.select %and3A_298, %add3A_299, %rem3A_290 : i32
    %mul3A_301 = arith.constant 128 : i32
    %mul3A_302 = arith.muli %sub3A_282, %mul3A_301 : i32
    %add3A_303 = arith.addi %mul3A_10, %mul3A_302 : i32
    %dma_wait3A_304 = arith.constant 0 : i32
    %dma_wait3A_305 = arith.constant 0 : i32
    %dma_wait3A_306 = tpu.memref_slice %arg6[%select_n3A_300, %dma_wait3A_304, %dma_wait3A_305] : memref<6x128x128xi32, #tpu.memory_space<vmem>> -> memref<1x128x128xi32, #tpu.memory_space<vmem>>
    %dma_wait3A_307 = tpu.memref_squeeze %dma_wait3A_306 : memref<1x128x128xi32, #tpu.memory_space<vmem>> -> memref<128x128xi32, #tpu.memory_space<vmem>>
    %dma_wait3A_308 = arith.constant 0 : i32
    %dma_wait3A_309 = tpu.memref_slice %arg4[%add3A_303, %dma_wait3A_308] : memref<161280x128xi32, #tpu.memory_space<hbm>> -> memref<128x128xi32, #tpu.memory_space<hbm>>
    %dma_wait3A_310 = tpu.memref_slice %arg9[%select_n3A_300] : memref<6x!tpu.dma_semaphore, #tpu.memory_space<semaphore_mem>> -> memref<1x!tpu.dma_semaphore, #tpu.memory_space<semaphore_mem>>
    %dma_wait3A_311 = tpu.memref_squeeze %dma_wait3A_310 : memref<1x!tpu.dma_semaphore, #tpu.memory_space<semaphore_mem>> -> memref<!tpu.dma_semaphore, #tpu.memory_space<semaphore_mem>>
    %dma_wait3A_312 = arith.constant 0 : i32
    %dma_wait3A_313 = tpu.memref_slice %arg4[%add3A_303, %dma_wait3A_312] : memref<161280x128xi32, #tpu.memory_space<hbm>> -> memref<128x128xi32, #tpu.memory_space<hbm>>
    %dma_wait3A_314 = arith.constant 0 : i32
    %dma_wait3A_315 = arith.constant 0 : i32
    %dma_wait3A_316 = tpu.memref_slice %arg6[%select_n3A_300, %dma_wait3A_314, %dma_wait3A_315] : memref<6x128x128xi32, #tpu.memory_space<vmem>> -> memref<1x128x128xi32, #tpu.memory_space<vmem>>
    %dma_wait3A_317 = tpu.memref_squeeze %dma_wait3A_316 : memref<1x128x128xi32, #tpu.memory_space<vmem>> -> memref<128x128xi32, #tpu.memory_space<vmem>>
    tpu.wait_dma2 semaphore(%dma_wait3A_311 : memref<!tpu.dma_semaphore, #tpu.memory_space<semaphore_mem>>) src(%dma_wait3A_317 : memref<128x128xi32, #tpu.memory_space<vmem>>) dst(%dma_wait3A_313 : memref<128x128xi32, #tpu.memory_space<hbm>>)
    return
  }
}

#map = affine_map<(d0, d1) -> (0, 0)>
#map1 = affine_map<(d0, d1) -> (0, 0, 0)>
module attributes {stable_mosaic.version = 14 : i64} {
  func.func @run(%arg0: i32, %arg1: i32, %arg2: memref<2x320000xi32, #tpu.memory_space<hbm>>, %arg3: memref<158720x128xf32, #tpu.memory_space<hbm>>, %arg4: memref<632x128xf32, #tpu.memory_space<hbm>>, %arg5: memref<2x10112x128xf32, #tpu.memory_space<hbm>>, %arg6: memref<2x128xi32, #tpu.memory_space<vmem>>, %arg7: memref<2x128x128xf32, #tpu.memory_space<vmem>>, %arg8: memref<10112x128xf32, #tpu.memory_space<vmem_shared>>, %arg9: memref<2x!tpu.dma_semaphore, #tpu.memory_space<semaphore_mem>>, %arg10: memref<2x!tpu.dma_semaphore, #tpu.memory_space<semaphore_mem>>) attributes {dimension_semantics = [#tpu.dimension_semantics<core_parallel>, #tpu.dimension_semantics<subcore_parallel>], iteration_bounds = array<i64: 2, 16>, scalar_prefetch = 0 : i64, scratch_operands = 5 : i64, tpu.core_type = #tpu.core_type<sc_vector_subcore>, window_params = [{transform_indices = #map}, {transform_indices = #map}, {transform_indices = #map}, {transform_indices = #map1}]} {
    %mul3A = arith.constant 2 : i32
    %mul3A_0 = arith.muli %arg1, %mul3A : i32
    %add3A = arith.addi %mul3A_0, %arg0 : i32
    %lt3A = arith.constant 24 : i32
    %lt3A_1 = arith.cmpi slt, %add3A, %lt3A : i32
    %jit3A = arith.constant 1 : i32
    %jit3A_2 = arith.constant 0 : i32
    %select_n3A = arith.select %lt3A_1, %jit3A, %jit3A_2 : i32
    %add3A_3 = arith.constant 38 : i32
    %add3A_4 = arith.addi %add3A_3, %select_n3A : i32
    %mul3A_5 = arith.constant 38 : i32
    %mul3A_6 = arith.muli %add3A, %mul3A_5 : i32
    %min3A = arith.constant 24 : i32
    %min3A_7 = arith.minsi %add3A, %min3A : i32
    %add3A_8 = arith.addi %mul3A_6, %min3A_7 : i32
    %mul3A_9 = arith.constant 128 : i32
    %mul3A_10 = arith.muli %add3A_8, %mul3A_9 : i32
    %add3A_11 = arith.constant 0 : i32
    %add3A_12 = arith.addi %add3A_11, %mul3A_10 : i32
    %add3A_13 = arith.constant 0 : i32
    %add3A_14 = arith.addi %add3A_12, %add3A_13 : i32
    %dma_start3A = arith.constant 1 : i32
    %dma_start3A_15 = arith.constant 0 : i32
    %dma_start3A_16 = arith.constant 0 : i32
    %dma_start3A_17 = arith.constant 0 : i32
    %dma_start3A_18 = tpu.memref_slice %arg6[%dma_start3A_15, %dma_start3A_17] : memref<2x128xi32, #tpu.memory_space<vmem>> -> memref<1x128xi32, #tpu.memory_space<vmem>>
    %dma_start3A_19 = tpu.memref_squeeze %dma_start3A_18 : memref<1x128xi32, #tpu.memory_space<vmem>> -> memref<128xi32, #tpu.memory_space<vmem>>
    %dma_start3A_20 = tpu.memref_slice %arg2[%dma_start3A, %add3A_14] : memref<2x320000xi32, #tpu.memory_space<hbm>> -> memref<1x128xi32, #tpu.memory_space<hbm>>
    %dma_start3A_21 = tpu.memref_squeeze %dma_start3A_20 : memref<1x128xi32, #tpu.memory_space<hbm>> -> memref<128xi32, #tpu.memory_space<hbm>>
    %dma_start3A_22 = tpu.memref_slice %arg9[%dma_start3A_16] : memref<2x!tpu.dma_semaphore, #tpu.memory_space<semaphore_mem>> -> memref<1x!tpu.dma_semaphore, #tpu.memory_space<semaphore_mem>>
    %dma_start3A_23 = tpu.memref_squeeze %dma_start3A_22 : memref<1x!tpu.dma_semaphore, #tpu.memory_space<semaphore_mem>> -> memref<!tpu.dma_semaphore, #tpu.memory_space<semaphore_mem>>
    %dma_start3A_24 = arith.constant 0 : i32
    %dma_start3A_25 = tpu.memref_slice %arg6[%dma_start3A_15, %dma_start3A_24] : memref<2x128xi32, #tpu.memory_space<vmem>> -> memref<1x128xi32, #tpu.memory_space<vmem>>
    %dma_start3A_26 = tpu.memref_squeeze %dma_start3A_25 : memref<1x128xi32, #tpu.memory_space<vmem>> -> memref<128xi32, #tpu.memory_space<vmem>>
    %dma_start3A_27 = tpu.memref_slice %arg2[%dma_start3A, %add3A_14] : memref<2x320000xi32, #tpu.memory_space<hbm>> -> memref<1x128xi32, #tpu.memory_space<hbm>>
    %dma_start3A_28 = tpu.memref_squeeze %dma_start3A_27 : memref<1x128xi32, #tpu.memory_space<hbm>> -> memref<128xi32, #tpu.memory_space<hbm>>
    tpu.enqueue_dma source(%dma_start3A_28 : memref<128xi32, #tpu.memory_space<hbm>>) target(%dma_start3A_26 : memref<128xi32, #tpu.memory_space<vmem>>) target_semaphore(%dma_start3A_23 : memref<!tpu.dma_semaphore, #tpu.memory_space<semaphore_mem>>)
    %add3A_29 = arith.constant 0 : i32
    %add3A_30 = arith.addi %mul3A_10, %add3A_29 : i32
    %dma_start3A_31 = arith.constant 0 : i32
    %dma_start3A_32 = arith.constant 0 : i32
    %dma_start3A_33 = arith.constant 0 : i32
    %dma_start3A_34 = arith.constant 0 : i32
    %dma_start3A_35 = tpu.memref_slice %arg7[%dma_start3A_31, %dma_start3A_33, %dma_start3A_34] : memref<2x128x128xf32, #tpu.memory_space<vmem>> -> memref<1x128x128xf32, #tpu.memory_space<vmem>>
    %dma_start3A_36 = tpu.memref_squeeze %dma_start3A_35 : memref<1x128x128xf32, #tpu.memory_space<vmem>> -> memref<128x128xf32, #tpu.memory_space<vmem>>
    %dma_start3A_37 = arith.constant 0 : i32
    %dma_start3A_38 = tpu.memref_slice %arg3[%add3A_30, %dma_start3A_37] : memref<158720x128xf32, #tpu.memory_space<hbm>> -> memref<128x128xf32, #tpu.memory_space<hbm>>
    %dma_start3A_39 = tpu.memref_slice %arg10[%dma_start3A_32] : memref<2x!tpu.dma_semaphore, #tpu.memory_space<semaphore_mem>> -> memref<1x!tpu.dma_semaphore, #tpu.memory_space<semaphore_mem>>
    %dma_start3A_40 = tpu.memref_squeeze %dma_start3A_39 : memref<1x!tpu.dma_semaphore, #tpu.memory_space<semaphore_mem>> -> memref<!tpu.dma_semaphore, #tpu.memory_space<semaphore_mem>>
    %dma_start3A_41 = arith.constant 0 : i32
    %dma_start3A_42 = arith.constant 0 : i32
    %dma_start3A_43 = tpu.memref_slice %arg7[%dma_start3A_31, %dma_start3A_41, %dma_start3A_42] : memref<2x128x128xf32, #tpu.memory_space<vmem>> -> memref<1x128x128xf32, #tpu.memory_space<vmem>>
    %dma_start3A_44 = tpu.memref_squeeze %dma_start3A_43 : memref<1x128x128xf32, #tpu.memory_space<vmem>> -> memref<128x128xf32, #tpu.memory_space<vmem>>
    %dma_start3A_45 = arith.constant 0 : i32
    %dma_start3A_46 = tpu.memref_slice %arg3[%add3A_30, %dma_start3A_45] : memref<158720x128xf32, #tpu.memory_space<hbm>> -> memref<128x128xf32, #tpu.memory_space<hbm>>
    tpu.enqueue_dma source(%dma_start3A_46 : memref<128x128xf32, #tpu.memory_space<hbm>>) target(%dma_start3A_44 : memref<128x128xf32, #tpu.memory_space<vmem>>) target_semaphore(%dma_start3A_40 : memref<!tpu.dma_semaphore, #tpu.memory_space<semaphore_mem>>)
    %add3A_47 = arith.constant 0 : i32
    %add3A_48 = arith.addi %add3A_47, %mul3A_10 : i32
    %add3A_49 = arith.constant 128 : i32
    %add3A_50 = arith.addi %add3A_48, %add3A_49 : i32
    %dma_start3A_51 = arith.constant 1 : i32
    %dma_start3A_52 = arith.constant 1 : i32
    %dma_start3A_53 = arith.constant 1 : i32
    %dma_start3A_54 = arith.constant 0 : i32
    %dma_start3A_55 = tpu.memref_slice %arg6[%dma_start3A_52, %dma_start3A_54] : memref<2x128xi32, #tpu.memory_space<vmem>> -> memref<1x128xi32, #tpu.memory_space<vmem>>
    %dma_start3A_56 = tpu.memref_squeeze %dma_start3A_55 : memref<1x128xi32, #tpu.memory_space<vmem>> -> memref<128xi32, #tpu.memory_space<vmem>>
    %dma_start3A_57 = tpu.memref_slice %arg2[%dma_start3A_51, %add3A_50] : memref<2x320000xi32, #tpu.memory_space<hbm>> -> memref<1x128xi32, #tpu.memory_space<hbm>>
    %dma_start3A_58 = tpu.memref_squeeze %dma_start3A_57 : memref<1x128xi32, #tpu.memory_space<hbm>> -> memref<128xi32, #tpu.memory_space<hbm>>
    %dma_start3A_59 = tpu.memref_slice %arg9[%dma_start3A_53] : memref<2x!tpu.dma_semaphore, #tpu.memory_space<semaphore_mem>> -> memref<1x!tpu.dma_semaphore, #tpu.memory_space<semaphore_mem>>
    %dma_start3A_60 = tpu.memref_squeeze %dma_start3A_59 : memref<1x!tpu.dma_semaphore, #tpu.memory_space<semaphore_mem>> -> memref<!tpu.dma_semaphore, #tpu.memory_space<semaphore_mem>>
    %dma_start3A_61 = arith.constant 0 : i32
    %dma_start3A_62 = tpu.memref_slice %arg6[%dma_start3A_52, %dma_start3A_61] : memref<2x128xi32, #tpu.memory_space<vmem>> -> memref<1x128xi32, #tpu.memory_space<vmem>>
    %dma_start3A_63 = tpu.memref_squeeze %dma_start3A_62 : memref<1x128xi32, #tpu.memory_space<vmem>> -> memref<128xi32, #tpu.memory_space<vmem>>
    %dma_start3A_64 = tpu.memref_slice %arg2[%dma_start3A_51, %add3A_50] : memref<2x320000xi32, #tpu.memory_space<hbm>> -> memref<1x128xi32, #tpu.memory_space<hbm>>
    %dma_start3A_65 = tpu.memref_squeeze %dma_start3A_64 : memref<1x128xi32, #tpu.memory_space<hbm>> -> memref<128xi32, #tpu.memory_space<hbm>>
    tpu.enqueue_dma source(%dma_start3A_65 : memref<128xi32, #tpu.memory_space<hbm>>) target(%dma_start3A_63 : memref<128xi32, #tpu.memory_space<vmem>>) target_semaphore(%dma_start3A_60 : memref<!tpu.dma_semaphore, #tpu.memory_space<semaphore_mem>>)
    %add3A_66 = arith.constant 128 : i32
    %add3A_67 = arith.addi %mul3A_10, %add3A_66 : i32
    %dma_start3A_68 = arith.constant 1 : i32
    %dma_start3A_69 = arith.constant 1 : i32
    %dma_start3A_70 = arith.constant 0 : i32
    %dma_start3A_71 = arith.constant 0 : i32
    %dma_start3A_72 = tpu.memref_slice %arg7[%dma_start3A_68, %dma_start3A_70, %dma_start3A_71] : memref<2x128x128xf32, #tpu.memory_space<vmem>> -> memref<1x128x128xf32, #tpu.memory_space<vmem>>
    %dma_start3A_73 = tpu.memref_squeeze %dma_start3A_72 : memref<1x128x128xf32, #tpu.memory_space<vmem>> -> memref<128x128xf32, #tpu.memory_space<vmem>>
    %dma_start3A_74 = arith.constant 0 : i32
    %dma_start3A_75 = tpu.memref_slice %arg3[%add3A_67, %dma_start3A_74] : memref<158720x128xf32, #tpu.memory_space<hbm>> -> memref<128x128xf32, #tpu.memory_space<hbm>>
    %dma_start3A_76 = tpu.memref_slice %arg10[%dma_start3A_69] : memref<2x!tpu.dma_semaphore, #tpu.memory_space<semaphore_mem>> -> memref<1x!tpu.dma_semaphore, #tpu.memory_space<semaphore_mem>>
    %dma_start3A_77 = tpu.memref_squeeze %dma_start3A_76 : memref<1x!tpu.dma_semaphore, #tpu.memory_space<semaphore_mem>> -> memref<!tpu.dma_semaphore, #tpu.memory_space<semaphore_mem>>
    %dma_start3A_78 = arith.constant 0 : i32
    %dma_start3A_79 = arith.constant 0 : i32
    %dma_start3A_80 = tpu.memref_slice %arg7[%dma_start3A_68, %dma_start3A_78, %dma_start3A_79] : memref<2x128x128xf32, #tpu.memory_space<vmem>> -> memref<1x128x128xf32, #tpu.memory_space<vmem>>
    %dma_start3A_81 = tpu.memref_squeeze %dma_start3A_80 : memref<1x128x128xf32, #tpu.memory_space<vmem>> -> memref<128x128xf32, #tpu.memory_space<vmem>>
    %dma_start3A_82 = arith.constant 0 : i32
    %dma_start3A_83 = tpu.memref_slice %arg3[%add3A_67, %dma_start3A_82] : memref<158720x128xf32, #tpu.memory_space<hbm>> -> memref<128x128xf32, #tpu.memory_space<hbm>>
    tpu.enqueue_dma source(%dma_start3A_83 : memref<128x128xf32, #tpu.memory_space<hbm>>) target(%dma_start3A_81 : memref<128x128xf32, #tpu.memory_space<vmem>>) target_semaphore(%dma_start3A_77 : memref<!tpu.dma_semaphore, #tpu.memory_space<semaphore_mem>>)
    %mul3A_84 = arith.constant 632 : i32
    %mul3A_85 = arith.muli %arg1, %mul3A_84 : i32
    "tpu.region"() ({
      %run_scoped3A = tpu.sem_alloc : memref<!tpu.dma_semaphore, #tpu.memory_space<semaphore_mem>>
      %dma_start3A_100 = arith.constant 0 : i32
      %dma_start3A_101 = tpu.memref_slice %arg8[%mul3A_85, %dma_start3A_100] : memref<10112x128xf32, #tpu.memory_space<vmem_shared>> -> memref<632x128xf32, #tpu.memory_space<vmem_shared>>
      tpu.enqueue_dma source(%arg4 : memref<632x128xf32, #tpu.memory_space<hbm>>) target(%dma_start3A_101 : memref<632x128xf32, #tpu.memory_space<vmem_shared>>) target_semaphore(%run_scoped3A : memref<!tpu.dma_semaphore, #tpu.memory_space<semaphore_mem>>)
      %dma_wait3A = arith.constant 0 : i32
      %dma_wait3A_102 = tpu.memref_slice %arg8[%mul3A_85, %dma_wait3A] : memref<10112x128xf32, #tpu.memory_space<vmem_shared>> -> memref<632x128xf32, #tpu.memory_space<vmem_shared>>
      tpu.wait_dma2 semaphore(%run_scoped3A : memref<!tpu.dma_semaphore, #tpu.memory_space<semaphore_mem>>) src(%arg4 : memref<632x128xf32, #tpu.memory_space<hbm>>) dst(%dma_wait3A_102 : memref<632x128xf32, #tpu.memory_space<vmem_shared>>)
      tpu.yield
    }) : () -> ()
    %barrier3A = arith.constant 0 : index
    tpu.barrier barrier_id(%barrier3A)
    %while3A = arith.constant 0 : i32
    %while3A_86 = arith.constant 0 : i32
    %while3A_87 = arith.subi %add3A_4, %while3A_86 : i32
    %while3A_88 = arith.addi %while3A_86, %while3A_87 : i32
    %while3A_89 = arith.constant 1 : i32
    %while3A_90 = arith.divsi %while3A_87, %while3A_89 : i32
    %while3A_91 = arith.muli %while3A_90, %while3A_89 : i32
    %while3A_92 = arith.addi %while3A_86, %while3A_91 : i32
    %while3A_93 = arith.constant 1 : i32
    scf.for %while3A_100 = %while3A_86 to %while3A_92 step %while3A_93  : i32 {
      %jit3A_101 = arith.constant 2 : i32
      %eq3A = arith.constant 0 : i32
      %eq3A_102 = arith.cmpi eq, %jit3A_101, %eq3A : i32
      %jit3A_103 = arith.constant 1 : i32
      %select_n3A_104 = arith.select %eq3A_102, %jit3A_103, %jit3A_101 : i32
      %rem3A = arith.remsi %while3A_100, %select_n3A_104 : i32
      %ne3A = arith.constant 0 : i32
      %ne3A_105 = arith.cmpi ne, %rem3A, %ne3A : i32
      %lt3A_106 = arith.constant 0 : i32
      %lt3A_107 = arith.cmpi slt, %rem3A, %lt3A_106 : i32
      %lt3A_108 = arith.constant 0 : i32
      %lt3A_109 = arith.cmpi slt, %select_n3A_104, %lt3A_108 : i32
      %ne3A_110 = arith.xori %lt3A_107, %lt3A_109 : i1
      %and3A = arith.andi %ne3A_110, %ne3A_105 : i1
      %add3A_111 = arith.addi %rem3A, %select_n3A_104 : i32
      %select_n3A_112 = arith.select %and3A, %add3A_111, %rem3A : i32
      %add3A_113 = arith.constant 0 : i32
      %add3A_114 = arith.addi %add3A_113, %mul3A_10 : i32
      %mul3A_115 = arith.constant 128 : i32
      %mul3A_116 = arith.muli %while3A_100, %mul3A_115 : i32
      %add3A_117 = arith.addi %add3A_114, %mul3A_116 : i32
      %dma_wait3A = arith.constant 1 : i32
      %dma_wait3A_118 = arith.constant 0 : i32
      %dma_wait3A_119 = tpu.memref_slice %arg6[%select_n3A_112, %dma_wait3A_118] : memref<2x128xi32, #tpu.memory_space<vmem>> -> memref<1x128xi32, #tpu.memory_space<vmem>>
      %dma_wait3A_120 = tpu.memref_squeeze %dma_wait3A_119 : memref<1x128xi32, #tpu.memory_space<vmem>> -> memref<128xi32, #tpu.memory_space<vmem>>
      %dma_wait3A_121 = tpu.memref_slice %arg2[%dma_wait3A, %add3A_117] : memref<2x320000xi32, #tpu.memory_space<hbm>> -> memref<1x128xi32, #tpu.memory_space<hbm>>
      %dma_wait3A_122 = tpu.memref_squeeze %dma_wait3A_121 : memref<1x128xi32, #tpu.memory_space<hbm>> -> memref<128xi32, #tpu.memory_space<hbm>>
      %dma_wait3A_123 = tpu.memref_slice %arg9[%select_n3A_112] : memref<2x!tpu.dma_semaphore, #tpu.memory_space<semaphore_mem>> -> memref<1x!tpu.dma_semaphore, #tpu.memory_space<semaphore_mem>>
      %dma_wait3A_124 = tpu.memref_squeeze %dma_wait3A_123 : memref<1x!tpu.dma_semaphore, #tpu.memory_space<semaphore_mem>> -> memref<!tpu.dma_semaphore, #tpu.memory_space<semaphore_mem>>
      %dma_wait3A_125 = arith.constant 0 : i32
      %dma_wait3A_126 = tpu.memref_slice %arg6[%select_n3A_112, %dma_wait3A_125] : memref<2x128xi32, #tpu.memory_space<vmem>> -> memref<1x128xi32, #tpu.memory_space<vmem>>
      %dma_wait3A_127 = tpu.memref_squeeze %dma_wait3A_126 : memref<1x128xi32, #tpu.memory_space<vmem>> -> memref<128xi32, #tpu.memory_space<vmem>>
      %dma_wait3A_128 = tpu.memref_slice %arg2[%dma_wait3A, %add3A_117] : memref<2x320000xi32, #tpu.memory_space<hbm>> -> memref<1x128xi32, #tpu.memory_space<hbm>>
      %dma_wait3A_129 = tpu.memref_squeeze %dma_wait3A_128 : memref<1x128xi32, #tpu.memory_space<hbm>> -> memref<128xi32, #tpu.memory_space<hbm>>
      tpu.wait_dma2 semaphore(%dma_wait3A_124 : memref<!tpu.dma_semaphore, #tpu.memory_space<semaphore_mem>>) src(%dma_wait3A_129 : memref<128xi32, #tpu.memory_space<hbm>>) dst(%dma_wait3A_127 : memref<128xi32, #tpu.memory_space<vmem>>)
      %mul3A_130 = arith.constant 128 : i32
      %mul3A_131 = arith.muli %while3A_100, %mul3A_130 : i32
      %add3A_132 = arith.addi %mul3A_10, %mul3A_131 : i32
      %dma_wait3A_133 = arith.constant 0 : i32
      %dma_wait3A_134 = arith.constant 0 : i32
      %dma_wait3A_135 = tpu.memref_slice %arg7[%select_n3A_112, %dma_wait3A_133, %dma_wait3A_134] : memref<2x128x128xf32, #tpu.memory_space<vmem>> -> memref<1x128x128xf32, #tpu.memory_space<vmem>>
      %dma_wait3A_136 = tpu.memref_squeeze %dma_wait3A_135 : memref<1x128x128xf32, #tpu.memory_space<vmem>> -> memref<128x128xf32, #tpu.memory_space<vmem>>
      %dma_wait3A_137 = arith.constant 0 : i32
      %dma_wait3A_138 = tpu.memref_slice %arg3[%add3A_132, %dma_wait3A_137] : memref<158720x128xf32, #tpu.memory_space<hbm>> -> memref<128x128xf32, #tpu.memory_space<hbm>>
      %dma_wait3A_139 = tpu.memref_slice %arg10[%select_n3A_112] : memref<2x!tpu.dma_semaphore, #tpu.memory_space<semaphore_mem>> -> memref<1x!tpu.dma_semaphore, #tpu.memory_space<semaphore_mem>>
      %dma_wait3A_140 = tpu.memref_squeeze %dma_wait3A_139 : memref<1x!tpu.dma_semaphore, #tpu.memory_space<semaphore_mem>> -> memref<!tpu.dma_semaphore, #tpu.memory_space<semaphore_mem>>
      %dma_wait3A_141 = arith.constant 0 : i32
      %dma_wait3A_142 = arith.constant 0 : i32
      %dma_wait3A_143 = tpu.memref_slice %arg7[%select_n3A_112, %dma_wait3A_141, %dma_wait3A_142] : memref<2x128x128xf32, #tpu.memory_space<vmem>> -> memref<1x128x128xf32, #tpu.memory_space<vmem>>
      %dma_wait3A_144 = tpu.memref_squeeze %dma_wait3A_143 : memref<1x128x128xf32, #tpu.memory_space<vmem>> -> memref<128x128xf32, #tpu.memory_space<vmem>>
      %dma_wait3A_145 = arith.constant 0 : i32
      %dma_wait3A_146 = tpu.memref_slice %arg3[%add3A_132, %dma_wait3A_145] : memref<158720x128xf32, #tpu.memory_space<hbm>> -> memref<128x128xf32, #tpu.memory_space<hbm>>
      tpu.wait_dma2 semaphore(%dma_wait3A_140 : memref<!tpu.dma_semaphore, #tpu.memory_space<semaphore_mem>>) src(%dma_wait3A_146 : memref<128x128xf32, #tpu.memory_space<hbm>>) dst(%dma_wait3A_144 : memref<128x128xf32, #tpu.memory_space<vmem>>)
      "tpu.region"() ({
        %run_scoped3A = tpu.sem_alloc : memref<!tpu.dma_semaphore, #tpu.memory_space<semaphore_mem>>
        %dma_start3A_151 = arith.constant 0 : i32
        %dma_start3A_152 = arith.constant 0 : i32
        %dma_start3A_153 = tpu.memref_slice %arg7[%select_n3A_112, %dma_start3A_151, %dma_start3A_152] : memref<2x128x128xf32, #tpu.memory_space<vmem>> -> memref<1x128x128xf32, #tpu.memory_space<vmem>>
        %dma_start3A_154 = tpu.memref_squeeze %dma_start3A_153 : memref<1x128x128xf32, #tpu.memory_space<vmem>> -> memref<128x128xf32, #tpu.memory_space<vmem>>
        %dma_start3A_155 = arith.constant 0 : i32
        %dma_start3A_156 = tpu.memref_slice %arg6[%select_n3A_112, %dma_start3A_155] : memref<2x128xi32, #tpu.memory_space<vmem>> -> memref<1x128xi32, #tpu.memory_space<vmem>>
        %dma_start3A_157 = tpu.memref_squeeze %dma_start3A_156 : memref<1x128xi32, #tpu.memory_space<vmem>> -> memref<128xi32, #tpu.memory_space<vmem>>
        %dma_start3A_158 = arith.constant 0 : i32
        %dma_start3A_159 = arith.constant 0 : i32
        %dma_start3A_160 = tpu.memref_slice %arg8[%dma_start3A_158, %dma_start3A_159] : memref<10112x128xf32, #tpu.memory_space<vmem_shared>> -> memref<10112x128xf32, #tpu.memory_space<vmem_shared>>
        tpu.enqueue_indirect_dma source(%dma_start3A_154 : memref<128x128xf32, #tpu.memory_space<vmem>>) target(%dma_start3A_160 : memref<10112x128xf32, #tpu.memory_space<vmem_shared>>) offsets(%dma_start3A_157 : memref<128xi32, #tpu.memory_space<vmem>>) semaphore(%run_scoped3A : memref<!tpu.dma_semaphore, #tpu.memory_space<semaphore_mem>>) {add = true}
        %dma_wait3A_161 = arith.constant 0 : i32
        %dma_wait3A_162 = arith.constant 0 : i32
        %dma_wait3A_163 = tpu.memref_slice %arg7[%select_n3A_112, %dma_wait3A_161, %dma_wait3A_162] : memref<2x128x128xf32, #tpu.memory_space<vmem>> -> memref<1x128x128xf32, #tpu.memory_space<vmem>>
        %dma_wait3A_164 = tpu.memref_squeeze %dma_wait3A_163 : memref<1x128x128xf32, #tpu.memory_space<vmem>> -> memref<128x128xf32, #tpu.memory_space<vmem>>
        %dma_wait3A_165 = arith.constant 0 : i32
        %dma_wait3A_166 = tpu.memref_slice %arg6[%select_n3A_112, %dma_wait3A_165] : memref<2x128xi32, #tpu.memory_space<vmem>> -> memref<1x128xi32, #tpu.memory_space<vmem>>
        %dma_wait3A_167 = tpu.memref_squeeze %dma_wait3A_166 : memref<1x128xi32, #tpu.memory_space<vmem>> -> memref<128xi32, #tpu.memory_space<vmem>>
        %dma_wait3A_168 = arith.constant 0 : i32
        %dma_wait3A_169 = arith.constant 0 : i32
        %dma_wait3A_170 = tpu.memref_slice %arg8[%dma_wait3A_168, %dma_wait3A_169] : memref<10112x128xf32, #tpu.memory_space<vmem_shared>> -> memref<10112x128xf32, #tpu.memory_space<vmem_shared>>
        tpu.wait_indirect_dma semaphore(%run_scoped3A : memref<!tpu.dma_semaphore, #tpu.memory_space<semaphore_mem>>) src(%dma_wait3A_164 : memref<128x128xf32, #tpu.memory_space<vmem>>) dst(%dma_wait3A_170 : memref<10112x128xf32, #tpu.memory_space<vmem_shared>>)
        tpu.yield
      }) : () -> ()
      %add3A_147 = arith.constant 2 : i32
      %add3A_148 = arith.addi %while3A_100, %add3A_147 : i32
      %lt3A_149 = arith.cmpi slt, %add3A_148, %add3A_4 : i32
      %convert_element_type3A = arith.extui %lt3A_149 : i1 to i32
      %cond3A = arith.constant 0 : i32
      %cond3A_150 = arith.cmpi ne, %convert_element_type3A, %cond3A : i32
      scf.if %cond3A_150 {
        %add3A_151 = arith.constant 2 : i32
        %add3A_152 = arith.addi %while3A_100, %add3A_151 : i32
        %add3A_153 = arith.constant 0 : i32
        %add3A_154 = arith.addi %add3A_153, %mul3A_10 : i32
        %mul3A_155 = arith.constant 128 : i32
        %mul3A_156 = arith.muli %add3A_152, %mul3A_155 : i32
        %add3A_157 = arith.addi %add3A_154, %mul3A_156 : i32
        %dma_start3A_158 = arith.constant 1 : i32
        %dma_start3A_159 = arith.constant 0 : i32
        %dma_start3A_160 = tpu.memref_slice %arg6[%select_n3A_112, %dma_start3A_159] : memref<2x128xi32, #tpu.memory_space<vmem>> -> memref<1x128xi32, #tpu.memory_space<vmem>>
        %dma_start3A_161 = tpu.memref_squeeze %dma_start3A_160 : memref<1x128xi32, #tpu.memory_space<vmem>> -> memref<128xi32, #tpu.memory_space<vmem>>
        %dma_start3A_162 = tpu.memref_slice %arg2[%dma_start3A_158, %add3A_157] : memref<2x320000xi32, #tpu.memory_space<hbm>> -> memref<1x128xi32, #tpu.memory_space<hbm>>
        %dma_start3A_163 = tpu.memref_squeeze %dma_start3A_162 : memref<1x128xi32, #tpu.memory_space<hbm>> -> memref<128xi32, #tpu.memory_space<hbm>>
        %dma_start3A_164 = tpu.memref_slice %arg9[%select_n3A_112] : memref<2x!tpu.dma_semaphore, #tpu.memory_space<semaphore_mem>> -> memref<1x!tpu.dma_semaphore, #tpu.memory_space<semaphore_mem>>
        %dma_start3A_165 = tpu.memref_squeeze %dma_start3A_164 : memref<1x!tpu.dma_semaphore, #tpu.memory_space<semaphore_mem>> -> memref<!tpu.dma_semaphore, #tpu.memory_space<semaphore_mem>>
        %dma_start3A_166 = arith.constant 0 : i32
        %dma_start3A_167 = tpu.memref_slice %arg6[%select_n3A_112, %dma_start3A_166] : memref<2x128xi32, #tpu.memory_space<vmem>> -> memref<1x128xi32, #tpu.memory_space<vmem>>
        %dma_start3A_168 = tpu.memref_squeeze %dma_start3A_167 : memref<1x128xi32, #tpu.memory_space<vmem>> -> memref<128xi32, #tpu.memory_space<vmem>>
        %dma_start3A_169 = tpu.memref_slice %arg2[%dma_start3A_158, %add3A_157] : memref<2x320000xi32, #tpu.memory_space<hbm>> -> memref<1x128xi32, #tpu.memory_space<hbm>>
        %dma_start3A_170 = tpu.memref_squeeze %dma_start3A_169 : memref<1x128xi32, #tpu.memory_space<hbm>> -> memref<128xi32, #tpu.memory_space<hbm>>
        tpu.enqueue_dma source(%dma_start3A_170 : memref<128xi32, #tpu.memory_space<hbm>>) target(%dma_start3A_168 : memref<128xi32, #tpu.memory_space<vmem>>) target_semaphore(%dma_start3A_165 : memref<!tpu.dma_semaphore, #tpu.memory_space<semaphore_mem>>)
        %add3A_171 = arith.constant 2 : i32
        %add3A_172 = arith.addi %while3A_100, %add3A_171 : i32
        %mul3A_173 = arith.constant 128 : i32
        %mul3A_174 = arith.muli %add3A_172, %mul3A_173 : i32
        %add3A_175 = arith.addi %mul3A_10, %mul3A_174 : i32
        %dma_start3A_176 = arith.constant 0 : i32
        %dma_start3A_177 = arith.constant 0 : i32
        %dma_start3A_178 = tpu.memref_slice %arg7[%select_n3A_112, %dma_start3A_176, %dma_start3A_177] : memref<2x128x128xf32, #tpu.memory_space<vmem>> -> memref<1x128x128xf32, #tpu.memory_space<vmem>>
        %dma_start3A_179 = tpu.memref_squeeze %dma_start3A_178 : memref<1x128x128xf32, #tpu.memory_space<vmem>> -> memref<128x128xf32, #tpu.memory_space<vmem>>
        %dma_start3A_180 = arith.constant 0 : i32
        %dma_start3A_181 = tpu.memref_slice %arg3[%add3A_175, %dma_start3A_180] : memref<158720x128xf32, #tpu.memory_space<hbm>> -> memref<128x128xf32, #tpu.memory_space<hbm>>
        %dma_start3A_182 = tpu.memref_slice %arg10[%select_n3A_112] : memref<2x!tpu.dma_semaphore, #tpu.memory_space<semaphore_mem>> -> memref<1x!tpu.dma_semaphore, #tpu.memory_space<semaphore_mem>>
        %dma_start3A_183 = tpu.memref_squeeze %dma_start3A_182 : memref<1x!tpu.dma_semaphore, #tpu.memory_space<semaphore_mem>> -> memref<!tpu.dma_semaphore, #tpu.memory_space<semaphore_mem>>
        %dma_start3A_184 = arith.constant 0 : i32
        %dma_start3A_185 = arith.constant 0 : i32
        %dma_start3A_186 = tpu.memref_slice %arg7[%select_n3A_112, %dma_start3A_184, %dma_start3A_185] : memref<2x128x128xf32, #tpu.memory_space<vmem>> -> memref<1x128x128xf32, #tpu.memory_space<vmem>>
        %dma_start3A_187 = tpu.memref_squeeze %dma_start3A_186 : memref<1x128x128xf32, #tpu.memory_space<vmem>> -> memref<128x128xf32, #tpu.memory_space<vmem>>
        %dma_start3A_188 = arith.constant 0 : i32
        %dma_start3A_189 = tpu.memref_slice %arg3[%add3A_175, %dma_start3A_188] : memref<158720x128xf32, #tpu.memory_space<hbm>> -> memref<128x128xf32, #tpu.memory_space<hbm>>
        tpu.enqueue_dma source(%dma_start3A_189 : memref<128x128xf32, #tpu.memory_space<hbm>>) target(%dma_start3A_187 : memref<128x128xf32, #tpu.memory_space<vmem>>) target_semaphore(%dma_start3A_183 : memref<!tpu.dma_semaphore, #tpu.memory_space<semaphore_mem>>)
      } else {
      }
    }
    %while3A_94 = arith.constant 1 : i32
    scf.for %while3A_100 = %while3A_92 to %while3A_88 step %while3A_94  : i32 {
      %jit3A_101 = arith.constant 2 : i32
      %eq3A = arith.constant 0 : i32
      %eq3A_102 = arith.cmpi eq, %jit3A_101, %eq3A : i32
      %jit3A_103 = arith.constant 1 : i32
      %select_n3A_104 = arith.select %eq3A_102, %jit3A_103, %jit3A_101 : i32
      %rem3A = arith.remsi %while3A_100, %select_n3A_104 : i32
      %ne3A = arith.constant 0 : i32
      %ne3A_105 = arith.cmpi ne, %rem3A, %ne3A : i32
      %lt3A_106 = arith.constant 0 : i32
      %lt3A_107 = arith.cmpi slt, %rem3A, %lt3A_106 : i32
      %lt3A_108 = arith.constant 0 : i32
      %lt3A_109 = arith.cmpi slt, %select_n3A_104, %lt3A_108 : i32
      %ne3A_110 = arith.xori %lt3A_107, %lt3A_109 : i1
      %and3A = arith.andi %ne3A_110, %ne3A_105 : i1
      %add3A_111 = arith.addi %rem3A, %select_n3A_104 : i32
      %select_n3A_112 = arith.select %and3A, %add3A_111, %rem3A : i32
      %add3A_113 = arith.constant 0 : i32
      %add3A_114 = arith.addi %add3A_113, %mul3A_10 : i32
      %mul3A_115 = arith.constant 128 : i32
      %mul3A_116 = arith.muli %while3A_100, %mul3A_115 : i32
      %add3A_117 = arith.addi %add3A_114, %mul3A_116 : i32
      %dma_wait3A = arith.constant 1 : i32
      %dma_wait3A_118 = arith.constant 0 : i32
      %dma_wait3A_119 = tpu.memref_slice %arg6[%select_n3A_112, %dma_wait3A_118] : memref<2x128xi32, #tpu.memory_space<vmem>> -> memref<1x128xi32, #tpu.memory_space<vmem>>
      %dma_wait3A_120 = tpu.memref_squeeze %dma_wait3A_119 : memref<1x128xi32, #tpu.memory_space<vmem>> -> memref<128xi32, #tpu.memory_space<vmem>>
      %dma_wait3A_121 = tpu.memref_slice %arg2[%dma_wait3A, %add3A_117] : memref<2x320000xi32, #tpu.memory_space<hbm>> -> memref<1x128xi32, #tpu.memory_space<hbm>>
      %dma_wait3A_122 = tpu.memref_squeeze %dma_wait3A_121 : memref<1x128xi32, #tpu.memory_space<hbm>> -> memref<128xi32, #tpu.memory_space<hbm>>
      %dma_wait3A_123 = tpu.memref_slice %arg9[%select_n3A_112] : memref<2x!tpu.dma_semaphore, #tpu.memory_space<semaphore_mem>> -> memref<1x!tpu.dma_semaphore, #tpu.memory_space<semaphore_mem>>
      %dma_wait3A_124 = tpu.memref_squeeze %dma_wait3A_123 : memref<1x!tpu.dma_semaphore, #tpu.memory_space<semaphore_mem>> -> memref<!tpu.dma_semaphore, #tpu.memory_space<semaphore_mem>>
      %dma_wait3A_125 = arith.constant 0 : i32
      %dma_wait3A_126 = tpu.memref_slice %arg6[%select_n3A_112, %dma_wait3A_125] : memref<2x128xi32, #tpu.memory_space<vmem>> -> memref<1x128xi32, #tpu.memory_space<vmem>>
      %dma_wait3A_127 = tpu.memref_squeeze %dma_wait3A_126 : memref<1x128xi32, #tpu.memory_space<vmem>> -> memref<128xi32, #tpu.memory_space<vmem>>
      %dma_wait3A_128 = tpu.memref_slice %arg2[%dma_wait3A, %add3A_117] : memref<2x320000xi32, #tpu.memory_space<hbm>> -> memref<1x128xi32, #tpu.memory_space<hbm>>
      %dma_wait3A_129 = tpu.memref_squeeze %dma_wait3A_128 : memref<1x128xi32, #tpu.memory_space<hbm>> -> memref<128xi32, #tpu.memory_space<hbm>>
      tpu.wait_dma2 semaphore(%dma_wait3A_124 : memref<!tpu.dma_semaphore, #tpu.memory_space<semaphore_mem>>) src(%dma_wait3A_129 : memref<128xi32, #tpu.memory_space<hbm>>) dst(%dma_wait3A_127 : memref<128xi32, #tpu.memory_space<vmem>>)
      %mul3A_130 = arith.constant 128 : i32
      %mul3A_131 = arith.muli %while3A_100, %mul3A_130 : i32
      %add3A_132 = arith.addi %mul3A_10, %mul3A_131 : i32
      %dma_wait3A_133 = arith.constant 0 : i32
      %dma_wait3A_134 = arith.constant 0 : i32
      %dma_wait3A_135 = tpu.memref_slice %arg7[%select_n3A_112, %dma_wait3A_133, %dma_wait3A_134] : memref<2x128x128xf32, #tpu.memory_space<vmem>> -> memref<1x128x128xf32, #tpu.memory_space<vmem>>
      %dma_wait3A_136 = tpu.memref_squeeze %dma_wait3A_135 : memref<1x128x128xf32, #tpu.memory_space<vmem>> -> memref<128x128xf32, #tpu.memory_space<vmem>>
      %dma_wait3A_137 = arith.constant 0 : i32
      %dma_wait3A_138 = tpu.memref_slice %arg3[%add3A_132, %dma_wait3A_137] : memref<158720x128xf32, #tpu.memory_space<hbm>> -> memref<128x128xf32, #tpu.memory_space<hbm>>
      %dma_wait3A_139 = tpu.memref_slice %arg10[%select_n3A_112] : memref<2x!tpu.dma_semaphore, #tpu.memory_space<semaphore_mem>> -> memref<1x!tpu.dma_semaphore, #tpu.memory_space<semaphore_mem>>
      %dma_wait3A_140 = tpu.memref_squeeze %dma_wait3A_139 : memref<1x!tpu.dma_semaphore, #tpu.memory_space<semaphore_mem>> -> memref<!tpu.dma_semaphore, #tpu.memory_space<semaphore_mem>>
      %dma_wait3A_141 = arith.constant 0 : i32
      %dma_wait3A_142 = arith.constant 0 : i32
      %dma_wait3A_143 = tpu.memref_slice %arg7[%select_n3A_112, %dma_wait3A_141, %dma_wait3A_142] : memref<2x128x128xf32, #tpu.memory_space<vmem>> -> memref<1x128x128xf32, #tpu.memory_space<vmem>>
      %dma_wait3A_144 = tpu.memref_squeeze %dma_wait3A_143 : memref<1x128x128xf32, #tpu.memory_space<vmem>> -> memref<128x128xf32, #tpu.memory_space<vmem>>
      %dma_wait3A_145 = arith.constant 0 : i32
      %dma_wait3A_146 = tpu.memref_slice %arg3[%add3A_132, %dma_wait3A_145] : memref<158720x128xf32, #tpu.memory_space<hbm>> -> memref<128x128xf32, #tpu.memory_space<hbm>>
      tpu.wait_dma2 semaphore(%dma_wait3A_140 : memref<!tpu.dma_semaphore, #tpu.memory_space<semaphore_mem>>) src(%dma_wait3A_146 : memref<128x128xf32, #tpu.memory_space<hbm>>) dst(%dma_wait3A_144 : memref<128x128xf32, #tpu.memory_space<vmem>>)
      "tpu.region"() ({
        %run_scoped3A = tpu.sem_alloc : memref<!tpu.dma_semaphore, #tpu.memory_space<semaphore_mem>>
        %dma_start3A_151 = arith.constant 0 : i32
        %dma_start3A_152 = arith.constant 0 : i32
        %dma_start3A_153 = tpu.memref_slice %arg7[%select_n3A_112, %dma_start3A_151, %dma_start3A_152] : memref<2x128x128xf32, #tpu.memory_space<vmem>> -> memref<1x128x128xf32, #tpu.memory_space<vmem>>
        %dma_start3A_154 = tpu.memref_squeeze %dma_start3A_153 : memref<1x128x128xf32, #tpu.memory_space<vmem>> -> memref<128x128xf32, #tpu.memory_space<vmem>>
        %dma_start3A_155 = arith.constant 0 : i32
        %dma_start3A_156 = tpu.memref_slice %arg6[%select_n3A_112, %dma_start3A_155] : memref<2x128xi32, #tpu.memory_space<vmem>> -> memref<1x128xi32, #tpu.memory_space<vmem>>
        %dma_start3A_157 = tpu.memref_squeeze %dma_start3A_156 : memref<1x128xi32, #tpu.memory_space<vmem>> -> memref<128xi32, #tpu.memory_space<vmem>>
        %dma_start3A_158 = arith.constant 0 : i32
        %dma_start3A_159 = arith.constant 0 : i32
        %dma_start3A_160 = tpu.memref_slice %arg8[%dma_start3A_158, %dma_start3A_159] : memref<10112x128xf32, #tpu.memory_space<vmem_shared>> -> memref<10112x128xf32, #tpu.memory_space<vmem_shared>>
        tpu.enqueue_indirect_dma source(%dma_start3A_154 : memref<128x128xf32, #tpu.memory_space<vmem>>) target(%dma_start3A_160 : memref<10112x128xf32, #tpu.memory_space<vmem_shared>>) offsets(%dma_start3A_157 : memref<128xi32, #tpu.memory_space<vmem>>) semaphore(%run_scoped3A : memref<!tpu.dma_semaphore, #tpu.memory_space<semaphore_mem>>) {add = true}
        %dma_wait3A_161 = arith.constant 0 : i32
        %dma_wait3A_162 = arith.constant 0 : i32
        %dma_wait3A_163 = tpu.memref_slice %arg7[%select_n3A_112, %dma_wait3A_161, %dma_wait3A_162] : memref<2x128x128xf32, #tpu.memory_space<vmem>> -> memref<1x128x128xf32, #tpu.memory_space<vmem>>
        %dma_wait3A_164 = tpu.memref_squeeze %dma_wait3A_163 : memref<1x128x128xf32, #tpu.memory_space<vmem>> -> memref<128x128xf32, #tpu.memory_space<vmem>>
        %dma_wait3A_165 = arith.constant 0 : i32
        %dma_wait3A_166 = tpu.memref_slice %arg6[%select_n3A_112, %dma_wait3A_165] : memref<2x128xi32, #tpu.memory_space<vmem>> -> memref<1x128xi32, #tpu.memory_space<vmem>>
        %dma_wait3A_167 = tpu.memref_squeeze %dma_wait3A_166 : memref<1x128xi32, #tpu.memory_space<vmem>> -> memref<128xi32, #tpu.memory_space<vmem>>
        %dma_wait3A_168 = arith.constant 0 : i32
        %dma_wait3A_169 = arith.constant 0 : i32
        %dma_wait3A_170 = tpu.memref_slice %arg8[%dma_wait3A_168, %dma_wait3A_169] : memref<10112x128xf32, #tpu.memory_space<vmem_shared>> -> memref<10112x128xf32, #tpu.memory_space<vmem_shared>>
        tpu.wait_indirect_dma semaphore(%run_scoped3A : memref<!tpu.dma_semaphore, #tpu.memory_space<semaphore_mem>>) src(%dma_wait3A_164 : memref<128x128xf32, #tpu.memory_space<vmem>>) dst(%dma_wait3A_170 : memref<10112x128xf32, #tpu.memory_space<vmem_shared>>)
        tpu.yield
      }) : () -> ()
      %add3A_147 = arith.constant 2 : i32
      %add3A_148 = arith.addi %while3A_100, %add3A_147 : i32
      %lt3A_149 = arith.cmpi slt, %add3A_148, %add3A_4 : i32
      %convert_element_type3A = arith.extui %lt3A_149 : i1 to i32
      %cond3A = arith.constant 0 : i32
      %cond3A_150 = arith.cmpi ne, %convert_element_type3A, %cond3A : i32
      scf.if %cond3A_150 {
        %add3A_151 = arith.constant 2 : i32
        %add3A_152 = arith.addi %while3A_100, %add3A_151 : i32
        %add3A_153 = arith.constant 0 : i32
        %add3A_154 = arith.addi %add3A_153, %mul3A_10 : i32
        %mul3A_155 = arith.constant 128 : i32
        %mul3A_156 = arith.muli %add3A_152, %mul3A_155 : i32
        %add3A_157 = arith.addi %add3A_154, %mul3A_156 : i32
        %dma_start3A_158 = arith.constant 1 : i32
        %dma_start3A_159 = arith.constant 0 : i32
        %dma_start3A_160 = tpu.memref_slice %arg6[%select_n3A_112, %dma_start3A_159] : memref<2x128xi32, #tpu.memory_space<vmem>> -> memref<1x128xi32, #tpu.memory_space<vmem>>
        %dma_start3A_161 = tpu.memref_squeeze %dma_start3A_160 : memref<1x128xi32, #tpu.memory_space<vmem>> -> memref<128xi32, #tpu.memory_space<vmem>>
        %dma_start3A_162 = tpu.memref_slice %arg2[%dma_start3A_158, %add3A_157] : memref<2x320000xi32, #tpu.memory_space<hbm>> -> memref<1x128xi32, #tpu.memory_space<hbm>>
        %dma_start3A_163 = tpu.memref_squeeze %dma_start3A_162 : memref<1x128xi32, #tpu.memory_space<hbm>> -> memref<128xi32, #tpu.memory_space<hbm>>
        %dma_start3A_164 = tpu.memref_slice %arg9[%select_n3A_112] : memref<2x!tpu.dma_semaphore, #tpu.memory_space<semaphore_mem>> -> memref<1x!tpu.dma_semaphore, #tpu.memory_space<semaphore_mem>>
        %dma_start3A_165 = tpu.memref_squeeze %dma_start3A_164 : memref<1x!tpu.dma_semaphore, #tpu.memory_space<semaphore_mem>> -> memref<!tpu.dma_semaphore, #tpu.memory_space<semaphore_mem>>
        %dma_start3A_166 = arith.constant 0 : i32
        %dma_start3A_167 = tpu.memref_slice %arg6[%select_n3A_112, %dma_start3A_166] : memref<2x128xi32, #tpu.memory_space<vmem>> -> memref<1x128xi32, #tpu.memory_space<vmem>>
        %dma_start3A_168 = tpu.memref_squeeze %dma_start3A_167 : memref<1x128xi32, #tpu.memory_space<vmem>> -> memref<128xi32, #tpu.memory_space<vmem>>
        %dma_start3A_169 = tpu.memref_slice %arg2[%dma_start3A_158, %add3A_157] : memref<2x320000xi32, #tpu.memory_space<hbm>> -> memref<1x128xi32, #tpu.memory_space<hbm>>
        %dma_start3A_170 = tpu.memref_squeeze %dma_start3A_169 : memref<1x128xi32, #tpu.memory_space<hbm>> -> memref<128xi32, #tpu.memory_space<hbm>>
        tpu.enqueue_dma source(%dma_start3A_170 : memref<128xi32, #tpu.memory_space<hbm>>) target(%dma_start3A_168 : memref<128xi32, #tpu.memory_space<vmem>>) target_semaphore(%dma_start3A_165 : memref<!tpu.dma_semaphore, #tpu.memory_space<semaphore_mem>>)
        %add3A_171 = arith.constant 2 : i32
        %add3A_172 = arith.addi %while3A_100, %add3A_171 : i32
        %mul3A_173 = arith.constant 128 : i32
        %mul3A_174 = arith.muli %add3A_172, %mul3A_173 : i32
        %add3A_175 = arith.addi %mul3A_10, %mul3A_174 : i32
        %dma_start3A_176 = arith.constant 0 : i32
        %dma_start3A_177 = arith.constant 0 : i32
        %dma_start3A_178 = tpu.memref_slice %arg7[%select_n3A_112, %dma_start3A_176, %dma_start3A_177] : memref<2x128x128xf32, #tpu.memory_space<vmem>> -> memref<1x128x128xf32, #tpu.memory_space<vmem>>
        %dma_start3A_179 = tpu.memref_squeeze %dma_start3A_178 : memref<1x128x128xf32, #tpu.memory_space<vmem>> -> memref<128x128xf32, #tpu.memory_space<vmem>>
        %dma_start3A_180 = arith.constant 0 : i32
        %dma_start3A_181 = tpu.memref_slice %arg3[%add3A_175, %dma_start3A_180] : memref<158720x128xf32, #tpu.memory_space<hbm>> -> memref<128x128xf32, #tpu.memory_space<hbm>>
        %dma_start3A_182 = tpu.memref_slice %arg10[%select_n3A_112] : memref<2x!tpu.dma_semaphore, #tpu.memory_space<semaphore_mem>> -> memref<1x!tpu.dma_semaphore, #tpu.memory_space<semaphore_mem>>
        %dma_start3A_183 = tpu.memref_squeeze %dma_start3A_182 : memref<1x!tpu.dma_semaphore, #tpu.memory_space<semaphore_mem>> -> memref<!tpu.dma_semaphore, #tpu.memory_space<semaphore_mem>>
        %dma_start3A_184 = arith.constant 0 : i32
        %dma_start3A_185 = arith.constant 0 : i32
        %dma_start3A_186 = tpu.memref_slice %arg7[%select_n3A_112, %dma_start3A_184, %dma_start3A_185] : memref<2x128x128xf32, #tpu.memory_space<vmem>> -> memref<1x128x128xf32, #tpu.memory_space<vmem>>
        %dma_start3A_187 = tpu.memref_squeeze %dma_start3A_186 : memref<1x128x128xf32, #tpu.memory_space<vmem>> -> memref<128x128xf32, #tpu.memory_space<vmem>>
        %dma_start3A_188 = arith.constant 0 : i32
        %dma_start3A_189 = tpu.memref_slice %arg3[%add3A_175, %dma_start3A_188] : memref<158720x128xf32, #tpu.memory_space<hbm>> -> memref<128x128xf32, #tpu.memory_space<hbm>>
        tpu.enqueue_dma source(%dma_start3A_189 : memref<128x128xf32, #tpu.memory_space<hbm>>) target(%dma_start3A_187 : memref<128x128xf32, #tpu.memory_space<vmem>>) target_semaphore(%dma_start3A_183 : memref<!tpu.dma_semaphore, #tpu.memory_space<semaphore_mem>>)
      } else {
      }
    }
    %barrier3A_95 = arith.constant 0 : index
    tpu.barrier barrier_id(%barrier3A_95)
    %mul3A_96 = arith.constant 632 : i32
    %mul3A_97 = arith.muli %arg1, %mul3A_96 : i32
    %mul3A_98 = arith.constant 632 : i32
    %mul3A_99 = arith.muli %arg1, %mul3A_98 : i32
    "tpu.region"() ({
      %run_scoped3A = tpu.sem_alloc : memref<!tpu.dma_semaphore, #tpu.memory_space<semaphore_mem>>
      %dma_start3A_100 = arith.constant 0 : i32
      %dma_start3A_101 = tpu.memref_slice %arg5[%arg0, %mul3A_99, %dma_start3A_100] : memref<2x10112x128xf32, #tpu.memory_space<hbm>> -> memref<1x632x128xf32, #tpu.memory_space<hbm>>
      %dma_start3A_102 = tpu.memref_squeeze %dma_start3A_101 : memref<1x632x128xf32, #tpu.memory_space<hbm>> -> memref<632x128xf32, #tpu.memory_space<hbm>>
      %dma_start3A_103 = arith.constant 0 : i32
      %dma_start3A_104 = tpu.memref_slice %arg8[%mul3A_97, %dma_start3A_103] : memref<10112x128xf32, #tpu.memory_space<vmem_shared>> -> memref<632x128xf32, #tpu.memory_space<vmem_shared>>
      tpu.enqueue_dma source(%dma_start3A_104 : memref<632x128xf32, #tpu.memory_space<vmem_shared>>) target(%dma_start3A_102 : memref<632x128xf32, #tpu.memory_space<hbm>>) target_semaphore(%run_scoped3A : memref<!tpu.dma_semaphore, #tpu.memory_space<semaphore_mem>>)
      %dma_wait3A = arith.constant 0 : i32
      %dma_wait3A_105 = tpu.memref_slice %arg5[%arg0, %mul3A_99, %dma_wait3A] : memref<2x10112x128xf32, #tpu.memory_space<hbm>> -> memref<1x632x128xf32, #tpu.memory_space<hbm>>
      %dma_wait3A_106 = tpu.memref_squeeze %dma_wait3A_105 : memref<1x632x128xf32, #tpu.memory_space<hbm>> -> memref<632x128xf32, #tpu.memory_space<hbm>>
      %dma_wait3A_107 = arith.constant 0 : i32
      %dma_wait3A_108 = tpu.memref_slice %arg8[%mul3A_97, %dma_wait3A_107] : memref<10112x128xf32, #tpu.memory_space<vmem_shared>> -> memref<632x128xf32, #tpu.memory_space<vmem_shared>>
      tpu.wait_dma2 semaphore(%run_scoped3A : memref<!tpu.dma_semaphore, #tpu.memory_space<semaphore_mem>>) src(%dma_wait3A_108 : memref<632x128xf32, #tpu.memory_space<vmem_shared>>) dst(%dma_wait3A_106 : memref<632x128xf32, #tpu.memory_space<hbm>>)
      tpu.yield
    }) : () -> ()
    return
  }
}

#map = affine_map<(d0, d1) -> (0, 0)>
#map1 = affine_map<(d0, d1) -> (0, 0, 0)>
module attributes {stable_mosaic.version = 14 : i64} {
  func.func @run(%arg0: i32, %arg1: i32, %arg2: memref<2x320000xi32, #tpu.memory_space<hbm>>, %arg3: memref<161280x128xf32, #tpu.memory_space<hbm>>, %arg4: memref<632x128xf32, #tpu.memory_space<hbm>>, %arg5: memref<2x10112x128xf32, #tpu.memory_space<hbm>>, %arg6: memref<2x128xi32, #tpu.memory_space<vmem>>, %arg7: memref<2x128x128xf32, #tpu.memory_space<vmem>>, %arg8: memref<10112x128xf32, #tpu.memory_space<vmem_shared>>, %arg9: memref<2x!tpu.dma_semaphore, #tpu.memory_space<semaphore_mem>>, %arg10: memref<2x!tpu.dma_semaphore, #tpu.memory_space<semaphore_mem>>) attributes {dimension_semantics = [#tpu.dimension_semantics<core_parallel>, #tpu.dimension_semantics<subcore_parallel>], iteration_bounds = array<i64: 2, 16>, scalar_prefetch = 0 : i64, scratch_operands = 5 : i64, tpu.core_type = #tpu.core_type<sc_vector_subcore>, window_params = [{transform_indices = #map}, {transform_indices = #map}, {transform_indices = #map}, {transform_indices = #map1}]} {
    %mul3A = arith.constant 2 : i32
    %mul3A_0 = arith.muli %arg1, %mul3A : i32
    %add3A = arith.addi %mul3A_0, %arg0 : i32
    %lt3A = arith.constant 12 : i32
    %lt3A_1 = arith.cmpi slt, %add3A, %lt3A : i32
    %jit3A = arith.constant 1 : i32
    %jit3A_2 = arith.constant 0 : i32
    %select_n3A = arith.select %lt3A_1, %jit3A, %jit3A_2 : i32
    %add3A_3 = arith.constant 39 : i32
    %add3A_4 = arith.addi %add3A_3, %select_n3A : i32
    %mul3A_5 = arith.constant 39 : i32
    %mul3A_6 = arith.muli %add3A, %mul3A_5 : i32
    %min3A = arith.constant 12 : i32
    %min3A_7 = arith.minsi %add3A, %min3A : i32
    %add3A_8 = arith.addi %mul3A_6, %min3A_7 : i32
    %mul3A_9 = arith.constant 128 : i32
    %mul3A_10 = arith.muli %add3A_8, %mul3A_9 : i32
    %add3A_11 = arith.constant 158720 : i32
    %add3A_12 = arith.addi %add3A_11, %mul3A_10 : i32
    %add3A_13 = arith.constant 0 : i32
    %add3A_14 = arith.addi %add3A_12, %add3A_13 : i32
    %dma_start3A = arith.constant 1 : i32
    %dma_start3A_15 = arith.constant 0 : i32
    %dma_start3A_16 = arith.constant 0 : i32
    %dma_start3A_17 = arith.constant 0 : i32
    %dma_start3A_18 = tpu.memref_slice %arg6[%dma_start3A_15, %dma_start3A_17] : memref<2x128xi32, #tpu.memory_space<vmem>> -> memref<1x128xi32, #tpu.memory_space<vmem>>
    %dma_start3A_19 = tpu.memref_squeeze %dma_start3A_18 : memref<1x128xi32, #tpu.memory_space<vmem>> -> memref<128xi32, #tpu.memory_space<vmem>>
    %dma_start3A_20 = tpu.memref_slice %arg2[%dma_start3A, %add3A_14] : memref<2x320000xi32, #tpu.memory_space<hbm>> -> memref<1x128xi32, #tpu.memory_space<hbm>>
    %dma_start3A_21 = tpu.memref_squeeze %dma_start3A_20 : memref<1x128xi32, #tpu.memory_space<hbm>> -> memref<128xi32, #tpu.memory_space<hbm>>
    %dma_start3A_22 = tpu.memref_slice %arg9[%dma_start3A_16] : memref<2x!tpu.dma_semaphore, #tpu.memory_space<semaphore_mem>> -> memref<1x!tpu.dma_semaphore, #tpu.memory_space<semaphore_mem>>
    %dma_start3A_23 = tpu.memref_squeeze %dma_start3A_22 : memref<1x!tpu.dma_semaphore, #tpu.memory_space<semaphore_mem>> -> memref<!tpu.dma_semaphore, #tpu.memory_space<semaphore_mem>>
    %dma_start3A_24 = arith.constant 0 : i32
    %dma_start3A_25 = tpu.memref_slice %arg6[%dma_start3A_15, %dma_start3A_24] : memref<2x128xi32, #tpu.memory_space<vmem>> -> memref<1x128xi32, #tpu.memory_space<vmem>>
    %dma_start3A_26 = tpu.memref_squeeze %dma_start3A_25 : memref<1x128xi32, #tpu.memory_space<vmem>> -> memref<128xi32, #tpu.memory_space<vmem>>
    %dma_start3A_27 = tpu.memref_slice %arg2[%dma_start3A, %add3A_14] : memref<2x320000xi32, #tpu.memory_space<hbm>> -> memref<1x128xi32, #tpu.memory_space<hbm>>
    %dma_start3A_28 = tpu.memref_squeeze %dma_start3A_27 : memref<1x128xi32, #tpu.memory_space<hbm>> -> memref<128xi32, #tpu.memory_space<hbm>>
    tpu.enqueue_dma source(%dma_start3A_28 : memref<128xi32, #tpu.memory_space<hbm>>) target(%dma_start3A_26 : memref<128xi32, #tpu.memory_space<vmem>>) target_semaphore(%dma_start3A_23 : memref<!tpu.dma_semaphore, #tpu.memory_space<semaphore_mem>>)
    %add3A_29 = arith.constant 0 : i32
    %add3A_30 = arith.addi %mul3A_10, %add3A_29 : i32
    %dma_start3A_31 = arith.constant 0 : i32
    %dma_start3A_32 = arith.constant 0 : i32
    %dma_start3A_33 = arith.constant 0 : i32
    %dma_start3A_34 = arith.constant 0 : i32
    %dma_start3A_35 = tpu.memref_slice %arg7[%dma_start3A_31, %dma_start3A_33, %dma_start3A_34] : memref<2x128x128xf32, #tpu.memory_space<vmem>> -> memref<1x128x128xf32, #tpu.memory_space<vmem>>
    %dma_start3A_36 = tpu.memref_squeeze %dma_start3A_35 : memref<1x128x128xf32, #tpu.memory_space<vmem>> -> memref<128x128xf32, #tpu.memory_space<vmem>>
    %dma_start3A_37 = arith.constant 0 : i32
    %dma_start3A_38 = tpu.memref_slice %arg3[%add3A_30, %dma_start3A_37] : memref<161280x128xf32, #tpu.memory_space<hbm>> -> memref<128x128xf32, #tpu.memory_space<hbm>>
    %dma_start3A_39 = tpu.memref_slice %arg10[%dma_start3A_32] : memref<2x!tpu.dma_semaphore, #tpu.memory_space<semaphore_mem>> -> memref<1x!tpu.dma_semaphore, #tpu.memory_space<semaphore_mem>>
    %dma_start3A_40 = tpu.memref_squeeze %dma_start3A_39 : memref<1x!tpu.dma_semaphore, #tpu.memory_space<semaphore_mem>> -> memref<!tpu.dma_semaphore, #tpu.memory_space<semaphore_mem>>
    %dma_start3A_41 = arith.constant 0 : i32
    %dma_start3A_42 = arith.constant 0 : i32
    %dma_start3A_43 = tpu.memref_slice %arg7[%dma_start3A_31, %dma_start3A_41, %dma_start3A_42] : memref<2x128x128xf32, #tpu.memory_space<vmem>> -> memref<1x128x128xf32, #tpu.memory_space<vmem>>
    %dma_start3A_44 = tpu.memref_squeeze %dma_start3A_43 : memref<1x128x128xf32, #tpu.memory_space<vmem>> -> memref<128x128xf32, #tpu.memory_space<vmem>>
    %dma_start3A_45 = arith.constant 0 : i32
    %dma_start3A_46 = tpu.memref_slice %arg3[%add3A_30, %dma_start3A_45] : memref<161280x128xf32, #tpu.memory_space<hbm>> -> memref<128x128xf32, #tpu.memory_space<hbm>>
    tpu.enqueue_dma source(%dma_start3A_46 : memref<128x128xf32, #tpu.memory_space<hbm>>) target(%dma_start3A_44 : memref<128x128xf32, #tpu.memory_space<vmem>>) target_semaphore(%dma_start3A_40 : memref<!tpu.dma_semaphore, #tpu.memory_space<semaphore_mem>>)
    %add3A_47 = arith.constant 158720 : i32
    %add3A_48 = arith.addi %add3A_47, %mul3A_10 : i32
    %add3A_49 = arith.constant 128 : i32
    %add3A_50 = arith.addi %add3A_48, %add3A_49 : i32
    %dma_start3A_51 = arith.constant 1 : i32
    %dma_start3A_52 = arith.constant 1 : i32
    %dma_start3A_53 = arith.constant 1 : i32
    %dma_start3A_54 = arith.constant 0 : i32
    %dma_start3A_55 = tpu.memref_slice %arg6[%dma_start3A_52, %dma_start3A_54] : memref<2x128xi32, #tpu.memory_space<vmem>> -> memref<1x128xi32, #tpu.memory_space<vmem>>
    %dma_start3A_56 = tpu.memref_squeeze %dma_start3A_55 : memref<1x128xi32, #tpu.memory_space<vmem>> -> memref<128xi32, #tpu.memory_space<vmem>>
    %dma_start3A_57 = tpu.memref_slice %arg2[%dma_start3A_51, %add3A_50] : memref<2x320000xi32, #tpu.memory_space<hbm>> -> memref<1x128xi32, #tpu.memory_space<hbm>>
    %dma_start3A_58 = tpu.memref_squeeze %dma_start3A_57 : memref<1x128xi32, #tpu.memory_space<hbm>> -> memref<128xi32, #tpu.memory_space<hbm>>
    %dma_start3A_59 = tpu.memref_slice %arg9[%dma_start3A_53] : memref<2x!tpu.dma_semaphore, #tpu.memory_space<semaphore_mem>> -> memref<1x!tpu.dma_semaphore, #tpu.memory_space<semaphore_mem>>
    %dma_start3A_60 = tpu.memref_squeeze %dma_start3A_59 : memref<1x!tpu.dma_semaphore, #tpu.memory_space<semaphore_mem>> -> memref<!tpu.dma_semaphore, #tpu.memory_space<semaphore_mem>>
    %dma_start3A_61 = arith.constant 0 : i32
    %dma_start3A_62 = tpu.memref_slice %arg6[%dma_start3A_52, %dma_start3A_61] : memref<2x128xi32, #tpu.memory_space<vmem>> -> memref<1x128xi32, #tpu.memory_space<vmem>>
    %dma_start3A_63 = tpu.memref_squeeze %dma_start3A_62 : memref<1x128xi32, #tpu.memory_space<vmem>> -> memref<128xi32, #tpu.memory_space<vmem>>
    %dma_start3A_64 = tpu.memref_slice %arg2[%dma_start3A_51, %add3A_50] : memref<2x320000xi32, #tpu.memory_space<hbm>> -> memref<1x128xi32, #tpu.memory_space<hbm>>
    %dma_start3A_65 = tpu.memref_squeeze %dma_start3A_64 : memref<1x128xi32, #tpu.memory_space<hbm>> -> memref<128xi32, #tpu.memory_space<hbm>>
    tpu.enqueue_dma source(%dma_start3A_65 : memref<128xi32, #tpu.memory_space<hbm>>) target(%dma_start3A_63 : memref<128xi32, #tpu.memory_space<vmem>>) target_semaphore(%dma_start3A_60 : memref<!tpu.dma_semaphore, #tpu.memory_space<semaphore_mem>>)
    %add3A_66 = arith.constant 128 : i32
    %add3A_67 = arith.addi %mul3A_10, %add3A_66 : i32
    %dma_start3A_68 = arith.constant 1 : i32
    %dma_start3A_69 = arith.constant 1 : i32
    %dma_start3A_70 = arith.constant 0 : i32
    %dma_start3A_71 = arith.constant 0 : i32
    %dma_start3A_72 = tpu.memref_slice %arg7[%dma_start3A_68, %dma_start3A_70, %dma_start3A_71] : memref<2x128x128xf32, #tpu.memory_space<vmem>> -> memref<1x128x128xf32, #tpu.memory_space<vmem>>
    %dma_start3A_73 = tpu.memref_squeeze %dma_start3A_72 : memref<1x128x128xf32, #tpu.memory_space<vmem>> -> memref<128x128xf32, #tpu.memory_space<vmem>>
    %dma_start3A_74 = arith.constant 0 : i32
    %dma_start3A_75 = tpu.memref_slice %arg3[%add3A_67, %dma_start3A_74] : memref<161280x128xf32, #tpu.memory_space<hbm>> -> memref<128x128xf32, #tpu.memory_space<hbm>>
    %dma_start3A_76 = tpu.memref_slice %arg10[%dma_start3A_69] : memref<2x!tpu.dma_semaphore, #tpu.memory_space<semaphore_mem>> -> memref<1x!tpu.dma_semaphore, #tpu.memory_space<semaphore_mem>>
    %dma_start3A_77 = tpu.memref_squeeze %dma_start3A_76 : memref<1x!tpu.dma_semaphore, #tpu.memory_space<semaphore_mem>> -> memref<!tpu.dma_semaphore, #tpu.memory_space<semaphore_mem>>
    %dma_start3A_78 = arith.constant 0 : i32
    %dma_start3A_79 = arith.constant 0 : i32
    %dma_start3A_80 = tpu.memref_slice %arg7[%dma_start3A_68, %dma_start3A_78, %dma_start3A_79] : memref<2x128x128xf32, #tpu.memory_space<vmem>> -> memref<1x128x128xf32, #tpu.memory_space<vmem>>
    %dma_start3A_81 = tpu.memref_squeeze %dma_start3A_80 : memref<1x128x128xf32, #tpu.memory_space<vmem>> -> memref<128x128xf32, #tpu.memory_space<vmem>>
    %dma_start3A_82 = arith.constant 0 : i32
    %dma_start3A_83 = tpu.memref_slice %arg3[%add3A_67, %dma_start3A_82] : memref<161280x128xf32, #tpu.memory_space<hbm>> -> memref<128x128xf32, #tpu.memory_space<hbm>>
    tpu.enqueue_dma source(%dma_start3A_83 : memref<128x128xf32, #tpu.memory_space<hbm>>) target(%dma_start3A_81 : memref<128x128xf32, #tpu.memory_space<vmem>>) target_semaphore(%dma_start3A_77 : memref<!tpu.dma_semaphore, #tpu.memory_space<semaphore_mem>>)
    %mul3A_84 = arith.constant 632 : i32
    %mul3A_85 = arith.muli %arg1, %mul3A_84 : i32
    "tpu.region"() ({
      %run_scoped3A = tpu.sem_alloc : memref<!tpu.dma_semaphore, #tpu.memory_space<semaphore_mem>>
      %dma_start3A_100 = arith.constant 0 : i32
      %dma_start3A_101 = tpu.memref_slice %arg8[%mul3A_85, %dma_start3A_100] : memref<10112x128xf32, #tpu.memory_space<vmem_shared>> -> memref<632x128xf32, #tpu.memory_space<vmem_shared>>
      tpu.enqueue_dma source(%arg4 : memref<632x128xf32, #tpu.memory_space<hbm>>) target(%dma_start3A_101 : memref<632x128xf32, #tpu.memory_space<vmem_shared>>) target_semaphore(%run_scoped3A : memref<!tpu.dma_semaphore, #tpu.memory_space<semaphore_mem>>)
      %dma_wait3A = arith.constant 0 : i32
      %dma_wait3A_102 = tpu.memref_slice %arg8[%mul3A_85, %dma_wait3A] : memref<10112x128xf32, #tpu.memory_space<vmem_shared>> -> memref<632x128xf32, #tpu.memory_space<vmem_shared>>
      tpu.wait_dma2 semaphore(%run_scoped3A : memref<!tpu.dma_semaphore, #tpu.memory_space<semaphore_mem>>) src(%arg4 : memref<632x128xf32, #tpu.memory_space<hbm>>) dst(%dma_wait3A_102 : memref<632x128xf32, #tpu.memory_space<vmem_shared>>)
      tpu.yield
    }) : () -> ()
    %barrier3A = arith.constant 0 : index
    tpu.barrier barrier_id(%barrier3A)
    %while3A = arith.constant 0 : i32
    %while3A_86 = arith.constant 0 : i32
    %while3A_87 = arith.subi %add3A_4, %while3A_86 : i32
    %while3A_88 = arith.addi %while3A_86, %while3A_87 : i32
    %while3A_89 = arith.constant 1 : i32
    %while3A_90 = arith.divsi %while3A_87, %while3A_89 : i32
    %while3A_91 = arith.muli %while3A_90, %while3A_89 : i32
    %while3A_92 = arith.addi %while3A_86, %while3A_91 : i32
    %while3A_93 = arith.constant 1 : i32
    scf.for %while3A_100 = %while3A_86 to %while3A_92 step %while3A_93  : i32 {
      %jit3A_101 = arith.constant 2 : i32
      %eq3A = arith.constant 0 : i32
      %eq3A_102 = arith.cmpi eq, %jit3A_101, %eq3A : i32
      %jit3A_103 = arith.constant 1 : i32
      %select_n3A_104 = arith.select %eq3A_102, %jit3A_103, %jit3A_101 : i32
      %rem3A = arith.remsi %while3A_100, %select_n3A_104 : i32
      %ne3A = arith.constant 0 : i32
      %ne3A_105 = arith.cmpi ne, %rem3A, %ne3A : i32
      %lt3A_106 = arith.constant 0 : i32
      %lt3A_107 = arith.cmpi slt, %rem3A, %lt3A_106 : i32
      %lt3A_108 = arith.constant 0 : i32
      %lt3A_109 = arith.cmpi slt, %select_n3A_104, %lt3A_108 : i32
      %ne3A_110 = arith.xori %lt3A_107, %lt3A_109 : i1
      %and3A = arith.andi %ne3A_110, %ne3A_105 : i1
      %add3A_111 = arith.addi %rem3A, %select_n3A_104 : i32
      %select_n3A_112 = arith.select %and3A, %add3A_111, %rem3A : i32
      %add3A_113 = arith.constant 158720 : i32
      %add3A_114 = arith.addi %add3A_113, %mul3A_10 : i32
      %mul3A_115 = arith.constant 128 : i32
      %mul3A_116 = arith.muli %while3A_100, %mul3A_115 : i32
      %add3A_117 = arith.addi %add3A_114, %mul3A_116 : i32
      %dma_wait3A = arith.constant 1 : i32
      %dma_wait3A_118 = arith.constant 0 : i32
      %dma_wait3A_119 = tpu.memref_slice %arg6[%select_n3A_112, %dma_wait3A_118] : memref<2x128xi32, #tpu.memory_space<vmem>> -> memref<1x128xi32, #tpu.memory_space<vmem>>
      %dma_wait3A_120 = tpu.memref_squeeze %dma_wait3A_119 : memref<1x128xi32, #tpu.memory_space<vmem>> -> memref<128xi32, #tpu.memory_space<vmem>>
      %dma_wait3A_121 = tpu.memref_slice %arg2[%dma_wait3A, %add3A_117] : memref<2x320000xi32, #tpu.memory_space<hbm>> -> memref<1x128xi32, #tpu.memory_space<hbm>>
      %dma_wait3A_122 = tpu.memref_squeeze %dma_wait3A_121 : memref<1x128xi32, #tpu.memory_space<hbm>> -> memref<128xi32, #tpu.memory_space<hbm>>
      %dma_wait3A_123 = tpu.memref_slice %arg9[%select_n3A_112] : memref<2x!tpu.dma_semaphore, #tpu.memory_space<semaphore_mem>> -> memref<1x!tpu.dma_semaphore, #tpu.memory_space<semaphore_mem>>
      %dma_wait3A_124 = tpu.memref_squeeze %dma_wait3A_123 : memref<1x!tpu.dma_semaphore, #tpu.memory_space<semaphore_mem>> -> memref<!tpu.dma_semaphore, #tpu.memory_space<semaphore_mem>>
      %dma_wait3A_125 = arith.constant 0 : i32
      %dma_wait3A_126 = tpu.memref_slice %arg6[%select_n3A_112, %dma_wait3A_125] : memref<2x128xi32, #tpu.memory_space<vmem>> -> memref<1x128xi32, #tpu.memory_space<vmem>>
      %dma_wait3A_127 = tpu.memref_squeeze %dma_wait3A_126 : memref<1x128xi32, #tpu.memory_space<vmem>> -> memref<128xi32, #tpu.memory_space<vmem>>
      %dma_wait3A_128 = tpu.memref_slice %arg2[%dma_wait3A, %add3A_117] : memref<2x320000xi32, #tpu.memory_space<hbm>> -> memref<1x128xi32, #tpu.memory_space<hbm>>
      %dma_wait3A_129 = tpu.memref_squeeze %dma_wait3A_128 : memref<1x128xi32, #tpu.memory_space<hbm>> -> memref<128xi32, #tpu.memory_space<hbm>>
      tpu.wait_dma2 semaphore(%dma_wait3A_124 : memref<!tpu.dma_semaphore, #tpu.memory_space<semaphore_mem>>) src(%dma_wait3A_129 : memref<128xi32, #tpu.memory_space<hbm>>) dst(%dma_wait3A_127 : memref<128xi32, #tpu.memory_space<vmem>>)
      %mul3A_130 = arith.constant 128 : i32
      %mul3A_131 = arith.muli %while3A_100, %mul3A_130 : i32
      %add3A_132 = arith.addi %mul3A_10, %mul3A_131 : i32
      %dma_wait3A_133 = arith.constant 0 : i32
      %dma_wait3A_134 = arith.constant 0 : i32
      %dma_wait3A_135 = tpu.memref_slice %arg7[%select_n3A_112, %dma_wait3A_133, %dma_wait3A_134] : memref<2x128x128xf32, #tpu.memory_space<vmem>> -> memref<1x128x128xf32, #tpu.memory_space<vmem>>
      %dma_wait3A_136 = tpu.memref_squeeze %dma_wait3A_135 : memref<1x128x128xf32, #tpu.memory_space<vmem>> -> memref<128x128xf32, #tpu.memory_space<vmem>>
      %dma_wait3A_137 = arith.constant 0 : i32
      %dma_wait3A_138 = tpu.memref_slice %arg3[%add3A_132, %dma_wait3A_137] : memref<161280x128xf32, #tpu.memory_space<hbm>> -> memref<128x128xf32, #tpu.memory_space<hbm>>
      %dma_wait3A_139 = tpu.memref_slice %arg10[%select_n3A_112] : memref<2x!tpu.dma_semaphore, #tpu.memory_space<semaphore_mem>> -> memref<1x!tpu.dma_semaphore, #tpu.memory_space<semaphore_mem>>
      %dma_wait3A_140 = tpu.memref_squeeze %dma_wait3A_139 : memref<1x!tpu.dma_semaphore, #tpu.memory_space<semaphore_mem>> -> memref<!tpu.dma_semaphore, #tpu.memory_space<semaphore_mem>>
      %dma_wait3A_141 = arith.constant 0 : i32
      %dma_wait3A_142 = arith.constant 0 : i32
      %dma_wait3A_143 = tpu.memref_slice %arg7[%select_n3A_112, %dma_wait3A_141, %dma_wait3A_142] : memref<2x128x128xf32, #tpu.memory_space<vmem>> -> memref<1x128x128xf32, #tpu.memory_space<vmem>>
      %dma_wait3A_144 = tpu.memref_squeeze %dma_wait3A_143 : memref<1x128x128xf32, #tpu.memory_space<vmem>> -> memref<128x128xf32, #tpu.memory_space<vmem>>
      %dma_wait3A_145 = arith.constant 0 : i32
      %dma_wait3A_146 = tpu.memref_slice %arg3[%add3A_132, %dma_wait3A_145] : memref<161280x128xf32, #tpu.memory_space<hbm>> -> memref<128x128xf32, #tpu.memory_space<hbm>>
      tpu.wait_dma2 semaphore(%dma_wait3A_140 : memref<!tpu.dma_semaphore, #tpu.memory_space<semaphore_mem>>) src(%dma_wait3A_146 : memref<128x128xf32, #tpu.memory_space<hbm>>) dst(%dma_wait3A_144 : memref<128x128xf32, #tpu.memory_space<vmem>>)
      "tpu.region"() ({
        %run_scoped3A = tpu.sem_alloc : memref<!tpu.dma_semaphore, #tpu.memory_space<semaphore_mem>>
        %dma_start3A_151 = arith.constant 0 : i32
        %dma_start3A_152 = arith.constant 0 : i32
        %dma_start3A_153 = tpu.memref_slice %arg7[%select_n3A_112, %dma_start3A_151, %dma_start3A_152] : memref<2x128x128xf32, #tpu.memory_space<vmem>> -> memref<1x128x128xf32, #tpu.memory_space<vmem>>
        %dma_start3A_154 = tpu.memref_squeeze %dma_start3A_153 : memref<1x128x128xf32, #tpu.memory_space<vmem>> -> memref<128x128xf32, #tpu.memory_space<vmem>>
        %dma_start3A_155 = arith.constant 0 : i32
        %dma_start3A_156 = tpu.memref_slice %arg6[%select_n3A_112, %dma_start3A_155] : memref<2x128xi32, #tpu.memory_space<vmem>> -> memref<1x128xi32, #tpu.memory_space<vmem>>
        %dma_start3A_157 = tpu.memref_squeeze %dma_start3A_156 : memref<1x128xi32, #tpu.memory_space<vmem>> -> memref<128xi32, #tpu.memory_space<vmem>>
        %dma_start3A_158 = arith.constant 0 : i32
        %dma_start3A_159 = arith.constant 0 : i32
        %dma_start3A_160 = tpu.memref_slice %arg8[%dma_start3A_158, %dma_start3A_159] : memref<10112x128xf32, #tpu.memory_space<vmem_shared>> -> memref<10112x128xf32, #tpu.memory_space<vmem_shared>>
        tpu.enqueue_indirect_dma source(%dma_start3A_154 : memref<128x128xf32, #tpu.memory_space<vmem>>) target(%dma_start3A_160 : memref<10112x128xf32, #tpu.memory_space<vmem_shared>>) offsets(%dma_start3A_157 : memref<128xi32, #tpu.memory_space<vmem>>) semaphore(%run_scoped3A : memref<!tpu.dma_semaphore, #tpu.memory_space<semaphore_mem>>) {add = true}
        %dma_wait3A_161 = arith.constant 0 : i32
        %dma_wait3A_162 = arith.constant 0 : i32
        %dma_wait3A_163 = tpu.memref_slice %arg7[%select_n3A_112, %dma_wait3A_161, %dma_wait3A_162] : memref<2x128x128xf32, #tpu.memory_space<vmem>> -> memref<1x128x128xf32, #tpu.memory_space<vmem>>
        %dma_wait3A_164 = tpu.memref_squeeze %dma_wait3A_163 : memref<1x128x128xf32, #tpu.memory_space<vmem>> -> memref<128x128xf32, #tpu.memory_space<vmem>>
        %dma_wait3A_165 = arith.constant 0 : i32
        %dma_wait3A_166 = tpu.memref_slice %arg6[%select_n3A_112, %dma_wait3A_165] : memref<2x128xi32, #tpu.memory_space<vmem>> -> memref<1x128xi32, #tpu.memory_space<vmem>>
        %dma_wait3A_167 = tpu.memref_squeeze %dma_wait3A_166 : memref<1x128xi32, #tpu.memory_space<vmem>> -> memref<128xi32, #tpu.memory_space<vmem>>
        %dma_wait3A_168 = arith.constant 0 : i32
        %dma_wait3A_169 = arith.constant 0 : i32
        %dma_wait3A_170 = tpu.memref_slice %arg8[%dma_wait3A_168, %dma_wait3A_169] : memref<10112x128xf32, #tpu.memory_space<vmem_shared>> -> memref<10112x128xf32, #tpu.memory_space<vmem_shared>>
        tpu.wait_indirect_dma semaphore(%run_scoped3A : memref<!tpu.dma_semaphore, #tpu.memory_space<semaphore_mem>>) src(%dma_wait3A_164 : memref<128x128xf32, #tpu.memory_space<vmem>>) dst(%dma_wait3A_170 : memref<10112x128xf32, #tpu.memory_space<vmem_shared>>)
        tpu.yield
      }) : () -> ()
      %add3A_147 = arith.constant 2 : i32
      %add3A_148 = arith.addi %while3A_100, %add3A_147 : i32
      %lt3A_149 = arith.cmpi slt, %add3A_148, %add3A_4 : i32
      %convert_element_type3A = arith.extui %lt3A_149 : i1 to i32
      %cond3A = arith.constant 0 : i32
      %cond3A_150 = arith.cmpi ne, %convert_element_type3A, %cond3A : i32
      scf.if %cond3A_150 {
        %add3A_151 = arith.constant 2 : i32
        %add3A_152 = arith.addi %while3A_100, %add3A_151 : i32
        %add3A_153 = arith.constant 158720 : i32
        %add3A_154 = arith.addi %add3A_153, %mul3A_10 : i32
        %mul3A_155 = arith.constant 128 : i32
        %mul3A_156 = arith.muli %add3A_152, %mul3A_155 : i32
        %add3A_157 = arith.addi %add3A_154, %mul3A_156 : i32
        %dma_start3A_158 = arith.constant 1 : i32
        %dma_start3A_159 = arith.constant 0 : i32
        %dma_start3A_160 = tpu.memref_slice %arg6[%select_n3A_112, %dma_start3A_159] : memref<2x128xi32, #tpu.memory_space<vmem>> -> memref<1x128xi32, #tpu.memory_space<vmem>>
        %dma_start3A_161 = tpu.memref_squeeze %dma_start3A_160 : memref<1x128xi32, #tpu.memory_space<vmem>> -> memref<128xi32, #tpu.memory_space<vmem>>
        %dma_start3A_162 = tpu.memref_slice %arg2[%dma_start3A_158, %add3A_157] : memref<2x320000xi32, #tpu.memory_space<hbm>> -> memref<1x128xi32, #tpu.memory_space<hbm>>
        %dma_start3A_163 = tpu.memref_squeeze %dma_start3A_162 : memref<1x128xi32, #tpu.memory_space<hbm>> -> memref<128xi32, #tpu.memory_space<hbm>>
        %dma_start3A_164 = tpu.memref_slice %arg9[%select_n3A_112] : memref<2x!tpu.dma_semaphore, #tpu.memory_space<semaphore_mem>> -> memref<1x!tpu.dma_semaphore, #tpu.memory_space<semaphore_mem>>
        %dma_start3A_165 = tpu.memref_squeeze %dma_start3A_164 : memref<1x!tpu.dma_semaphore, #tpu.memory_space<semaphore_mem>> -> memref<!tpu.dma_semaphore, #tpu.memory_space<semaphore_mem>>
        %dma_start3A_166 = arith.constant 0 : i32
        %dma_start3A_167 = tpu.memref_slice %arg6[%select_n3A_112, %dma_start3A_166] : memref<2x128xi32, #tpu.memory_space<vmem>> -> memref<1x128xi32, #tpu.memory_space<vmem>>
        %dma_start3A_168 = tpu.memref_squeeze %dma_start3A_167 : memref<1x128xi32, #tpu.memory_space<vmem>> -> memref<128xi32, #tpu.memory_space<vmem>>
        %dma_start3A_169 = tpu.memref_slice %arg2[%dma_start3A_158, %add3A_157] : memref<2x320000xi32, #tpu.memory_space<hbm>> -> memref<1x128xi32, #tpu.memory_space<hbm>>
        %dma_start3A_170 = tpu.memref_squeeze %dma_start3A_169 : memref<1x128xi32, #tpu.memory_space<hbm>> -> memref<128xi32, #tpu.memory_space<hbm>>
        tpu.enqueue_dma source(%dma_start3A_170 : memref<128xi32, #tpu.memory_space<hbm>>) target(%dma_start3A_168 : memref<128xi32, #tpu.memory_space<vmem>>) target_semaphore(%dma_start3A_165 : memref<!tpu.dma_semaphore, #tpu.memory_space<semaphore_mem>>)
        %add3A_171 = arith.constant 2 : i32
        %add3A_172 = arith.addi %while3A_100, %add3A_171 : i32
        %mul3A_173 = arith.constant 128 : i32
        %mul3A_174 = arith.muli %add3A_172, %mul3A_173 : i32
        %add3A_175 = arith.addi %mul3A_10, %mul3A_174 : i32
        %dma_start3A_176 = arith.constant 0 : i32
        %dma_start3A_177 = arith.constant 0 : i32
        %dma_start3A_178 = tpu.memref_slice %arg7[%select_n3A_112, %dma_start3A_176, %dma_start3A_177] : memref<2x128x128xf32, #tpu.memory_space<vmem>> -> memref<1x128x128xf32, #tpu.memory_space<vmem>>
        %dma_start3A_179 = tpu.memref_squeeze %dma_start3A_178 : memref<1x128x128xf32, #tpu.memory_space<vmem>> -> memref<128x128xf32, #tpu.memory_space<vmem>>
        %dma_start3A_180 = arith.constant 0 : i32
        %dma_start3A_181 = tpu.memref_slice %arg3[%add3A_175, %dma_start3A_180] : memref<161280x128xf32, #tpu.memory_space<hbm>> -> memref<128x128xf32, #tpu.memory_space<hbm>>
        %dma_start3A_182 = tpu.memref_slice %arg10[%select_n3A_112] : memref<2x!tpu.dma_semaphore, #tpu.memory_space<semaphore_mem>> -> memref<1x!tpu.dma_semaphore, #tpu.memory_space<semaphore_mem>>
        %dma_start3A_183 = tpu.memref_squeeze %dma_start3A_182 : memref<1x!tpu.dma_semaphore, #tpu.memory_space<semaphore_mem>> -> memref<!tpu.dma_semaphore, #tpu.memory_space<semaphore_mem>>
        %dma_start3A_184 = arith.constant 0 : i32
        %dma_start3A_185 = arith.constant 0 : i32
        %dma_start3A_186 = tpu.memref_slice %arg7[%select_n3A_112, %dma_start3A_184, %dma_start3A_185] : memref<2x128x128xf32, #tpu.memory_space<vmem>> -> memref<1x128x128xf32, #tpu.memory_space<vmem>>
        %dma_start3A_187 = tpu.memref_squeeze %dma_start3A_186 : memref<1x128x128xf32, #tpu.memory_space<vmem>> -> memref<128x128xf32, #tpu.memory_space<vmem>>
        %dma_start3A_188 = arith.constant 0 : i32
        %dma_start3A_189 = tpu.memref_slice %arg3[%add3A_175, %dma_start3A_188] : memref<161280x128xf32, #tpu.memory_space<hbm>> -> memref<128x128xf32, #tpu.memory_space<hbm>>
        tpu.enqueue_dma source(%dma_start3A_189 : memref<128x128xf32, #tpu.memory_space<hbm>>) target(%dma_start3A_187 : memref<128x128xf32, #tpu.memory_space<vmem>>) target_semaphore(%dma_start3A_183 : memref<!tpu.dma_semaphore, #tpu.memory_space<semaphore_mem>>)
      } else {
      }
    }
    %while3A_94 = arith.constant 1 : i32
    scf.for %while3A_100 = %while3A_92 to %while3A_88 step %while3A_94  : i32 {
      %jit3A_101 = arith.constant 2 : i32
      %eq3A = arith.constant 0 : i32
      %eq3A_102 = arith.cmpi eq, %jit3A_101, %eq3A : i32
      %jit3A_103 = arith.constant 1 : i32
      %select_n3A_104 = arith.select %eq3A_102, %jit3A_103, %jit3A_101 : i32
      %rem3A = arith.remsi %while3A_100, %select_n3A_104 : i32
      %ne3A = arith.constant 0 : i32
      %ne3A_105 = arith.cmpi ne, %rem3A, %ne3A : i32
      %lt3A_106 = arith.constant 0 : i32
      %lt3A_107 = arith.cmpi slt, %rem3A, %lt3A_106 : i32
      %lt3A_108 = arith.constant 0 : i32
      %lt3A_109 = arith.cmpi slt, %select_n3A_104, %lt3A_108 : i32
      %ne3A_110 = arith.xori %lt3A_107, %lt3A_109 : i1
      %and3A = arith.andi %ne3A_110, %ne3A_105 : i1
      %add3A_111 = arith.addi %rem3A, %select_n3A_104 : i32
      %select_n3A_112 = arith.select %and3A, %add3A_111, %rem3A : i32
      %add3A_113 = arith.constant 158720 : i32
      %add3A_114 = arith.addi %add3A_113, %mul3A_10 : i32
      %mul3A_115 = arith.constant 128 : i32
      %mul3A_116 = arith.muli %while3A_100, %mul3A_115 : i32
      %add3A_117 = arith.addi %add3A_114, %mul3A_116 : i32
      %dma_wait3A = arith.constant 1 : i32
      %dma_wait3A_118 = arith.constant 0 : i32
      %dma_wait3A_119 = tpu.memref_slice %arg6[%select_n3A_112, %dma_wait3A_118] : memref<2x128xi32, #tpu.memory_space<vmem>> -> memref<1x128xi32, #tpu.memory_space<vmem>>
      %dma_wait3A_120 = tpu.memref_squeeze %dma_wait3A_119 : memref<1x128xi32, #tpu.memory_space<vmem>> -> memref<128xi32, #tpu.memory_space<vmem>>
      %dma_wait3A_121 = tpu.memref_slice %arg2[%dma_wait3A, %add3A_117] : memref<2x320000xi32, #tpu.memory_space<hbm>> -> memref<1x128xi32, #tpu.memory_space<hbm>>
      %dma_wait3A_122 = tpu.memref_squeeze %dma_wait3A_121 : memref<1x128xi32, #tpu.memory_space<hbm>> -> memref<128xi32, #tpu.memory_space<hbm>>
      %dma_wait3A_123 = tpu.memref_slice %arg9[%select_n3A_112] : memref<2x!tpu.dma_semaphore, #tpu.memory_space<semaphore_mem>> -> memref<1x!tpu.dma_semaphore, #tpu.memory_space<semaphore_mem>>
      %dma_wait3A_124 = tpu.memref_squeeze %dma_wait3A_123 : memref<1x!tpu.dma_semaphore, #tpu.memory_space<semaphore_mem>> -> memref<!tpu.dma_semaphore, #tpu.memory_space<semaphore_mem>>
      %dma_wait3A_125 = arith.constant 0 : i32
      %dma_wait3A_126 = tpu.memref_slice %arg6[%select_n3A_112, %dma_wait3A_125] : memref<2x128xi32, #tpu.memory_space<vmem>> -> memref<1x128xi32, #tpu.memory_space<vmem>>
      %dma_wait3A_127 = tpu.memref_squeeze %dma_wait3A_126 : memref<1x128xi32, #tpu.memory_space<vmem>> -> memref<128xi32, #tpu.memory_space<vmem>>
      %dma_wait3A_128 = tpu.memref_slice %arg2[%dma_wait3A, %add3A_117] : memref<2x320000xi32, #tpu.memory_space<hbm>> -> memref<1x128xi32, #tpu.memory_space<hbm>>
      %dma_wait3A_129 = tpu.memref_squeeze %dma_wait3A_128 : memref<1x128xi32, #tpu.memory_space<hbm>> -> memref<128xi32, #tpu.memory_space<hbm>>
      tpu.wait_dma2 semaphore(%dma_wait3A_124 : memref<!tpu.dma_semaphore, #tpu.memory_space<semaphore_mem>>) src(%dma_wait3A_129 : memref<128xi32, #tpu.memory_space<hbm>>) dst(%dma_wait3A_127 : memref<128xi32, #tpu.memory_space<vmem>>)
      %mul3A_130 = arith.constant 128 : i32
      %mul3A_131 = arith.muli %while3A_100, %mul3A_130 : i32
      %add3A_132 = arith.addi %mul3A_10, %mul3A_131 : i32
      %dma_wait3A_133 = arith.constant 0 : i32
      %dma_wait3A_134 = arith.constant 0 : i32
      %dma_wait3A_135 = tpu.memref_slice %arg7[%select_n3A_112, %dma_wait3A_133, %dma_wait3A_134] : memref<2x128x128xf32, #tpu.memory_space<vmem>> -> memref<1x128x128xf32, #tpu.memory_space<vmem>>
      %dma_wait3A_136 = tpu.memref_squeeze %dma_wait3A_135 : memref<1x128x128xf32, #tpu.memory_space<vmem>> -> memref<128x128xf32, #tpu.memory_space<vmem>>
      %dma_wait3A_137 = arith.constant 0 : i32
      %dma_wait3A_138 = tpu.memref_slice %arg3[%add3A_132, %dma_wait3A_137] : memref<161280x128xf32, #tpu.memory_space<hbm>> -> memref<128x128xf32, #tpu.memory_space<hbm>>
      %dma_wait3A_139 = tpu.memref_slice %arg10[%select_n3A_112] : memref<2x!tpu.dma_semaphore, #tpu.memory_space<semaphore_mem>> -> memref<1x!tpu.dma_semaphore, #tpu.memory_space<semaphore_mem>>
      %dma_wait3A_140 = tpu.memref_squeeze %dma_wait3A_139 : memref<1x!tpu.dma_semaphore, #tpu.memory_space<semaphore_mem>> -> memref<!tpu.dma_semaphore, #tpu.memory_space<semaphore_mem>>
      %dma_wait3A_141 = arith.constant 0 : i32
      %dma_wait3A_142 = arith.constant 0 : i32
      %dma_wait3A_143 = tpu.memref_slice %arg7[%select_n3A_112, %dma_wait3A_141, %dma_wait3A_142] : memref<2x128x128xf32, #tpu.memory_space<vmem>> -> memref<1x128x128xf32, #tpu.memory_space<vmem>>
      %dma_wait3A_144 = tpu.memref_squeeze %dma_wait3A_143 : memref<1x128x128xf32, #tpu.memory_space<vmem>> -> memref<128x128xf32, #tpu.memory_space<vmem>>
      %dma_wait3A_145 = arith.constant 0 : i32
      %dma_wait3A_146 = tpu.memref_slice %arg3[%add3A_132, %dma_wait3A_145] : memref<161280x128xf32, #tpu.memory_space<hbm>> -> memref<128x128xf32, #tpu.memory_space<hbm>>
      tpu.wait_dma2 semaphore(%dma_wait3A_140 : memref<!tpu.dma_semaphore, #tpu.memory_space<semaphore_mem>>) src(%dma_wait3A_146 : memref<128x128xf32, #tpu.memory_space<hbm>>) dst(%dma_wait3A_144 : memref<128x128xf32, #tpu.memory_space<vmem>>)
      "tpu.region"() ({
        %run_scoped3A = tpu.sem_alloc : memref<!tpu.dma_semaphore, #tpu.memory_space<semaphore_mem>>
        %dma_start3A_151 = arith.constant 0 : i32
        %dma_start3A_152 = arith.constant 0 : i32
        %dma_start3A_153 = tpu.memref_slice %arg7[%select_n3A_112, %dma_start3A_151, %dma_start3A_152] : memref<2x128x128xf32, #tpu.memory_space<vmem>> -> memref<1x128x128xf32, #tpu.memory_space<vmem>>
        %dma_start3A_154 = tpu.memref_squeeze %dma_start3A_153 : memref<1x128x128xf32, #tpu.memory_space<vmem>> -> memref<128x128xf32, #tpu.memory_space<vmem>>
        %dma_start3A_155 = arith.constant 0 : i32
        %dma_start3A_156 = tpu.memref_slice %arg6[%select_n3A_112, %dma_start3A_155] : memref<2x128xi32, #tpu.memory_space<vmem>> -> memref<1x128xi32, #tpu.memory_space<vmem>>
        %dma_start3A_157 = tpu.memref_squeeze %dma_start3A_156 : memref<1x128xi32, #tpu.memory_space<vmem>> -> memref<128xi32, #tpu.memory_space<vmem>>
        %dma_start3A_158 = arith.constant 0 : i32
        %dma_start3A_159 = arith.constant 0 : i32
        %dma_start3A_160 = tpu.memref_slice %arg8[%dma_start3A_158, %dma_start3A_159] : memref<10112x128xf32, #tpu.memory_space<vmem_shared>> -> memref<10112x128xf32, #tpu.memory_space<vmem_shared>>
        tpu.enqueue_indirect_dma source(%dma_start3A_154 : memref<128x128xf32, #tpu.memory_space<vmem>>) target(%dma_start3A_160 : memref<10112x128xf32, #tpu.memory_space<vmem_shared>>) offsets(%dma_start3A_157 : memref<128xi32, #tpu.memory_space<vmem>>) semaphore(%run_scoped3A : memref<!tpu.dma_semaphore, #tpu.memory_space<semaphore_mem>>) {add = true}
        %dma_wait3A_161 = arith.constant 0 : i32
        %dma_wait3A_162 = arith.constant 0 : i32
        %dma_wait3A_163 = tpu.memref_slice %arg7[%select_n3A_112, %dma_wait3A_161, %dma_wait3A_162] : memref<2x128x128xf32, #tpu.memory_space<vmem>> -> memref<1x128x128xf32, #tpu.memory_space<vmem>>
        %dma_wait3A_164 = tpu.memref_squeeze %dma_wait3A_163 : memref<1x128x128xf32, #tpu.memory_space<vmem>> -> memref<128x128xf32, #tpu.memory_space<vmem>>
        %dma_wait3A_165 = arith.constant 0 : i32
        %dma_wait3A_166 = tpu.memref_slice %arg6[%select_n3A_112, %dma_wait3A_165] : memref<2x128xi32, #tpu.memory_space<vmem>> -> memref<1x128xi32, #tpu.memory_space<vmem>>
        %dma_wait3A_167 = tpu.memref_squeeze %dma_wait3A_166 : memref<1x128xi32, #tpu.memory_space<vmem>> -> memref<128xi32, #tpu.memory_space<vmem>>
        %dma_wait3A_168 = arith.constant 0 : i32
        %dma_wait3A_169 = arith.constant 0 : i32
        %dma_wait3A_170 = tpu.memref_slice %arg8[%dma_wait3A_168, %dma_wait3A_169] : memref<10112x128xf32, #tpu.memory_space<vmem_shared>> -> memref<10112x128xf32, #tpu.memory_space<vmem_shared>>
        tpu.wait_indirect_dma semaphore(%run_scoped3A : memref<!tpu.dma_semaphore, #tpu.memory_space<semaphore_mem>>) src(%dma_wait3A_164 : memref<128x128xf32, #tpu.memory_space<vmem>>) dst(%dma_wait3A_170 : memref<10112x128xf32, #tpu.memory_space<vmem_shared>>)
        tpu.yield
      }) : () -> ()
      %add3A_147 = arith.constant 2 : i32
      %add3A_148 = arith.addi %while3A_100, %add3A_147 : i32
      %lt3A_149 = arith.cmpi slt, %add3A_148, %add3A_4 : i32
      %convert_element_type3A = arith.extui %lt3A_149 : i1 to i32
      %cond3A = arith.constant 0 : i32
      %cond3A_150 = arith.cmpi ne, %convert_element_type3A, %cond3A : i32
      scf.if %cond3A_150 {
        %add3A_151 = arith.constant 2 : i32
        %add3A_152 = arith.addi %while3A_100, %add3A_151 : i32
        %add3A_153 = arith.constant 158720 : i32
        %add3A_154 = arith.addi %add3A_153, %mul3A_10 : i32
        %mul3A_155 = arith.constant 128 : i32
        %mul3A_156 = arith.muli %add3A_152, %mul3A_155 : i32
        %add3A_157 = arith.addi %add3A_154, %mul3A_156 : i32
        %dma_start3A_158 = arith.constant 1 : i32
        %dma_start3A_159 = arith.constant 0 : i32
        %dma_start3A_160 = tpu.memref_slice %arg6[%select_n3A_112, %dma_start3A_159] : memref<2x128xi32, #tpu.memory_space<vmem>> -> memref<1x128xi32, #tpu.memory_space<vmem>>
        %dma_start3A_161 = tpu.memref_squeeze %dma_start3A_160 : memref<1x128xi32, #tpu.memory_space<vmem>> -> memref<128xi32, #tpu.memory_space<vmem>>
        %dma_start3A_162 = tpu.memref_slice %arg2[%dma_start3A_158, %add3A_157] : memref<2x320000xi32, #tpu.memory_space<hbm>> -> memref<1x128xi32, #tpu.memory_space<hbm>>
        %dma_start3A_163 = tpu.memref_squeeze %dma_start3A_162 : memref<1x128xi32, #tpu.memory_space<hbm>> -> memref<128xi32, #tpu.memory_space<hbm>>
        %dma_start3A_164 = tpu.memref_slice %arg9[%select_n3A_112] : memref<2x!tpu.dma_semaphore, #tpu.memory_space<semaphore_mem>> -> memref<1x!tpu.dma_semaphore, #tpu.memory_space<semaphore_mem>>
        %dma_start3A_165 = tpu.memref_squeeze %dma_start3A_164 : memref<1x!tpu.dma_semaphore, #tpu.memory_space<semaphore_mem>> -> memref<!tpu.dma_semaphore, #tpu.memory_space<semaphore_mem>>
        %dma_start3A_166 = arith.constant 0 : i32
        %dma_start3A_167 = tpu.memref_slice %arg6[%select_n3A_112, %dma_start3A_166] : memref<2x128xi32, #tpu.memory_space<vmem>> -> memref<1x128xi32, #tpu.memory_space<vmem>>
        %dma_start3A_168 = tpu.memref_squeeze %dma_start3A_167 : memref<1x128xi32, #tpu.memory_space<vmem>> -> memref<128xi32, #tpu.memory_space<vmem>>
        %dma_start3A_169 = tpu.memref_slice %arg2[%dma_start3A_158, %add3A_157] : memref<2x320000xi32, #tpu.memory_space<hbm>> -> memref<1x128xi32, #tpu.memory_space<hbm>>
        %dma_start3A_170 = tpu.memref_squeeze %dma_start3A_169 : memref<1x128xi32, #tpu.memory_space<hbm>> -> memref<128xi32, #tpu.memory_space<hbm>>
        tpu.enqueue_dma source(%dma_start3A_170 : memref<128xi32, #tpu.memory_space<hbm>>) target(%dma_start3A_168 : memref<128xi32, #tpu.memory_space<vmem>>) target_semaphore(%dma_start3A_165 : memref<!tpu.dma_semaphore, #tpu.memory_space<semaphore_mem>>)
        %add3A_171 = arith.constant 2 : i32
        %add3A_172 = arith.addi %while3A_100, %add3A_171 : i32
        %mul3A_173 = arith.constant 128 : i32
        %mul3A_174 = arith.muli %add3A_172, %mul3A_173 : i32
        %add3A_175 = arith.addi %mul3A_10, %mul3A_174 : i32
        %dma_start3A_176 = arith.constant 0 : i32
        %dma_start3A_177 = arith.constant 0 : i32
        %dma_start3A_178 = tpu.memref_slice %arg7[%select_n3A_112, %dma_start3A_176, %dma_start3A_177] : memref<2x128x128xf32, #tpu.memory_space<vmem>> -> memref<1x128x128xf32, #tpu.memory_space<vmem>>
        %dma_start3A_179 = tpu.memref_squeeze %dma_start3A_178 : memref<1x128x128xf32, #tpu.memory_space<vmem>> -> memref<128x128xf32, #tpu.memory_space<vmem>>
        %dma_start3A_180 = arith.constant 0 : i32
        %dma_start3A_181 = tpu.memref_slice %arg3[%add3A_175, %dma_start3A_180] : memref<161280x128xf32, #tpu.memory_space<hbm>> -> memref<128x128xf32, #tpu.memory_space<hbm>>
        %dma_start3A_182 = tpu.memref_slice %arg10[%select_n3A_112] : memref<2x!tpu.dma_semaphore, #tpu.memory_space<semaphore_mem>> -> memref<1x!tpu.dma_semaphore, #tpu.memory_space<semaphore_mem>>
        %dma_start3A_183 = tpu.memref_squeeze %dma_start3A_182 : memref<1x!tpu.dma_semaphore, #tpu.memory_space<semaphore_mem>> -> memref<!tpu.dma_semaphore, #tpu.memory_space<semaphore_mem>>
        %dma_start3A_184 = arith.constant 0 : i32
        %dma_start3A_185 = arith.constant 0 : i32
        %dma_start3A_186 = tpu.memref_slice %arg7[%select_n3A_112, %dma_start3A_184, %dma_start3A_185] : memref<2x128x128xf32, #tpu.memory_space<vmem>> -> memref<1x128x128xf32, #tpu.memory_space<vmem>>
        %dma_start3A_187 = tpu.memref_squeeze %dma_start3A_186 : memref<1x128x128xf32, #tpu.memory_space<vmem>> -> memref<128x128xf32, #tpu.memory_space<vmem>>
        %dma_start3A_188 = arith.constant 0 : i32
        %dma_start3A_189 = tpu.memref_slice %arg3[%add3A_175, %dma_start3A_188] : memref<161280x128xf32, #tpu.memory_space<hbm>> -> memref<128x128xf32, #tpu.memory_space<hbm>>
        tpu.enqueue_dma source(%dma_start3A_189 : memref<128x128xf32, #tpu.memory_space<hbm>>) target(%dma_start3A_187 : memref<128x128xf32, #tpu.memory_space<vmem>>) target_semaphore(%dma_start3A_183 : memref<!tpu.dma_semaphore, #tpu.memory_space<semaphore_mem>>)
      } else {
      }
    }
    %barrier3A_95 = arith.constant 0 : index
    tpu.barrier barrier_id(%barrier3A_95)
    %mul3A_96 = arith.constant 632 : i32
    %mul3A_97 = arith.muli %arg1, %mul3A_96 : i32
    %mul3A_98 = arith.constant 632 : i32
    %mul3A_99 = arith.muli %arg1, %mul3A_98 : i32
    "tpu.region"() ({
      %run_scoped3A = tpu.sem_alloc : memref<!tpu.dma_semaphore, #tpu.memory_space<semaphore_mem>>
      %dma_start3A_100 = arith.constant 0 : i32
      %dma_start3A_101 = tpu.memref_slice %arg5[%arg0, %mul3A_99, %dma_start3A_100] : memref<2x10112x128xf32, #tpu.memory_space<hbm>> -> memref<1x632x128xf32, #tpu.memory_space<hbm>>
      %dma_start3A_102 = tpu.memref_squeeze %dma_start3A_101 : memref<1x632x128xf32, #tpu.memory_space<hbm>> -> memref<632x128xf32, #tpu.memory_space<hbm>>
      %dma_start3A_103 = arith.constant 0 : i32
      %dma_start3A_104 = tpu.memref_slice %arg8[%mul3A_97, %dma_start3A_103] : memref<10112x128xf32, #tpu.memory_space<vmem_shared>> -> memref<632x128xf32, #tpu.memory_space<vmem_shared>>
      tpu.enqueue_dma source(%dma_start3A_104 : memref<632x128xf32, #tpu.memory_space<vmem_shared>>) target(%dma_start3A_102 : memref<632x128xf32, #tpu.memory_space<hbm>>) target_semaphore(%run_scoped3A : memref<!tpu.dma_semaphore, #tpu.memory_space<semaphore_mem>>)
      %dma_wait3A = arith.constant 0 : i32
      %dma_wait3A_105 = tpu.memref_slice %arg5[%arg0, %mul3A_99, %dma_wait3A] : memref<2x10112x128xf32, #tpu.memory_space<hbm>> -> memref<1x632x128xf32, #tpu.memory_space<hbm>>
      %dma_wait3A_106 = tpu.memref_squeeze %dma_wait3A_105 : memref<1x632x128xf32, #tpu.memory_space<hbm>> -> memref<632x128xf32, #tpu.memory_space<hbm>>
      %dma_wait3A_107 = arith.constant 0 : i32
      %dma_wait3A_108 = tpu.memref_slice %arg8[%mul3A_97, %dma_wait3A_107] : memref<10112x128xf32, #tpu.memory_space<vmem_shared>> -> memref<632x128xf32, #tpu.memory_space<vmem_shared>>
      tpu.wait_dma2 semaphore(%run_scoped3A : memref<!tpu.dma_semaphore, #tpu.memory_space<semaphore_mem>>) src(%dma_wait3A_108 : memref<632x128xf32, #tpu.memory_space<vmem_shared>>) dst(%dma_wait3A_106 : memref<632x128xf32, #tpu.memory_space<hbm>>)
      tpu.yield
    }) : () -> ()
    return
  }
}

module attributes {stable_mosaic.version = 14 : i64} {
  func.func @body(%arg0: i32, %arg1: memref<2000x10xf32, #tpu.memory_space<vmem>>, %arg2: memref<2000x128xf32, #tpu.memory_space<vmem>>, %arg3: memref<128x128xf32, #tpu.memory_space<vmem>>, %arg4: memref<10x128x128xf32, #tpu.memory_space<vmem>>, %arg5: memref<10x128xf32, #tpu.memory_space<vmem>>, %arg6: memref<2000x128xi32, #tpu.memory_space<vmem>>, %arg7: memref<2000x128xf32, #tpu.memory_space<vmem>>) attributes {dimension_semantics = [#tpu.dimension_semantics<arbitrary>], iteration_bounds = array<i64: 5>, scalar_prefetch = 0 : i64, scratch_operands = 0 : i64, tpu.core_type = #tpu.core_type<tc>, window_params = [{transform_indices = @transform_0, window_bounds = array<i64: 2000, 10>}, {transform_indices = @transform_1, window_bounds = array<i64: 2000, 128>}, {pipeline_mode = #tpu.pipeline_mode<synchronous>, transform_indices = @transform_2, window_bounds = array<i64: 128, 128>}, {pipeline_mode = #tpu.pipeline_mode<synchronous>, transform_indices = @transform_3, window_bounds = array<i64: 10, 128, 128>}, {pipeline_mode = #tpu.pipeline_mode<synchronous>, transform_indices = @transform_4, window_bounds = array<i64: 10, 128>}, {transform_indices = @transform_5, window_bounds = array<i64: 2000, 128>}, {transform_indices = @transform_6, window_bounds = array<i64: 2000, 128>}]} {
    %get3A = arith.constant 0 : index
    %get3A_0 = arith.constant 0 : index
    %get3A_1 = vector.load %arg2[%get3A, %get3A_0] : memref<2000x128xf32, #tpu.memory_space<vmem>>, vector<2000x128xf32>
    %get3A_2 = arith.constant 0 : index
    %get3A_3 = arith.constant 0 : index
    %get3A_4 = vector.load %arg3[%get3A_2, %get3A_3] : memref<128x128xf32, #tpu.memory_space<vmem>>, vector<128x128xf32>
    %dot_general3A = arith.constant dense<0.000000e+00> : vector<2000x128xf32>
    %dot_general3A_5 = tpu.matmul %get3A_1, %get3A_4, %dot_general3A {dimension_numbers = #tpu.dot_dimension_numbers<[1], [0], [0], [1], [0, 0, 1, 1], [], []>, transpose_lhs_hint = false} : vector<2000x128xf32>, vector<128x128xf32>, vector<2000x128xf32> -> vector<2000x128xf32>
    %get3A_6 = arith.constant 0 : index
    %get3A_7 = arith.constant 0 : index
    %get3A_8 = vector.load %arg1[%get3A_6, %get3A_7] : memref<2000x10xf32, #tpu.memory_space<vmem>>, vector<2000x10xf32>
    %get3A_9 = arith.constant 0 : index
    %get3A_10 = arith.constant 0 : index
    %get3A_11 = vector.load %arg5[%get3A_9, %get3A_10] : memref<10x128xf32, #tpu.memory_space<vmem>>, vector<10x128xf32>
    %dot_general3A_12 = arith.constant dense<0.000000e+00> : vector<2000x128xf32>
    %dot_general3A_13 = tpu.matmul %get3A_8, %get3A_11, %dot_general3A_12 {dimension_numbers = #tpu.dot_dimension_numbers<[1], [0], [0], [1], [0, 0, 1, 1], [], []>, transpose_lhs_hint = false} : vector<2000x10xf32>, vector<10x128xf32>, vector<2000x128xf32> -> vector<2000x128xf32>
    %convert_element_type3A = arith.truncf %dot_general3A_5 : vector<2000x128xf32> to vector<2000x128xbf16>
    %bitcast_convert_type3A = tpu.bitcast %convert_element_type3A : vector<2000x128xbf16> -> vector<2000x128xi16>
    %convert_element_type3A_14 = arith.extui %bitcast_convert_type3A : vector<2000x128xi16> to vector<2000x128xi32>
    %convert_element_type3A_15 = arith.truncf %dot_general3A_13 : vector<2000x128xf32> to vector<2000x128xbf16>
    %bitcast_convert_type3A_16 = tpu.bitcast %convert_element_type3A_15 : vector<2000x128xbf16> -> vector<2000x128xi16>
    %convert_element_type3A_17 = arith.extui %bitcast_convert_type3A_16 : vector<2000x128xi16> to vector<2000x128xi32>
    %shift_left3A = arith.constant 16 : i32
    %shift_left3A_18 = vector.broadcast %shift_left3A : i32 to vector<2000x128xi32>
    %shift_left3A_19 = arith.shli %convert_element_type3A_14, %shift_left3A_18 : vector<2000x128xi32>
    %or3A = arith.ori %shift_left3A_19, %convert_element_type3A_17 : vector<2000x128xi32>
    %bitcast_convert_type3A_20 = tpu.bitcast %or3A : vector<2000x128xi32> -> vector<2000x128xi32>
    %swap3A = arith.constant 0 : index
    %swap3A_21 = arith.constant 0 : index
    %swap3A_22 = vector.load %arg6[%swap3A, %swap3A_21] : memref<2000x128xi32, #tpu.memory_space<vmem>>, vector<2000x128xi32>
    tpu.vector_store %arg6[%swap3A, %swap3A_21], %bitcast_convert_type3A_20 {strides = array<i32>} : memref<2000x128xi32, #tpu.memory_space<vmem>>, vector<2000x128xi32>,
    %broadcast_in_dim3A = arith.constant 0.000000e+00 : f32
    %broadcast_in_dim3A_23 = vector.broadcast %broadcast_in_dim3A : f32 to vector<2000x128xf32>
    %get3A_24 = arith.constant 0 : index
    %get3A_25 = arith.constant 0 : index
    %get3A_26 = vector.load %arg1[%get3A_24, %get3A_25] : memref<2000x10xf32, #tpu.memory_space<vmem>>, vector<2000x1xf32>
    %mul3A = vector.broadcast %get3A_26 : vector<2000x1xf32> to vector<2000x128xf32>
    %mul3A_27 = arith.mulf %get3A_1, %mul3A : vector<2000x128xf32>
    %get3A_28 = arith.constant 0 : index
    %get3A_29 = arith.constant 0 : index
    %get3A_30 = arith.constant 0 : index
    %get3A_31 = vector.load %arg4[%get3A_28, %get3A_29, %get3A_30] : memref<10x128x128xf32, #tpu.memory_space<vmem>>, vector<1x128x128xf32>
    %get3A_32 = vector.shape_cast %get3A_31 : vector<1x128x128xf32> to vector<128x128xf32>
    %dot_general3A_33 = arith.constant dense<0.000000e+00> : vector<2000x128xf32>
    %dot_general3A_34 = tpu.matmul %mul3A_27, %get3A_32, %dot_general3A_33 {dimension_numbers = #tpu.dot_dimension_numbers<[1], [0], [0], [1], [0, 0, 1, 1], [], []>, transpose_lhs_hint = false} : vector<2000x128xf32>, vector<128x128xf32>, vector<2000x128xf32> -> vector<2000x128xf32>
    %add3A = arith.addf %broadcast_in_dim3A_23, %dot_general3A_34 : vector<2000x128xf32>
    %get3A_35 = arith.constant 0 : index
    %get3A_36 = arith.constant 1 : index
    %get3A_37 = vector.load %arg1[%get3A_35, %get3A_36] : memref<2000x10xf32, #tpu.memory_space<vmem>>, vector<2000x1xf32>
    %mul3A_38 = vector.broadcast %get3A_37 : vector<2000x1xf32> to vector<2000x128xf32>
    %mul3A_39 = arith.mulf %get3A_1, %mul3A_38 : vector<2000x128xf32>
    %get3A_40 = arith.constant 1 : index
    %get3A_41 = arith.constant 0 : index
    %get3A_42 = arith.constant 0 : index
    %get3A_43 = vector.load %arg4[%get3A_40, %get3A_41, %get3A_42] : memref<10x128x128xf32, #tpu.memory_space<vmem>>, vector<1x128x128xf32>
    %get3A_44 = vector.shape_cast %get3A_43 : vector<1x128x128xf32> to vector<128x128xf32>
    %dot_general3A_45 = arith.constant dense<0.000000e+00> : vector<2000x128xf32>
    %dot_general3A_46 = tpu.matmul %mul3A_39, %get3A_44, %dot_general3A_45 {dimension_numbers = #tpu.dot_dimension_numbers<[1], [0], [0], [1], [0, 0, 1, 1], [], []>, transpose_lhs_hint = false} : vector<2000x128xf32>, vector<128x128xf32>, vector<2000x128xf32> -> vector<2000x128xf32>
    %add3A_47 = arith.addf %add3A, %dot_general3A_46 : vector<2000x128xf32>
    %get3A_48 = arith.constant 0 : index
    %get3A_49 = arith.constant 2 : index
    %get3A_50 = vector.load %arg1[%get3A_48, %get3A_49] : memref<2000x10xf32, #tpu.memory_space<vmem>>, vector<2000x1xf32>
    %mul3A_51 = vector.broadcast %get3A_50 : vector<2000x1xf32> to vector<2000x128xf32>
    %mul3A_52 = arith.mulf %get3A_1, %mul3A_51 : vector<2000x128xf32>
    %get3A_53 = arith.constant 2 : index
    %get3A_54 = arith.constant 0 : index
    %get3A_55 = arith.constant 0 : index
    %get3A_56 = vector.load %arg4[%get3A_53, %get3A_54, %get3A_55] : memref<10x128x128xf32, #tpu.memory_space<vmem>>, vector<1x128x128xf32>
    %get3A_57 = vector.shape_cast %get3A_56 : vector<1x128x128xf32> to vector<128x128xf32>
    %dot_general3A_58 = arith.constant dense<0.000000e+00> : vector<2000x128xf32>
    %dot_general3A_59 = tpu.matmul %mul3A_52, %get3A_57, %dot_general3A_58 {dimension_numbers = #tpu.dot_dimension_numbers<[1], [0], [0], [1], [0, 0, 1, 1], [], []>, transpose_lhs_hint = false} : vector<2000x128xf32>, vector<128x128xf32>, vector<2000x128xf32> -> vector<2000x128xf32>
    %add3A_60 = arith.addf %add3A_47, %dot_general3A_59 : vector<2000x128xf32>
    %get3A_61 = arith.constant 0 : index
    %get3A_62 = arith.constant 3 : index
    %get3A_63 = vector.load %arg1[%get3A_61, %get3A_62] : memref<2000x10xf32, #tpu.memory_space<vmem>>, vector<2000x1xf32>
    %mul3A_64 = vector.broadcast %get3A_63 : vector<2000x1xf32> to vector<2000x128xf32>
    %mul3A_65 = arith.mulf %get3A_1, %mul3A_64 : vector<2000x128xf32>
    %get3A_66 = arith.constant 3 : index
    %get3A_67 = arith.constant 0 : index
    %get3A_68 = arith.constant 0 : index
    %get3A_69 = vector.load %arg4[%get3A_66, %get3A_67, %get3A_68] : memref<10x128x128xf32, #tpu.memory_space<vmem>>, vector<1x128x128xf32>
    %get3A_70 = vector.shape_cast %get3A_69 : vector<1x128x128xf32> to vector<128x128xf32>
    %dot_general3A_71 = arith.constant dense<0.000000e+00> : vector<2000x128xf32>
    %dot_general3A_72 = tpu.matmul %mul3A_65, %get3A_70, %dot_general3A_71 {dimension_numbers = #tpu.dot_dimension_numbers<[1], [0], [0], [1], [0, 0, 1, 1], [], []>, transpose_lhs_hint = false} : vector<2000x128xf32>, vector<128x128xf32>, vector<2000x128xf32> -> vector<2000x128xf32>
    %add3A_73 = arith.addf %add3A_60, %dot_general3A_72 : vector<2000x128xf32>
    %get3A_74 = arith.constant 0 : index
    %get3A_75 = arith.constant 4 : index
    %get3A_76 = vector.load %arg1[%get3A_74, %get3A_75] : memref<2000x10xf32, #tpu.memory_space<vmem>>, vector<2000x1xf32>
    %mul3A_77 = vector.broadcast %get3A_76 : vector<2000x1xf32> to vector<2000x128xf32>
    %mul3A_78 = arith.mulf %get3A_1, %mul3A_77 : vector<2000x128xf32>
    %get3A_79 = arith.constant 4 : index
    %get3A_80 = arith.constant 0 : index
    %get3A_81 = arith.constant 0 : index
    %get3A_82 = vector.load %arg4[%get3A_79, %get3A_80, %get3A_81] : memref<10x128x128xf32, #tpu.memory_space<vmem>>, vector<1x128x128xf32>
    %get3A_83 = vector.shape_cast %get3A_82 : vector<1x128x128xf32> to vector<128x128xf32>
    %dot_general3A_84 = arith.constant dense<0.000000e+00> : vector<2000x128xf32>
    %dot_general3A_85 = tpu.matmul %mul3A_78, %get3A_83, %dot_general3A_84 {dimension_numbers = #tpu.dot_dimension_numbers<[1], [0], [0], [1], [0, 0, 1, 1], [], []>, transpose_lhs_hint = false} : vector<2000x128xf32>, vector<128x128xf32>, vector<2000x128xf32> -> vector<2000x128xf32>
    %add3A_86 = arith.addf %add3A_73, %dot_general3A_85 : vector<2000x128xf32>
    %get3A_87 = arith.constant 0 : index
    %get3A_88 = arith.constant 5 : index
    %get3A_89 = vector.load %arg1[%get3A_87, %get3A_88] : memref<2000x10xf32, #tpu.memory_space<vmem>>, vector<2000x1xf32>
    %mul3A_90 = vector.broadcast %get3A_89 : vector<2000x1xf32> to vector<2000x128xf32>
    %mul3A_91 = arith.mulf %get3A_1, %mul3A_90 : vector<2000x128xf32>
    %get3A_92 = arith.constant 5 : index
    %get3A_93 = arith.constant 0 : index
    %get3A_94 = arith.constant 0 : index
    %get3A_95 = vector.load %arg4[%get3A_92, %get3A_93, %get3A_94] : memref<10x128x128xf32, #tpu.memory_space<vmem>>, vector<1x128x128xf32>
    %get3A_96 = vector.shape_cast %get3A_95 : vector<1x128x128xf32> to vector<128x128xf32>
    %dot_general3A_97 = arith.constant dense<0.000000e+00> : vector<2000x128xf32>
    %dot_general3A_98 = tpu.matmul %mul3A_91, %get3A_96, %dot_general3A_97 {dimension_numbers = #tpu.dot_dimension_numbers<[1], [0], [0], [1], [0, 0, 1, 1], [], []>, transpose_lhs_hint = false} : vector<2000x128xf32>, vector<128x128xf32>, vector<2000x128xf32> -> vector<2000x128xf32>
    %add3A_99 = arith.addf %add3A_86, %dot_general3A_98 : vector<2000x128xf32>
    %get3A_100 = arith.constant 0 : index
    %get3A_101 = arith.constant 6 : index
    %get3A_102 = vector.load %arg1[%get3A_100, %get3A_101] : memref<2000x10xf32, #tpu.memory_space<vmem>>, vector<2000x1xf32>
    %mul3A_103 = vector.broadcast %get3A_102 : vector<2000x1xf32> to vector<2000x128xf32>
    %mul3A_104 = arith.mulf %get3A_1, %mul3A_103 : vector<2000x128xf32>
    %get3A_105 = arith.constant 6 : index
    %get3A_106 = arith.constant 0 : index
    %get3A_107 = arith.constant 0 : index
    %get3A_108 = vector.load %arg4[%get3A_105, %get3A_106, %get3A_107] : memref<10x128x128xf32, #tpu.memory_space<vmem>>, vector<1x128x128xf32>
    %get3A_109 = vector.shape_cast %get3A_108 : vector<1x128x128xf32> to vector<128x128xf32>
    %dot_general3A_110 = arith.constant dense<0.000000e+00> : vector<2000x128xf32>
    %dot_general3A_111 = tpu.matmul %mul3A_104, %get3A_109, %dot_general3A_110 {dimension_numbers = #tpu.dot_dimension_numbers<[1], [0], [0], [1], [0, 0, 1, 1], [], []>, transpose_lhs_hint = false} : vector<2000x128xf32>, vector<128x128xf32>, vector<2000x128xf32> -> vector<2000x128xf32>
    %add3A_112 = arith.addf %add3A_99, %dot_general3A_111 : vector<2000x128xf32>
    %get3A_113 = arith.constant 0 : index
    %get3A_114 = arith.constant 7 : index
    %get3A_115 = vector.load %arg1[%get3A_113, %get3A_114] : memref<2000x10xf32, #tpu.memory_space<vmem>>, vector<2000x1xf32>
    %mul3A_116 = vector.broadcast %get3A_115 : vector<2000x1xf32> to vector<2000x128xf32>
    %mul3A_117 = arith.mulf %get3A_1, %mul3A_116 : vector<2000x128xf32>
    %get3A_118 = arith.constant 7 : index
    %get3A_119 = arith.constant 0 : index
    %get3A_120 = arith.constant 0 : index
    %get3A_121 = vector.load %arg4[%get3A_118, %get3A_119, %get3A_120] : memref<10x128x128xf32, #tpu.memory_space<vmem>>, vector<1x128x128xf32>
    %get3A_122 = vector.shape_cast %get3A_121 : vector<1x128x128xf32> to vector<128x128xf32>
    %dot_general3A_123 = arith.constant dense<0.000000e+00> : vector<2000x128xf32>
    %dot_general3A_124 = tpu.matmul %mul3A_117, %get3A_122, %dot_general3A_123 {dimension_numbers = #tpu.dot_dimension_numbers<[1], [0], [0], [1], [0, 0, 1, 1], [], []>, transpose_lhs_hint = false} : vector<2000x128xf32>, vector<128x128xf32>, vector<2000x128xf32> -> vector<2000x128xf32>
    %add3A_125 = arith.addf %add3A_112, %dot_general3A_124 : vector<2000x128xf32>
    %get3A_126 = arith.constant 0 : index
    %get3A_127 = arith.constant 8 : index
    %get3A_128 = vector.load %arg1[%get3A_126, %get3A_127] : memref<2000x10xf32, #tpu.memory_space<vmem>>, vector<2000x1xf32>
    %mul3A_129 = vector.broadcast %get3A_128 : vector<2000x1xf32> to vector<2000x128xf32>
    %mul3A_130 = arith.mulf %get3A_1, %mul3A_129 : vector<2000x128xf32>
    %get3A_131 = arith.constant 8 : index
    %get3A_132 = arith.constant 0 : index
    %get3A_133 = arith.constant 0 : index
    %get3A_134 = vector.load %arg4[%get3A_131, %get3A_132, %get3A_133] : memref<10x128x128xf32, #tpu.memory_space<vmem>>, vector<1x128x128xf32>
    %get3A_135 = vector.shape_cast %get3A_134 : vector<1x128x128xf32> to vector<128x128xf32>
    %dot_general3A_136 = arith.constant dense<0.000000e+00> : vector<2000x128xf32>
    %dot_general3A_137 = tpu.matmul %mul3A_130, %get3A_135, %dot_general3A_136 {dimension_numbers = #tpu.dot_dimension_numbers<[1], [0], [0], [1], [0, 0, 1, 1], [], []>, transpose_lhs_hint = false} : vector<2000x128xf32>, vector<128x128xf32>, vector<2000x128xf32> -> vector<2000x128xf32>
    %add3A_138 = arith.addf %add3A_125, %dot_general3A_137 : vector<2000x128xf32>
    %get3A_139 = arith.constant 0 : index
    %get3A_140 = arith.constant 9 : index
    %get3A_141 = vector.load %arg1[%get3A_139, %get3A_140] : memref<2000x10xf32, #tpu.memory_space<vmem>>, vector<2000x1xf32>
    %mul3A_142 = vector.broadcast %get3A_141 : vector<2000x1xf32> to vector<2000x128xf32>
    %mul3A_143 = arith.mulf %get3A_1, %mul3A_142 : vector<2000x128xf32>
    %get3A_144 = arith.constant 9 : index
    %get3A_145 = arith.constant 0 : index
    %get3A_146 = arith.constant 0 : index
    %get3A_147 = vector.load %arg4[%get3A_144, %get3A_145, %get3A_146] : memref<10x128x128xf32, #tpu.memory_space<vmem>>, vector<1x128x128xf32>
    %get3A_148 = vector.shape_cast %get3A_147 : vector<1x128x128xf32> to vector<128x128xf32>
    %dot_general3A_149 = arith.constant dense<0.000000e+00> : vector<2000x128xf32>
    %dot_general3A_150 = tpu.matmul %mul3A_143, %get3A_148, %dot_general3A_149 {dimension_numbers = #tpu.dot_dimension_numbers<[1], [0], [0], [1], [0, 0, 1, 1], [], []>, transpose_lhs_hint = false} : vector<2000x128xf32>, vector<128x128xf32>, vector<2000x128xf32> -> vector<2000x128xf32>
    %add3A_151 = arith.addf %add3A_138, %dot_general3A_150 : vector<2000x128xf32>
    %swap3A_152 = arith.constant 0 : index
    %swap3A_153 = arith.constant 0 : index
    %swap3A_154 = vector.load %arg7[%swap3A_152, %swap3A_153] : memref<2000x128xf32, #tpu.memory_space<vmem>>, vector<2000x128xf32>
    tpu.vector_store %arg7[%swap3A_152, %swap3A_153], %add3A_151 {strides = array<i32>} : memref<2000x128xf32, #tpu.memory_space<vmem>>, vector<2000x128xf32>,
    return
  }
  func.func @transform_0(%arg0: i32) -> (i32, i32) {
    %c0_i32 = arith.constant 0 : i32
    %c0_i32_0 = arith.constant 0 : i32
    return %arg0, %c0_i32 : i32, i32
  }
  func.func @transform_1(%arg0: i32) -> (i32, i32) {
    %c0_i32 = arith.constant 0 : i32
    %c0_i32_0 = arith.constant 0 : i32
    return %arg0, %c0_i32 : i32, i32
  }
  func.func @transform_2(%arg0: i32) -> (i32, i32) {
    %c0_i32 = arith.constant 0 : i32
    %c0_i32_0 = arith.constant 0 : i32
    %c0_i32_1 = arith.constant 0 : i32
    return %c0_i32, %c0_i32_0 : i32, i32
  }
  func.func @transform_3(%arg0: i32) -> (i32, i32, i32) {
    %c0_i32 = arith.constant 0 : i32
    %c0_i32_0 = arith.constant 0 : i32
    %c0_i32_1 = arith.constant 0 : i32
    %c0_i32_2 = arith.constant 0 : i32
    return %c0_i32, %c0_i32_0, %c0_i32_1 : i32, i32, i32
  }
  func.func @transform_4(%arg0: i32) -> (i32, i32) {
    %c0_i32 = arith.constant 0 : i32
    %c0_i32_0 = arith.constant 0 : i32
    %c0_i32_1 = arith.constant 0 : i32
    return %c0_i32, %c0_i32_0 : i32, i32
  }
  func.func @transform_5(%arg0: i32) -> (i32, i32) {
    %c0_i32 = arith.constant 0 : i32
    %c0_i32_0 = arith.constant 0 : i32
    return %arg0, %c0_i32 : i32, i32
  }
  func.func @transform_6(%arg0: i32) -> (i32, i32) {
    %c0_i32 = arith.constant 0 : i32
    %c0_i32_0 = arith.constant 0 : i32
    return %arg0, %c0_i32 : i32, i32
  }
}

module attributes {stable_mosaic.version = 14 : i64} {
  func.func @body(%arg0: i32, %arg1: memref<2560x128xi32, #tpu.memory_space<vmem>>, %arg2: memref<8x2560xf32, #tpu.memory_space<vmem>>, %arg3: memref<8x128xf32, #tpu.memory_space<vmem>>, %arg4: memref<128x128xf32, #tpu.memory_space<vmem>>, %arg5: memref<2560x128xf32, #tpu.memory_space<vmem>>) attributes {dimension_semantics = [#tpu.dimension_semantics<arbitrary>], iteration_bounds = array<i64: 63>, scalar_prefetch = 0 : i64, scratch_operands = 0 : i64, tpu.core_type = #tpu.core_type<tc>, window_params = [{transform_indices = @transform_0, window_bounds = array<i64: 2560, 128>}, {transform_indices = @transform_1, window_bounds = array<i64: 8, 2560>}, {pipeline_mode = #tpu.pipeline_mode<synchronous>, transform_indices = @transform_2, window_bounds = array<i64: 8, 128>}, {pipeline_mode = #tpu.pipeline_mode<synchronous>, transform_indices = @transform_3, window_bounds = array<i64: 128, 128>}, {transform_indices = @transform_4, window_bounds = array<i64: 2560, 128>}]} {
    %get3A = arith.constant 0 : index
    %get3A_0 = arith.constant 0 : index
    %get3A_1 = vector.load %arg1[%get3A, %get3A_0] : memref<2560x128xi32, #tpu.memory_space<vmem>>, vector<2560x128xi32>
    %bitcast_convert_type3A = tpu.bitcast %get3A_1 : vector<2560x128xi32> -> vector<2560x128xi32>
    %shift_right_logical3A = arith.constant 16 : i32
    %shift_right_logical3A_2 = vector.broadcast %shift_right_logical3A : i32 to vector<2560x128xi32>
    %shift_right_logical3A_3 = arith.shrui %bitcast_convert_type3A, %shift_right_logical3A_2 : vector<2560x128xi32>
    %convert_element_type3A = arith.trunci %shift_right_logical3A_3 : vector<2560x128xi32> to vector<2560x128xi16>
    %bitcast_convert_type3A_4 = tpu.bitcast %convert_element_type3A : vector<2560x128xi16> -> vector<2560x128xbf16>
    %convert_element_type3A_5 = arith.trunci %bitcast_convert_type3A : vector<2560x128xi32> to vector<2560x128xi16>
    %bitcast_convert_type3A_6 = tpu.bitcast %convert_element_type3A_5 : vector<2560x128xi16> -> vector<2560x128xbf16>
    %get3A_7 = arith.constant 0 : index
    %get3A_8 = arith.constant 0 : index
    %get3A_9 = vector.load %arg2[%get3A_7, %get3A_8] : memref<8x2560xf32, #tpu.memory_space<vmem>>, vector<8x2560xf32>
    %get3A_10 = arith.constant 0 : index
    %get3A_11 = arith.constant 0 : index
    %get3A_12 = vector.load %arg3[%get3A_10, %get3A_11] : memref<8x128xf32, #tpu.memory_space<vmem>>, vector<8x128xf32>
    %dot_general3A = arith.constant dense<0.000000e+00> : vector<2560x128xf32>
    %dot_general3A_13 = tpu.matmul %get3A_9, %get3A_12, %dot_general3A {dimension_numbers = #tpu.dot_dimension_numbers<[0], [0], [1], [1], [0, 1, 1, 1], [], []>, transpose_lhs_hint = false} : vector<8x2560xf32>, vector<8x128xf32>, vector<2560x128xf32> -> vector<2560x128xf32>
    %convert_element_type3A_14 = arith.extf %bitcast_convert_type3A_6 : vector<2560x128xbf16> to vector<2560x128xf32>
    %mul3A = arith.mulf %convert_element_type3A_14, %dot_general3A_13 : vector<2560x128xf32>
    %get3A_15 = arith.constant 0 : index
    %get3A_16 = arith.constant 0 : index
    %get3A_17 = vector.load %arg4[%get3A_15, %get3A_16] : memref<128x128xf32, #tpu.memory_space<vmem>>, vector<128x128xf32>
    %dot_general3A_18 = arith.constant dense<0.000000e+00> : vector<2560x128xf32>
    %dot_general3A_19 = tpu.matmul %mul3A, %get3A_17, %dot_general3A_18 {dimension_numbers = #tpu.dot_dimension_numbers<[1], [0], [0], [1], [0, 0, 1, 1], [], []>, transpose_lhs_hint = false} : vector<2560x128xf32>, vector<128x128xf32>, vector<2560x128xf32> -> vector<2560x128xf32>
    %convert_element_type3A_20 = arith.extf %bitcast_convert_type3A_4 : vector<2560x128xbf16> to vector<2560x128xf32>
    %mul3A_21 = arith.mulf %dot_general3A_19, %convert_element_type3A_20 : vector<2560x128xf32>
    %swap3A = arith.constant 0 : index
    %swap3A_22 = arith.constant 0 : index
    %swap3A_23 = vector.load %arg5[%swap3A, %swap3A_22] : memref<2560x128xf32, #tpu.memory_space<vmem>>, vector<2560x128xf32>
    tpu.vector_store %arg5[%swap3A, %swap3A_22], %mul3A_21 {strides = array<i32>} : memref<2560x128xf32, #tpu.memory_space<vmem>>, vector<2560x128xf32>,
    return
  }
  func.func @transform_0(%arg0: i32) -> (i32, i32) {
    %c0_i32 = arith.constant 0 : i32
    %c0_i32_0 = arith.constant 0 : i32
    return %arg0, %c0_i32 : i32, i32
  }
  func.func @transform_1(%arg0: i32) -> (i32, i32) {
    %add3A = arith.constant 62 : i32
    %add3A_0 = arith.addi %arg0, %add3A : i32
    %c0_i32 = arith.constant 0 : i32
    %c0_i32_1 = arith.constant 0 : i32
    return %c0_i32, %add3A_0 : i32, i32
  }
  func.func @transform_2(%arg0: i32) -> (i32, i32) {
    %c0_i32 = arith.constant 0 : i32
    %c0_i32_0 = arith.constant 0 : i32
    %c0_i32_1 = arith.constant 0 : i32
    return %c0_i32, %c0_i32_0 : i32, i32
  }
  func.func @transform_3(%arg0: i32) -> (i32, i32) {
    %c0_i32 = arith.constant 0 : i32
    %c0_i32_0 = arith.constant 0 : i32
    %c0_i32_1 = arith.constant 0 : i32
    return %c0_i32, %c0_i32_0 : i32, i32
  }
  func.func @transform_4(%arg0: i32) -> (i32, i32) {
    %c0_i32 = arith.constant 0 : i32
    %c0_i32_0 = arith.constant 0 : i32
    return %arg0, %c0_i32 : i32, i32
  }
}

module attributes {stable_mosaic.version = 14 : i64} {
  func.func @body(%arg0: i32, %arg1: memref<2560x128xi32, #tpu.memory_space<vmem>>, %arg2: memref<8x2560xf32, #tpu.memory_space<vmem>>, %arg3: memref<8x128xf32, #tpu.memory_space<vmem>>, %arg4: memref<128x128xf32, #tpu.memory_space<vmem>>, %arg5: memref<2560x128xf32, #tpu.memory_space<vmem>>) attributes {dimension_semantics = [#tpu.dimension_semantics<arbitrary>], iteration_bounds = array<i64: 62>, scalar_prefetch = 0 : i64, scratch_operands = 0 : i64, tpu.core_type = #tpu.core_type<tc>, window_params = [{transform_indices = @transform_0, window_bounds = array<i64: 2560, 128>}, {transform_indices = @transform_1, window_bounds = array<i64: 8, 2560>}, {pipeline_mode = #tpu.pipeline_mode<synchronous>, transform_indices = @transform_2, window_bounds = array<i64: 8, 128>}, {pipeline_mode = #tpu.pipeline_mode<synchronous>, transform_indices = @transform_3, window_bounds = array<i64: 128, 128>}, {transform_indices = @transform_4, window_bounds = array<i64: 2560, 128>}]} {
    %get3A = arith.constant 0 : index
    %get3A_0 = arith.constant 0 : index
    %get3A_1 = vector.load %arg1[%get3A, %get3A_0] : memref<2560x128xi32, #tpu.memory_space<vmem>>, vector<2560x128xi32>
    %bitcast_convert_type3A = tpu.bitcast %get3A_1 : vector<2560x128xi32> -> vector<2560x128xi32>
    %shift_right_logical3A = arith.constant 16 : i32
    %shift_right_logical3A_2 = vector.broadcast %shift_right_logical3A : i32 to vector<2560x128xi32>
    %shift_right_logical3A_3 = arith.shrui %bitcast_convert_type3A, %shift_right_logical3A_2 : vector<2560x128xi32>
    %convert_element_type3A = arith.trunci %shift_right_logical3A_3 : vector<2560x128xi32> to vector<2560x128xi16>
    %bitcast_convert_type3A_4 = tpu.bitcast %convert_element_type3A : vector<2560x128xi16> -> vector<2560x128xbf16>
    %convert_element_type3A_5 = arith.trunci %bitcast_convert_type3A : vector<2560x128xi32> to vector<2560x128xi16>
    %bitcast_convert_type3A_6 = tpu.bitcast %convert_element_type3A_5 : vector<2560x128xi16> -> vector<2560x128xbf16>
    %get3A_7 = arith.constant 0 : index
    %get3A_8 = arith.constant 0 : index
    %get3A_9 = vector.load %arg2[%get3A_7, %get3A_8] : memref<8x2560xf32, #tpu.memory_space<vmem>>, vector<8x2560xf32>
    %get3A_10 = arith.constant 0 : index
    %get3A_11 = arith.constant 0 : index
    %get3A_12 = vector.load %arg3[%get3A_10, %get3A_11] : memref<8x128xf32, #tpu.memory_space<vmem>>, vector<8x128xf32>
    %dot_general3A = arith.constant dense<0.000000e+00> : vector<2560x128xf32>
    %dot_general3A_13 = tpu.matmul %get3A_9, %get3A_12, %dot_general3A {dimension_numbers = #tpu.dot_dimension_numbers<[0], [0], [1], [1], [0, 1, 1, 1], [], []>, transpose_lhs_hint = false} : vector<8x2560xf32>, vector<8x128xf32>, vector<2560x128xf32> -> vector<2560x128xf32>
    %convert_element_type3A_14 = arith.extf %bitcast_convert_type3A_6 : vector<2560x128xbf16> to vector<2560x128xf32>
    %mul3A = arith.mulf %convert_element_type3A_14, %dot_general3A_13 : vector<2560x128xf32>
    %get3A_15 = arith.constant 0 : index
    %get3A_16 = arith.constant 0 : index
    %get3A_17 = vector.load %arg4[%get3A_15, %get3A_16] : memref<128x128xf32, #tpu.memory_space<vmem>>, vector<128x128xf32>
    %dot_general3A_18 = arith.constant dense<0.000000e+00> : vector<2560x128xf32>
    %dot_general3A_19 = tpu.matmul %mul3A, %get3A_17, %dot_general3A_18 {dimension_numbers = #tpu.dot_dimension_numbers<[1], [0], [0], [1], [0, 0, 1, 1], [], []>, transpose_lhs_hint = false} : vector<2560x128xf32>, vector<128x128xf32>, vector<2560x128xf32> -> vector<2560x128xf32>
    %convert_element_type3A_20 = arith.extf %bitcast_convert_type3A_4 : vector<2560x128xbf16> to vector<2560x128xf32>
    %mul3A_21 = arith.mulf %dot_general3A_19, %convert_element_type3A_20 : vector<2560x128xf32>
    %swap3A = arith.constant 0 : index
    %swap3A_22 = arith.constant 0 : index
    %swap3A_23 = vector.load %arg5[%swap3A, %swap3A_22] : memref<2560x128xf32, #tpu.memory_space<vmem>>, vector<2560x128xf32>
    tpu.vector_store %arg5[%swap3A, %swap3A_22], %mul3A_21 {strides = array<i32>} : memref<2560x128xf32, #tpu.memory_space<vmem>>, vector<2560x128xf32>,
    return
  }
  func.func @transform_0(%arg0: i32) -> (i32, i32) {
    %c0_i32 = arith.constant 0 : i32
    %c0_i32_0 = arith.constant 0 : i32
    return %arg0, %c0_i32 : i32, i32
  }
  func.func @transform_1(%arg0: i32) -> (i32, i32) {
    %add3A = arith.constant 0 : i32
    %add3A_0 = arith.addi %arg0, %add3A : i32
    %c0_i32 = arith.constant 0 : i32
    %c0_i32_1 = arith.constant 0 : i32
    return %c0_i32, %add3A_0 : i32, i32
  }
  func.func @transform_2(%arg0: i32) -> (i32, i32) {
    %c0_i32 = arith.constant 0 : i32
    %c0_i32_0 = arith.constant 0 : i32
    %c0_i32_1 = arith.constant 0 : i32
    return %c0_i32, %c0_i32_0 : i32, i32
  }
  func.func @transform_3(%arg0: i32) -> (i32, i32) {
    %c0_i32 = arith.constant 0 : i32
    %c0_i32_0 = arith.constant 0 : i32
    %c0_i32_1 = arith.constant 0 : i32
    return %c0_i32, %c0_i32_0 : i32, i32
  }
  func.func @transform_4(%arg0: i32) -> (i32, i32) {
    %c0_i32 = arith.constant 0 : i32
    %c0_i32_0 = arith.constant 0 : i32
    return %arg0, %c0_i32 : i32, i32
  }
}

module attributes {stable_mosaic.version = 14 : i64} {
  func.func @body(%arg0: i32, %arg1: memref<2x2000x128xf32, #tpu.memory_space<vmem>>, %arg2: memref<2x2000x128xf32, #tpu.memory_space<vmem>>, %arg3: memref<2000x128xf32, #tpu.memory_space<vmem>>, %arg4: memref<128x128xf32, #tpu.memory_space<vmem>>, %arg5: memref<2000x128xf32, #tpu.memory_space<vmem>>) attributes {dimension_semantics = [#tpu.dimension_semantics<arbitrary>], iteration_bounds = array<i64: 5>, scalar_prefetch = 0 : i64, scratch_operands = 0 : i64, tpu.core_type = #tpu.core_type<tc>, window_params = [{transform_indices = @transform_0, window_bounds = array<i64: 2, 2000, 128>}, {transform_indices = @transform_1, window_bounds = array<i64: 2, 2000, 128>}, {transform_indices = @transform_2, window_bounds = array<i64: 2000, 128>}, {pipeline_mode = #tpu.pipeline_mode<synchronous>, transform_indices = @transform_3, window_bounds = array<i64: 128, 128>}, {transform_indices = @transform_4, window_bounds = array<i64: 2000, 128>}]} {
    %get3A = arith.constant 0 : index
    %get3A_0 = arith.constant 0 : index
    %get3A_1 = arith.constant 0 : index
    %get3A_2 = vector.load %arg1[%get3A, %get3A_0, %get3A_1] : memref<2x2000x128xf32, #tpu.memory_space<vmem>>, vector<1x2000x128xf32>
    %get3A_3 = vector.shape_cast %get3A_2 : vector<1x2000x128xf32> to vector<2000x128xf32>
    %get3A_4 = arith.constant 1 : index
    %get3A_5 = arith.constant 0 : index
    %get3A_6 = arith.constant 0 : index
    %get3A_7 = vector.load %arg1[%get3A_4, %get3A_5, %get3A_6] : memref<2x2000x128xf32, #tpu.memory_space<vmem>>, vector<1x2000x128xf32>
    %get3A_8 = vector.shape_cast %get3A_7 : vector<1x2000x128xf32> to vector<2000x128xf32>
    %add3A = arith.addf %get3A_3, %get3A_8 : vector<2000x128xf32>
    %get3A_9 = arith.constant 0 : index
    %get3A_10 = arith.constant 0 : index
    %get3A_11 = arith.constant 0 : index
    %get3A_12 = vector.load %arg2[%get3A_9, %get3A_10, %get3A_11] : memref<2x2000x128xf32, #tpu.memory_space<vmem>>, vector<1x2000x128xf32>
    %get3A_13 = vector.shape_cast %get3A_12 : vector<1x2000x128xf32> to vector<2000x128xf32>
    %add3A_14 = arith.addf %add3A, %get3A_13 : vector<2000x128xf32>
    %get3A_15 = arith.constant 1 : index
    %get3A_16 = arith.constant 0 : index
    %get3A_17 = arith.constant 0 : index
    %get3A_18 = vector.load %arg2[%get3A_15, %get3A_16, %get3A_17] : memref<2x2000x128xf32, #tpu.memory_space<vmem>>, vector<1x2000x128xf32>
    %get3A_19 = vector.shape_cast %get3A_18 : vector<1x2000x128xf32> to vector<2000x128xf32>
    %add3A_20 = arith.addf %add3A_14, %get3A_19 : vector<2000x128xf32>
    %get3A_21 = arith.constant 0 : index
    %get3A_22 = arith.constant 0 : index
    %get3A_23 = vector.load %arg4[%get3A_21, %get3A_22] : memref<128x128xf32, #tpu.memory_space<vmem>>, vector<128x128xf32>
    %dot_general3A = arith.constant dense<0.000000e+00> : vector<2000x128xf32>
    %dot_general3A_24 = tpu.matmul %add3A_20, %get3A_23, %dot_general3A {dimension_numbers = #tpu.dot_dimension_numbers<[1], [0], [0], [1], [0, 0, 1, 1], [], []>, transpose_lhs_hint = false} : vector<2000x128xf32>, vector<128x128xf32>, vector<2000x128xf32> -> vector<2000x128xf32>
    %get3A_25 = arith.constant 0 : index
    %get3A_26 = arith.constant 0 : index
    %get3A_27 = vector.load %arg3[%get3A_25, %get3A_26] : memref<2000x128xf32, #tpu.memory_space<vmem>>, vector<2000x128xf32>
    %add3A_28 = arith.addf %dot_general3A_24, %get3A_27 : vector<2000x128xf32>
    %swap3A = arith.constant 0 : index
    %swap3A_29 = arith.constant 0 : index
    %swap3A_30 = vector.load %arg5[%swap3A, %swap3A_29] : memref<2000x128xf32, #tpu.memory_space<vmem>>, vector<2000x128xf32>
    tpu.vector_store %arg5[%swap3A, %swap3A_29], %add3A_28 {strides = array<i32>} : memref<2000x128xf32, #tpu.memory_space<vmem>>, vector<2000x128xf32>,
    return
  }
  func.func @transform_0(%arg0: i32) -> (i32, i32, i32) {
    %c0_i32 = arith.constant 0 : i32
    %c0_i32_0 = arith.constant 0 : i32
    %c0_i32_1 = arith.constant 0 : i32
    return %c0_i32, %arg0, %c0_i32_0 : i32, i32, i32
  }
  func.func @transform_1(%arg0: i32) -> (i32, i32, i32) {
    %c0_i32 = arith.constant 0 : i32
    %c0_i32_0 = arith.constant 0 : i32
    %c0_i32_1 = arith.constant 0 : i32
    return %c0_i32, %arg0, %c0_i32_0 : i32, i32, i32
  }
  func.func @transform_2(%arg0: i32) -> (i32, i32) {
    %c0_i32 = arith.constant 0 : i32
    %c0_i32_0 = arith.constant 0 : i32
    return %arg0, %c0_i32 : i32, i32
  }
  func.func @transform_3(%arg0: i32) -> (i32, i32) {
    %c0_i32 = arith.constant 0 : i32
    %c0_i32_0 = arith.constant 0 : i32
    %c0_i32_1 = arith.constant 0 : i32
    return %c0_i32, %c0_i32_0 : i32, i32
  }
  func.func @transform_4(%arg0: i32) -> (i32, i32) {
    %c0_i32 = arith.constant 0 : i32
    %c0_i32_0 = arith.constant 0 : i32
    return %arg0, %c0_i32 : i32, i32
  }
}

</mosaic_0001>

<sc_bundles>
// kernel: kernel.10.cloned.1.call-start
scs
__scs_entry_jumppad:
0x0: {  	(pc) =	sbr.rel $0x88, $3  }
0x1: {  	(tag) =	ssettag $0x0;
	lr =	simm.s32 $0x1  }
0x2: {  	[smem:$0x3F98] =	sst lr;
	_ =	strace $0xD0000000  }
0x3: {  	_ = 	snop  }
0x4: {  	_ = 	snop  }
0x5: {  	_ = 	snop  }
0x6: {  	_ = 	snop  }
0x7: {  	_ = 	snop  }
__scs_overlays_trampoline_lowered:
0x8: {  	[smem:$0x3FA7] =	sst s0  }
0x9: {  	[smem:$0x3FA8] =	sst s1  }
0xa: {  	[smem:$0x3FA9] =	sst s2  }
0xb: {  	[smem:$0x3FAA] =	sst s3  }
0xc: {  	[smem:$0x3FAB] =	sst s4  }
0xd: {  	[smem:$0x3FAC] =	sst s5  }
0xe: {  	[smem:$0x3FAD] =	sst s6  }
0xf: {  	[smem:$0x3FAE] =	sst s7  }
0x10: {  	[smem:$0x3FAF] =	sst s8  }
0x11: {  	[smem:$0x3FB0] =	sst s9;
	s0 =	simm.s32 @!p0 $0x0  }
0x12: {  	s1 =	sld [smem:$0x3F96];
	s0 =	simm.s32 @p0 $0x1  }
0x13: {  	[smem:$0x3FB1] =	sst s0;
	s0 =	simm.s32 @!p1 $0x0  }
0x14: {  	s2 =	sld [smem:$0x3F95];
	s0 =	simm.s32 @p1 $0x1  }
0x15: {  	[smem:$0x3FB2] =	sst s0;
	s0 =	simm.s32 @!p2 $0x0  }
0x16: {  	s3 =	sld [smem:$0x3FDB];
	s0 =	simm.s32 @p2 $0x1  }
0x17: {  	s4 =	simm.s32 $0x1BF5;
	[smem:$0x3FB4] =	sst s0  }
0x18: {  	s0 =	sld [smem:$0x3F97];
	_ =	swait.ge [sflag:s4], $0x0  }
0x19: {  	s7 =	sld [smem:$0x3F98]  }
0x1a: {  	s8 =	sadd.s32 $0xFFFFE003, lr  }
0x1b: {  	s9 =	sadd.s32 $0xFFFFFEF7, lr;
	s5 =	simm.s32 $0xFFFFFFFF;
	p2 =	slt.u32 s8, $0xFFFFF086  }
0x1c: {  	p1 =	slt.u32 s9, $0xF7A;
	s5 =	simm.s32 @!p2 $0x0  }
0x1d: {  	s5 =	simm.s32 @p1 $0x1;
	p0 =	seq.s32 s7, s2  }
0x1e: {  	s7 =	smul.u32 @!p0 $0xF7A, s2;
	p2 =	seq.s32 @!p0 s5, $0x0  }
0x1f: {  	s9 =	smul.u32 $0xF7A, s1;
	s8 =	simm.s32 @!p0 $0x1BF5;
	p2 =	por !p2, p0  }
0x20: {  	[sflag:s8] =	ssyncset.s32 @!p0 $0xFFFFF086;
	s6 =	sadd.s32 @!p0 s3, s7;
	s7 =	simm.s32 @!p0 $0x108  }
0x21: {  	s3 =	sadd.s32 s3, s9;
	s6 =	sadd.s32 @!p0 $0x88, s6;
	s7 =	simm.s32 @p2 $0x1082  }
0x22: {  	[simem:s7], [sflag:s8] =	dma.local @!p0 [hbm:s6], $0xF7A  }
0x23: {  	s9 =	sor.u32 $0xD0000000, s2;
	s6 =	simm.s32 $0x108;
	_ =	swait.ge @!p0 [sflag:s8], $0x0  }
0x24: {  	s3 =	sadd.s32 $0x88, s3;
	s6 =	simm.s32 @!p1 $0x1082;
	[sflag:s4] =	ssyncset.s32 $0xFFFFF086  }
0x25: {  	[simem:s6], [sflag:s4] =	dma.local [hbm:s3], $0xF7A  }
0x26: {  	[smem:$0x3F98] =	sst s1;
	(tag) =	ssettag s2;
	_ =	strace s9  }
0x27: {  	s1 =	sld [smem:$0x3FA8]  }
0x28: {  	s2 =	sld [smem:$0x3FA9]  }
0x29: {  	s4 =	sld [smem:$0x3FAB]  }
0x2a: {  	p0 =	seq.s32 s5, $0x0;
	s5 =	sld [smem:$0x3FAC]  }
0x2b: {  	s6 =	sld [smem:$0x3FAD]  }
0x2c: {  	s7 =	sld [smem:$0x3FAE]  }
0x2d: {  	s3 =	simm.s32 $0x108;
	s8 =	sld [smem:$0x3FAF]  }
0x2e: {  	s3 =	simm.s32 @!p0 $0x1082;
	s9 =	sld [smem:$0x3FB0]  }
0x2f: {  	lr =	sadd.s32 s0, s3;
	s0 =	sld [smem:$0x3FA7]  }
0x30: {  	s3 =	sld [smem:$0x3FAA]  }
0x31: {  	[smem:$0x3FB3] =	sst s10  }
0x32: {  	s10 =	sld [smem:$0x3FB1];
	_ =	sdelay $0x3  }
0x33: {  	p0 =	seq.s32 s10, $0x1;
	s10 =	sld [smem:$0x3FB3];
	_ =	sdelay $0x3  }
0x34: {  	[smem:$0x3FB3] =	sst s10  }
0x35: {  	s10 =	sld [smem:$0x3FB2];
	_ =	sdelay $0x3  }
0x36: {  	p1 =	seq.s32 s10, $0x1;
	s10 =	sld [smem:$0x3FB3];
	_ =	sdelay $0x3  }
0x37: {  	[smem:$0x3FB3] =	sst s10  }
0x38: {  	s10 =	sld [smem:$0x3FB4]  }
0x39: {  	_ = 	snop;
	(pc) =	sbr.ind lr, $3  }
0x3a: {  	_ = 	snop  }
0x3b: {  	_ = 	snop  }
0x3c: {  	p2 =	seq.s32 s10, $0x1;
	s10 =	sld [smem:$0x3FB3]  }
0x3d: {  	_ =	shalt  }
0x3e: {  	_ =	shalt  }
0x3f: {  	_ =	shalt  }
0x40: {  	_ =	shalt  }
0x41: {  	_ =	shalt  }
0x42: {  	_ =	shalt  }
0x43: {  	_ =	shalt  }
0x44: {  	_ =	shalt  }
0x45: {  	_ =	shalt  }
0x46: {  	_ =	shalt  }
0x47: {  	_ =	shalt  }
0x48: {  	_ =	shalt  }
0x49: {  	_ =	shalt  }
0x4a: {  	_ =	shalt  }
0x4b: {  	_ =	shalt  }
0x4c: {  	_ =	shalt  }
0x4d: {  	_ =	shalt  }
0x4e: {  	_ =	shalt  }
0x4f: {  	_ =	shalt  }
0x50: {  	_ =	shalt  }
0x51: {  	_ =	shalt  }
0x52: {  	_ =	shalt  }
0x53: {  	_ =	shalt  }
0x54: {  	_ =	shalt  }
0x55: {  	_ =	shalt  }
0x56: {  	_ =	shalt  }
0x57: {  	_ =	shalt  }
0x58: {  	_ =	shalt  }
0x59: {  	_ =	shalt  }
0x5a: {  	_ =	shalt  }
0x5b: {  	_ =	shalt  }
0x5c: {  	_ =	shalt  }
0x5d: {  	_ =	shalt  }
0x5e: {  	_ =	shalt  }
0x5f: {  	_ =	shalt  }
0x60: {  	_ =	shalt  }
0x61: {  	_ =	shalt  }
0x62: {  	_ =	shalt  }
0x63: {  	_ =	shalt  }
0x64: {  	_ =	shalt  }
0x65: {  	_ =	shalt  }
0x66: {  	_ =	shalt  }
0x67: {  	_ =	shalt  }
0x68: {  	_ =	shalt  }
0x69: {  	_ =	shalt  }
0x6a: {  	_ =	shalt  }
0x6b: {  	_ =	shalt  }
0x6c: {  	_ =	shalt  }
0x6d: {  	_ =	shalt  }
0x6e: {  	_ =	shalt  }
0x6f: {  	_ =	shalt  }
0x70: {  	_ =	shalt  }
0x71: {  	_ =	shalt  }
0x72: {  	_ =	shalt  }
0x73: {  	_ =	shalt  }
0x74: {  	_ =	shalt  }
0x75: {  	_ =	shalt  }
0x76: {  	_ =	shalt  }
0x77: {  	_ =	shalt  }
0x78: {  	_ =	shalt  }
0x79: {  	_ =	shalt  }
0x7a: {  	_ =	shalt  }
0x7b: {  	_ =	shalt  }
0x7c: {  	_ =	shalt  }
0x7d: {  	_ =	shalt  }
0x7e: {  	_ =	shalt  }
0x7f: {  	_ =	shalt  }
0x80: {  	_ =	shalt  }
0x81: {  	_ =	shalt  }
0x82: {  	_ =	shalt  }
0x83: {  	_ =	shalt  }
0x84: {  	_ =	shalt  }
0x85: {  	_ =	shalt  }
0x86: {  	_ =	shalt  }
0x87: {  	_ =	shalt  }
.Lfunc_end0:
.L_simem_size_0:
called_computation_lowered:
.L_overlay_start_0:
0x88: {  	s2 =	sld [smem:$0x3FD9]  }
0x89: {  	s3 =	sld [smem:$0x3FFE];
	_ =	sdelay $0x1  }
0x8a: {  	s1 =	srdreg.scid  }
0x8b: {  	s0 =	sand.u32 $0x1, s1  }
0x8c: {  	s17 =	sshll.u32 s0, $0xA;
	s2 =	sadd.s32 s3, s2  }
0x8d: {  	s2 =	sadd.s32 s2, s17  }
0x8e: {  	[smem:$0x3FBF] =	sst s2  }
0x8f: {  	_ = 	snop  }
0x90: {  	s18 =	sld [smem:$0x3FC5]  }
0x91: {  	s4 =	sld [smem:$0x3FD0];
	(tm) =	ssettm $0x1  }
0x92: {  	s19 =	sld [smem:$0x3FFB];
	_ =	sdelay $0x3  }
0x93: {  	_ =	strace s19  }
0x94: {  	s2 =	sld [smem:$0x3FFC];
	_ =	sdelay $0x3  }
0x95: {  	_ =	strace s2  }
0x96: {  	s2 =	sld [smem:$0x3FFD];
	_ =	sdelay $0x3  }
0x97: {  	_ =	strace s2  }
0x98: {  	_ =	strace $0x8FFFFFFF  }
0x99: {  	s20 =	sld [smem:$0x3FDB];
	_ =	sdelay $0x1  }
0x9a: {  	s5 =	simm.s32 $_scs_section_size  }
0x9b: {  	s6 =	simm.s32 $_size__tile_overlayer_lowered;
	s7 =	simm.s32 $_tile_overlayer_lowered  }
0x9c: {  	s8 =	simm.s32 $0x1BFF;
	s21 =	sshll.u32 s7, $0x1;
	s5 =	sadd.s32 s5, s20  }
0x9d: {  	s22 =	simm.s32 $0x0;
	s6 =	sshll.u32 s6, $0x1;
	s7 =	sadd.s32 s21, s5  }
0x9e: {  	[timem:s22], [sflag:s8] =	dma.local [hbm:s7], s6  }
0x9f: {  	_ =	swait.ge [sflag:s8], s6  }
0xa0: {  	s6 =	ssub.s32 $0x0, s6;
	[sflag:s8] =	ssyncset.done $0x0  }
0xa1: {  	[sflag:s8] =	ssyncadd.s32 s6;
	_ =	sdelay $0x1  }
0xa2: {  	s23 =	simm.s32 $0x1B8B  }
0xa3: {  	_ =	swait.ge [sflag:s23], $0x1  }
0xa4: {  	[sflag:s23] =	ssyncset.done $0x0  }
0xa5: {  	[sflag:s23] =	ssyncadd.s32 $0xFFFFFFFF  }
0xa6: {  	s6 =	sld [smem:$0x0]  }
0xa7: {  	s7 =	sand.u32 $0xFFFFFFFE, s1  }
0xa8: {  	p0 =	sne.s32 s1, s7  }
0xa9: {  	s7 =	sshll.u32 @p0 s7, $0xE  }
0xaa: {  	s7 =	sadd.s32 @p0 $0x11B8D, s7;
	s8 =	sshll.u32 @p0 s6, $0x11  }
0xab: {  	s7 =	sor.u32 @p0 s8, s7  }
0xac: {  	[sflag:s7] =	ssyncadd.remote.s32 @p0 $0x1;
	_ =	sdelay $0x1  }
0xad: {  	s7 =	simm.s32 @p0 $0x1B8D  }
0xae: {  	_ =	swait.eq @p0 [sflag:s7], $0x1  }
0xaf: {  	[sflag:s7] =	ssyncadd.s32 @p0 $0xFFFFFFFF  }
0xb0: {  	s8 =	sshll.u32 @!p0 s1, $0xE  }
0xb1: {  	s8 =	sor.u32 @!p0 $0x4000, s8;
	s7 =	simm.s32 @!p0 $0x1B8D  }
0xb2: {  	s6 =	sshll.u32 @!p0 s6, $0x11;
	s8 =	sadd.s32 @!p0 $0x11B8D, s8;
	_ =	swait.eq @!p0 [sflag:s7], $0x1  }
0xb3: {  	s6 =	sor.u32 @!p0 s6, s8;
	[sflag:s7] =	ssyncadd.s32 @!p0 $0xFFFFFFFF  }
0xb4: {  	s25 =	simm.s32 $0x1B8E;
	s24 =	sld [smem:$0x3FFE];
	[sflag:s6] =	ssyncadd.remote.s32 @!p0 $0x1  }
0xb5: {  	s26 =	simm.s32 $execute0_lowered;
	[smem:$0x3FD2] =	sst s25  }
0xb6: {  	s7 =	sshll.u32 s26, $0x1;
	_ =	strace $0x80000049;
	[dreg:$0x1] =	wrdreg $0xFFFFFFFF  }
0xb7: {  	s28 =	simm.s32 $_size_execute0_lowered;
	s5 =	sadd.s32 s5, s7;
	[dreg:$0x0] =	wrdreg $0x0  }
0xb8: {  	s7 =	sshll.u32 s28, $0x1;
	[dreg:$0x2] =	wrdreg s5  }
0xb9: {  	[dreg:$0x3] =	wrdreg s7  }
0xba: {  	[dreg:$0x4] =	wrdreg $0xC0  }
0xbb: {  	_ =	task [dreg:s22], $0x5FFFF  }
0xbc: {  	[dreg:$0x1] =	wrdreg $0xFFFFFFFF  }
0xbd: {  	[dreg:$0x0] =	wrdreg $0x60  }
0xbe: {  	[dreg:$0x2] =	wrdreg s18  }
0xbf: {  	[dreg:$0x3] =	wrdreg s4  }
0xc0: {  	[dreg:$0x4] =	wrdreg s24  }
0xc1: {  	[dreg:$0x5] =	wrdreg $0x9  }
0xc2: {  	_ =	task.clear_ibuf [dreg:s22], $0x6FFFF;
	_ =	strace $0x90000049  }
0xc3: {  	s29 =	simm.s32 $0x9;
	_ =	strace $0x8000004B  }
0xc4: {  	_ =	swait.ge [sflag:s29], $0x1  }
0xc5: {  	[sflag:s29] =	ssyncadd.s32 $0xFFFFFFFF  }
0xc6: {  	_ =	strace $0x9000004B  }
0xc7: {  	_ =	sfence  }
0xc8: {  	s30 =	sld [smem:$0x0];
	_ =	sdelay $0x2  }
0xc9: {  	s31 =	sshll.u32 s1, $0xD;
	s1 =	sshrl.u32 s1, $0x2  }
0xca: {  	s4 =	sand.u32 $0x4000, s31;
	s1 =	sadd.s32 s1, s30  }
0xcb: {  	s0 =	sor.u32 s4, s0;
	s1 =	sshll.u32 s1, $0x11  }
0xcc: {  	s0 =	sor.u32 s1, s0  }
0xcd: {  	s0 =	sadd.s32 $0x8F2B, s0  }
0xce: {  	[sflag:s0] =	ssyncadd.remote.s32 $0x1  }
0xcf: {  	_ =	sfence.sel $0xFFFF  }
0xd0: {  	[dreg:$0x0] =	wrdreg $0xFFFFFFFF;
	(pc) =	sbr.abs _section_cstart, $3  }
0xd1: {  	[dreg:$0x1] =	wrdreg $0xFFFFFFFF  }
0xd2: {  	_ =	task.clear_ibuf [dreg:s22], $0x2FFFF;
	_ =	strace $0x9FFFFFFF  }
0xd3: {  	(tm) =	ssettm $0x7FFFFFFF  }
tec
execute0_lowered:
.L_overlay_start_1:
0x0: {  	(tag) =	ssettag $0x1  }
0x1: {  	s0 =	rddreg [dreg:$0x0]  }
0x2: {  	s2 =	rddreg [dreg:$0x1]  }
0x3: {  	s1 =	rddreg [dreg:$0x2]  }
0x4: {  	s3 =	srdreg.scid;
	s10 =	stileid.u32  }
0x5: {  	s12 =	simm.s32 $0xF;
	s4 =	sand.u32 $0x1, s3;
	s5 =	smul.u32 $0x4C, s10  }
0x6: {  	s3 =	simm.s32 $0x0;
	s6 =	sshll.u32 s10, $0x1;
	p0 =	slt.u32 s10, $0xC  }
0x7: {  	s7 =	smul.u32 $0x26, s4;
	[smem:$0x7FF] =	sst s3;
	s6 =	sor.u32 s4, s6  }
0x8: {  	s9 =	ssub.s32 $0x2, s4;
	s8 =	smin.u32 s6, $0x18;
	s6 =	smul.u32 $0x26, s6  }
0x9: {  	s4 =	simm.s32 $0x27;
	s12 =	simm.s32 @!p0 $0xE;
	_ =	strace $0x8000004A  }
0xa: {  	s24 =	sshrl.u32 s9, $0x1;
	s4 =	simm.s32 @!p0 $0x26;
	s22 =	sadd.s32 s8, s6  }
0xb: {  	s5 =	sadd.s32 s7, s5;
	s30 =	sadd.s32 $0xFFFFFFFC, s4;
	s25 =	sshll.u32 s22, $0x5  }
0xc: {  	s5 =	sadd.s32 s8, s5;
	[dreg:$0x4] =	wrdreg s30;
	s26 =	sadd.s32 s0, s25  }
0xd: {  	s21 =	sshll.u32 s5, $0xB;
	s7 =	sadd.s32 $0x20, s26;
	[dreg:$0x5] =	wrdreg s26  }
0xe: {  	s5 =	sshll.u32 s5, $0x5;
	s28 =	sadd.s32 $0x40, s26;
	[dreg:$0x6] =	wrdreg s7  }
0xf: {  	s23 =	sadd.s32 s21, s1;
	s29 =	sadd.s32 $0x60, s26;
	[dreg:$0x7] =	wrdreg s28  }
0x10: {  	s1 =	ssub.s32 s9, s24;
	s8 =	sadd.s32 $0x80, s26;
	[dreg:$0x8] =	wrdreg s29  }
0x11: {  	s0 =	sadd.s32 s0, s5;
	s1 =	smax.u32 s1, $0x1;
	[dreg:$0x9] =	wrdreg s8  }
0x12: {  	s0 =	sadd.s32 $0xA0, s0;
	s7 =	simm.s32 $0x1;
	[dreg:$0xa] =	wrdreg s1  }
0x13: {  	s31 =	sadd.s32 $0x29FE00, s23;
	[dreg:$0xb] =	wrdreg s0;
	s7 =	simm.s32 @!p0 $0x0  }
0x14: {  	s26 =	simm.s32 $0x0;
	[dreg:$0xc] =	wrdreg s31;
	s11 =	sadd.s32 $0xD, s7  }
.LBB2_1:
0x15: {  	s0 =	rddreg [dreg:$0x5]  }
0x16: {  	[tilespmem:s3], [sflag:$0x1] =	stream.linear.gather [hbm4b:s0+s3], $0x80, $0x38;
	[tilespmem:$0x18400] =	vst v63  }
0x17: {  	s16 =	rddreg [dreg:$0x6];
	s1 =	simm.s32 $0x80  }
0x18: {  	[tilespmem:s1], [sflag:$0x2] =	stream.linear.gather [hbm4b:s16+s3], $0x80, $0x38;
	[tilespmem:$0x18400] =	vst v63  }
0x19: {  	s17 =	rddreg [dreg:$0x7];
	s5 =	simm.s32 $0x100  }
0x1a: {  	[tilespmem:s5], [sflag:$0x3] =	stream.linear.gather [hbm4b:s17+s3], $0x80, $0x38;
	[tilespmem:$0x18400] =	vst v63  }
0x1b: {  	s18 =	rddreg [dreg:$0x8];
	s6 =	simm.s32 $0x180  }
0x1c: {  	[tilespmem:s6], [sflag:$0x4] =	stream.linear.gather [hbm4b:s18+s3], $0x80, $0x38;
	[tilespmem:$0x18400] =	vst v63  }
0x1d: {  	s19 =	rddreg [dreg:$0x9];
	s7 =	simm.s32 $0x200;
	s20 =	simm.s32 $0x1  }
0x1e: {  	[tilespmem:s7], [sflag:$0x5] =	stream.linear.gather [hbm4b:s19+s3], $0x80, $0x38;
	[tilespmem:$0x18400] =	vst v63  }
0x1f: {  	_ =	swait.ge [sflag:s20], $0x80  }
0x20: {  	[sflag:s20] =	ssyncset.done $0x0  }
0x21: {  	s30 =	simm.s32 $0x400;
	s21 =	simm.s32 $0x2;
	[sflag:s20] =	ssyncadd.s32 $0xFFFFFF80  }
0x22: {  	[tilespmem:s30], [sflag:$0x7] =	stream.indirect.gather [hbm4b:s2+s1], $0x80, s3, s1, $0xb8;
	[tilespmem:$0x18400] =	vst v63  }
0x23: {  	_ =	swait.ge [sflag:s21], $0x80  }
0x24: {  	[sflag:s21] =	ssyncset.done $0x0  }
0x25: {  	s22 =	simm.s32 $0x4400;
	s23 =	simm.s32 $0x3;
	[sflag:s21] =	ssyncadd.s32 $0xFFFFFF80  }
0x26: {  	[tilespmem:s22], [sflag:$0x8] =	stream.indirect.gather [hbm4b:s2+s1], $0x80, s1, s1, $0xb8;
	[tilespmem:$0x18400] =	vst v63  }
0x27: {  	s24 =	simm.s32 $0x8400;
	s25 =	simm.s32 $0x4;
	_ =	swait.ge [sflag:s23], $0x80  }
0x28: {  	s29 =	simm.s32 $0xC400;
	s28 =	simm.s32 $0xB;
	[sflag:s23] =	ssyncset.done $0x0  }
0x29: {  	s31 =	simm.s32 $0xD;
	p0 =	sle.u32 s4, $0x5;
	[sflag:s23] =	ssyncadd.s32 $0xFFFFFF80  }
0x2a: {  	[tilespmem:s24], [sflag:$0x9] =	stream.indirect.gather [hbm4b:s2+s1], $0x80, s5, s1, $0xb8;
	[tilespmem:$0x18400] =	vst v63  }
0x2b: {  	p2 =	sne.s32 s4, $0x1;
	p1 =	por $0x0, $0x0;
	_ =	swait.ge [sflag:s25], $0x80  }
.Ltmp0:
0x2c: {  	s0 =	simm.s32 $0x0;
	[sflag:s25] =	ssyncset.done $0x0;
	(pc) =	sbr.rel @!p2 .LBB2_2-.Ltmp0, $4  }
0x2d: {  	s17 =	smulhi.u32 $0xAAAAAAAB, s3;
	s23 =	simm.s32 $0xFFFFFFFE;
	[sflag:s25] =	ssyncadd.s32 $0xFFFFFF80  }
0x2e: {  	[tilespmem:s29], [sflag:$0xA] =	stream.indirect.gather [hbm4b:s2+s1], $0x80, s6, s1, $0xb8;
	[tilespmem:$0x18400] =	vst v63  }
0x2f: {  	s19 =	simm.s32 $0x7;
	s25 =	simm.s32 @!p0 $0xFFFFFFFF;
	s6 =	smulhi.u32 $0xAAAAAAAB, s23  }
0x30: {  	s7 =	simm.s32 $0x1;
	s5 =	simm.s32 @!p0 $0xFFFFFFFF;
	s18 =	smulhi.u32 @!p0 $0x2AAAAAAB, s25  }
0x31: {  	s0 =	smul.u32 @!p0 $0x2AAAAAAB, s5  }
0x32: {  	s21 =	sshrl.u32 s17, $0x2;
	s6 =	sshrl.u32 s6, $0x2;
	p1 =	por $0x1, $0x1  }
0x33: {  	s29 =	simm.s32 $0xFFFFFFFF;
	s31 =	simm.s32 $0xE;
	s17 =	smulhi.u32 $0xAAAAAAAB, s7  }
0x34: {  	s30 =	simm.s32 $0x4400;
	s19 =	simm.s32 $0x8;
	s8 =	smul.u32 $0xFFFFFFE8, s21  }
0x35: {  	p3 =	sne.s32 s4, $0x2;
	s5 =	smul.u32 $0xFFFA0000, s21;
	s0 =	sadd.s32 @!p0 s0, s18  }
0x36: {  	s6 =	smul.u32 $0xFFFFFFE8, s6;
	s9 =	sshrl.u32 @!p0 s0, $0x1F;
	s8 =	sshra.s32 s8, $0x2  }
0x37: {  	s5 =	sshra.s32 s5, $0x2;
	s0 =	sadd.s32 @!p0 s9, s0;
	s22 =	sadd.s32 $0x7, s8  }
0x38: {  	s6 =	sshra.s32 s6, $0x2;
	s0 =	smul.u32 @!p0 $0x6, s0;
	_ =	swait.ge [sflag:s22], $0x4000  }
0x39: {  	s24 =	sadd.s32 $0xD, s8;
	s5 =	sadd.s32 $0x400, s5;
	[sflag:s22] =	ssyncset.done $0x0  }
0x3a: {  	s15 =	rddreg [dreg:$0xc];
	s0 =	ssub.s32 @!p0 $0xFFFFFFFF, s0;
	[sflag:s22] =	ssyncadd.s32 $0xFFFFC000  }
0x3b: {  	[hbm4b:s15+s3] =	stream.linear.scatter [tilespmem:s5], [sflag:s24], $0x4000, $0x38;
	[tilespmem:$0x18400] =	vst v63  }
0x3c: {  	s10 =	sadd.s32 $0xB, s6;
	s6 =	smulhi.u32 $0xAAAAAAAB, s29;
	p2 =	slt.s32 @!p0 s0, $0x0  }
0x3d: {  	s5 =	sadd.s32 @!p0 $0x6, s0;
	s15 =	sadd.s32 $0x800, s15;
	_ =	swait.ge @!p1 [sflag:s10], $0x4000  }
0x3e: {  	p2 =	por !p2, p0;
	s25 =	rddreg [dreg:$0x4];
	[sflag:s10] =	ssyncset.done @!p1 $0x0  }
0x3f: {  	s5 =	smov.u32 @p2 s0;
	s1 =	rddreg [dreg:$0xb];
	[sflag:s10] =	ssyncadd.s32 @!p1 $0xFFFFC000  }
0x40: {  	s0 =	sshll.u32 @!p0 s5, $0x9;
	s5 =	sadd.s32 @!p0 $0x1, s5;
	p2 =	sle.u32 s25, $0x0  }
0x41: {  	s10 =	simm.s32 @!p0 $0x0;
	s8 =	smulhi.u32 @!p2 $0x2AAAAAAB, s23;
	s9 =	simm.s32 @!p2 $0xFFFFFFFF  }
0x42: {  	s14 =	sadd.s32 $0x20, s1;
	s0 =	sshra.s32 @!p0 s0, $0x2;
	s9 =	smul.u32 @!p2 $0x2AAAAAAB, s9  }
0x43: {  	[tilespmem:s0], [sflag:s5] =	stream.linear.gather @!p0 [hbm4b:s1+s10], $0x80, $0x38;
	[tilespmem:$0x18400] =	vst v63  }
.Ltmp1:
0x44: {  	p1 =	por $0x1, $0x1;
	s0 =	simm.s32 $0x1;
	(pc) =	sbr.rel @!p3 .LBB2_4-.Ltmp1, $4  }
0x45: {  	s10 =	simm.s32 $0x2;
	p0 =	sle.u32 s4, $0x6;
	s5 =	sadd.s32 @!p2 s9, s8  }
0x46: {  	s25 =	simm.s32 @!p0 $0x0;
	s9 =	simm.s32 @!p2 $0x80;
	s7 =	sshrl.u32 @!p2 s5, $0x1F  }
0x47: {  	s18 =	smulhi.u32 @!p0 $0x2AAAAAAB, s25;
	s8 =	simm.s32 $0xFFFFFFFF;
	s7 =	sadd.s32 @!p2 s7, s5  }
0x48: {  	s5 =	simm.s32 @!p0 $0x0;
	s13 =	smul.u32 @!p2 $0x6, s7;
	s7 =	simm.s32 $0xB  }
.LBB2_5:
0x49: {  	s5 =	smul.u32 @!p0 $0x2AAAAAAB, s5;
	s8 =	sadd.s32 $0x1, s8  }
0x4a: {  	s20 =	sshrl.u32 s17, $0x2;
	s1 =	sshrl.u32 s6, $0x2;
	s6 =	smulhi.u32 $0xAAAAAAAB, s8  }
0x4b: {  	s7 =	sadd.s32 $0x1, s7;
	s22 =	smul.u32 $0xFFFA0000, s20  }
0x4c: {  	s17 =	smov.u32 s10;
	s13 =	ssub.s32 @!p2 s23, s13;
	s16 =	smul.u32 $0xFFFFFFE8, s20  }
0x4d: {  	s5 =	sadd.s32 @!p0 s5, s18;
	s10 =	smul.u32 $0xFFFFFFE8, s1;
	p3 =	slt.s32 @!p2 s13, $0x0  }
0x4e: {  	s23 =	sadd.s32 @!p2 $0x6, s13;
	s17 =	smulhi.u32 $0xAAAAAAAB, s17;
	s20 =	sshrl.u32 @!p0 s5, $0x1F  }
0x4f: {  	p3 =	por !p3, p2;
	s22 =	sshra.s32 s22, $0x2;
	s18 =	sshra.s32 s16, $0x2  }
0x50: {  	s10 =	sshra.s32 s10, $0x2;
	s23 =	smov.u32 @p3 s13;
	s5 =	sadd.s32 @!p0 s20, s5  }
0x51: {  	p3 =	slt.u32 s0, $0x2;
	s24 =	sadd.s32 s18, s19;
	s13 =	sadd.s32 @!p2 $0x1, s23  }
0x52: {  	s1 =	sshll.u32 @!p2 s23, $0x9;
	s21 =	sshll.u32 @!p2 s23, $0x10;
	s16 =	sadd.s32 @!p2 $0x7, s23  }
0x53: {  	s23 =	smov.u32 s29;
	s5 =	smul.u32 @!p0 $0x6, s5;
	_ =	swait.ge @!p2 [sflag:s13], $0x80  }
0x54: {  	s22 =	sadd.s32 s22, s30;
	s21 =	sshra.s32 @!p2 s21, $0x2;
	[sflag:s13] =	ssyncset.done @!p2 $0x0  }
0x55: {  	s1 =	sshra.s32 @!p2 s1, $0x2;
	s21 =	sor.u32 @!p2 $0x400, s21;
	[sflag:s13] =	ssyncadd.s32 @!p2 $0xFFFFFF80  }
0x56: {  	[tilespmem:s21], [sflag:s16] =	stream.indirect.gather @!p2 [hbm4b:s2+s9], $0x80, s1, s9, $0xb8;
	[tilespmem:$0x18400] =	vst v63  }
0x57: {  	s5 =	ssub.s32 @!p0 s25, s5;
	s1 =	sadd.s32 s10, s7;
	_ =	swait.ge [sflag:s24], $0x4000  }
0x58: {  	s21 =	sadd.s32 s18, s31;
	p2 =	slt.s32 @!p0 s5, $0x0;
	[sflag:s24] =	ssyncset.done $0x0  }
0x59: {  	s10 =	sadd.s32 @!p0 $0x6, s5;
	p2 =	por !p2, p0;
	[sflag:s24] =	ssyncadd.s32 $0xFFFFC000  }
0x5a: {  	[hbm4b:s15+s3] =	stream.linear.scatter [tilespmem:s22], [sflag:s21], $0x4000, $0x38;
	[tilespmem:$0x18400] =	vst v63  }
0x5b: {  	s13 =	simm.s32 @!p0 $0x0;
	s10 =	smov.u32 @p2 s5;
	_ =	swait.ge @!p3 [sflag:s1], $0x4000  }
0x5c: {  	s9 =	sadd.s32 @!p0 $0x1, s10;
	[sflag:s1] =	ssyncset.done @!p3 $0x0;
	s24 =	rddreg [dreg:$0x4]  }
0x5d: {  	[sflag:s1] =	ssyncadd.s32 @!p3 $0xFFFFC000;
	s1 =	sshll.u32 @!p0 s10, $0x9;
	p2 =	sge.u32 s0, s24  }
0x5e: {  	s0 =	sadd.s32 $0x2, s8;
	s1 =	sshra.s32 @!p0 s1, $0x2;
	s10 =	sshra.s32 @!p2 s23, $0x1F  }
0x5f: {  	[tilespmem:s1], [sflag:s9] =	stream.linear.gather @!p0 [hbm4b:s14+s13], $0x80, $0x38;
	[tilespmem:$0x18400] =	vst v63  }
0x60: {  	s29 =	smov.u32 s8;
	s16 =	smul.u32 @!p2 $0x2AAAAAAB, s10;
	s10 =	sadd.s32 $0x1, s0  }
0x61: {  	s30 =	sadd.s32 $0x4000, s30;
	s5 =	smulhi.u32 @!p2 $0x2AAAAAAB, s23;
	p3 =	sne.s32 s10, s4  }
.Ltmp2:
0x62: {  	s19 =	sadd.s32 $0x1, s19;
	s25 =	sadd.s32 $0x5, s0;
	(pc) =	sbr.rel @p3 .LBB2_5-.Ltmp2, $4  }
0x63: {  	s31 =	sadd.s32 $0x1, s31;
	p0 =	sge.u32 s25, s4;
	s5 =	sadd.s32 @!p2 s16, s5  }
0x64: {  	s15 =	sadd.s32 $0x800, s15;
	s25 =	sadd.s32 @!p0 $0x1, s8;
	s1 =	sshrl.u32 @!p2 s5, $0x1F  }
0x65: {  	s9 =	simm.s32 @!p2 $0x80;
	s18 =	smulhi.u32 @!p0 $0x2AAAAAAB, s25;
	s1 =	sadd.s32 @!p2 s1, s5  }
0x66: {  	s14 =	sadd.s32 $0x20, s14;
	s5 =	sshra.s32 @!p0 s25, $0x1F;
	s13 =	smul.u32 @!p2 $0x6, s1  }
0x67: {  	s8 =	smov.u32 s23;
	s23 =	smov.u32 s29  }
.LBB2_7:
0x68: {  	p3 =	por p2, !p1  }
0x69: {  	s1 =	sshrl.u32 s17, $0x2;
	s8 =	ssub.s32 @!p3 s8, s13  }
0x6a: {  	s10 =	smul.u32 $0xFFFA0000, s1;
	p4 =	slt.s32 @!p3 s8, $0x0  }
0x6b: {  	s1 =	smul.u32 $0xFFFFFFE8, s1;
	p2 =	por @p1 !p4, p2  }
0x6c: {  	s7 =	sadd.s32 @p1 $0x1, s7;
	s13 =	sadd.s32 @!p3 $0x6, s8;
	p2 =	por !p2, !p1  }
0x6d: {  	s6 =	sshrl.u32 s6, $0x2;
	s1 =	sshra.s32 s1, $0x2;
	s8 =	smov.u32 @p2 s13  }
0x6e: {  	s6 =	smul.u32 $0xFFFFFFE8, s6;
	s24 =	sadd.s32 s1, s19;
	s16 =	sadd.s32 @!p3 $0x1, s8  }
0x6f: {  	s17 =	sshll.u32 @!p3 s8, $0x9;
	s19 =	sshll.u32 @!p3 s8, $0x10;
	_ =	swait.ge @!p3 [sflag:s16], $0x80  }
0x70: {  	s8 =	sadd.s32 @!p3 $0x7, s8;
	s19 =	sshra.s32 @!p3 s19, $0x2;
	[sflag:s16] =	ssyncset.done @!p3 $0x0  }
0x71: {  	s17 =	sshra.s32 @!p3 s17, $0x2;
	s19 =	sor.u32 @!p3 $0x400, s19;
	[sflag:s16] =	ssyncadd.s32 @!p3 $0xFFFFFF80  }
0x72: {  	[tilespmem:s19], [sflag:s8] =	stream.indirect.gather @!p3 [hbm4b:s2+s9], $0x80, s17, s9, $0xb8;
	[tilespmem:$0x18400] =	vst v63  }
0x73: {  	s5 =	smul.u32 @!p0 $0x2AAAAAAB, s5;
	s28 =	smov.u32 @p1 s7;
	_ =	swait.ge [sflag:s24], $0x4000  }
0x74: {  	s10 =	sshra.s32 s10, $0x2;
	s6 =	sshra.s32 s6, $0x2;
	[sflag:s24] =	ssyncset.done $0x0  }
0x75: {  	s1 =	sadd.s32 s1, s31;
	s29 =	sadd.s32 s10, s30;
	[sflag:s24] =	ssyncadd.s32 $0xFFFFC000  }
0x76: {  	[hbm4b:s15+s3] =	stream.linear.scatter [tilespmem:s29], [sflag:s1], $0x4000, $0x38;
	[tilespmem:$0x18400] =	vst v63  }
0x77: {  	s6 =	sadd.s32 s6, s28;
	p2 =	slt.u32 s0, $0x2;
	s1 =	sadd.s32 @!p0 s5, s18  }
0x78: {  	_ =	swait.ge @!p2 [sflag:s6], $0x4000;
	s7 =	sshrl.u32 @!p0 s1, $0x1F  }
0x79: {  	s30 =	rddreg [dreg:$0x4];
	s1 =	sadd.s32 @!p0 s7, s1  }
0x7a: {  	s1 =	smul.u32 @!p0 $0x6, s1;
	p1 =	sge.u32 s0, s30  }
0x7b: {  	s0 =	smulhi.u32 @!p1 $0x2AAAAAAB, s23;
	s5 =	sshra.s32 @!p1 s23, $0x1F  }
0x7c: {  	s1 =	ssub.s32 @!p0 s25, s1;
	s5 =	smul.u32 @!p1 $0x2AAAAAAB, s5  }
0x7d: {  	[sflag:s6] =	ssyncset.done @!p2 $0x0;
	p3 =	slt.s32 @!p0 s1, $0x0  }
0x7e: {  	s7 =	sadd.s32 @!p0 $0x6, s1;
	p3 =	por !p3, p0;
	s0 =	sadd.s32 @!p1 s5, s0  }
0x7f: {  	[sflag:s6] =	ssyncadd.s32 @!p2 $0xFFFFC000;
	s7 =	smov.u32 @p3 s1;
	s1 =	sshrl.u32 @!p1 s0, $0x1F  }
0x80: {  	s5 =	sshll.u32 @!p0 s7, $0x9;
	s6 =	sadd.s32 @!p0 $0x1, s7;
	s0 =	sadd.s32 @!p1 s1, s0  }
0x81: {  	s1 =	sshra.s32 @!p0 s5, $0x2;
	s5 =	simm.s32 @!p0 $0x0;
	s0 =	smul.u32 @!p1 $0x6, s0  }
0x82: {  	[tilespmem:s1], [sflag:s6] =	stream.linear.gather @!p0 [hbm4b:s14+s5], $0x80, $0x38;
	[tilespmem:$0x18400] =	vst v63  }
0x83: {  	s0 =	ssub.s32 @!p1 s23, s0  }
0x84: {  	p0 =	slt.s32 @!p1 s0, $0x0  }
0x85: {  	s1 =	sadd.s32 @!p1 $0x6, s0;
	p0 =	por !p0, p1  }
0x86: {  	s1 =	smov.u32 @p0 s0  }
0x87: {  	s0 =	simm.s32 @!p1 $0x80;
	s5 =	sadd.s32 @!p1 $0x1, s1  }
0x88: {  	s6 =	sshll.u32 @!p1 s1, $0x9;
	s7 =	sshll.u32 @!p1 s1, $0x10;
	_ =	swait.ge @!p1 [sflag:s5], $0x80  }
0x89: {  	s1 =	sadd.s32 @!p1 $0x7, s1;
	s7 =	sshra.s32 @!p1 s7, $0x2;
	[sflag:s5] =	ssyncset.done @!p1 $0x0  }
0x8a: {  	s6 =	sshra.s32 @!p1 s6, $0x2;
	s7 =	sor.u32 @!p1 $0x400, s7;
	[sflag:s5] =	ssyncadd.s32 @!p1 $0xFFFFFF80  }
0x8b: {  	[tilespmem:s7], [sflag:s1] =	stream.indirect.gather @!p1 [hbm4b:s2+s0], $0x80, s6, s0, $0xb8;
	[tilespmem:$0x18400] =	vst v63  }
0x8c: {  	_ =	swait.ge [sflag:s11], $0x4000  }
0x8d: {  	[sflag:s11] =	ssyncset.done $0x0  }
0x8e: {  	[sflag:s11] =	ssyncadd.s32 $0xFFFFC000  }
0x8f: {  	_ =	swait.ge [sflag:s12], $0x4000  }
0x90: {  	s26 =	sadd.s32 $0x1, s26;
	s31 =	rddreg [dreg:$0xa]  }
0x91: {  	p0 =	sne.s32 s26, s31  }
.Ltmp3:
0x92: {  	_ = 	snop;
	(pc) =	sbr.rel @p0 .LBB2_1-.Ltmp3, $4  }
.Ltmp4:
0x93: {  	_ = 	snop;
	(pc) =	sbr.rel @!p0 .LBB2_8-.Ltmp4, $4  }
0x94: {  	_ = 	snop  }
0x95: {  	[sflag:s12] =	ssyncset.done $0x0  }
0x96: {  	[sflag:s12] =	ssyncadd.s32 $0xFFFFC000  }
0x97: {  	_ = 	snop  }
.LBB2_2:
.Ltmp5:
0x98: {  	(pc) =	sbr.rel .LBB2_7-.Ltmp5, $3  }
0x99: {  	_ =	sdelay $0x1  }
0x9a: {  	s15 =	rddreg [dreg:$0xc]  }
0x9b: {  	s7 =	simm.s32 $0xB;
	s14 =	rddreg [dreg:$0xb]  }
.LBB2_4:
.Ltmp6:
0x9c: {  	(pc) =	sbr.rel .LBB2_7-.Ltmp6, $2  }
0x9d: {  	_ =	sdelay $0x2  }
0x9e: {  	s7 =	simm.s32 $0xB;
	s8 =	simm.s32 $0xFFFFFFFE;
	s23 =	simm.s32 $0xFFFFFFFF  }
.LBB2_8:
0x9f: {  	_ =	sfence.sel $0x180000  }
0xa0: {  	[bflag:$0x0] =	sbarrier.arrive $0xFFFF  }
0xa1: {  	_ =	strace $0x9000004A  }
0xa2: {  	s0 =	stileid.u32;
	[bflag:$0x2] =	sbarrier.arrive $0xFFFF  }
0xa3: {  	p0 =	sne.s32 s0, $0x0;
	s0 =	rddreg [dreg:$0x3]  }
0xa4: {  	s0 =	sadd.s32 @!p0 $0x100000, s0  }
0xa5: {  	[sflag:s0] =	ssyncadd.tile.s32 @!p0 $0x1;
	_ =	shalt  }
.Lfunc_end2:
_tile_overlayer_lowered:
.L_overlay_start_2:
0xa6: {  	(tag) =	ssettag $0x2  }
0xa7: {  	s0 =	rddreg [dreg:$0x0];
	s2 =	stileid.u32  }
0xa8: {  	s1 =	rddreg [dreg:$0x1];
	p0 =	sne.s32 s2, $0x0  }
0xa9: {  	s3 =	rddreg [dreg:$0x2];
	[bflag:$0x3] =	sbarrier.arrive $0xFFFF;
	s2 =	simm.s32 @!p0 $0x1C13  }
0xaa: {  	[timem:s3], [sflag:s2] =	dma.local @!p0 [hbm:s0], s1  }
0xab: {  	s0 =	simm.s32 @!p0 $0x13  }
0xac: {  	_ =	swait.ge @!p0 [sflag:s0], s1  }
0xad: {  	s1 =	ssub.s32 @!p0 $0x0, s1;
	[sflag:s0] =	ssyncset.done @!p0 $0x0  }
0xae: {  	[sflag:s0] =	ssyncadd.s32 @!p0 s1  }
0xaf: {  	[bflag:$0x3] =	sbarrier.arrive $0xFFFF  }
0xb0: {  	_ =	shalt  }

// kernel: kernel.13.cloned.1.call-start
scs
__scs_entry_jumppad:
0x0: {  	(pc) =	sbr.rel $0x88, $3  }
0x1: {  	(tag) =	ssettag $0x0;
	lr =	simm.s32 $0x1  }
0x2: {  	[smem:$0x3F98] =	sst lr;
	_ =	strace $0xD0000000  }
0x3: {  	_ = 	snop  }
0x4: {  	_ = 	snop  }
0x5: {  	_ = 	snop  }
0x6: {  	_ = 	snop  }
0x7: {  	_ = 	snop  }
__scs_overlays_trampoline_lowered:
0x8: {  	[smem:$0x3FA7] =	sst s0  }
0x9: {  	[smem:$0x3FA8] =	sst s1  }
0xa: {  	[smem:$0x3FA9] =	sst s2  }
0xb: {  	[smem:$0x3FAA] =	sst s3  }
0xc: {  	[smem:$0x3FAB] =	sst s4  }
0xd: {  	[smem:$0x3FAC] =	sst s5  }
0xe: {  	[smem:$0x3FAD] =	sst s6  }
0xf: {  	[smem:$0x3FAE] =	sst s7  }
0x10: {  	[smem:$0x3FAF] =	sst s8  }
0x11: {  	[smem:$0x3FB0] =	sst s9;
	s0 =	simm.s32 @!p0 $0x0  }
0x12: {  	s1 =	sld [smem:$0x3F96];
	s0 =	simm.s32 @p0 $0x1  }
0x13: {  	[smem:$0x3FB1] =	sst s0;
	s0 =	simm.s32 @!p1 $0x0  }
0x14: {  	s2 =	sld [smem:$0x3F95];
	s0 =	simm.s32 @p1 $0x1  }
0x15: {  	[smem:$0x3FB2] =	sst s0;
	s0 =	simm.s32 @!p2 $0x0  }
0x16: {  	s3 =	sld [smem:$0x3FDB];
	s0 =	simm.s32 @p2 $0x1  }
0x17: {  	s4 =	simm.s32 $0x1BF5;
	[smem:$0x3FB4] =	sst s0  }
0x18: {  	s0 =	sld [smem:$0x3F97];
	_ =	swait.ge [sflag:s4], $0x0  }
0x19: {  	s7 =	sld [smem:$0x3F98]  }
0x1a: {  	s8 =	sadd.s32 $0xFFFFE003, lr  }
0x1b: {  	s9 =	sadd.s32 $0xFFFFFEF7, lr;
	s5 =	simm.s32 $0xFFFFFFFF;
	p2 =	slt.u32 s8, $0xFFFFF086  }
0x1c: {  	p1 =	slt.u32 s9, $0xF7A;
	s5 =	simm.s32 @!p2 $0x0  }
0x1d: {  	s5 =	simm.s32 @p1 $0x1;
	p0 =	seq.s32 s7, s2  }
0x1e: {  	s7 =	smul.u32 @!p0 $0xF7A, s2;
	p2 =	seq.s32 @!p0 s5, $0x0  }
0x1f: {  	s9 =	smul.u32 $0xF7A, s1;
	s8 =	simm.s32 @!p0 $0x1BF5;
	p2 =	por !p2, p0  }
0x20: {  	[sflag:s8] =	ssyncset.s32 @!p0 $0xFFFFF086;
	s6 =	sadd.s32 @!p0 s3, s7;
	s7 =	simm.s32 @!p0 $0x108  }
0x21: {  	s3 =	sadd.s32 s3, s9;
	s6 =	sadd.s32 @!p0 $0x88, s6;
	s7 =	simm.s32 @p2 $0x1082  }
0x22: {  	[simem:s7], [sflag:s8] =	dma.local @!p0 [hbm:s6], $0xF7A  }
0x23: {  	s9 =	sor.u32 $0xD0000000, s2;
	s6 =	simm.s32 $0x108;
	_ =	swait.ge @!p0 [sflag:s8], $0x0  }
0x24: {  	s3 =	sadd.s32 $0x88, s3;
	s6 =	simm.s32 @!p1 $0x1082;
	[sflag:s4] =	ssyncset.s32 $0xFFFFF086  }
0x25: {  	[simem:s6], [sflag:s4] =	dma.local [hbm:s3], $0xF7A  }
0x26: {  	[smem:$0x3F98] =	sst s1;
	(tag) =	ssettag s2;
	_ =	strace s9  }
0x27: {  	s1 =	sld [smem:$0x3FA8]  }
0x28: {  	s2 =	sld [smem:$0x3FA9]  }
0x29: {  	s4 =	sld [smem:$0x3FAB]  }
0x2a: {  	p0 =	seq.s32 s5, $0x0;
	s5 =	sld [smem:$0x3FAC]  }
0x2b: {  	s6 =	sld [smem:$0x3FAD]  }
0x2c: {  	s7 =	sld [smem:$0x3FAE]  }
0x2d: {  	s3 =	simm.s32 $0x108;
	s8 =	sld [smem:$0x3FAF]  }
0x2e: {  	s3 =	simm.s32 @!p0 $0x1082;
	s9 =	sld [smem:$0x3FB0]  }
0x2f: {  	lr =	sadd.s32 s0, s3;
	s0 =	sld [smem:$0x3FA7]  }
0x30: {  	s3 =	sld [smem:$0x3FAA]  }
0x31: {  	[smem:$0x3FB3] =	sst s10  }
0x32: {  	s10 =	sld [smem:$0x3FB1];
	_ =	sdelay $0x3  }
0x33: {  	p0 =	seq.s32 s10, $0x1;
	s10 =	sld [smem:$0x3FB3];
	_ =	sdelay $0x3  }
0x34: {  	[smem:$0x3FB3] =	sst s10  }
0x35: {  	s10 =	sld [smem:$0x3FB2];
	_ =	sdelay $0x3  }
0x36: {  	p1 =	seq.s32 s10, $0x1;
	s10 =	sld [smem:$0x3FB3];
	_ =	sdelay $0x3  }
0x37: {  	[smem:$0x3FB3] =	sst s10  }
0x38: {  	s10 =	sld [smem:$0x3FB4]  }
0x39: {  	_ = 	snop;
	(pc) =	sbr.ind lr, $3  }
0x3a: {  	_ = 	snop  }
0x3b: {  	_ = 	snop  }
0x3c: {  	p2 =	seq.s32 s10, $0x1;
	s10 =	sld [smem:$0x3FB3]  }
0x3d: {  	_ =	shalt  }
0x3e: {  	_ =	shalt  }
0x3f: {  	_ =	shalt  }
0x40: {  	_ =	shalt  }
0x41: {  	_ =	shalt  }
0x42: {  	_ =	shalt  }
0x43: {  	_ =	shalt  }
0x44: {  	_ =	shalt  }
0x45: {  	_ =	shalt  }
0x46: {  	_ =	shalt  }
0x47: {  	_ =	shalt  }
0x48: {  	_ =	shalt  }
0x49: {  	_ =	shalt  }
0x4a: {  	_ =	shalt  }
0x4b: {  	_ =	shalt  }
0x4c: {  	_ =	shalt  }
0x4d: {  	_ =	shalt  }
0x4e: {  	_ =	shalt  }
0x4f: {  	_ =	shalt  }
0x50: {  	_ =	shalt  }
0x51: {  	_ =	shalt  }
0x52: {  	_ =	shalt  }
0x53: {  	_ =	shalt  }
0x54: {  	_ =	shalt  }
0x55: {  	_ =	shalt  }
0x56: {  	_ =	shalt  }
0x57: {  	_ =	shalt  }
0x58: {  	_ =	shalt  }
0x59: {  	_ =	shalt  }
0x5a: {  	_ =	shalt  }
0x5b: {  	_ =	shalt  }
0x5c: {  	_ =	shalt  }
0x5d: {  	_ =	shalt  }
0x5e: {  	_ =	shalt  }
0x5f: {  	_ =	shalt  }
0x60: {  	_ =	shalt  }
0x61: {  	_ =	shalt  }
0x62: {  	_ =	shalt  }
0x63: {  	_ =	shalt  }
0x64: {  	_ =	shalt  }
0x65: {  	_ =	shalt  }
0x66: {  	_ =	shalt  }
0x67: {  	_ =	shalt  }
0x68: {  	_ =	shalt  }
0x69: {  	_ =	shalt  }
0x6a: {  	_ =	shalt  }
0x6b: {  	_ =	shalt  }
0x6c: {  	_ =	shalt  }
0x6d: {  	_ =	shalt  }
0x6e: {  	_ =	shalt  }
0x6f: {  	_ =	shalt  }
0x70: {  	_ =	shalt  }
0x71: {  	_ =	shalt  }
0x72: {  	_ =	shalt  }
0x73: {  	_ =	shalt  }
0x74: {  	_ =	shalt  }
0x75: {  	_ =	shalt  }
0x76: {  	_ =	shalt  }
0x77: {  	_ =	shalt  }
0x78: {  	_ =	shalt  }
0x79: {  	_ =	shalt  }
0x7a: {  	_ =	shalt  }
0x7b: {  	_ =	shalt  }
0x7c: {  	_ =	shalt  }
0x7d: {  	_ =	shalt  }
0x7e: {  	_ =	shalt  }
0x7f: {  	_ =	shalt  }
0x80: {  	_ =	shalt  }
0x81: {  	_ =	shalt  }
0x82: {  	_ =	shalt  }
0x83: {  	_ =	shalt  }
0x84: {  	_ =	shalt  }
0x85: {  	_ =	shalt  }
0x86: {  	_ =	shalt  }
0x87: {  	_ =	shalt  }
.Lfunc_end0:
.L_simem_size_0:
called_computation.1_lowered:
.L_overlay_start_0:
0x88: {  	s2 =	sld [smem:$0x3FD9]  }
0x89: {  	s3 =	sld [smem:$0x3FFE];
	_ =	sdelay $0x1  }
0x8a: {  	s1 =	srdreg.scid  }
0x8b: {  	s0 =	sand.u32 $0x1, s1  }
0x8c: {  	s17 =	sshll.u32 s0, $0xA;
	s2 =	sadd.s32 s3, s2  }
0x8d: {  	s2 =	sadd.s32 s2, s17  }
0x8e: {  	[smem:$0x3FBF] =	sst s2  }
0x8f: {  	_ = 	snop  }
0x90: {  	s18 =	sld [smem:$0x3FC5];
	(tm) =	ssettm $0x1  }
0x91: {  	s19 =	sld [smem:$0x3FFB];
	_ =	sdelay $0x3  }
0x92: {  	_ =	strace s19  }
0x93: {  	s2 =	sld [smem:$0x3FFC];
	_ =	sdelay $0x3  }
0x94: {  	_ =	strace s2  }
0x95: {  	s2 =	sld [smem:$0x3FFD];
	_ =	sdelay $0x3  }
0x96: {  	_ =	strace s2  }
0x97: {  	_ =	strace $0x8FFFFFFF  }
0x98: {  	s20 =	sld [smem:$0x3FDB];
	_ =	sdelay $0x1  }
0x99: {  	s4 =	simm.s32 $_scs_section_size  }
0x9a: {  	s5 =	simm.s32 $_size__tile_overlayer_lowered;
	s6 =	simm.s32 $_tile_overlayer_lowered  }
0x9b: {  	s7 =	simm.s32 $0x1BFF;
	s21 =	sshll.u32 s6, $0x1;
	s4 =	sadd.s32 s4, s20  }
0x9c: {  	s22 =	simm.s32 $0x0;
	s5 =	sshll.u32 s5, $0x1;
	s6 =	sadd.s32 s21, s4  }
0x9d: {  	[timem:s22], [sflag:s7] =	dma.local [hbm:s6], s5  }
0x9e: {  	_ =	swait.ge [sflag:s7], s5  }
0x9f: {  	s5 =	ssub.s32 $0x0, s5;
	[sflag:s7] =	ssyncset.done $0x0  }
0xa0: {  	[sflag:s7] =	ssyncadd.s32 s5;
	_ =	sdelay $0x1  }
0xa1: {  	s23 =	simm.s32 $0x1B8B  }
0xa2: {  	_ =	swait.ge [sflag:s23], $0x1  }
0xa3: {  	[sflag:s23] =	ssyncset.done $0x0  }
0xa4: {  	[sflag:s23] =	ssyncadd.s32 $0xFFFFFFFF  }
0xa5: {  	s5 =	sld [smem:$0x0]  }
0xa6: {  	s6 =	sand.u32 $0xFFFFFFFE, s1  }
0xa7: {  	p0 =	sne.s32 s1, s6  }
0xa8: {  	s6 =	sshll.u32 @p0 s6, $0xE  }
0xa9: {  	s6 =	sadd.s32 @p0 $0x11B8D, s6;
	s7 =	sshll.u32 @p0 s5, $0x11  }
0xaa: {  	s6 =	sor.u32 @p0 s7, s6  }
0xab: {  	[sflag:s6] =	ssyncadd.remote.s32 @p0 $0x1;
	_ =	sdelay $0x1  }
0xac: {  	s6 =	simm.s32 @p0 $0x1B8D  }
0xad: {  	_ =	swait.eq @p0 [sflag:s6], $0x1  }
0xae: {  	[sflag:s6] =	ssyncadd.s32 @p0 $0xFFFFFFFF  }
0xaf: {  	s7 =	sshll.u32 @!p0 s1, $0xE  }
0xb0: {  	s7 =	sor.u32 @!p0 $0x4000, s7;
	s6 =	simm.s32 @!p0 $0x1B8D  }
0xb1: {  	s5 =	sshll.u32 @!p0 s5, $0x11;
	s7 =	sadd.s32 @!p0 $0x11B8D, s7;
	_ =	swait.eq @!p0 [sflag:s6], $0x1  }
0xb2: {  	s5 =	sor.u32 @!p0 s5, s7;
	[sflag:s6] =	ssyncadd.s32 @!p0 $0xFFFFFFFF  }
0xb3: {  	s25 =	simm.s32 $0x1B8E;
	s24 =	sld [smem:$0x3FFE];
	[sflag:s5] =	ssyncadd.remote.s32 @!p0 $0x1  }
0xb4: {  	s26 =	simm.s32 $execute0_lowered;
	[smem:$0x3FD2] =	sst s25  }
0xb5: {  	s6 =	sshll.u32 s26, $0x1;
	_ =	strace $0x8000004F;
	[dreg:$0x1] =	wrdreg $0xFFFFFFFF  }
0xb6: {  	s28 =	simm.s32 $_size_execute0_lowered;
	s4 =	sadd.s32 s4, s6;
	[dreg:$0x0] =	wrdreg $0x0  }
0xb7: {  	s6 =	sshll.u32 s28, $0x1;
	[dreg:$0x2] =	wrdreg s4  }
0xb8: {  	[dreg:$0x3] =	wrdreg s6  }
0xb9: {  	[dreg:$0x4] =	wrdreg $0xC0  }
0xba: {  	_ =	task [dreg:s22], $0x5FFFF  }
0xbb: {  	[dreg:$0x1] =	wrdreg $0xFFFFFFFF  }
0xbc: {  	[dreg:$0x0] =	wrdreg $0x60  }
0xbd: {  	[dreg:$0x2] =	wrdreg s18  }
0xbe: {  	[dreg:$0x3] =	wrdreg s24  }
0xbf: {  	[dreg:$0x4] =	wrdreg $0x81000  }
0xc0: {  	[dreg:$0x5] =	wrdreg $0x9  }
0xc1: {  	_ =	task.clear_ibuf [dreg:s22], $0x6FFFF;
	_ =	strace $0x9000004F  }
0xc2: {  	s29 =	simm.s32 $0x9;
	_ =	strace $0x80000051  }
0xc3: {  	_ =	swait.ge [sflag:s29], $0x1  }
0xc4: {  	[sflag:s29] =	ssyncadd.s32 $0xFFFFFFFF  }
0xc5: {  	_ =	strace $0x90000051  }
0xc6: {  	_ =	sfence  }
0xc7: {  	s30 =	sld [smem:$0x0];
	_ =	sdelay $0x2  }
0xc8: {  	s31 =	sshll.u32 s1, $0xD;
	s1 =	sshrl.u32 s1, $0x2  }
0xc9: {  	s4 =	sand.u32 $0x4000, s31;
	s1 =	sadd.s32 s1, s30  }
0xca: {  	s0 =	sor.u32 s4, s0;
	s1 =	sshll.u32 s1, $0x11  }
0xcb: {  	s0 =	sor.u32 s1, s0  }
0xcc: {  	s0 =	sadd.s32 $0x8F2B, s0  }
0xcd: {  	[sflag:s0] =	ssyncadd.remote.s32 $0x1  }
0xce: {  	_ =	sfence.sel $0xFFFF  }
0xcf: {  	[dreg:$0x0] =	wrdreg $0xFFFFFFFF;
	(pc) =	sbr.abs _section_cstart, $3  }
0xd0: {  	[dreg:$0x1] =	wrdreg $0xFFFFFFFF  }
0xd1: {  	_ =	task.clear_ibuf [dreg:s22], $0x2FFFF;
	_ =	strace $0x9FFFFFFF  }
0xd2: {  	(tm) =	ssettm $0x7FFFFFFF  }
0xd3: {  	_ =	shalt  }
tec
execute0_lowered:
.L_overlay_start_1:
0x0: {  	(tag) =	ssettag $0x1  }
0x1: {  	s6 =	rddreg [dreg:$0x0]  }
0x2: {  	s5 =	rddreg [dreg:$0x1]  }
0x3: {  	s1 =	rddreg [dreg:$0x2];
	s2 =	srdreg.scid;
	s3 =	simm.s32 $0x0  }
0x4: {  	s0 =	stileid.u32;
	s7 =	sand.u32 $0x1, s2;
	[smem:$0x7FF] =	sst s3  }
0x5: {  	s9 =	smul.u32 $0x13C00, s0;
	s12 =	sadd.s32 $0x781E00, s5;
	s10 =	sshll.u32 s0, $0x1  }
0x6: {  	s4 =	sadd.s32 $0x29E00, s5;
	p0 =	slt.u32 s0, $0xC;
	s19 =	smul.u32 $0x4F000, s0  }
0x7: {  	s28 =	sshll.u32 s0, $0x6;
	s8 =	smul.u32 $0x13C000, s7;
	_ =	strace $0x80000050  }
0x8: {  	s14 =	sor.u32 s7, s10;
	s15 =	ssub.s32 $0x2, s7;
	s10 =	sor.u32 $0x1C05, s28  }
0x9: {  	s11 =	smul.u32 $0x26, s14;
	s16 =	sshrl.u32 s15, $0x1;
	s14 =	smin.u32 s14, $0x18  }
0xa: {  	s24 =	sshrl.u32 s19, $0x2;
	s19 =	simm.s32 $0x5;
	s8 =	sadd.s32 s9, s8  }
0xb: {  	s15 =	ssub.s32 s15, s16;
	s16 =	sadd.s32 $0x10, s6;
	s8 =	sshrl.u32 s8, $0x3  }
0xc: {  	s26 =	sadd.s32 s24, s1;
	s9 =	sadd.s32 s14, s11;
	s13 =	sadd.s32 s8, s5  }
0xd: {  	s5 =	simm.s32 $0x27;
	s17 =	sshll.u32 s9, $0x7;
	s18 =	sshll.u32 s9, $0x5  }
0xe: {  	s21 =	sshll.u32 s9, $0xB;
	s20 =	sadd.s32 $0x80, s17;
	s17 =	smul.u32 $0x4C, s0  }
0xf: {  	s5 =	simm.s32 @!p0 $0x26;
	s6 =	sadd.s32 s18, s16;
	s18 =	smul.u32 $0x26, s7  }
0x10: {  	s7 =	sadd.s32 s12, s21;
	s22 =	sshrl.u32 s20, $0x2;
	s23 =	sshll.u32 s20, $0x4  }
0x11: {  	s20 =	simm.s32 $0x0;
	s8 =	sadd.s32 s22, s16;
	s25 =	sadd.s32 s18, s17  }
0x12: {  	s9 =	sadd.s32 s12, s23;
	s18 =	sshrl.u32 s26, $0x3;
	s11 =	sadd.s32 s14, s25  }
0x13: {  	s14 =	sshll.u32 s11, $0xB;
	s29 =	sshll.u32 s11, $0x5;
	s11 =	sadd.s32 $0x7B600, s13  }
0x14: {  	s30 =	sadd.s32 s12, s14;
	s31 =	sadd.s32 s16, s29;
	s12 =	smax.u32 s15, $0x1  }
0x15: {  	s16 =	simm.s32 $0x80;
	s13 =	sadd.s32 $0x1000, s30;
	s14 =	sadd.s32 $0x40, s31  }
.LBB2_1:
0x16: {  	[tilespmem:s3], [sflag:$0x1] =	stream.linear.gather [hbm4b:s6+s3], $0x80, $0x38;
	[tilespmem:$0x1BD00] =	vst v63  }
0x17: {  	s0 =	simm.s32 $0x100  }
0x18: {  	[tilespmem:s0], [sflag:$0x3] =	stream.linear.gather [hbm4b:s7+s3], $0x4000, $0x38;
	[tilespmem:$0x1BD00] =	vst v63  }
0x19: {  	_ = 	snop  }
0x1a: {  	[tilespmem:s16], [sflag:$0x2] =	stream.linear.gather [hbm4b:s8+s3], $0x80, $0x38;
	[tilespmem:$0x1BD00] =	vst v63  }
0x1b: {  	s31 =	simm.s32 $0x4100;
	p1 =	sne.s32 s5, $0x1  }
0x1c: {  	[tilespmem:s31], [sflag:$0x4] =	stream.linear.gather [hbm4b:s9+s3], $0x4000, $0x38;
	[tilespmem:$0x1BD00] =	vst v63  }
0x1d: {  	[spmem:s18], [sflag:s10] =	dma.local [hbm:s4], $0x2780  }
.Ltmp0:
0x1e: {  	_ =	swait.ge [sflag:s19], $0x2780;
	(pc) =	sbr.rel @!p1 .LBB2_2-.Ltmp0, $4  }
0x1f: {  	[sflag:s19] =	ssyncset.done $0x0  }
0x20: {  	[sflag:s19] =	ssyncadd.s32 $0xFFFFD880  }
0x21: {  	s29 =	sand.u32 $0x1, s3;
	[bflag:$0x0] =	sbarrier.arrive $0xFFFF  }
0x22: {  	s21 =	simm.s32 $0x1;
	p0 =	por $0x0, $0x0;
	s30 =	sshll.u32 s29, $0xE  }
0x23: {  	s22 =	sadd.s32 $0x1, s29  }
0x24: {  	_ =	swait.ge [sflag:s22], $0x80  }
0x25: {  	[sflag:s22] =	ssyncset.done $0x0  }
0x26: {  	s24 =	sadd.s32 $0x3, s29;
	[sflag:s22] =	ssyncadd.s32 $0xFFFFFF80  }
0x27: {  	_ =	swait.ge [sflag:s24], $0x4000  }
0x28: {  	s23 =	sshll.u32 s29, $0x7;
	s26 =	sor.u32 $0x100, s30;
	[sflag:s24] =	ssyncset.done $0x0  }
0x29: {  	p1 =	sle.u32 s5, $0x2;
	p2 =	sne.s32 s5, $0x2;
	[sflag:s24] =	ssyncadd.s32 $0xFFFFC000  }
0x2a: {  	[spmem:s1] =	stream.indirect.scatter.add.f32 [tilespmem:s26], [sflag:$0x5], $0x80, s23, s16, $0xb8;
	[tilespmem:$0x1BD00] =	vst v63  }
.Ltmp1:
0x2b: {  	s29 =	sand.u32 $0x1, s21;
	_ =	swait.ge [sflag:s19], $0x4000;
	(pc) =	sbr.rel @!p2 .LBB2_4-.Ltmp1, $4  }
0x2c: {  	s28 =	simm.s32 $0x2;
	p0 =	por $0x1, $0x1;
	[sflag:s19] =	ssyncset.done $0x0  }
0x2d: {  	s25 =	smov.u32 s13;
	s31 =	simm.s32 @!p1 $0x0;
	[sflag:s19] =	ssyncadd.s32 $0xFFFFC000  }
0x2e: {  	[tilespmem:s23], [sflag:s22] =	stream.linear.gather @!p1 [hbm4b:s14+s31], $0x80, $0x38;
	[tilespmem:$0x1BD00] =	vst v63  }
0x2f: {  	s30 =	sshll.u32 s29, $0xE;
	s22 =	sadd.s32 $0x800, s13;
	s23 =	sadd.s32 $0x20, s14  }
.LBB2_5:
0x30: {  	[tilespmem:s26], [sflag:s24] =	stream.linear.gather @!p1 [hbm4b:s25+s31], $0x4000, $0x38;
	[tilespmem:$0x1BD00] =	vst v63  }
0x31: {  	s0 =	smov.u32 s28;
	s25 =	smov.u32 s22  }
0x32: {  	s28 =	sadd.s32 $0x1, s28;
	s2 =	sadd.s32 $0x1, s29;
	s31 =	sand.u32 $0x1, s0  }
0x33: {  	p2 =	sne.s32 s5, s28;
	s15 =	sshll.u32 s31, $0xE;
	_ =	swait.ge [sflag:s2], $0x80  }
0x34: {  	[sflag:s2] =	ssyncset.done $0x0  }
0x35: {  	s24 =	sadd.s32 $0x3, s29;
	[sflag:s2] =	ssyncadd.s32 $0xFFFFFF80  }
0x36: {  	_ =	swait.ge [sflag:s24], $0x4000  }
0x37: {  	[sflag:s24] =	ssyncset.done $0x0  }
0x38: {  	s17 =	sshll.u32 s29, $0x7;
	s26 =	sor.u32 $0x100, s30;
	[sflag:s24] =	ssyncadd.s32 $0xFFFFC000  }
0x39: {  	[spmem:s1] =	stream.indirect.scatter.add.f32 [tilespmem:s26], [sflag:$0x5], $0x80, s17, s16, $0xb8;
	[tilespmem:$0x1BD00] =	vst v63  }
.Ltmp2:
0x3a: {  	s21 =	sadd.s32 $0x2, s21;
	_ =	swait.ge [sflag:s19], $0x4000;
	(pc) =	sbr.rel @p2 .LBB2_5-.Ltmp2, $4  }
0x3b: {  	p1 =	sge.u32 s21, s5;
	s29 =	smov.u32 s31;
	[sflag:s19] =	ssyncset.done $0x0  }
0x3c: {  	s21 =	smov.u32 s0;
	s31 =	simm.s32 @!p1 $0x0;
	[sflag:s19] =	ssyncadd.s32 $0xFFFFC000  }
0x3d: {  	[tilespmem:s17], [sflag:s2] =	stream.linear.gather @!p1 [hbm4b:s23+s31], $0x80, $0x38;
	[tilespmem:$0x1BD00] =	vst v63  }
0x3e: {  	s22 =	sadd.s32 $0x800, s22;
	s30 =	smov.u32 s15;
	s23 =	sadd.s32 $0x20, s23  }
.LBB2_6:
0x3f: {  	p0 =	por p1, !p0;
	s0 =	sadd.s32 $0x1, s29  }
0x40: {  	[tilespmem:s26], [sflag:s24] =	stream.linear.gather @!p0 [hbm4b:s25+s31], $0x4000, $0x38;
	[tilespmem:$0x1BD00] =	vst v63  }
0x41: {  	_ =	swait.ge [sflag:s0], $0x80  }
0x42: {  	[sflag:s0] =	ssyncset.done $0x0  }
0x43: {  	s2 =	sadd.s32 $0x3, s29;
	[sflag:s0] =	ssyncadd.s32 $0xFFFFFF80  }
0x44: {  	_ =	swait.ge [sflag:s2], $0x4000  }
0x45: {  	[sflag:s2] =	ssyncset.done $0x0  }
0x46: {  	s15 =	sshll.u32 s29, $0x7;
	s17 =	sor.u32 $0x100, s30;
	[sflag:s2] =	ssyncadd.s32 $0xFFFFC000  }
0x47: {  	[spmem:s1] =	stream.indirect.scatter.add.f32 [tilespmem:s17], [sflag:$0x5], $0x80, s15, s16, $0xb8;
	[tilespmem:$0x1BD00] =	vst v63  }
0x48: {  	s21 =	sadd.s32 $0x2, s21;
	_ =	swait.ge [sflag:s19], $0x4000  }
0x49: {  	p0 =	sge.u32 s21, s5;
	[sflag:s19] =	ssyncset.done $0x0  }
0x4a: {  	s21 =	simm.s32 @!p0 $0x0;
	[sflag:s19] =	ssyncadd.s32 $0xFFFFC000  }
0x4b: {  	[tilespmem:s15], [sflag:s0] =	stream.linear.gather @!p0 [hbm4b:s23+s21], $0x80, $0x38;
	[tilespmem:$0x1BD00] =	vst v63  }
0x4c: {  	s20 =	sadd.s32 $0x1, s20  }
0x4d: {  	[tilespmem:s17], [sflag:s2] =	stream.linear.gather @!p0 [hbm4b:s22+s21], $0x4000, $0x38;
	[tilespmem:$0x1BD00] =	vst v63  }
0x4e: {  	p0 =	sne.s32 s20, s12;
	[bflag:$0x0] =	sbarrier.arrive $0xFFFF  }
0x4f: {  	[hbm:s11], [sflag:s10] =	dma.local [spmem:s18], $0x2780  }
.Ltmp3:
0x50: {  	_ = 	snop;
	(pc) =	sbr.rel @p0 .LBB2_1-.Ltmp3, $4  }
.Ltmp4:
0x51: {  	_ = 	snop;
	(pc) =	sbr.rel @!p0 .LBB2_7-.Ltmp4, $4  }
0x52: {  	_ =	swait.ge [sflag:s19], $0x2780  }
0x53: {  	[sflag:s19] =	ssyncset.done $0x0  }
0x54: {  	[sflag:s19] =	ssyncadd.s32 $0xFFFFD880  }
0x55: {  	_ = 	snop  }
.LBB2_2:
.Ltmp5:
0x56: {  	(pc) =	sbr.rel .LBB2_6-.Ltmp5, $2  }
0x57: {  	_ =	sdelay $0x2  }
0x58: {  	s22 =	smov.u32 s13;
	s21 =	simm.s32 $0x0;
	s23 =	smov.u32 s14  }
.LBB2_4:
.Ltmp6:
0x59: {  	(pc) =	sbr.rel .LBB2_6-.Ltmp6, $2  }
0x5a: {  	_ =	sdelay $0x2  }
0x5b: {  	s25 =	smov.u32 s13  }
.LBB2_7:
0x5c: {  	_ =	sfence.sel $0x180000  }
0x5d: {  	[bflag:$0x0] =	sbarrier.arrive $0xFFFF  }
0x5e: {  	_ =	strace $0x90000050  }
0x5f: {  	s0 =	stileid.u32;
	[bflag:$0x2] =	sbarrier.arrive $0xFFFF  }
0x60: {  	p0 =	sne.s32 s0, $0x0;
	s0 =	rddreg [dreg:$0x3]  }
0x61: {  	s0 =	sadd.s32 @!p0 $0x100000, s0  }
0x62: {  	[sflag:s0] =	ssyncadd.tile.s32 @!p0 $0x1;
	_ =	shalt  }
.Lfunc_end2:
_tile_overlayer_lowered:
.L_overlay_start_2:
0x63: {  	(tag) =	ssettag $0x2  }
0x64: {  	s0 =	rddreg [dreg:$0x0];
	s2 =	stileid.u32  }
0x65: {  	s1 =	rddreg [dreg:$0x1];
	p0 =	sne.s32 s2, $0x0  }
0x66: {  	s3 =	rddreg [dreg:$0x2];
	[bflag:$0x3] =	sbarrier.arrive $0xFFFF;
	s2 =	simm.s32 @!p0 $0x1C05  }
0x67: {  	[timem:s3], [sflag:s2] =	dma.local @!p0 [hbm:s0], s1  }
0x68: {  	s0 =	simm.s32 @!p0 $0x5  }
0x69: {  	_ =	swait.ge @!p0 [sflag:s0], s1  }
0x6a: {  	s1 =	ssub.s32 @!p0 $0x0, s1;
	[sflag:s0] =	ssyncset.done @!p0 $0x0  }
0x6b: {  	[sflag:s0] =	ssyncadd.s32 @!p0 s1  }
0x6c: {  	[bflag:$0x3] =	sbarrier.arrive $0xFFFF  }
0x6d: {  	_ =	shalt  }

// kernel: kernel.16.cloned.1.call-start
scs
__scs_entry_jumppad:
0x0: {  	(pc) =	sbr.rel $0x88, $3  }
0x1: {  	(tag) =	ssettag $0x0;
	lr =	simm.s32 $0x1  }
0x2: {  	[smem:$0x3F98] =	sst lr;
	_ =	strace $0xD0000000  }
0x3: {  	_ = 	snop  }
0x4: {  	_ = 	snop  }
0x5: {  	_ = 	snop  }
0x6: {  	_ = 	snop  }
0x7: {  	_ = 	snop  }
__scs_overlays_trampoline_lowered:
0x8: {  	[smem:$0x3FA7] =	sst s0  }
0x9: {  	[smem:$0x3FA8] =	sst s1  }
0xa: {  	[smem:$0x3FA9] =	sst s2  }
0xb: {  	[smem:$0x3FAA] =	sst s3  }
0xc: {  	[smem:$0x3FAB] =	sst s4  }
0xd: {  	[smem:$0x3FAC] =	sst s5  }
0xe: {  	[smem:$0x3FAD] =	sst s6  }
0xf: {  	[smem:$0x3FAE] =	sst s7  }
0x10: {  	[smem:$0x3FAF] =	sst s8  }
0x11: {  	[smem:$0x3FB0] =	sst s9;
	s0 =	simm.s32 @!p0 $0x0  }
0x12: {  	s1 =	sld [smem:$0x3F96];
	s0 =	simm.s32 @p0 $0x1  }
0x13: {  	[smem:$0x3FB1] =	sst s0;
	s0 =	simm.s32 @!p1 $0x0  }
0x14: {  	s2 =	sld [smem:$0x3F95];
	s0 =	simm.s32 @p1 $0x1  }
0x15: {  	[smem:$0x3FB2] =	sst s0;
	s0 =	simm.s32 @!p2 $0x0  }
0x16: {  	s3 =	sld [smem:$0x3FDB];
	s0 =	simm.s32 @p2 $0x1  }
0x17: {  	s4 =	simm.s32 $0x1BF5;
	[smem:$0x3FB4] =	sst s0  }
0x18: {  	s0 =	sld [smem:$0x3F97];
	_ =	swait.ge [sflag:s4], $0x0  }
0x19: {  	s7 =	sld [smem:$0x3F98]  }
0x1a: {  	s8 =	sadd.s32 $0xFFFFE003, lr  }
0x1b: {  	s9 =	sadd.s32 $0xFFFFFEF7, lr;
	s5 =	simm.s32 $0xFFFFFFFF;
	p2 =	slt.u32 s8, $0xFFFFF086  }
0x1c: {  	p1 =	slt.u32 s9, $0xF7A;
	s5 =	simm.s32 @!p2 $0x0  }
0x1d: {  	s5 =	simm.s32 @p1 $0x1;
	p0 =	seq.s32 s7, s2  }
0x1e: {  	s7 =	smul.u32 @!p0 $0xF7A, s2;
	p2 =	seq.s32 @!p0 s5, $0x0  }
0x1f: {  	s9 =	smul.u32 $0xF7A, s1;
	s8 =	simm.s32 @!p0 $0x1BF5;
	p2 =	por !p2, p0  }
0x20: {  	[sflag:s8] =	ssyncset.s32 @!p0 $0xFFFFF086;
	s6 =	sadd.s32 @!p0 s3, s7;
	s7 =	simm.s32 @!p0 $0x108  }
0x21: {  	s3 =	sadd.s32 s3, s9;
	s6 =	sadd.s32 @!p0 $0x88, s6;
	s7 =	simm.s32 @p2 $0x1082  }
0x22: {  	[simem:s7], [sflag:s8] =	dma.local @!p0 [hbm:s6], $0xF7A  }
0x23: {  	s9 =	sor.u32 $0xD0000000, s2;
	s6 =	simm.s32 $0x108;
	_ =	swait.ge @!p0 [sflag:s8], $0x0  }
0x24: {  	s3 =	sadd.s32 $0x88, s3;
	s6 =	simm.s32 @!p1 $0x1082;
	[sflag:s4] =	ssyncset.s32 $0xFFFFF086  }
0x25: {  	[simem:s6], [sflag:s4] =	dma.local [hbm:s3], $0xF7A  }
0x26: {  	[smem:$0x3F98] =	sst s1;
	(tag) =	ssettag s2;
	_ =	strace s9  }
0x27: {  	s1 =	sld [smem:$0x3FA8]  }
0x28: {  	s2 =	sld [smem:$0x3FA9]  }
0x29: {  	s4 =	sld [smem:$0x3FAB]  }
0x2a: {  	p0 =	seq.s32 s5, $0x0;
	s5 =	sld [smem:$0x3FAC]  }
0x2b: {  	s6 =	sld [smem:$0x3FAD]  }
0x2c: {  	s7 =	sld [smem:$0x3FAE]  }
0x2d: {  	s3 =	simm.s32 $0x108;
	s8 =	sld [smem:$0x3FAF]  }
0x2e: {  	s3 =	simm.s32 @!p0 $0x1082;
	s9 =	sld [smem:$0x3FB0]  }
0x2f: {  	lr =	sadd.s32 s0, s3;
	s0 =	sld [smem:$0x3FA7]  }
0x30: {  	s3 =	sld [smem:$0x3FAA]  }
0x31: {  	[smem:$0x3FB3] =	sst s10  }
0x32: {  	s10 =	sld [smem:$0x3FB1];
	_ =	sdelay $0x3  }
0x33: {  	p0 =	seq.s32 s10, $0x1;
	s10 =	sld [smem:$0x3FB3];
	_ =	sdelay $0x3  }
0x34: {  	[smem:$0x3FB3] =	sst s10  }
0x35: {  	s10 =	sld [smem:$0x3FB2];
	_ =	sdelay $0x3  }
0x36: {  	p1 =	seq.s32 s10, $0x1;
	s10 =	sld [smem:$0x3FB3];
	_ =	sdelay $0x3  }
0x37: {  	[smem:$0x3FB3] =	sst s10  }
0x38: {  	s10 =	sld [smem:$0x3FB4]  }
0x39: {  	_ = 	snop;
	(pc) =	sbr.ind lr, $3  }
0x3a: {  	_ = 	snop  }
0x3b: {  	_ = 	snop  }
0x3c: {  	p2 =	seq.s32 s10, $0x1;
	s10 =	sld [smem:$0x3FB3]  }
0x3d: {  	_ =	shalt  }
0x3e: {  	_ =	shalt  }
0x3f: {  	_ =	shalt  }
0x40: {  	_ =	shalt  }
0x41: {  	_ =	shalt  }
0x42: {  	_ =	shalt  }
0x43: {  	_ =	shalt  }
0x44: {  	_ =	shalt  }
0x45: {  	_ =	shalt  }
0x46: {  	_ =	shalt  }
0x47: {  	_ =	shalt  }
0x48: {  	_ =	shalt  }
0x49: {  	_ =	shalt  }
0x4a: {  	_ =	shalt  }
0x4b: {  	_ =	shalt  }
0x4c: {  	_ =	shalt  }
0x4d: {  	_ =	shalt  }
0x4e: {  	_ =	shalt  }
0x4f: {  	_ =	shalt  }
0x50: {  	_ =	shalt  }
0x51: {  	_ =	shalt  }
0x52: {  	_ =	shalt  }
0x53: {  	_ =	shalt  }
0x54: {  	_ =	shalt  }
0x55: {  	_ =	shalt  }
0x56: {  	_ =	shalt  }
0x57: {  	_ =	shalt  }
0x58: {  	_ =	shalt  }
0x59: {  	_ =	shalt  }
0x5a: {  	_ =	shalt  }
0x5b: {  	_ =	shalt  }
0x5c: {  	_ =	shalt  }
0x5d: {  	_ =	shalt  }
0x5e: {  	_ =	shalt  }
0x5f: {  	_ =	shalt  }
0x60: {  	_ =	shalt  }
0x61: {  	_ =	shalt  }
0x62: {  	_ =	shalt  }
0x63: {  	_ =	shalt  }
0x64: {  	_ =	shalt  }
0x65: {  	_ =	shalt  }
0x66: {  	_ =	shalt  }
0x67: {  	_ =	shalt  }
0x68: {  	_ =	shalt  }
0x69: {  	_ =	shalt  }
0x6a: {  	_ =	shalt  }
0x6b: {  	_ =	shalt  }
0x6c: {  	_ =	shalt  }
0x6d: {  	_ =	shalt  }
0x6e: {  	_ =	shalt  }
0x6f: {  	_ =	shalt  }
0x70: {  	_ =	shalt  }
0x71: {  	_ =	shalt  }
0x72: {  	_ =	shalt  }
0x73: {  	_ =	shalt  }
0x74: {  	_ =	shalt  }
0x75: {  	_ =	shalt  }
0x76: {  	_ =	shalt  }
0x77: {  	_ =	shalt  }
0x78: {  	_ =	shalt  }
0x79: {  	_ =	shalt  }
0x7a: {  	_ =	shalt  }
0x7b: {  	_ =	shalt  }
0x7c: {  	_ =	shalt  }
0x7d: {  	_ =	shalt  }
0x7e: {  	_ =	shalt  }
0x7f: {  	_ =	shalt  }
0x80: {  	_ =	shalt  }
0x81: {  	_ =	shalt  }
0x82: {  	_ =	shalt  }
0x83: {  	_ =	shalt  }
0x84: {  	_ =	shalt  }
0x85: {  	_ =	shalt  }
0x86: {  	_ =	shalt  }
0x87: {  	_ =	shalt  }
.Lfunc_end0:
.L_simem_size_0:
called_computation.2_lowered:
.L_overlay_start_0:
0x88: {  	s2 =	sld [smem:$0x3FD9]  }
0x89: {  	s3 =	sld [smem:$0x3FFE];
	_ =	sdelay $0x1  }
0x8a: {  	s1 =	srdreg.scid  }
0x8b: {  	s0 =	sand.u32 $0x1, s1  }
0x8c: {  	s17 =	sshll.u32 s0, $0xA;
	s2 =	sadd.s32 s3, s2  }
0x8d: {  	s2 =	sadd.s32 s2, s17  }
0x8e: {  	[smem:$0x3FBF] =	sst s2  }
0x8f: {  	_ = 	snop  }
0x90: {  	s2 =	sld [smem:$0x3FC5]  }
0x91: {  	s18 =	sld [smem:$0x3FD0];
	(tm) =	ssettm $0x1  }
0x92: {  	s4 =	sld [smem:$0x3FFB];
	_ =	sdelay $0x3  }
0x93: {  	_ =	strace s4  }
0x94: {  	s4 =	sld [smem:$0x3FFC];
	_ =	sdelay $0x3  }
0x95: {  	_ =	strace s4  }
0x96: {  	s4 =	sld [smem:$0x3FFD];
	_ =	sdelay $0x3  }
0x97: {  	_ =	strace s4  }
0x98: {  	_ =	strace $0x8FFFFFFF  }
0x99: {  	s19 =	sld [smem:$0x3FDB];
	_ =	sdelay $0x1  }
0x9a: {  	s5 =	simm.s32 $_scs_section_size  }
0x9b: {  	s6 =	simm.s32 $_size__tile_overlayer_lowered;
	s7 =	simm.s32 $_tile_overlayer_lowered  }
0x9c: {  	s22 =	simm.s32 $0x1BFF;
	s21 =	sshll.u32 s7, $0x1;
	s4 =	sadd.s32 s5, s19  }
0x9d: {  	s8 =	simm.s32 $0x0;
	s20 =	sshll.u32 s6, $0x1;
	s6 =	sadd.s32 s21, s4  }
0x9e: {  	[timem:s8], [sflag:s22] =	dma.local [hbm:s6], s20  }
0x9f: {  	_ =	swait.ge [sflag:s22], s20  }
0xa0: {  	s5 =	ssub.s32 $0x0, s20;
	[sflag:s22] =	ssyncset.done $0x0  }
0xa1: {  	[sflag:s22] =	ssyncadd.s32 s5;
	_ =	sdelay $0x1  }
0xa2: {  	s23 =	simm.s32 $0x1B8B  }
0xa3: {  	_ =	swait.ge [sflag:s23], $0x1  }
0xa4: {  	[sflag:s23] =	ssyncset.done $0x0  }
0xa5: {  	s25 =	simm.s32 $0x1B8E;
	s24 =	sld [smem:$0x3FFE];
	[sflag:s23] =	ssyncadd.s32 $0xFFFFFFFF  }
0xa6: {  	s26 =	simm.s32 $execute0_lowered;
	[smem:$0x3FD2] =	sst s25  }
0xa7: {  	s6 =	sshll.u32 s26, $0x1;
	_ =	strace $0x80000046;
	[dreg:$0x1] =	wrdreg $0xFFFFFFFF  }
0xa8: {  	s28 =	simm.s32 $_size_execute0_lowered;
	s4 =	sadd.s32 s4, s6;
	[dreg:$0x0] =	wrdreg $0x0  }
0xa9: {  	s6 =	sshll.u32 s28, $0x1;
	[dreg:$0x2] =	wrdreg s4  }
0xaa: {  	[dreg:$0x3] =	wrdreg s6  }
0xab: {  	[dreg:$0x4] =	wrdreg $0xC0  }
0xac: {  	_ =	task [dreg:s8], $0x5FFFF  }
0xad: {  	[dreg:$0x1] =	wrdreg $0xFFFFFFFF  }
0xae: {  	[dreg:$0x0] =	wrdreg $0x60  }
0xaf: {  	[dreg:$0x2] =	wrdreg s2  }
0xb0: {  	[dreg:$0x3] =	wrdreg s18  }
0xb1: {  	[dreg:$0x4] =	wrdreg s24  }
0xb2: {  	[dreg:$0x5] =	wrdreg $0xA  }
0xb3: {  	_ =	task.clear_ibuf [dreg:s8], $0x6FFFF;
	_ =	strace $0x90000046  }
0xb4: {  	s29 =	simm.s32 $0xA;
	_ =	strace $0x80000048  }
0xb5: {  	_ =	swait.ge [sflag:s29], $0x1  }
0xb6: {  	[sflag:s29] =	ssyncadd.s32 $0xFFFFFFFF  }
0xb7: {  	_ =	strace $0x90000048  }
0xb8: {  	_ =	sfence  }
0xb9: {  	s30 =	sld [smem:$0x0];
	_ =	sdelay $0x2  }
0xba: {  	s31 =	sshll.u32 s1, $0xD;
	s1 =	sshrl.u32 s1, $0x2  }
0xbb: {  	s3 =	sand.u32 $0x4000, s31;
	s1 =	sadd.s32 s1, s30  }
0xbc: {  	s0 =	sor.u32 s3, s0;
	s1 =	sshll.u32 s1, $0x11  }
0xbd: {  	s0 =	sor.u32 s1, s0  }
0xbe: {  	s0 =	sadd.s32 $0x8F2B, s0  }
0xbf: {  	[sflag:s0] =	ssyncadd.remote.s32 $0x1  }
0xc0: {  	_ =	sfence.sel $0xFFFF  }
0xc1: {  	[dreg:$0x0] =	wrdreg $0xFFFFFFFF;
	(pc) =	sbr.abs _section_cstart, $3  }
0xc2: {  	[dreg:$0x1] =	wrdreg $0xFFFFFFFF  }
0xc3: {  	_ =	task.clear_ibuf [dreg:s8], $0x2FFFF;
	_ =	strace $0x9FFFFFFF  }
0xc4: {  	(tm) =	ssettm $0x7FFFFFFF  }
0xc5: {  	_ =	shalt  }
tec
execute0_lowered:
.L_overlay_start_1:
0x0: {  	(tag) =	ssettag $0x1  }
0x1: {  	s0 =	rddreg [dreg:$0x0]  }
0x2: {  	s2 =	rddreg [dreg:$0x1]  }
0x3: {  	s1 =	rddreg [dreg:$0x2]  }
0x4: {  	s3 =	srdreg.scid;
	s10 =	stileid.u32  }
0x5: {  	s11 =	simm.s32 $0x10;
	s4 =	sand.u32 $0x1, s3;
	s6 =	sshll.u32 s10, $0x1  }
0x6: {  	s5 =	smul.u32 $0x4E, s10;
	s3 =	simm.s32 $0x0;
	s6 =	sor.u32 s4, s6  }
0x7: {  	p0 =	slt.u32 s10, $0x6;
	s8 =	smin.u32 s6, $0xC;
	s6 =	smul.u32 $0x27, s6  }
0x8: {  	s7 =	smul.u32 $0x27, s4;
	[smem:$0x7FF] =	sst s3;
	s9 =	ssub.s32 $0x2, s4  }
0x9: {  	s4 =	simm.s32 $0x28;
	_ =	strace $0x80000047;
	s21 =	sadd.s32 s8, s6  }
0xa: {  	s23 =	sshrl.u32 s9, $0x1;
	s4 =	simm.s32 @!p0 $0x27;
	s24 =	sshll.u32 s21, $0x5  }
0xb: {  	s5 =	sadd.s32 s7, s5;
	s29 =	sadd.s32 $0xFFFFFFFC, s4;
	s7 =	sadd.s32 s0, s24  }
0xc: {  	s5 =	sadd.s32 s8, s5;
	[dreg:$0x4] =	wrdreg s29;
	s25 =	sadd.s32 $0x9B00, s7  }
0xd: {  	s20 =	sshll.u32 s5, $0xB;
	s26 =	sadd.s32 $0x9B20, s7;
	[dreg:$0x5] =	wrdreg s25  }
0xe: {  	s5 =	sshll.u32 s5, $0x5;
	s28 =	sadd.s32 $0x9B40, s7;
	[dreg:$0x6] =	wrdreg s26  }
0xf: {  	s22 =	sadd.s32 s20, s1;
	s30 =	sadd.s32 $0x9B60, s7;
	[dreg:$0x7] =	wrdreg s28  }
0x10: {  	s1 =	ssub.s32 s9, s23;
	s7 =	sadd.s32 $0x9B80, s7;
	[dreg:$0x8] =	wrdreg s30  }
0x11: {  	s0 =	sadd.s32 s0, s5;
	s1 =	smax.u32 s1, $0x1;
	[dreg:$0x9] =	wrdreg s7  }
0x12: {  	s10 =	simm.s32 $0xF;
	s0 =	sadd.s32 $0x9BA0, s0;
	[dreg:$0xa] =	wrdreg s1  }
0x13: {  	s10 =	simm.s32 @!p0 $0xE;
	s31 =	sadd.s32 $0x29E00, s22;
	[dreg:$0xb] =	wrdreg s0  }
0x14: {  	s11 =	simm.s32 @!p0 $0xF;
	[dreg:$0xc] =	wrdreg s31;
	s26 =	simm.s32 $0x0  }
.LBB2_1:
0x15: {  	s0 =	rddreg [dreg:$0x5]  }
0x16: {  	[tilespmem:s3], [sflag:$0x1] =	stream.linear.gather [hbm4b:s0+s3], $0x80, $0x38;
	[tilespmem:$0x18400] =	vst v63  }
0x17: {  	s16 =	rddreg [dreg:$0x6];
	s1 =	simm.s32 $0x80  }
0x18: {  	[tilespmem:s1], [sflag:$0x2] =	stream.linear.gather [hbm4b:s16+s3], $0x80, $0x38;
	[tilespmem:$0x18400] =	vst v63  }
0x19: {  	s17 =	rddreg [dreg:$0x7];
	s5 =	simm.s32 $0x100  }
0x1a: {  	[tilespmem:s5], [sflag:$0x3] =	stream.linear.gather [hbm4b:s17+s3], $0x80, $0x38;
	[tilespmem:$0x18400] =	vst v63  }
0x1b: {  	s18 =	rddreg [dreg:$0x8];
	s6 =	simm.s32 $0x180  }
0x1c: {  	[tilespmem:s6], [sflag:$0x4] =	stream.linear.gather [hbm4b:s18+s3], $0x80, $0x38;
	[tilespmem:$0x18400] =	vst v63  }
0x1d: {  	s19 =	rddreg [dreg:$0x9];
	s7 =	simm.s32 $0x200;
	s20 =	simm.s32 $0x1  }
0x1e: {  	[tilespmem:s7], [sflag:$0x5] =	stream.linear.gather [hbm4b:s19+s3], $0x80, $0x38;
	[tilespmem:$0x18400] =	vst v63  }
0x1f: {  	_ =	swait.ge [sflag:s20], $0x80  }
0x20: {  	[sflag:s20] =	ssyncset.done $0x0  }
0x21: {  	s30 =	simm.s32 $0x400;
	s21 =	simm.s32 $0x2;
	[sflag:s20] =	ssyncadd.s32 $0xFFFFFF80  }
0x22: {  	[tilespmem:s30], [sflag:$0x7] =	stream.indirect.gather [hbm4b:s2+s1], $0x80, s3, s1, $0xb8;
	[tilespmem:$0x18400] =	vst v63  }
0x23: {  	s22 =	simm.s32 $0x4400;
	_ =	swait.ge [sflag:s21], $0x80  }
0x24: {  	s23 =	simm.s32 $0x3;
	s24 =	simm.s32 $0x8400;
	[sflag:s21] =	ssyncset.done $0x0  }
0x25: {  	s25 =	simm.s32 $0x4;
	s29 =	simm.s32 $0xC400;
	[sflag:s21] =	ssyncadd.s32 $0xFFFFFF80  }
0x26: {  	[tilespmem:s22], [sflag:$0x8] =	stream.indirect.gather [hbm4b:s2+s1], $0x80, s1, s1, $0xb8;
	[tilespmem:$0x18400] =	vst v63  }
0x27: {  	s28 =	simm.s32 $0xB;
	s31 =	simm.s32 $0xD;
	_ =	swait.ge [sflag:s23], $0x80  }
0x28: {  	p0 =	sle.u32 s4, $0x5;
	s9 =	smulhi.u32 $0xAAAAAAAB, s3;
	[sflag:s23] =	ssyncset.done $0x0  }
0x29: {  	p2 =	sne.s32 s4, $0x1;
	p1 =	por $0x0, $0x0;
	[sflag:s23] =	ssyncadd.s32 $0xFFFFFF80  }
0x2a: {  	[tilespmem:s24], [sflag:$0x9] =	stream.indirect.gather [hbm4b:s2+s1], $0x80, s5, s1, $0xb8;
	[tilespmem:$0x18400] =	vst v63  }
.Ltmp0:
0x2b: {  	s0 =	simm.s32 $0x0;
	_ =	swait.ge [sflag:s25], $0x80;
	(pc) =	sbr.rel @!p2 .LBB2_2-.Ltmp0, $4  }
0x2c: {  	s12 =	simm.s32 @!p0 $0xFFFFFFFF;
	s23 =	simm.s32 $0xFFFFFFFE;
	[sflag:s25] =	ssyncset.done $0x0  }
0x2d: {  	s5 =	smulhi.u32 $0xAAAAAAAB, s23;
	[sflag:s25] =	ssyncadd.s32 $0xFFFFFF80;
	s25 =	simm.s32 @!p0 $0xFFFFFFFF  }
0x2e: {  	[tilespmem:s29], [sflag:$0xA] =	stream.indirect.gather [hbm4b:s2+s1], $0x80, s6, s1, $0xb8;
	[tilespmem:$0x18400] =	vst v63  }
0x2f: {  	s18 =	simm.s32 $0x7;
	s6 =	simm.s32 $0x1;
	s16 =	smulhi.u32 @!p0 $0x2AAAAAAB, s25  }
0x30: {  	s0 =	smul.u32 @!p0 $0x2AAAAAAB, s12  }
0x31: {  	s7 =	sshrl.u32 s9, $0x2;
	s5 =	sshrl.u32 s5, $0x2;
	p1 =	por $0x1, $0x1  }
0x32: {  	s29 =	simm.s32 $0xFFFFFFFF;
	s31 =	simm.s32 $0xE;
	s30 =	simm.s32 $0x4400  }
0x33: {  	s18 =	simm.s32 $0x8;
	s19 =	simm.s32 $0x2;
	s8 =	smul.u32 $0xFFFFFFE8, s7  }
0x34: {  	p3 =	sne.s32 s4, $0x2;
	s7 =	smul.u32 $0xFFFA0000, s7;
	s0 =	sadd.s32 @!p0 s0, s16  }
0x35: {  	s5 =	smul.u32 $0xFFFFFFE8, s5;
	s9 =	sshrl.u32 @!p0 s0, $0x1F;
	s8 =	sshra.s32 s8, $0x2  }
0x36: {  	s7 =	sshra.s32 s7, $0x2;
	s0 =	sadd.s32 @!p0 s9, s0;
	s22 =	sadd.s32 $0x7, s8  }
0x37: {  	s5 =	sshra.s32 s5, $0x2;
	s0 =	smul.u32 @!p0 $0x6, s0;
	_ =	swait.ge [sflag:s22], $0x4000  }
0x38: {  	s24 =	sadd.s32 $0xD, s8;
	s7 =	sadd.s32 $0x400, s7;
	[sflag:s22] =	ssyncset.done $0x0  }
0x39: {  	s14 =	rddreg [dreg:$0xc];
	s0 =	ssub.s32 @!p0 $0xFFFFFFFF, s0;
	[sflag:s22] =	ssyncadd.s32 $0xFFFFC000  }
0x3a: {  	[hbm4b:s14+s3] =	stream.linear.scatter [tilespmem:s7], [sflag:s24], $0x4000, $0x38;
	[tilespmem:$0x18400] =	vst v63  }
0x3b: {  	s12 =	sadd.s32 $0xB, s5;
	s5 =	smulhi.u32 $0xAAAAAAAB, s29;
	p2 =	slt.s32 @!p0 s0, $0x0  }
0x3c: {  	s7 =	sadd.s32 @!p0 $0x6, s0;
	s14 =	sadd.s32 $0x800, s14;
	_ =	swait.ge @!p1 [sflag:s12], $0x4000  }
0x3d: {  	p2 =	por !p2, p0;
	s25 =	rddreg [dreg:$0x4];
	[sflag:s12] =	ssyncset.done @!p1 $0x0  }
0x3e: {  	s7 =	smov.u32 @p2 s0;
	s1 =	rddreg [dreg:$0xb];
	[sflag:s12] =	ssyncadd.s32 @!p1 $0xFFFFC000  }
0x3f: {  	s0 =	sshll.u32 @!p0 s7, $0x9;
	s7 =	sadd.s32 @!p0 $0x1, s7;
	p2 =	sle.u32 s25, $0x0  }
0x40: {  	s12 =	simm.s32 @!p0 $0x0;
	s8 =	smulhi.u32 @!p2 $0x2AAAAAAB, s23;
	s9 =	simm.s32 @!p2 $0xFFFFFFFF  }
0x41: {  	s13 =	sadd.s32 $0x20, s1;
	s0 =	sshra.s32 @!p0 s0, $0x2;
	s9 =	smul.u32 @!p2 $0x2AAAAAAB, s9  }
0x42: {  	[tilespmem:s0], [sflag:s7] =	stream.linear.gather @!p0 [hbm4b:s1+s12], $0x80, $0x38;
	[tilespmem:$0x18400] =	vst v63  }
.Ltmp1:
0x43: {  	p1 =	por $0x1, $0x1;
	p0 =	sle.u32 s4, $0x6;
	(pc) =	sbr.rel @!p3 .LBB2_4-.Ltmp1, $4  }
0x44: {  	s0 =	simm.s32 $0x1;
	s25 =	simm.s32 @!p0 $0x0;
	s7 =	sadd.s32 @!p2 s9, s8  }
0x45: {  	s12 =	simm.s32 @!p0 $0x0;
	s9 =	smulhi.u32 $0xAAAAAAAB, s6;
	s6 =	sshrl.u32 @!p2 s7, $0x1F  }
0x46: {  	s8 =	simm.s32 @!p2 $0x80;
	s16 =	smulhi.u32 @!p0 $0x2AAAAAAB, s25;
	s6 =	sadd.s32 @!p2 s6, s7  }
0x47: {  	s7 =	simm.s32 $0xFFFFFFFF;
	s17 =	smul.u32 @!p2 $0x6, s6;
	s6 =	simm.s32 $0xB  }
.LBB2_5:
0x48: {  	s12 =	smul.u32 @!p0 $0x2AAAAAAB, s12;
	s7 =	sadd.s32 $0x1, s7  }
0x49: {  	s20 =	sshrl.u32 s9, $0x2;
	s1 =	sshrl.u32 s5, $0x2;
	s5 =	smulhi.u32 $0xAAAAAAAB, s7  }
0x4a: {  	s6 =	sadd.s32 $0x1, s6;
	s22 =	smul.u32 $0xFFFA0000, s20  }
0x4b: {  	s9 =	smov.u32 s19;
	s17 =	ssub.s32 @!p2 s23, s17;
	s15 =	smul.u32 $0xFFFFFFE8, s20  }
0x4c: {  	s12 =	sadd.s32 @!p0 s12, s16;
	s19 =	smul.u32 $0xFFFFFFE8, s1;
	p3 =	slt.s32 @!p2 s17, $0x0  }
0x4d: {  	s23 =	sadd.s32 @!p2 $0x6, s17;
	s9 =	smulhi.u32 $0xAAAAAAAB, s9;
	s20 =	sshrl.u32 @!p0 s12, $0x1F  }
0x4e: {  	p3 =	por !p3, p2;
	s22 =	sshra.s32 s22, $0x2;
	s16 =	sshra.s32 s15, $0x2  }
0x4f: {  	s19 =	sshra.s32 s19, $0x2;
	s23 =	smov.u32 @p3 s17;
	s12 =	sadd.s32 @!p0 s20, s12  }
0x50: {  	p3 =	slt.u32 s0, $0x2;
	s24 =	sadd.s32 s16, s18;
	s17 =	sadd.s32 @!p2 $0x1, s23  }
0x51: {  	s1 =	sshll.u32 @!p2 s23, $0x9;
	s21 =	sshll.u32 @!p2 s23, $0x10;
	s15 =	sadd.s32 @!p2 $0x7, s23  }
0x52: {  	s23 =	smov.u32 s29;
	s12 =	smul.u32 @!p0 $0x6, s12;
	_ =	swait.ge @!p2 [sflag:s17], $0x80  }
0x53: {  	s22 =	sadd.s32 s22, s30;
	s21 =	sshra.s32 @!p2 s21, $0x2;
	[sflag:s17] =	ssyncset.done @!p2 $0x0  }
0x54: {  	s1 =	sshra.s32 @!p2 s1, $0x2;
	s21 =	sor.u32 @!p2 $0x400, s21;
	[sflag:s17] =	ssyncadd.s32 @!p2 $0xFFFFFF80  }
0x55: {  	[tilespmem:s21], [sflag:s15] =	stream.indirect.gather @!p2 [hbm4b:s2+s8], $0x80, s1, s8, $0xb8;
	[tilespmem:$0x18400] =	vst v63  }
0x56: {  	s1 =	sadd.s32 s19, s6;
	s8 =	ssub.s32 @!p0 s25, s12;
	_ =	swait.ge [sflag:s24], $0x4000  }
0x57: {  	s21 =	sadd.s32 s16, s31;
	p2 =	slt.s32 @!p0 s8, $0x0;
	[sflag:s24] =	ssyncset.done $0x0  }
0x58: {  	s15 =	sadd.s32 @!p0 $0x6, s8;
	p2 =	por !p2, p0;
	[sflag:s24] =	ssyncadd.s32 $0xFFFFC000  }
0x59: {  	[hbm4b:s14+s3] =	stream.linear.scatter [tilespmem:s22], [sflag:s21], $0x4000, $0x38;
	[tilespmem:$0x18400] =	vst v63  }
0x5a: {  	s29 =	smov.u32 s7;
	s15 =	smov.u32 @p2 s8;
	_ =	swait.ge @!p3 [sflag:s1], $0x4000  }
0x5b: {  	s16 =	simm.s32 @!p0 $0x0;
	s12 =	sadd.s32 @!p0 $0x1, s15;
	[sflag:s1] =	ssyncset.done @!p3 $0x0  }
0x5c: {  	s24 =	rddreg [dreg:$0x4];
	[sflag:s1] =	ssyncadd.s32 @!p3 $0xFFFFC000;
	s1 =	sshll.u32 @!p0 s15, $0x9  }
0x5d: {  	p2 =	sge.u32 s0, s24;
	s0 =	sadd.s32 $0x2, s7;
	s1 =	sshra.s32 @!p0 s1, $0x2  }
0x5e: {  	s8 =	smulhi.u32 @!p2 $0x2AAAAAAB, s23;
	s15 =	sshra.s32 @!p2 s23, $0x1F;
	s19 =	sadd.s32 $0x1, s0  }
0x5f: {  	[tilespmem:s1], [sflag:s12] =	stream.linear.gather @!p0 [hbm4b:s13+s16], $0x80, $0x38;
	[tilespmem:$0x18400] =	vst v63  }
0x60: {  	s30 =	sadd.s32 $0x4000, s30;
	s15 =	smul.u32 @!p2 $0x2AAAAAAB, s15;
	p3 =	sne.s32 s19, s4  }
.Ltmp2:
0x61: {  	s18 =	sadd.s32 $0x1, s18;
	s25 =	sadd.s32 $0x5, s0;
	(pc) =	sbr.rel @p3 .LBB2_5-.Ltmp2, $4  }
0x62: {  	s31 =	sadd.s32 $0x1, s31;
	p0 =	sge.u32 s25, s4;
	s8 =	sadd.s32 @!p2 s15, s8  }
0x63: {  	s14 =	sadd.s32 $0x800, s14;
	s25 =	sadd.s32 @!p0 $0x1, s7;
	s1 =	sshrl.u32 @!p2 s8, $0x1F  }
0x64: {  	s13 =	sadd.s32 $0x20, s13;
	s16 =	smulhi.u32 @!p0 $0x2AAAAAAB, s25;
	s1 =	sadd.s32 @!p2 s1, s8  }
0x65: {  	s12 =	sshra.s32 @!p0 s25, $0x1F;
	s8 =	simm.s32 @!p2 $0x80;
	s17 =	smul.u32 @!p2 $0x6, s1  }
0x66: {  	s7 =	smov.u32 s23;
	s23 =	smov.u32 s29  }
.LBB2_7:
0x67: {  	p3 =	por p2, !p1  }
0x68: {  	s1 =	sshrl.u32 s9, $0x2;
	s7 =	ssub.s32 @!p3 s7, s17  }
0x69: {  	s22 =	smul.u32 $0xFFFA0000, s1;
	p4 =	slt.s32 @!p3 s7, $0x0  }
0x6a: {  	s1 =	smul.u32 $0xFFFFFFE8, s1;
	p2 =	por @p1 !p4, p2  }
0x6b: {  	s6 =	sadd.s32 @p1 $0x1, s6;
	s15 =	sadd.s32 @!p3 $0x6, s7;
	p2 =	por !p2, !p1  }
0x6c: {  	s5 =	sshrl.u32 s5, $0x2;
	s1 =	sshra.s32 s1, $0x2;
	s7 =	smov.u32 @p2 s15  }
0x6d: {  	s5 =	smul.u32 $0xFFFFFFE8, s5;
	s24 =	sadd.s32 s1, s18;
	s17 =	sadd.s32 @!p3 $0x1, s7  }
0x6e: {  	s18 =	sshll.u32 @!p3 s7, $0x9;
	s19 =	sshll.u32 @!p3 s7, $0x10;
	_ =	swait.ge @!p3 [sflag:s17], $0x80  }
0x6f: {  	s7 =	sadd.s32 @!p3 $0x7, s7;
	s19 =	sshra.s32 @!p3 s19, $0x2;
	[sflag:s17] =	ssyncset.done @!p3 $0x0  }
0x70: {  	s18 =	sshra.s32 @!p3 s18, $0x2;
	s19 =	sor.u32 @!p3 $0x400, s19;
	[sflag:s17] =	ssyncadd.s32 @!p3 $0xFFFFFF80  }
0x71: {  	[tilespmem:s19], [sflag:s7] =	stream.indirect.gather @!p3 [hbm4b:s2+s8], $0x80, s18, s8, $0xb8;
	[tilespmem:$0x18400] =	vst v63  }
0x72: {  	s9 =	smul.u32 @!p0 $0x2AAAAAAB, s12;
	s28 =	smov.u32 @p1 s6;
	_ =	swait.ge [sflag:s24], $0x4000  }
0x73: {  	s12 =	sshra.s32 s22, $0x2;
	s5 =	sshra.s32 s5, $0x2;
	[sflag:s24] =	ssyncset.done $0x0  }
0x74: {  	s1 =	sadd.s32 s1, s31;
	s29 =	sadd.s32 s12, s30;
	[sflag:s24] =	ssyncadd.s32 $0xFFFFC000  }
0x75: {  	[hbm4b:s14+s3] =	stream.linear.scatter [tilespmem:s29], [sflag:s1], $0x4000, $0x38;
	[tilespmem:$0x18400] =	vst v63  }
0x76: {  	s5 =	sadd.s32 s5, s28;
	p2 =	slt.u32 s0, $0x2;
	s1 =	sadd.s32 @!p0 s9, s16  }
0x77: {  	_ =	swait.ge @!p2 [sflag:s5], $0x4000;
	s7 =	sshrl.u32 @!p0 s1, $0x1F  }
0x78: {  	s30 =	rddreg [dreg:$0x4];
	s1 =	sadd.s32 @!p0 s7, s1  }
0x79: {  	s1 =	smul.u32 @!p0 $0x6, s1;
	p1 =	sge.u32 s0, s30  }
0x7a: {  	s0 =	smulhi.u32 @!p1 $0x2AAAAAAB, s23;
	s6 =	sshra.s32 @!p1 s23, $0x1F  }
0x7b: {  	s1 =	ssub.s32 @!p0 s25, s1;
	s6 =	smul.u32 @!p1 $0x2AAAAAAB, s6  }
0x7c: {  	[sflag:s5] =	ssyncset.done @!p2 $0x0;
	p3 =	slt.s32 @!p0 s1, $0x0  }
0x7d: {  	s7 =	sadd.s32 @!p0 $0x6, s1;
	p3 =	por !p3, p0;
	s0 =	sadd.s32 @!p1 s6, s0  }
0x7e: {  	[sflag:s5] =	ssyncadd.s32 @!p2 $0xFFFFC000;
	s7 =	smov.u32 @p3 s1;
	s1 =	sshrl.u32 @!p1 s0, $0x1F  }
0x7f: {  	s5 =	sshll.u32 @!p0 s7, $0x9;
	s6 =	sadd.s32 @!p0 $0x1, s7;
	s0 =	sadd.s32 @!p1 s1, s0  }
0x80: {  	s1 =	sshra.s32 @!p0 s5, $0x2;
	s5 =	simm.s32 @!p0 $0x0;
	s0 =	smul.u32 @!p1 $0x6, s0  }
0x81: {  	[tilespmem:s1], [sflag:s6] =	stream.linear.gather @!p0 [hbm4b:s13+s5], $0x80, $0x38;
	[tilespmem:$0x18400] =	vst v63  }
0x82: {  	s0 =	ssub.s32 @!p1 s23, s0  }
0x83: {  	p0 =	slt.s32 @!p1 s0, $0x0  }
0x84: {  	s1 =	sadd.s32 @!p1 $0x6, s0;
	p0 =	por !p0, p1  }
0x85: {  	s1 =	smov.u32 @p0 s0  }
0x86: {  	s0 =	simm.s32 @!p1 $0x80;
	s5 =	sadd.s32 @!p1 $0x1, s1  }
0x87: {  	s6 =	sshll.u32 @!p1 s1, $0x9;
	s7 =	sshll.u32 @!p1 s1, $0x10;
	_ =	swait.ge @!p1 [sflag:s5], $0x80  }
0x88: {  	s1 =	sadd.s32 @!p1 $0x7, s1;
	s7 =	sshra.s32 @!p1 s7, $0x2;
	[sflag:s5] =	ssyncset.done @!p1 $0x0  }
0x89: {  	s6 =	sshra.s32 @!p1 s6, $0x2;
	s7 =	sor.u32 @!p1 $0x400, s7;
	[sflag:s5] =	ssyncadd.s32 @!p1 $0xFFFFFF80  }
0x8a: {  	[tilespmem:s7], [sflag:s1] =	stream.indirect.gather @!p1 [hbm4b:s2+s0], $0x80, s6, s0, $0xb8;
	[tilespmem:$0x18400] =	vst v63  }
0x8b: {  	_ =	swait.ge [sflag:s10], $0x4000  }
0x8c: {  	[sflag:s10] =	ssyncset.done $0x0  }
0x8d: {  	[sflag:s10] =	ssyncadd.s32 $0xFFFFC000  }
0x8e: {  	_ =	swait.ge [sflag:s11], $0x4000  }
0x8f: {  	s26 =	sadd.s32 $0x1, s26;
	s31 =	rddreg [dreg:$0xa]  }
0x90: {  	p0 =	sne.s32 s26, s31  }
.Ltmp3:
0x91: {  	_ = 	snop;
	(pc) =	sbr.rel @p0 .LBB2_1-.Ltmp3, $4  }
.Ltmp4:
0x92: {  	_ = 	snop;
	(pc) =	sbr.rel @!p0 .LBB2_8-.Ltmp4, $4  }
0x93: {  	_ = 	snop  }
0x94: {  	[sflag:s11] =	ssyncset.done $0x0  }
0x95: {  	[sflag:s11] =	ssyncadd.s32 $0xFFFFC000  }
0x96: {  	_ = 	snop  }
.LBB2_2:
.Ltmp5:
0x97: {  	(pc) =	sbr.rel .LBB2_7-.Ltmp5, $3  }
0x98: {  	_ =	sdelay $0x1  }
0x99: {  	s14 =	rddreg [dreg:$0xc]  }
0x9a: {  	s6 =	simm.s32 $0xB;
	s13 =	rddreg [dreg:$0xb]  }
.LBB2_4:
.Ltmp6:
0x9b: {  	(pc) =	sbr.rel .LBB2_7-.Ltmp6, $2  }
0x9c: {  	_ =	sdelay $0x2  }
0x9d: {  	s6 =	simm.s32 $0xB;
	s7 =	simm.s32 $0xFFFFFFFE;
	s23 =	simm.s32 $0xFFFFFFFF  }
.LBB2_8:
0x9e: {  	_ =	sfence.sel $0x180000  }
0x9f: {  	[bflag:$0x0] =	sbarrier.arrive $0xFFFF  }
0xa0: {  	_ =	strace $0x90000047  }
0xa1: {  	s0 =	stileid.u32;
	[bflag:$0x2] =	sbarrier.arrive $0xFFFF  }
0xa2: {  	p0 =	sne.s32 s0, $0x0;
	s0 =	rddreg [dreg:$0x3]  }
0xa3: {  	s0 =	sadd.s32 @!p0 $0x100000, s0  }
0xa4: {  	[sflag:s0] =	ssyncadd.tile.s32 @!p0 $0x1;
	_ =	shalt  }
.Lfunc_end2:
_tile_overlayer_lowered:
.L_overlay_start_2:
0xa5: {  	(tag) =	ssettag $0x2  }
0xa6: {  	s0 =	rddreg [dreg:$0x0];
	s2 =	stileid.u32  }
0xa7: {  	s1 =	rddreg [dreg:$0x1];
	p0 =	sne.s32 s2, $0x0  }
0xa8: {  	s3 =	rddreg [dreg:$0x2];
	[bflag:$0x3] =	sbarrier.arrive $0xFFFF;
	s2 =	simm.s32 @!p0 $0x1C13  }
0xa9: {  	[timem:s3], [sflag:s2] =	dma.local @!p0 [hbm:s0], s1  }
0xaa: {  	s0 =	simm.s32 @!p0 $0x13  }
0xab: {  	_ =	swait.ge @!p0 [sflag:s0], s1  }
0xac: {  	s1 =	ssub.s32 @!p0 $0x0, s1;
	[sflag:s0] =	ssyncset.done @!p0 $0x0  }
0xad: {  	[sflag:s0] =	ssyncadd.s32 @!p0 s1  }
0xae: {  	[bflag:$0x3] =	sbarrier.arrive $0xFFFF  }
0xaf: {  	_ =	shalt  }

// kernel: kernel.19.cloned.1.call-start
scs
__scs_entry_jumppad:
0x0: {  	(pc) =	sbr.rel $0x88, $3  }
0x1: {  	(tag) =	ssettag $0x0;
	lr =	simm.s32 $0x1  }
0x2: {  	[smem:$0x3F98] =	sst lr;
	_ =	strace $0xD0000000  }
0x3: {  	_ = 	snop  }
0x4: {  	_ = 	snop  }
0x5: {  	_ = 	snop  }
0x6: {  	_ = 	snop  }
0x7: {  	_ = 	snop  }
__scs_overlays_trampoline_lowered:
0x8: {  	[smem:$0x3FA7] =	sst s0  }
0x9: {  	[smem:$0x3FA8] =	sst s1  }
0xa: {  	[smem:$0x3FA9] =	sst s2  }
0xb: {  	[smem:$0x3FAA] =	sst s3  }
0xc: {  	[smem:$0x3FAB] =	sst s4  }
0xd: {  	[smem:$0x3FAC] =	sst s5  }
0xe: {  	[smem:$0x3FAD] =	sst s6  }
0xf: {  	[smem:$0x3FAE] =	sst s7  }
0x10: {  	[smem:$0x3FAF] =	sst s8  }
0x11: {  	[smem:$0x3FB0] =	sst s9;
	s0 =	simm.s32 @!p0 $0x0  }
0x12: {  	s1 =	sld [smem:$0x3F96];
	s0 =	simm.s32 @p0 $0x1  }
0x13: {  	[smem:$0x3FB1] =	sst s0;
	s0 =	simm.s32 @!p1 $0x0  }
0x14: {  	s2 =	sld [smem:$0x3F95];
	s0 =	simm.s32 @p1 $0x1  }
0x15: {  	[smem:$0x3FB2] =	sst s0;
	s0 =	simm.s32 @!p2 $0x0  }
0x16: {  	s3 =	sld [smem:$0x3FDB];
	s0 =	simm.s32 @p2 $0x1  }
0x17: {  	s4 =	simm.s32 $0x1BF5;
	[smem:$0x3FB4] =	sst s0  }
0x18: {  	s0 =	sld [smem:$0x3F97];
	_ =	swait.ge [sflag:s4], $0x0  }
0x19: {  	s7 =	sld [smem:$0x3F98]  }
0x1a: {  	s8 =	sadd.s32 $0xFFFFE003, lr  }
0x1b: {  	s9 =	sadd.s32 $0xFFFFFEF7, lr;
	s5 =	simm.s32 $0xFFFFFFFF;
	p2 =	slt.u32 s8, $0xFFFFF086  }
0x1c: {  	p1 =	slt.u32 s9, $0xF7A;
	s5 =	simm.s32 @!p2 $0x0  }
0x1d: {  	s5 =	simm.s32 @p1 $0x1;
	p0 =	seq.s32 s7, s2  }
0x1e: {  	s7 =	smul.u32 @!p0 $0xF7A, s2;
	p2 =	seq.s32 @!p0 s5, $0x0  }
0x1f: {  	s9 =	smul.u32 $0xF7A, s1;
	s8 =	simm.s32 @!p0 $0x1BF5;
	p2 =	por !p2, p0  }
0x20: {  	[sflag:s8] =	ssyncset.s32 @!p0 $0xFFFFF086;
	s6 =	sadd.s32 @!p0 s3, s7;
	s7 =	simm.s32 @!p0 $0x108  }
0x21: {  	s3 =	sadd.s32 s3, s9;
	s6 =	sadd.s32 @!p0 $0x88, s6;
	s7 =	simm.s32 @p2 $0x1082  }
0x22: {  	[simem:s7], [sflag:s8] =	dma.local @!p0 [hbm:s6], $0xF7A  }
0x23: {  	s9 =	sor.u32 $0xD0000000, s2;
	s6 =	simm.s32 $0x108;
	_ =	swait.ge @!p0 [sflag:s8], $0x0  }
0x24: {  	s3 =	sadd.s32 $0x88, s3;
	s6 =	simm.s32 @!p1 $0x1082;
	[sflag:s4] =	ssyncset.s32 $0xFFFFF086  }
0x25: {  	[simem:s6], [sflag:s4] =	dma.local [hbm:s3], $0xF7A  }
0x26: {  	[smem:$0x3F98] =	sst s1;
	(tag) =	ssettag s2;
	_ =	strace s9  }
0x27: {  	s1 =	sld [smem:$0x3FA8]  }
0x28: {  	s2 =	sld [smem:$0x3FA9]  }
0x29: {  	s4 =	sld [smem:$0x3FAB]  }
0x2a: {  	p0 =	seq.s32 s5, $0x0;
	s5 =	sld [smem:$0x3FAC]  }
0x2b: {  	s6 =	sld [smem:$0x3FAD]  }
0x2c: {  	s7 =	sld [smem:$0x3FAE]  }
0x2d: {  	s3 =	simm.s32 $0x108;
	s8 =	sld [smem:$0x3FAF]  }
0x2e: {  	s3 =	simm.s32 @!p0 $0x1082;
	s9 =	sld [smem:$0x3FB0]  }
0x2f: {  	lr =	sadd.s32 s0, s3;
	s0 =	sld [smem:$0x3FA7]  }
0x30: {  	s3 =	sld [smem:$0x3FAA]  }
0x31: {  	[smem:$0x3FB3] =	sst s10  }
0x32: {  	s10 =	sld [smem:$0x3FB1];
	_ =	sdelay $0x3  }
0x33: {  	p0 =	seq.s32 s10, $0x1;
	s10 =	sld [smem:$0x3FB3];
	_ =	sdelay $0x3  }
0x34: {  	[smem:$0x3FB3] =	sst s10  }
0x35: {  	s10 =	sld [smem:$0x3FB2];
	_ =	sdelay $0x3  }
0x36: {  	p1 =	seq.s32 s10, $0x1;
	s10 =	sld [smem:$0x3FB3];
	_ =	sdelay $0x3  }
0x37: {  	[smem:$0x3FB3] =	sst s10  }
0x38: {  	s10 =	sld [smem:$0x3FB4]  }
0x39: {  	_ = 	snop;
	(pc) =	sbr.ind lr, $3  }
0x3a: {  	_ = 	snop  }
0x3b: {  	_ = 	snop  }
0x3c: {  	p2 =	seq.s32 s10, $0x1;
	s10 =	sld [smem:$0x3FB3]  }
0x3d: {  	_ =	shalt  }
0x3e: {  	_ =	shalt  }
0x3f: {  	_ =	shalt  }
0x40: {  	_ =	shalt  }
0x41: {  	_ =	shalt  }
0x42: {  	_ =	shalt  }
0x43: {  	_ =	shalt  }
0x44: {  	_ =	shalt  }
0x45: {  	_ =	shalt  }
0x46: {  	_ =	shalt  }
0x47: {  	_ =	shalt  }
0x48: {  	_ =	shalt  }
0x49: {  	_ =	shalt  }
0x4a: {  	_ =	shalt  }
0x4b: {  	_ =	shalt  }
0x4c: {  	_ =	shalt  }
0x4d: {  	_ =	shalt  }
0x4e: {  	_ =	shalt  }
0x4f: {  	_ =	shalt  }
0x50: {  	_ =	shalt  }
0x51: {  	_ =	shalt  }
0x52: {  	_ =	shalt  }
0x53: {  	_ =	shalt  }
0x54: {  	_ =	shalt  }
0x55: {  	_ =	shalt  }
0x56: {  	_ =	shalt  }
0x57: {  	_ =	shalt  }
0x58: {  	_ =	shalt  }
0x59: {  	_ =	shalt  }
0x5a: {  	_ =	shalt  }
0x5b: {  	_ =	shalt  }
0x5c: {  	_ =	shalt  }
0x5d: {  	_ =	shalt  }
0x5e: {  	_ =	shalt  }
0x5f: {  	_ =	shalt  }
0x60: {  	_ =	shalt  }
0x61: {  	_ =	shalt  }
0x62: {  	_ =	shalt  }
0x63: {  	_ =	shalt  }
0x64: {  	_ =	shalt  }
0x65: {  	_ =	shalt  }
0x66: {  	_ =	shalt  }
0x67: {  	_ =	shalt  }
0x68: {  	_ =	shalt  }
0x69: {  	_ =	shalt  }
0x6a: {  	_ =	shalt  }
0x6b: {  	_ =	shalt  }
0x6c: {  	_ =	shalt  }
0x6d: {  	_ =	shalt  }
0x6e: {  	_ =	shalt  }
0x6f: {  	_ =	shalt  }
0x70: {  	_ =	shalt  }
0x71: {  	_ =	shalt  }
0x72: {  	_ =	shalt  }
0x73: {  	_ =	shalt  }
0x74: {  	_ =	shalt  }
0x75: {  	_ =	shalt  }
0x76: {  	_ =	shalt  }
0x77: {  	_ =	shalt  }
0x78: {  	_ =	shalt  }
0x79: {  	_ =	shalt  }
0x7a: {  	_ =	shalt  }
0x7b: {  	_ =	shalt  }
0x7c: {  	_ =	shalt  }
0x7d: {  	_ =	shalt  }
0x7e: {  	_ =	shalt  }
0x7f: {  	_ =	shalt  }
0x80: {  	_ =	shalt  }
0x81: {  	_ =	shalt  }
0x82: {  	_ =	shalt  }
0x83: {  	_ =	shalt  }
0x84: {  	_ =	shalt  }
0x85: {  	_ =	shalt  }
0x86: {  	_ =	shalt  }
0x87: {  	_ =	shalt  }
.Lfunc_end0:
.L_simem_size_0:
called_computation.3_lowered:
.L_overlay_start_0:
0x88: {  	s2 =	sld [smem:$0x3FD9]  }
0x89: {  	s3 =	sld [smem:$0x3FFE];
	_ =	sdelay $0x1  }
0x8a: {  	s1 =	srdreg.scid  }
0x8b: {  	s0 =	sand.u32 $0x1, s1  }
0x8c: {  	s17 =	sshll.u32 s0, $0xA;
	s2 =	sadd.s32 s3, s2  }
0x8d: {  	s2 =	sadd.s32 s2, s17  }
0x8e: {  	[smem:$0x3FBF] =	sst s2  }
0x8f: {  	_ = 	snop  }
0x90: {  	s18 =	sld [smem:$0x3FC5];
	(tm) =	ssettm $0x1  }
0x91: {  	s19 =	sld [smem:$0x3FFB];
	_ =	sdelay $0x3  }
0x92: {  	_ =	strace s19  }
0x93: {  	s2 =	sld [smem:$0x3FFC];
	_ =	sdelay $0x3  }
0x94: {  	_ =	strace s2  }
0x95: {  	s2 =	sld [smem:$0x3FFD];
	_ =	sdelay $0x3  }
0x96: {  	_ =	strace s2  }
0x97: {  	_ =	strace $0x8FFFFFFF  }
0x98: {  	s20 =	sld [smem:$0x3FDB];
	_ =	sdelay $0x1  }
0x99: {  	s4 =	simm.s32 $_scs_section_size  }
0x9a: {  	s5 =	simm.s32 $_size__tile_overlayer_lowered;
	s6 =	simm.s32 $_tile_overlayer_lowered  }
0x9b: {  	s7 =	simm.s32 $0x1BFF;
	s21 =	sshll.u32 s6, $0x1;
	s4 =	sadd.s32 s4, s20  }
0x9c: {  	s22 =	simm.s32 $0x0;
	s5 =	sshll.u32 s5, $0x1;
	s6 =	sadd.s32 s21, s4  }
0x9d: {  	[timem:s22], [sflag:s7] =	dma.local [hbm:s6], s5  }
0x9e: {  	_ =	swait.ge [sflag:s7], s5  }
0x9f: {  	s5 =	ssub.s32 $0x0, s5;
	[sflag:s7] =	ssyncset.done $0x0  }
0xa0: {  	[sflag:s7] =	ssyncadd.s32 s5;
	_ =	sdelay $0x1  }
0xa1: {  	s23 =	simm.s32 $0x1B8B  }
0xa2: {  	_ =	swait.ge [sflag:s23], $0x1  }
0xa3: {  	[sflag:s23] =	ssyncset.done $0x0  }
0xa4: {  	[sflag:s23] =	ssyncadd.s32 $0xFFFFFFFF  }
0xa5: {  	s5 =	sld [smem:$0x0]  }
0xa6: {  	s6 =	sand.u32 $0xFFFFFFFE, s1  }
0xa7: {  	p0 =	sne.s32 s1, s6  }
0xa8: {  	s6 =	sshll.u32 @p0 s6, $0xE  }
0xa9: {  	s6 =	sadd.s32 @p0 $0x11B8D, s6;
	s7 =	sshll.u32 @p0 s5, $0x11  }
0xaa: {  	s6 =	sor.u32 @p0 s7, s6  }
0xab: {  	[sflag:s6] =	ssyncadd.remote.s32 @p0 $0x1;
	_ =	sdelay $0x1  }
0xac: {  	s6 =	simm.s32 @p0 $0x1B8D  }
0xad: {  	_ =	swait.eq @p0 [sflag:s6], $0x1  }
0xae: {  	[sflag:s6] =	ssyncadd.s32 @p0 $0xFFFFFFFF  }
0xaf: {  	s7 =	sshll.u32 @!p0 s1, $0xE  }
0xb0: {  	s7 =	sor.u32 @!p0 $0x4000, s7;
	s6 =	simm.s32 @!p0 $0x1B8D  }
0xb1: {  	s5 =	sshll.u32 @!p0 s5, $0x11;
	s7 =	sadd.s32 @!p0 $0x11B8D, s7;
	_ =	swait.eq @!p0 [sflag:s6], $0x1  }
0xb2: {  	s5 =	sor.u32 @!p0 s5, s7;
	[sflag:s6] =	ssyncadd.s32 @!p0 $0xFFFFFFFF  }
0xb3: {  	s25 =	simm.s32 $0x1B8E;
	s24 =	sld [smem:$0x3FFE];
	[sflag:s5] =	ssyncadd.remote.s32 @!p0 $0x1  }
0xb4: {  	s26 =	simm.s32 $execute0_lowered;
	[smem:$0x3FD2] =	sst s25  }
0xb5: {  	s6 =	sshll.u32 s26, $0x1;
	_ =	strace $0x8000004C;
	[dreg:$0x1] =	wrdreg $0xFFFFFFFF  }
0xb6: {  	s28 =	simm.s32 $_size_execute0_lowered;
	s4 =	sadd.s32 s4, s6;
	[dreg:$0x0] =	wrdreg $0x0  }
0xb7: {  	s6 =	sshll.u32 s28, $0x1;
	[dreg:$0x2] =	wrdreg s4  }
0xb8: {  	[dreg:$0x3] =	wrdreg s6  }
0xb9: {  	[dreg:$0x4] =	wrdreg $0xC0  }
0xba: {  	_ =	task [dreg:s22], $0x5FFFF  }
0xbb: {  	[dreg:$0x1] =	wrdreg $0xFFFFFFFF  }
0xbc: {  	[dreg:$0x0] =	wrdreg $0x60  }
0xbd: {  	[dreg:$0x2] =	wrdreg s18  }
0xbe: {  	[dreg:$0x3] =	wrdreg s24  }
0xbf: {  	[dreg:$0x4] =	wrdreg $0x81000  }
0xc0: {  	[dreg:$0x5] =	wrdreg $0xA  }
0xc1: {  	_ =	task.clear_ibuf [dreg:s22], $0x6FFFF;
	_ =	strace $0x9000004C  }
0xc2: {  	s29 =	simm.s32 $0xA;
	_ =	strace $0x8000004E  }
0xc3: {  	_ =	swait.ge [sflag:s29], $0x1  }
0xc4: {  	[sflag:s29] =	ssyncadd.s32 $0xFFFFFFFF  }
0xc5: {  	_ =	strace $0x9000004E  }
0xc6: {  	_ =	sfence  }
0xc7: {  	s30 =	sld [smem:$0x0];
	_ =	sdelay $0x2  }
0xc8: {  	s31 =	sshll.u32 s1, $0xD;
	s1 =	sshrl.u32 s1, $0x2  }
0xc9: {  	s4 =	sand.u32 $0x4000, s31;
	s1 =	sadd.s32 s1, s30  }
0xca: {  	s0 =	sor.u32 s4, s0;
	s1 =	sshll.u32 s1, $0x11  }
0xcb: {  	s0 =	sor.u32 s1, s0  }
0xcc: {  	s0 =	sadd.s32 $0x8F2B, s0  }
0xcd: {  	[sflag:s0] =	ssyncadd.remote.s32 $0x1  }
0xce: {  	_ =	sfence.sel $0xFFFF  }
0xcf: {  	[dreg:$0x0] =	wrdreg $0xFFFFFFFF;
	(pc) =	sbr.abs _section_cstart, $3  }
0xd0: {  	[dreg:$0x1] =	wrdreg $0xFFFFFFFF  }
0xd1: {  	_ =	task.clear_ibuf [dreg:s22], $0x2FFFF;
	_ =	strace $0x9FFFFFFF  }
0xd2: {  	(tm) =	ssettm $0x7FFFFFFF  }
0xd3: {  	_ =	shalt  }
tec
execute0_lowered:
.L_overlay_start_1:
0x0: {  	(tag) =	ssettag $0x1  }
0x1: {  	s12 =	rddreg [dreg:$0x0]  }
0x2: {  	s5 =	rddreg [dreg:$0x1]  }
0x3: {  	s1 =	rddreg [dreg:$0x2];
	s3 =	simm.s32 $0x0  }
0x4: {  	s2 =	srdreg.scid;
	s0 =	stileid.u32;
	s19 =	simm.s32 $0x5  }
0x5: {  	s20 =	simm.s32 $0x0;
	[smem:$0x7FF] =	sst s3;
	s7 =	smul.u32 $0x13C00, s0  }
0x6: {  	s9 =	sand.u32 $0x1, s2;
	s8 =	sshll.u32 s0, $0x1;
	s26 =	smul.u32 $0x4F000, s0  }
0x7: {  	s13 =	sadd.s32 $0x50BE00, s5;
	s4 =	sadd.s32 $0x29E00, s5;
	s28 =	smul.u32 $0x4E, s0  }
0x8: {  	p0 =	slt.u32 s0, $0x6;
	s29 =	sshll.u32 s0, $0x6;
	s6 =	smul.u32 $0x13C000, s9  }
0x9: {  	s8 =	sor.u32 s9, s8;
	s22 =	ssub.s32 $0x2, s9;
	s17 =	smul.u32 $0x27, s9  }
0xa: {  	_ =	strace $0x8000004D;
	s10 =	smul.u32 $0x27, s8;
	s11 =	sshrl.u32 s22, $0x1  }
0xb: {  	s14 =	smin.u32 s8, $0xC;
	s6 =	sadd.s32 s7, s6;
	s16 =	ssub.s32 s22, s11  }
0xc: {  	s11 =	sadd.s32 s28, s14;
	s6 =	sshrl.u32 s6, $0x3;
	s23 =	sadd.s32 s14, s10  }
0xd: {  	s10 =	sshrl.u32 s26, $0x2;
	s11 =	sadd.s32 s17, s11;
	s15 =	sadd.s32 s6, s5  }
0xe: {  	s5 =	simm.s32 $0x28;
	s24 =	sshll.u32 s23, $0x5;
	s7 =	sshll.u32 s23, $0xB  }
0xf: {  	s18 =	sadd.s32 s10, s1;
	s10 =	sor.u32 $0x1C05, s29;
	s30 =	sshll.u32 s11, $0x5  }
0x10: {  	s17 =	sshll.u32 s11, $0xB;
	s5 =	simm.s32 @!p0 $0x27;
	s25 =	sadd.s32 s24, s12  }
0x11: {  	s7 =	sadd.s32 s13, s7;
	s11 =	sadd.s32 $0x2C600, s15;
	s14 =	sadd.s32 s30, s12  }
0x12: {  	s31 =	sadd.s32 s17, s13;
	s12 =	smax.u32 s16, $0x1;
	s16 =	simm.s32 $0x80  }
0x13: {  	s18 =	sshrl.u32 s18, $0x3;
	s6 =	sadd.s32 $0x9B10, s25;
	s8 =	sadd.s32 $0x9B30, s25  }
0x14: {  	s9 =	sadd.s32 $0x800, s7;
	s13 =	sadd.s32 $0x9B50, s14;
	s14 =	sadd.s32 $0x1000, s31  }
.LBB2_1:
0x15: {  	[tilespmem:s3], [sflag:$0x1] =	stream.linear.gather [hbm4b:s6+s3], $0x80, $0x38;
	[tilespmem:$0x1BD00] =	vst v63  }
0x16: {  	s0 =	simm.s32 $0x100  }
0x17: {  	[tilespmem:s0], [sflag:$0x3] =	stream.linear.gather [hbm4b:s7+s3], $0x4000, $0x38;
	[tilespmem:$0x1BD00] =	vst v63  }
0x18: {  	_ = 	snop  }
0x19: {  	[tilespmem:s16], [sflag:$0x2] =	stream.linear.gather [hbm4b:s8+s3], $0x80, $0x38;
	[tilespmem:$0x1BD00] =	vst v63  }
0x1a: {  	s31 =	simm.s32 $0x4100;
	p1 =	sne.s32 s5, $0x1  }
0x1b: {  	[tilespmem:s31], [sflag:$0x4] =	stream.linear.gather [hbm4b:s9+s3], $0x4000, $0x38;
	[tilespmem:$0x1BD00] =	vst v63  }
0x1c: {  	[spmem:s18], [sflag:s10] =	dma.local [hbm:s4], $0x2780  }
.Ltmp0:
0x1d: {  	_ =	swait.ge [sflag:s19], $0x2780;
	(pc) =	sbr.rel @!p1 .LBB2_2-.Ltmp0, $4  }
0x1e: {  	[sflag:s19] =	ssyncset.done $0x0  }
0x1f: {  	[sflag:s19] =	ssyncadd.s32 $0xFFFFD880  }
0x20: {  	s29 =	sand.u32 $0x1, s3;
	[bflag:$0x0] =	sbarrier.arrive $0xFFFF  }
0x21: {  	s21 =	simm.s32 $0x1;
	p0 =	por $0x0, $0x0;
	s30 =	sshll.u32 s29, $0xE  }
0x22: {  	s22 =	sadd.s32 $0x1, s29  }
0x23: {  	_ =	swait.ge [sflag:s22], $0x80  }
0x24: {  	[sflag:s22] =	ssyncset.done $0x0  }
0x25: {  	s24 =	sadd.s32 $0x3, s29;
	[sflag:s22] =	ssyncadd.s32 $0xFFFFFF80  }
0x26: {  	_ =	swait.ge [sflag:s24], $0x4000  }
0x27: {  	s23 =	sshll.u32 s29, $0x7;
	s26 =	sor.u32 $0x100, s30;
	[sflag:s24] =	ssyncset.done $0x0  }
0x28: {  	p1 =	sle.u32 s5, $0x2;
	p2 =	sne.s32 s5, $0x2;
	[sflag:s24] =	ssyncadd.s32 $0xFFFFC000  }
0x29: {  	[spmem:s1] =	stream.indirect.scatter.add.f32 [tilespmem:s26], [sflag:$0x5], $0x80, s23, s16, $0xb8;
	[tilespmem:$0x1BD00] =	vst v63  }
.Ltmp1:
0x2a: {  	s29 =	sand.u32 $0x1, s21;
	_ =	swait.ge [sflag:s19], $0x4000;
	(pc) =	sbr.rel @!p2 .LBB2_4-.Ltmp1, $4  }
0x2b: {  	s28 =	simm.s32 $0x2;
	p0 =	por $0x1, $0x1;
	[sflag:s19] =	ssyncset.done $0x0  }
0x2c: {  	s25 =	smov.u32 s14;
	s31 =	simm.s32 @!p1 $0x0;
	[sflag:s19] =	ssyncadd.s32 $0xFFFFC000  }
0x2d: {  	[tilespmem:s23], [sflag:s22] =	stream.linear.gather @!p1 [hbm4b:s13+s31], $0x80, $0x38;
	[tilespmem:$0x1BD00] =	vst v63  }
0x2e: {  	s30 =	sshll.u32 s29, $0xE;
	s23 =	sadd.s32 $0x20, s13;
	s22 =	sadd.s32 $0x800, s14  }
.LBB2_5:
0x2f: {  	[tilespmem:s26], [sflag:s24] =	stream.linear.gather @!p1 [hbm4b:s25+s31], $0x4000, $0x38;
	[tilespmem:$0x1BD00] =	vst v63  }
0x30: {  	s0 =	smov.u32 s28;
	s25 =	smov.u32 s22  }
0x31: {  	s28 =	sadd.s32 $0x1, s28;
	s2 =	sadd.s32 $0x1, s29;
	s31 =	sand.u32 $0x1, s0  }
0x32: {  	p2 =	sne.s32 s5, s28;
	s15 =	sshll.u32 s31, $0xE;
	_ =	swait.ge [sflag:s2], $0x80  }
0x33: {  	[sflag:s2] =	ssyncset.done $0x0  }
0x34: {  	s24 =	sadd.s32 $0x3, s29;
	[sflag:s2] =	ssyncadd.s32 $0xFFFFFF80  }
0x35: {  	_ =	swait.ge [sflag:s24], $0x4000  }
0x36: {  	[sflag:s24] =	ssyncset.done $0x0  }
0x37: {  	s17 =	sshll.u32 s29, $0x7;
	s26 =	sor.u32 $0x100, s30;
	[sflag:s24] =	ssyncadd.s32 $0xFFFFC000  }
0x38: {  	[spmem:s1] =	stream.indirect.scatter.add.f32 [tilespmem:s26], [sflag:$0x5], $0x80, s17, s16, $0xb8;
	[tilespmem:$0x1BD00] =	vst v63  }
.Ltmp2:
0x39: {  	s21 =	sadd.s32 $0x2, s21;
	_ =	swait.ge [sflag:s19], $0x4000;
	(pc) =	sbr.rel @p2 .LBB2_5-.Ltmp2, $4  }
0x3a: {  	p1 =	sge.u32 s21, s5;
	s29 =	smov.u32 s31;
	[sflag:s19] =	ssyncset.done $0x0  }
0x3b: {  	s21 =	smov.u32 s0;
	s31 =	simm.s32 @!p1 $0x0;
	[sflag:s19] =	ssyncadd.s32 $0xFFFFC000  }
0x3c: {  	[tilespmem:s17], [sflag:s2] =	stream.linear.gather @!p1 [hbm4b:s23+s31], $0x80, $0x38;
	[tilespmem:$0x1BD00] =	vst v63  }
0x3d: {  	s22 =	sadd.s32 $0x800, s22;
	s30 =	smov.u32 s15;
	s23 =	sadd.s32 $0x20, s23  }
.LBB2_6:
0x3e: {  	p0 =	por p1, !p0;
	s0 =	sadd.s32 $0x1, s29  }
0x3f: {  	[tilespmem:s26], [sflag:s24] =	stream.linear.gather @!p0 [hbm4b:s25+s31], $0x4000, $0x38;
	[tilespmem:$0x1BD00] =	vst v63  }
0x40: {  	_ =	swait.ge [sflag:s0], $0x80  }
0x41: {  	[sflag:s0] =	ssyncset.done $0x0  }
0x42: {  	s2 =	sadd.s32 $0x3, s29;
	[sflag:s0] =	ssyncadd.s32 $0xFFFFFF80  }
0x43: {  	_ =	swait.ge [sflag:s2], $0x4000  }
0x44: {  	[sflag:s2] =	ssyncset.done $0x0  }
0x45: {  	s15 =	sshll.u32 s29, $0x7;
	s17 =	sor.u32 $0x100, s30;
	[sflag:s2] =	ssyncadd.s32 $0xFFFFC000  }
0x46: {  	[spmem:s1] =	stream.indirect.scatter.add.f32 [tilespmem:s17], [sflag:$0x5], $0x80, s15, s16, $0xb8;
	[tilespmem:$0x1BD00] =	vst v63  }
0x47: {  	s21 =	sadd.s32 $0x2, s21;
	_ =	swait.ge [sflag:s19], $0x4000  }
0x48: {  	p0 =	sge.u32 s21, s5;
	[sflag:s19] =	ssyncset.done $0x0  }
0x49: {  	s21 =	simm.s32 @!p0 $0x0;
	[sflag:s19] =	ssyncadd.s32 $0xFFFFC000  }
0x4a: {  	[tilespmem:s15], [sflag:s0] =	stream.linear.gather @!p0 [hbm4b:s23+s21], $0x80, $0x38;
	[tilespmem:$0x1BD00] =	vst v63  }
0x4b: {  	s20 =	sadd.s32 $0x1, s20  }
0x4c: {  	[tilespmem:s17], [sflag:s2] =	stream.linear.gather @!p0 [hbm4b:s22+s21], $0x4000, $0x38;
	[tilespmem:$0x1BD00] =	vst v63  }
0x4d: {  	p0 =	sne.s32 s20, s12;
	[bflag:$0x0] =	sbarrier.arrive $0xFFFF  }
0x4e: {  	[hbm:s11], [sflag:s10] =	dma.local [spmem:s18], $0x2780  }
.Ltmp3:
0x4f: {  	_ = 	snop;
	(pc) =	sbr.rel @p0 .LBB2_1-.Ltmp3, $4  }
.Ltmp4:
0x50: {  	_ = 	snop;
	(pc) =	sbr.rel @!p0 .LBB2_7-.Ltmp4, $4  }
0x51: {  	_ =	swait.ge [sflag:s19], $0x2780  }
0x52: {  	[sflag:s19] =	ssyncset.done $0x0  }
0x53: {  	[sflag:s19] =	ssyncadd.s32 $0xFFFFD880  }
0x54: {  	_ = 	snop  }
.LBB2_2:
.Ltmp5:
0x55: {  	(pc) =	sbr.rel .LBB2_6-.Ltmp5, $2  }
0x56: {  	_ =	sdelay $0x2  }
0x57: {  	s22 =	smov.u32 s14;
	s21 =	simm.s32 $0x0;
	s23 =	smov.u32 s13  }
.LBB2_4:
.Ltmp6:
0x58: {  	(pc) =	sbr.rel .LBB2_6-.Ltmp6, $2  }
0x59: {  	_ =	sdelay $0x2  }
0x5a: {  	s25 =	smov.u32 s14  }
.LBB2_7:
0x5b: {  	_ =	sfence.sel $0x180000  }
0x5c: {  	[bflag:$0x0] =	sbarrier.arrive $0xFFFF  }
0x5d: {  	_ =	strace $0x9000004D  }
0x5e: {  	s0 =	stileid.u32;
	[bflag:$0x2] =	sbarrier.arrive $0xFFFF  }
0x5f: {  	p0 =	sne.s32 s0, $0x0;
	s0 =	rddreg [dreg:$0x3]  }
0x60: {  	s0 =	sadd.s32 @!p0 $0x100000, s0  }
0x61: {  	[sflag:s0] =	ssyncadd.tile.s32 @!p0 $0x1;
	_ =	shalt  }
.Lfunc_end2:
_tile_overlayer_lowered:
.L_overlay_start_2:
0x62: {  	(tag) =	ssettag $0x2  }
0x63: {  	s0 =	rddreg [dreg:$0x0];
	s2 =	stileid.u32  }
0x64: {  	s1 =	rddreg [dreg:$0x1];
	p0 =	sne.s32 s2, $0x0  }
0x65: {  	s3 =	rddreg [dreg:$0x2];
	[bflag:$0x3] =	sbarrier.arrive $0xFFFF;
	s2 =	simm.s32 @!p0 $0x1C05  }
0x66: {  	[timem:s3], [sflag:s2] =	dma.local @!p0 [hbm:s0], s1  }
0x67: {  	s0 =	simm.s32 @!p0 $0x5  }
0x68: {  	_ =	swait.ge @!p0 [sflag:s0], s1  }
0x69: {  	s1 =	ssub.s32 @!p0 $0x0, s1;
	[sflag:s0] =	ssyncset.done @!p0 $0x0  }
0x6a: {  	[sflag:s0] =	ssyncadd.s32 @!p0 s1  }
0x6b: {  	[bflag:$0x3] =	sbarrier.arrive $0xFFFF  }
0x6c: {  	_ =	shalt  }

</sc_bundles>
